<compile_context>
chip_gen: v7x
topology: tpu7x:2x2x1
jax: 0.10.2.dev20260603
libtpu: 0.0.44.dev20260713+nightly
codegen_flags: <defaults>
</compile_context>

<pallas_src>
import functools

import jax
import jax.numpy as jnp
from jax import lax
from jax.experimental import pallas as pl
from jax.experimental.pallas import tpu as pltpu
from jax.experimental.pallas import tpu_sc as plsc

NC = 2
NS = 16
NW = NC * NS
LANES = 16


def _sc_segment_sum(h, src, dst, e=None, chunk=80, nbuf=4):
    N, D = h.shape
    E = src.shape[0]
    EPW = E // NW
    n_chunks = -(-EPW // chunk)
    n_cpad = 2 * (-(-n_chunks // 2))
    WC = 80 if chunk >= 80 else 40
    NCH = N // WC
    npt = -(-NCH // NS)
    vecs = D // LANES
    fuse = e is not None
    if fuse:
        assert EPW % chunk == 0

    EPP = n_cpad * chunk
    pad = EPP - EPW
    src3 = src.reshape(NW, EPW)
    dst3 = dst.reshape(NW, EPW)
    if pad:
        src3 = jnp.pad(src3, ((0, 0), (0, pad)))
        dst3 = jnp.pad(dst3, ((0, 0), (0, pad)), constant_values=N)
    src3 = src3.reshape(NW * EPP)
    dst3 = dst3.reshape(NW * EPP)

    mesh = plsc.VectorSubcoreMesh(core_axis_name="c", subcore_axis_name="s")

    scratch = [
        pltpu.VMEM_SHARED((N + 8, D), jnp.float32),
        [pltpu.VMEM((chunk,), jnp.int32) for _ in range(2)],
        [pltpu.VMEM((chunk,), jnp.int32) for _ in range(2)],
        [pltpu.VMEM((chunk, D), jnp.float32) for _ in range(2)],
        [pltpu.SemaphoreType.DMA for _ in range(2)],
        [pltpu.SemaphoreType.DMA for _ in range(2)],
        [pltpu.SemaphoreType.DMA for _ in range(2)],
        [pltpu.SemaphoreType.DMA for _ in range(2)],
    ]
    if fuse:
        scratch.append([pltpu.VMEM((chunk, D), jnp.float32) for _ in range(2)])
        scratch.append([pltpu.SemaphoreType.DMA for _ in range(2)])

    def body(*refs):
        if fuse:
            (h_hbm, src_hbm, dst_hbm, e_hbm, out_hbm, acc, srcv, dstv,
             bufs, issems, idsems, gsems, ssems, ebufs, esems) = refs
        else:
            (h_hbm, src_hbm, dst_hbm, out_hbm, acc, srcv, dstv,
             bufs, issems, idsems, gsems, ssems) = refs

        c = lax.axis_index("c")
        s = lax.axis_index("s")
        wid = s * NC + c

        zero = jnp.zeros((LANES,), jnp.float32)

        def zrow(r, _):
            for cc in range(vecs):
                bufs[0][r, pl.ds(cc * LANES, LANES)] = zero
            return 0

        lax.fori_loop(0, WC, zrow, 0, unroll=False)

        for j in range(npt):
            k = s + j * NS

            @pl.when(k < NCH)
            def _():
                pltpu.sync_copy(bufs[0].at[pl.ds(0, WC), :],
                                acc.at[pl.ds(k * WC, WC), :])

        plsc.subcore_barrier()

        def pairfn(j, _):
            ii, dd, ee = [], [], []
            for b in range(2):
                k = j * 2 + b
                ebase = wid * EPP + k * chunk
                ii.append(pltpu.async_copy(
                    src_hbm.at[pl.ds(ebase, chunk)], srcv[b], issems[b]))
                dd.append(pltpu.async_copy(
                    dst_hbm.at[pl.ds(ebase, chunk)], dstv[b], idsems[b]))
                if fuse:
                    kc = jnp.minimum(k, n_chunks - 1)
                    base = wid * EPW + kc * chunk
                    ee.append(pltpu.async_copy(
                        e_hbm.at[pl.ds(base, chunk), :], ebufs[b], esems[b]))
            gg = []
            for b in range(2):
                ii[b].wait()
                gg.append(pltpu.async_copy(h_hbm.at[srcv[b]], bufs[b],
                                           gsems[b]))
            ss = []
            for b in range(2):
                gg[b].wait()
                if fuse:
                    ee[b].wait()

                    def rowfn(r, _):
                        for cc in range(vecs):
                            sl = pl.ds(cc * LANES, LANES)
                            v = bufs[b][r, sl] + ebufs[b][r, sl]
                            bufs[b][r, sl] = jnp.maximum(v, 0.0)
                        return 0

                    lax.fori_loop(0, chunk, rowfn, 0, unroll=False)
                dd[b].wait()
                ss.append(pltpu.async_copy(bufs[b], acc.at[dstv[b]],
                                           ssems[b], add=True))
            ss[0].wait()
            ss[1].wait()
            return 0

        lax.fori_loop(0, n_cpad // 2, pairfn, 0, unroll=False)
        plsc.subcore_barrier()

        for j in range(npt):
            k = s + j * NS

            @pl.when(k < NCH)
            def _():
                pltpu.sync_copy(acc.at[pl.ds(k * WC, WC), :],
                                bufs[0].at[pl.ds(0, WC), :])
                pltpu.sync_copy(bufs[0].at[pl.ds(0, WC), :],
                                out_hbm.at[c, pl.ds(k * WC, WC), :])

    kern = pl.kernel(
        body,
        out_type=jax.ShapeDtypeStruct((2, N, D), jnp.float32),
        mesh=mesh,
        scratch_types=scratch,
    )
    if fuse:
        return kern(h, src3, dst3, e)
    return kern(h, src3, dst3)


def _tc_edge_mlp(edge_attr, W_edge, b_edge):
    E, DE = edge_attr.shape
    D = W_edge.shape[1]
    BE = 4000

    def body(ea_ref, w_ref, b_ref, out_ref):
        out_ref[...] = jnp.dot(ea_ref[...], w_ref[...],
                               preferred_element_type=jnp.float32) + b_ref[...]

    return pl.pallas_call(
        body,
        grid=(E // BE,),
        in_specs=[
            pl.BlockSpec((BE, DE), lambda i: (i, 0)),
            pl.BlockSpec((DE, D), lambda i: (0, 0)),
            pl.BlockSpec((1, D), lambda i: (0, 0)),
        ],
        out_specs=pl.BlockSpec((BE, D), lambda i: (i, 0)),
        out_shape=jax.ShapeDtypeStruct((E, D), jnp.float32),
    )(edge_attr, W_edge, b_edge.reshape(1, D))


def _bn_relu(t, g, be):
    m = jnp.mean(t, axis=0, keepdims=True)
    d = t - m
    v = jnp.mean(d * d, axis=0, keepdims=True)
    return jnp.maximum(g * d * lax.rsqrt(v + 1e-5) + be, 0.0)


def _tc_stage1(x, parts, W, b, g, be):
    N, D = x.shape

    def body(x_ref, p_ref, w_ref, b_ref, g_ref, be_ref, out_ref):
        a = x_ref[...] + p_ref[0] + p_ref[1]
        t = jnp.dot(a, w_ref[...], preferred_element_type=jnp.float32)
        t = t + b_ref[...]
        out_ref[...] = _bn_relu(t, g_ref[...], be_ref[...])

    return pl.pallas_call(
        body,
        out_shape=jax.ShapeDtypeStruct((N, D), jnp.float32),
    )(x, parts, W, b.reshape(1, D), g.reshape(1, D), be.reshape(1, D))


def _tc_stage23(h, parts, Wl, Wr, b, g, be):
    N, D = h.shape

    def body(h_ref, p_ref, wl_ref, wr_ref, b_ref, g_ref, be_ref, out_ref):
        t = jnp.dot(h_ref[...], wl_ref[...], preferred_element_type=jnp.float32)
        t = t + jnp.dot(p_ref[0] + p_ref[1], wr_ref[...],
                        preferred_element_type=jnp.float32)
        t = t + b_ref[...]
        out_ref[...] = _bn_relu(t, g_ref[...], be_ref[...])

    return pl.pallas_call(
        body,
        out_shape=jax.ShapeDtypeStruct((N, D), jnp.float32),
    )(h, parts, Wl, Wr, b.reshape(1, D), g.reshape(1, D), be.reshape(1, D))


def _tc_final(h, parts, Wl, Wr, b, g, be, batch, Wc, bc, G):
    N, D = h.shape
    KC = 8
    Wc_p = jnp.zeros((D, KC), jnp.float32).at[:, :Wc.shape[1]].set(Wc)
    bc_p = jnp.zeros((1, KC), jnp.float32).at[0, :bc.shape[0]].set(bc)
    nclass = Wc.shape[1]

    def body(h_ref, p_ref, wl_ref, wr_ref, b_ref, g_ref, be_ref,
             batch_ref, wc_ref, bc_ref, out_ref):
        t = jnp.dot(h_ref[...], wl_ref[...], preferred_element_type=jnp.float32)
        t = t + jnp.dot(p_ref[0] + p_ref[1], wr_ref[...],
                        preferred_element_type=jnp.float32)
        t = t + b_ref[...]
        h3 = _bn_relu(t, g_ref[...], be_ref[...])
        bt = batch_ref[...]
        gids = lax.broadcasted_iota(jnp.int32, (G, N), 0)
        oh = (gids == bt).astype(jnp.float32)
        sums = jnp.dot(oh, h3, preferred_element_type=jnp.float32)
        counts = jnp.sum(oh, axis=1, keepdims=True)
        pooled = sums / jnp.maximum(counts, 1.0)
        logits = jnp.dot(pooled, wc_ref[...],
                         preferred_element_type=jnp.float32) + bc_ref[...]
        cids = lax.broadcasted_iota(jnp.int32, (G, KC), 1)
        logits = jnp.where(cids < nclass, logits, -1e30)
        mx = jnp.max(logits, axis=1, keepdims=True)
        ex = jnp.exp(logits - mx)
        out_ref[...] = ex / jnp.sum(ex, axis=1, keepdims=True)

    out = pl.pallas_call(
        body,
        out_shape=jax.ShapeDtypeStruct((G, KC), jnp.float32),
    )(h, parts, Wl, Wr, b.reshape(1, D), g.reshape(1, D), be.reshape(1, D),
      batch.reshape(1, N), Wc_p, bc_p)
    return out[:, :nclass]


def kernel(x, edge_index, edge_attr, batch, W_edge, b_edge, W_nn1, b_nn1,
           g1, be1, W2l, W2r, b2, g2, be2, W3l, W3r, b3, g3, be3, Wc, bc):
    src = edge_index[0]
    dst = edge_index[1]
    G = 64

    e = _tc_edge_mlp(edge_attr, W_edge, b_edge)
    parts1 = _sc_segment_sum(x, src, dst, e, chunk=80)
    h = _tc_stage1(x, parts1, W_nn1, b_nn1, g1, be1)

    parts2 = _sc_segment_sum(h, src, dst, chunk=120)
    h = _tc_stage23(h, parts2, W2l, W2r, b2, g2, be2)

    parts3 = _sc_segment_sum(h, src, dst, chunk=120)
    return _tc_final(h, parts3, W3l, W3r, b3, g3, be3, batch, Wc, bc, G)

# --- scband reference (transcript-rebuilt; emitter-appended) ---
"""Pipeline reference for scband-downstream3-84258668413492 (READ-ONLY COPY).

The authoritative reference and input builder live on the scoring server;
editing this copy changes nothing except your own understanding.
"""

import jax, jax.numpy as jnp
import numpy as np

N = 10000
E = 320000
D = 128
DE = 16
G = 64


def _bn(h, gamma, beta):
    m = h.mean(axis=0)
    v = h.var(axis=0)
    return gamma * (h - m) / jnp.sqrt(v + 1e-5) + beta


def setup_inputs(seed: int = 0) -> dict:
    key = jax.random.key(seed)
    ks = jax.random.split(key, 24)
    x = jax.random.normal(ks[0], (N, D), dtype=jnp.float32)
    edge_index = jax.random.randint(ks[1], (2, E), 0, N, dtype=jnp.int32)
    edge_attr = jax.random.normal(ks[2], (E, DE), dtype=jnp.float32)
    batch = jnp.sort(jax.random.randint(ks[3], (N,), 0, G, dtype=jnp.int32))
    s_e = 1.0 / np.sqrt(DE)
    s_d = 1.0 / np.sqrt(D)
    params = {
        'W_edge': jax.random.normal(ks[4], (DE, D), dtype=jnp.float32) * s_e,
        'b_edge': jnp.zeros((D,), dtype=jnp.float32),
        'W_nn1': jax.random.normal(ks[5], (D, D), dtype=jnp.float32) * s_d,
        'b_nn1': jnp.zeros((D,), dtype=jnp.float32),
        'g1': jnp.ones((D,), dtype=jnp.float32),
        'be1': jnp.zeros((D,), dtype=jnp.float32),
        'W2l': jax.random.normal(ks[6], (D, D), dtype=jnp.float32) * s_d,
        'W2r': jax.random.normal(ks[7], (D, D), dtype=jnp.float32) * s_d,
        'b2': jnp.zeros((D,), dtype=jnp.float32),
        'g2': jnp.ones((D,), dtype=jnp.float32),
        'be2': jnp.zeros((D,), dtype=jnp.float32),
        'W3l': jax.random.normal(ks[8], (D, D), dtype=jnp.float32) * s_d,
        'W3r': jax.random.normal(ks[9], (D, D), dtype=jnp.float32) * s_d,
        'b3': jnp.zeros((D,), dtype=jnp.float32),
        'g3': jnp.ones((D,), dtype=jnp.float32),
        'be3': jnp.zeros((D,), dtype=jnp.float32),
        'Wc': jax.random.normal(ks[10], (D, 3), dtype=jnp.float32) * s_d,
        'bc': jnp.zeros((3,), dtype=jnp.float32),
    }
    inp = {'x': x, 'edge_index': edge_index, 'edge_attr': edge_attr, 'batch': batch}
    inp.update(params)
    return inp


def reference(x, edge_index, edge_attr, batch, W_edge, b_edge, W_nn1, b_nn1,
              g1, be1, W2l, W2r, b2, g2, be2, W3l, W3r, b3, g3, be3, Wc, bc):
    src = edge_index[0]
    dst = edge_index[1]
    # conv1: GINE-style message passing with edge_mlp on edge_attr
    msg = jax.nn.relu(x[src] + edge_attr @ W_edge + b_edge)
    agg = jax.ops.segment_sum(msg, dst, num_segments=N)
    h = (x + agg) @ W_nn1 + b_nn1
    h = jax.nn.relu(_bn(h, g1, be1))
    # conv2: GraphConv x' = x W_l + (sum_j x_j) W_r + b
    agg2 = jax.ops.segment_sum(h[src], dst, num_segments=N)
    h = h @ W2l + agg2 @ W2r + b2
    h = jax.nn.relu(_bn(h, g2, be2))
    # conv3
    agg3 = jax.ops.segment_sum(h[src], dst, num_segments=N)
    h = h @ W3l + agg3 @ W3r + b3
    h = jax.nn.relu(_bn(h, g3, be3))
    # global_mean_pool
    sums = jax.ops.segment_sum(h, batch, num_segments=G)
    counts = jax.ops.segment_sum(jnp.ones((N,), dtype=jnp.float32), batch, num_segments=G)
    pooled = sums / jnp.clip(counts, 1.0, None)[:, None]
    # classifier: multiclass + softmax head
    logits = pooled @ Wc + bc
    return jax.nn.softmax(logits, axis=1)

if __name__ == "__main__":
    import jax
    _d = setup_inputs()
    print(jax.jit(kernel)(*tuple(_d.values())))

</pallas_src>

<mosaic_0001>
#map = affine_map<(d0, d1) -> (0, 0)>
#map1 = affine_map<(d0, d1) -> (0)>
#map2 = affine_map<(d0, d1) -> (0, 0, 0)>
module attributes {stable_mosaic.version = 14 : i64} {
  func.func @body(%arg0: i32, %arg1: i32, %arg2: memref<10000x128xf32, #tpu.memory_space<hbm>>, %arg3: memref<322560xi32, #tpu.memory_space<hbm>>, %arg4: memref<322560xi32, #tpu.memory_space<hbm>>, %arg5: memref<2x10000x128xf32, #tpu.memory_space<hbm>>, %arg6: memref<10008x128xf32, #tpu.memory_space<vmem_shared>>, %arg7: memref<120xi32, #tpu.memory_space<vmem>>, %arg8: memref<120xi32, #tpu.memory_space<vmem>>, %arg9: memref<120xi32, #tpu.memory_space<vmem>>, %arg10: memref<120xi32, #tpu.memory_space<vmem>>, %arg11: memref<120x128xf32, #tpu.memory_space<vmem>>, %arg12: memref<120x128xf32, #tpu.memory_space<vmem>>, %arg13: memref<!tpu.dma_semaphore, #tpu.memory_space<semaphore_mem>>, %arg14: memref<!tpu.dma_semaphore, #tpu.memory_space<semaphore_mem>>, %arg15: memref<!tpu.dma_semaphore, #tpu.memory_space<semaphore_mem>>, %arg16: memref<!tpu.dma_semaphore, #tpu.memory_space<semaphore_mem>>, %arg17: memref<!tpu.dma_semaphore, #tpu.memory_space<semaphore_mem>>, %arg18: memref<!tpu.dma_semaphore, #tpu.memory_space<semaphore_mem>>, %arg19: memref<!tpu.dma_semaphore, #tpu.memory_space<semaphore_mem>>, %arg20: memref<!tpu.dma_semaphore, #tpu.memory_space<semaphore_mem>>) attributes {dimension_semantics = [#tpu.dimension_semantics<core_parallel>, #tpu.dimension_semantics<subcore_parallel>], iteration_bounds = array<i64: 2, 16>, scalar_prefetch = 0 : i64, scratch_operands = 15 : i64, tpu.core_type = #tpu.core_type<sc_vector_subcore>, window_params = [{transform_indices = #map}, {transform_indices = #map1}, {transform_indices = #map1}, {transform_indices = #map2}]} {
    %mul3A = arith.constant 2 : i32
    %mul3A_0 = arith.muli %arg1, %mul3A : i32
    %add3A = arith.addi %mul3A_0, %arg0 : i32
    %broadcast_in_dim3A = arith.constant 0.000000e+00 : f32
    %broadcast_in_dim3A_1 = vector.broadcast %broadcast_in_dim3A : f32 to vector<16xf32>
    %scan3A = arith.constant 0 : i32
    %scan3A_2 = arith.constant 0 : i32
    %scan3A_3 = arith.constant 80 : i32
    %scan3A_4 = arith.addi %scan3A_2, %scan3A_3 : i32
    %scan3A_5 = arith.constant 1 : i32
    %scan3A_6 = scf.for %scan3A_125 = %scan3A_2 to %scan3A_4 step %scan3A_5 iter_args(%scan3A_126 = %scan3A) -> (i32)  : i32 {
      %swap3A = arith.index_cast %scan3A_125 : i32 to index
      %swap3A_127 = arith.constant 0 : index
      %swap3A_128 = tpu.vector_load %arg11[%swap3A, %swap3A_127] {strides = array<i32>} : memref<120x128xf32, #tpu.memory_space<vmem>>, vector<1x16xf32>,
      %swap3A_129 = vector.shape_cast %swap3A_128 : vector<1x16xf32> to vector<16xf32>
      %swap3A_130 = vector.shape_cast %broadcast_in_dim3A_1 : vector<16xf32> to vector<1x16xf32>
      tpu.vector_store %arg11[%swap3A, %swap3A_127], %swap3A_130 {strides = array<i32>} : memref<120x128xf32, #tpu.memory_space<vmem>>, vector<1x16xf32>,
      %swap3A_131 = arith.index_cast %scan3A_125 : i32 to index
      %swap3A_132 = arith.constant 16 : index
      %swap3A_133 = tpu.vector_load %arg11[%swap3A_131, %swap3A_132] {strides = array<i32>} : memref<120x128xf32, #tpu.memory_space<vmem>>, vector<1x16xf32>,
      %swap3A_134 = vector.shape_cast %swap3A_133 : vector<1x16xf32> to vector<16xf32>
      %swap3A_135 = vector.shape_cast %broadcast_in_dim3A_1 : vector<16xf32> to vector<1x16xf32>
      tpu.vector_store %arg11[%swap3A_131, %swap3A_132], %swap3A_135 {strides = array<i32>} : memref<120x128xf32, #tpu.memory_space<vmem>>, vector<1x16xf32>,
      %swap3A_136 = arith.index_cast %scan3A_125 : i32 to index
      %swap3A_137 = arith.constant 32 : index
      %swap3A_138 = tpu.vector_load %arg11[%swap3A_136, %swap3A_137] {strides = array<i32>} : memref<120x128xf32, #tpu.memory_space<vmem>>, vector<1x16xf32>,
      %swap3A_139 = vector.shape_cast %swap3A_138 : vector<1x16xf32> to vector<16xf32>
      %swap3A_140 = vector.shape_cast %broadcast_in_dim3A_1 : vector<16xf32> to vector<1x16xf32>
      tpu.vector_store %arg11[%swap3A_136, %swap3A_137], %swap3A_140 {strides = array<i32>} : memref<120x128xf32, #tpu.memory_space<vmem>>, vector<1x16xf32>,
      %swap3A_141 = arith.index_cast %scan3A_125 : i32 to index
      %swap3A_142 = arith.constant 48 : index
      %swap3A_143 = tpu.vector_load %arg11[%swap3A_141, %swap3A_142] {strides = array<i32>} : memref<120x128xf32, #tpu.memory_space<vmem>>, vector<1x16xf32>,
      %swap3A_144 = vector.shape_cast %swap3A_143 : vector<1x16xf32> to vector<16xf32>
      %swap3A_145 = vector.shape_cast %broadcast_in_dim3A_1 : vector<16xf32> to vector<1x16xf32>
      tpu.vector_store %arg11[%swap3A_141, %swap3A_142], %swap3A_145 {strides = array<i32>} : memref<120x128xf32, #tpu.memory_space<vmem>>, vector<1x16xf32>,
      %swap3A_146 = arith.index_cast %scan3A_125 : i32 to index
      %swap3A_147 = arith.constant 64 : index
      %swap3A_148 = tpu.vector_load %arg11[%swap3A_146, %swap3A_147] {strides = array<i32>} : memref<120x128xf32, #tpu.memory_space<vmem>>, vector<1x16xf32>,
      %swap3A_149 = vector.shape_cast %swap3A_148 : vector<1x16xf32> to vector<16xf32>
      %swap3A_150 = vector.shape_cast %broadcast_in_dim3A_1 : vector<16xf32> to vector<1x16xf32>
      tpu.vector_store %arg11[%swap3A_146, %swap3A_147], %swap3A_150 {strides = array<i32>} : memref<120x128xf32, #tpu.memory_space<vmem>>, vector<1x16xf32>,
      %swap3A_151 = arith.index_cast %scan3A_125 : i32 to index
      %swap3A_152 = arith.constant 80 : index
      %swap3A_153 = tpu.vector_load %arg11[%swap3A_151, %swap3A_152] {strides = array<i32>} : memref<120x128xf32, #tpu.memory_space<vmem>>, vector<1x16xf32>,
      %swap3A_154 = vector.shape_cast %swap3A_153 : vector<1x16xf32> to vector<16xf32>
      %swap3A_155 = vector.shape_cast %broadcast_in_dim3A_1 : vector<16xf32> to vector<1x16xf32>
      tpu.vector_store %arg11[%swap3A_151, %swap3A_152], %swap3A_155 {strides = array<i32>} : memref<120x128xf32, #tpu.memory_space<vmem>>, vector<1x16xf32>,
      %swap3A_156 = arith.index_cast %scan3A_125 : i32 to index
      %swap3A_157 = arith.constant 96 : index
      %swap3A_158 = tpu.vector_load %arg11[%swap3A_156, %swap3A_157] {strides = array<i32>} : memref<120x128xf32, #tpu.memory_space<vmem>>, vector<1x16xf32>,
      %swap3A_159 = vector.shape_cast %swap3A_158 : vector<1x16xf32> to vector<16xf32>
      %swap3A_160 = vector.shape_cast %broadcast_in_dim3A_1 : vector<16xf32> to vector<1x16xf32>
      tpu.vector_store %arg11[%swap3A_156, %swap3A_157], %swap3A_160 {strides = array<i32>} : memref<120x128xf32, #tpu.memory_space<vmem>>, vector<1x16xf32>,
      %swap3A_161 = arith.index_cast %scan3A_125 : i32 to index
      %swap3A_162 = arith.constant 112 : index
      %swap3A_163 = tpu.vector_load %arg11[%swap3A_161, %swap3A_162] {strides = array<i32>} : memref<120x128xf32, #tpu.memory_space<vmem>>, vector<1x16xf32>,
      %swap3A_164 = vector.shape_cast %swap3A_163 : vector<1x16xf32> to vector<16xf32>
      %swap3A_165 = vector.shape_cast %broadcast_in_dim3A_1 : vector<16xf32> to vector<1x16xf32>
      tpu.vector_store %arg11[%swap3A_161, %swap3A_162], %swap3A_165 {strides = array<i32>} : memref<120x128xf32, #tpu.memory_space<vmem>>, vector<1x16xf32>,
      %scan3A_166 = arith.constant 0 : i32
      scf.yield %scan3A_166 : i32
    }
    %scan3A_7 = arith.constant 80 : i32
    %add3A_8 = arith.constant 0 : i32
    %add3A_9 = arith.addi %arg1, %add3A_8 : i32
    %lt3A = arith.constant 125 : i32
    %lt3A_10 = arith.cmpi slt, %add3A_9, %lt3A : i32
    %convert_element_type3A = arith.extui %lt3A_10 : i1 to i32
    %cond3A = arith.constant 0 : i32
    %cond3A_11 = arith.cmpi ne, %convert_element_type3A, %cond3A : i32
    scf.if %cond3A_11 {
      %mul3A_125 = arith.constant 80 : i32
      %mul3A_126 = arith.muli %add3A_9, %mul3A_125 : i32
      "tpu.region"() ({
        %run_scoped3A = tpu.sem_alloc : memref<!tpu.dma_semaphore, #tpu.memory_space<semaphore_mem>>
        %dma_start3A = arith.constant 0 : i32
        %dma_start3A_127 = arith.constant 0 : i32
        %dma_start3A_128 = tpu.memref_slice %arg11[%dma_start3A, %dma_start3A_127] : memref<120x128xf32, #tpu.memory_space<vmem>> -> memref<80x128xf32, #tpu.memory_space<vmem>>
        %dma_start3A_129 = arith.constant 0 : i32
        %dma_start3A_130 = tpu.memref_slice %arg6[%mul3A_126, %dma_start3A_129] : memref<10008x128xf32, #tpu.memory_space<vmem_shared>> -> memref<80x128xf32, #tpu.memory_space<vmem_shared>>
        %dma_start3A_131 = arith.constant 0 : i32
        %dma_start3A_132 = tpu.memref_slice %arg6[%mul3A_126, %dma_start3A_131] : memref<10008x128xf32, #tpu.memory_space<vmem_shared>> -> memref<80x128xf32, #tpu.memory_space<vmem_shared>>
        %dma_start3A_133 = arith.constant 0 : i32
        %dma_start3A_134 = arith.constant 0 : i32
        %dma_start3A_135 = tpu.memref_slice %arg11[%dma_start3A_133, %dma_start3A_134] : memref<120x128xf32, #tpu.memory_space<vmem>> -> memref<80x128xf32, #tpu.memory_space<vmem>>
        tpu.enqueue_dma source(%dma_start3A_135 : memref<80x128xf32, #tpu.memory_space<vmem>>) target(%dma_start3A_132 : memref<80x128xf32, #tpu.memory_space<vmem_shared>>) target_semaphore(%run_scoped3A : memref<!tpu.dma_semaphore, #tpu.memory_space<semaphore_mem>>)
        %dma_wait3A = arith.constant 0 : i32
        %dma_wait3A_136 = arith.constant 0 : i32
        %dma_wait3A_137 = tpu.memref_slice %arg11[%dma_wait3A, %dma_wait3A_136] : memref<120x128xf32, #tpu.memory_space<vmem>> -> memref<80x128xf32, #tpu.memory_space<vmem>>
        %dma_wait3A_138 = arith.constant 0 : i32
        %dma_wait3A_139 = tpu.memref_slice %arg6[%mul3A_126, %dma_wait3A_138] : memref<10008x128xf32, #tpu.memory_space<vmem_shared>> -> memref<80x128xf32, #tpu.memory_space<vmem_shared>>
        %dma_wait3A_140 = arith.constant 0 : i32
        %dma_wait3A_141 = tpu.memref_slice %arg6[%mul3A_126, %dma_wait3A_140] : memref<10008x128xf32, #tpu.memory_space<vmem_shared>> -> memref<80x128xf32, #tpu.memory_space<vmem_shared>>
        %dma_wait3A_142 = arith.constant 0 : i32
        %dma_wait3A_143 = arith.constant 0 : i32
        %dma_wait3A_144 = tpu.memref_slice %arg11[%dma_wait3A_142, %dma_wait3A_143] : memref<120x128xf32, #tpu.memory_space<vmem>> -> memref<80x128xf32, #tpu.memory_space<vmem>>
        tpu.wait_dma2 semaphore(%run_scoped3A : memref<!tpu.dma_semaphore, #tpu.memory_space<semaphore_mem>>) src(%dma_wait3A_144 : memref<80x128xf32, #tpu.memory_space<vmem>>) dst(%dma_wait3A_141 : memref<80x128xf32, #tpu.memory_space<vmem_shared>>)
        tpu.yield
      }) : () -> ()
    } else {
    }
    %add3A_12 = arith.constant 16 : i32
    %add3A_13 = arith.addi %arg1, %add3A_12 : i32
    %lt3A_14 = arith.constant 125 : i32
    %lt3A_15 = arith.cmpi slt, %add3A_13, %lt3A_14 : i32
    %convert_element_type3A_16 = arith.extui %lt3A_15 : i1 to i32
    %cond3A_17 = arith.constant 0 : i32
    %cond3A_18 = arith.cmpi ne, %convert_element_type3A_16, %cond3A_17 : i32
    scf.if %cond3A_18 {
      %mul3A_125 = arith.constant 80 : i32
      %mul3A_126 = arith.muli %add3A_13, %mul3A_125 : i32
      "tpu.region"() ({
        %run_scoped3A = tpu.sem_alloc : memref<!tpu.dma_semaphore, #tpu.memory_space<semaphore_mem>>
        %dma_start3A = arith.constant 0 : i32
        %dma_start3A_127 = arith.constant 0 : i32
        %dma_start3A_128 = tpu.memref_slice %arg11[%dma_start3A, %dma_start3A_127] : memref<120x128xf32, #tpu.memory_space<vmem>> -> memref<80x128xf32, #tpu.memory_space<vmem>>
        %dma_start3A_129 = arith.constant 0 : i32
        %dma_start3A_130 = tpu.memref_slice %arg6[%mul3A_126, %dma_start3A_129] : memref<10008x128xf32, #tpu.memory_space<vmem_shared>> -> memref<80x128xf32, #tpu.memory_space<vmem_shared>>
        %dma_start3A_131 = arith.constant 0 : i32
        %dma_start3A_132 = tpu.memref_slice %arg6[%mul3A_126, %dma_start3A_131] : memref<10008x128xf32, #tpu.memory_space<vmem_shared>> -> memref<80x128xf32, #tpu.memory_space<vmem_shared>>
        %dma_start3A_133 = arith.constant 0 : i32
        %dma_start3A_134 = arith.constant 0 : i32
        %dma_start3A_135 = tpu.memref_slice %arg11[%dma_start3A_133, %dma_start3A_134] : memref<120x128xf32, #tpu.memory_space<vmem>> -> memref<80x128xf32, #tpu.memory_space<vmem>>
        tpu.enqueue_dma source(%dma_start3A_135 : memref<80x128xf32, #tpu.memory_space<vmem>>) target(%dma_start3A_132 : memref<80x128xf32, #tpu.memory_space<vmem_shared>>) target_semaphore(%run_scoped3A : memref<!tpu.dma_semaphore, #tpu.memory_space<semaphore_mem>>)
        %dma_wait3A = arith.constant 0 : i32
        %dma_wait3A_136 = arith.constant 0 : i32
        %dma_wait3A_137 = tpu.memref_slice %arg11[%dma_wait3A, %dma_wait3A_136] : memref<120x128xf32, #tpu.memory_space<vmem>> -> memref<80x128xf32, #tpu.memory_space<vmem>>
        %dma_wait3A_138 = arith.constant 0 : i32
        %dma_wait3A_139 = tpu.memref_slice %arg6[%mul3A_126, %dma_wait3A_138] : memref<10008x128xf32, #tpu.memory_space<vmem_shared>> -> memref<80x128xf32, #tpu.memory_space<vmem_shared>>
        %dma_wait3A_140 = arith.constant 0 : i32
        %dma_wait3A_141 = tpu.memref_slice %arg6[%mul3A_126, %dma_wait3A_140] : memref<10008x128xf32, #tpu.memory_space<vmem_shared>> -> memref<80x128xf32, #tpu.memory_space<vmem_shared>>
        %dma_wait3A_142 = arith.constant 0 : i32
        %dma_wait3A_143 = arith.constant 0 : i32
        %dma_wait3A_144 = tpu.memref_slice %arg11[%dma_wait3A_142, %dma_wait3A_143] : memref<120x128xf32, #tpu.memory_space<vmem>> -> memref<80x128xf32, #tpu.memory_space<vmem>>
        tpu.wait_dma2 semaphore(%run_scoped3A : memref<!tpu.dma_semaphore, #tpu.memory_space<semaphore_mem>>) src(%dma_wait3A_144 : memref<80x128xf32, #tpu.memory_space<vmem>>) dst(%dma_wait3A_141 : memref<80x128xf32, #tpu.memory_space<vmem_shared>>)
        tpu.yield
      }) : () -> ()
    } else {
    }
    %add3A_19 = arith.constant 32 : i32
    %add3A_20 = arith.addi %arg1, %add3A_19 : i32
    %lt3A_21 = arith.constant 125 : i32
    %lt3A_22 = arith.cmpi slt, %add3A_20, %lt3A_21 : i32
    %convert_element_type3A_23 = arith.extui %lt3A_22 : i1 to i32
    %cond3A_24 = arith.constant 0 : i32
    %cond3A_25 = arith.cmpi ne, %convert_element_type3A_23, %cond3A_24 : i32
    scf.if %cond3A_25 {
      %mul3A_125 = arith.constant 80 : i32
      %mul3A_126 = arith.muli %add3A_20, %mul3A_125 : i32
      "tpu.region"() ({
        %run_scoped3A = tpu.sem_alloc : memref<!tpu.dma_semaphore, #tpu.memory_space<semaphore_mem>>
        %dma_start3A = arith.constant 0 : i32
        %dma_start3A_127 = arith.constant 0 : i32
        %dma_start3A_128 = tpu.memref_slice %arg11[%dma_start3A, %dma_start3A_127] : memref<120x128xf32, #tpu.memory_space<vmem>> -> memref<80x128xf32, #tpu.memory_space<vmem>>
        %dma_start3A_129 = arith.constant 0 : i32
        %dma_start3A_130 = tpu.memref_slice %arg6[%mul3A_126, %dma_start3A_129] : memref<10008x128xf32, #tpu.memory_space<vmem_shared>> -> memref<80x128xf32, #tpu.memory_space<vmem_shared>>
        %dma_start3A_131 = arith.constant 0 : i32
        %dma_start3A_132 = tpu.memref_slice %arg6[%mul3A_126, %dma_start3A_131] : memref<10008x128xf32, #tpu.memory_space<vmem_shared>> -> memref<80x128xf32, #tpu.memory_space<vmem_shared>>
        %dma_start3A_133 = arith.constant 0 : i32
        %dma_start3A_134 = arith.constant 0 : i32
        %dma_start3A_135 = tpu.memref_slice %arg11[%dma_start3A_133, %dma_start3A_134] : memref<120x128xf32, #tpu.memory_space<vmem>> -> memref<80x128xf32, #tpu.memory_space<vmem>>
        tpu.enqueue_dma source(%dma_start3A_135 : memref<80x128xf32, #tpu.memory_space<vmem>>) target(%dma_start3A_132 : memref<80x128xf32, #tpu.memory_space<vmem_shared>>) target_semaphore(%run_scoped3A : memref<!tpu.dma_semaphore, #tpu.memory_space<semaphore_mem>>)
        %dma_wait3A = arith.constant 0 : i32
        %dma_wait3A_136 = arith.constant 0 : i32
        %dma_wait3A_137 = tpu.memref_slice %arg11[%dma_wait3A, %dma_wait3A_136] : memref<120x128xf32, #tpu.memory_space<vmem>> -> memref<80x128xf32, #tpu.memory_space<vmem>>
        %dma_wait3A_138 = arith.constant 0 : i32
        %dma_wait3A_139 = tpu.memref_slice %arg6[%mul3A_126, %dma_wait3A_138] : memref<10008x128xf32, #tpu.memory_space<vmem_shared>> -> memref<80x128xf32, #tpu.memory_space<vmem_shared>>
        %dma_wait3A_140 = arith.constant 0 : i32
        %dma_wait3A_141 = tpu.memref_slice %arg6[%mul3A_126, %dma_wait3A_140] : memref<10008x128xf32, #tpu.memory_space<vmem_shared>> -> memref<80x128xf32, #tpu.memory_space<vmem_shared>>
        %dma_wait3A_142 = arith.constant 0 : i32
        %dma_wait3A_143 = arith.constant 0 : i32
        %dma_wait3A_144 = tpu.memref_slice %arg11[%dma_wait3A_142, %dma_wait3A_143] : memref<120x128xf32, #tpu.memory_space<vmem>> -> memref<80x128xf32, #tpu.memory_space<vmem>>
        tpu.wait_dma2 semaphore(%run_scoped3A : memref<!tpu.dma_semaphore, #tpu.memory_space<semaphore_mem>>) src(%dma_wait3A_144 : memref<80x128xf32, #tpu.memory_space<vmem>>) dst(%dma_wait3A_141 : memref<80x128xf32, #tpu.memory_space<vmem_shared>>)
        tpu.yield
      }) : () -> ()
    } else {
    }
    %add3A_26 = arith.constant 48 : i32
    %add3A_27 = arith.addi %arg1, %add3A_26 : i32
    %lt3A_28 = arith.constant 125 : i32
    %lt3A_29 = arith.cmpi slt, %add3A_27, %lt3A_28 : i32
    %convert_element_type3A_30 = arith.extui %lt3A_29 : i1 to i32
    %cond3A_31 = arith.constant 0 : i32
    %cond3A_32 = arith.cmpi ne, %convert_element_type3A_30, %cond3A_31 : i32
    scf.if %cond3A_32 {
      %mul3A_125 = arith.constant 80 : i32
      %mul3A_126 = arith.muli %add3A_27, %mul3A_125 : i32
      "tpu.region"() ({
        %run_scoped3A = tpu.sem_alloc : memref<!tpu.dma_semaphore, #tpu.memory_space<semaphore_mem>>
        %dma_start3A = arith.constant 0 : i32
        %dma_start3A_127 = arith.constant 0 : i32
        %dma_start3A_128 = tpu.memref_slice %arg11[%dma_start3A, %dma_start3A_127] : memref<120x128xf32, #tpu.memory_space<vmem>> -> memref<80x128xf32, #tpu.memory_space<vmem>>
        %dma_start3A_129 = arith.constant 0 : i32
        %dma_start3A_130 = tpu.memref_slice %arg6[%mul3A_126, %dma_start3A_129] : memref<10008x128xf32, #tpu.memory_space<vmem_shared>> -> memref<80x128xf32, #tpu.memory_space<vmem_shared>>
        %dma_start3A_131 = arith.constant 0 : i32
        %dma_start3A_132 = tpu.memref_slice %arg6[%mul3A_126, %dma_start3A_131] : memref<10008x128xf32, #tpu.memory_space<vmem_shared>> -> memref<80x128xf32, #tpu.memory_space<vmem_shared>>
        %dma_start3A_133 = arith.constant 0 : i32
        %dma_start3A_134 = arith.constant 0 : i32
        %dma_start3A_135 = tpu.memref_slice %arg11[%dma_start3A_133, %dma_start3A_134] : memref<120x128xf32, #tpu.memory_space<vmem>> -> memref<80x128xf32, #tpu.memory_space<vmem>>
        tpu.enqueue_dma source(%dma_start3A_135 : memref<80x128xf32, #tpu.memory_space<vmem>>) target(%dma_start3A_132 : memref<80x128xf32, #tpu.memory_space<vmem_shared>>) target_semaphore(%run_scoped3A : memref<!tpu.dma_semaphore, #tpu.memory_space<semaphore_mem>>)
        %dma_wait3A = arith.constant 0 : i32
        %dma_wait3A_136 = arith.constant 0 : i32
        %dma_wait3A_137 = tpu.memref_slice %arg11[%dma_wait3A, %dma_wait3A_136] : memref<120x128xf32, #tpu.memory_space<vmem>> -> memref<80x128xf32, #tpu.memory_space<vmem>>
        %dma_wait3A_138 = arith.constant 0 : i32
        %dma_wait3A_139 = tpu.memref_slice %arg6[%mul3A_126, %dma_wait3A_138] : memref<10008x128xf32, #tpu.memory_space<vmem_shared>> -> memref<80x128xf32, #tpu.memory_space<vmem_shared>>
        %dma_wait3A_140 = arith.constant 0 : i32
        %dma_wait3A_141 = tpu.memref_slice %arg6[%mul3A_126, %dma_wait3A_140] : memref<10008x128xf32, #tpu.memory_space<vmem_shared>> -> memref<80x128xf32, #tpu.memory_space<vmem_shared>>
        %dma_wait3A_142 = arith.constant 0 : i32
        %dma_wait3A_143 = arith.constant 0 : i32
        %dma_wait3A_144 = tpu.memref_slice %arg11[%dma_wait3A_142, %dma_wait3A_143] : memref<120x128xf32, #tpu.memory_space<vmem>> -> memref<80x128xf32, #tpu.memory_space<vmem>>
        tpu.wait_dma2 semaphore(%run_scoped3A : memref<!tpu.dma_semaphore, #tpu.memory_space<semaphore_mem>>) src(%dma_wait3A_144 : memref<80x128xf32, #tpu.memory_space<vmem>>) dst(%dma_wait3A_141 : memref<80x128xf32, #tpu.memory_space<vmem_shared>>)
        tpu.yield
      }) : () -> ()
    } else {
    }
    %add3A_33 = arith.constant 64 : i32
    %add3A_34 = arith.addi %arg1, %add3A_33 : i32
    %lt3A_35 = arith.constant 125 : i32
    %lt3A_36 = arith.cmpi slt, %add3A_34, %lt3A_35 : i32
    %convert_element_type3A_37 = arith.extui %lt3A_36 : i1 to i32
    %cond3A_38 = arith.constant 0 : i32
    %cond3A_39 = arith.cmpi ne, %convert_element_type3A_37, %cond3A_38 : i32
    scf.if %cond3A_39 {
      %mul3A_125 = arith.constant 80 : i32
      %mul3A_126 = arith.muli %add3A_34, %mul3A_125 : i32
      "tpu.region"() ({
        %run_scoped3A = tpu.sem_alloc : memref<!tpu.dma_semaphore, #tpu.memory_space<semaphore_mem>>
        %dma_start3A = arith.constant 0 : i32
        %dma_start3A_127 = arith.constant 0 : i32
        %dma_start3A_128 = tpu.memref_slice %arg11[%dma_start3A, %dma_start3A_127] : memref<120x128xf32, #tpu.memory_space<vmem>> -> memref<80x128xf32, #tpu.memory_space<vmem>>
        %dma_start3A_129 = arith.constant 0 : i32
        %dma_start3A_130 = tpu.memref_slice %arg6[%mul3A_126, %dma_start3A_129] : memref<10008x128xf32, #tpu.memory_space<vmem_shared>> -> memref<80x128xf32, #tpu.memory_space<vmem_shared>>
        %dma_start3A_131 = arith.constant 0 : i32
        %dma_start3A_132 = tpu.memref_slice %arg6[%mul3A_126, %dma_start3A_131] : memref<10008x128xf32, #tpu.memory_space<vmem_shared>> -> memref<80x128xf32, #tpu.memory_space<vmem_shared>>
        %dma_start3A_133 = arith.constant 0 : i32
        %dma_start3A_134 = arith.constant 0 : i32
        %dma_start3A_135 = tpu.memref_slice %arg11[%dma_start3A_133, %dma_start3A_134] : memref<120x128xf32, #tpu.memory_space<vmem>> -> memref<80x128xf32, #tpu.memory_space<vmem>>
        tpu.enqueue_dma source(%dma_start3A_135 : memref<80x128xf32, #tpu.memory_space<vmem>>) target(%dma_start3A_132 : memref<80x128xf32, #tpu.memory_space<vmem_shared>>) target_semaphore(%run_scoped3A : memref<!tpu.dma_semaphore, #tpu.memory_space<semaphore_mem>>)
        %dma_wait3A = arith.constant 0 : i32
        %dma_wait3A_136 = arith.constant 0 : i32
        %dma_wait3A_137 = tpu.memref_slice %arg11[%dma_wait3A, %dma_wait3A_136] : memref<120x128xf32, #tpu.memory_space<vmem>> -> memref<80x128xf32, #tpu.memory_space<vmem>>
        %dma_wait3A_138 = arith.constant 0 : i32
        %dma_wait3A_139 = tpu.memref_slice %arg6[%mul3A_126, %dma_wait3A_138] : memref<10008x128xf32, #tpu.memory_space<vmem_shared>> -> memref<80x128xf32, #tpu.memory_space<vmem_shared>>
        %dma_wait3A_140 = arith.constant 0 : i32
        %dma_wait3A_141 = tpu.memref_slice %arg6[%mul3A_126, %dma_wait3A_140] : memref<10008x128xf32, #tpu.memory_space<vmem_shared>> -> memref<80x128xf32, #tpu.memory_space<vmem_shared>>
        %dma_wait3A_142 = arith.constant 0 : i32
        %dma_wait3A_143 = arith.constant 0 : i32
        %dma_wait3A_144 = tpu.memref_slice %arg11[%dma_wait3A_142, %dma_wait3A_143] : memref<120x128xf32, #tpu.memory_space<vmem>> -> memref<80x128xf32, #tpu.memory_space<vmem>>
        tpu.wait_dma2 semaphore(%run_scoped3A : memref<!tpu.dma_semaphore, #tpu.memory_space<semaphore_mem>>) src(%dma_wait3A_144 : memref<80x128xf32, #tpu.memory_space<vmem>>) dst(%dma_wait3A_141 : memref<80x128xf32, #tpu.memory_space<vmem_shared>>)
        tpu.yield
      }) : () -> ()
    } else {
    }
    %add3A_40 = arith.constant 80 : i32
    %add3A_41 = arith.addi %arg1, %add3A_40 : i32
    %lt3A_42 = arith.constant 125 : i32
    %lt3A_43 = arith.cmpi slt, %add3A_41, %lt3A_42 : i32
    %convert_element_type3A_44 = arith.extui %lt3A_43 : i1 to i32
    %cond3A_45 = arith.constant 0 : i32
    %cond3A_46 = arith.cmpi ne, %convert_element_type3A_44, %cond3A_45 : i32
    scf.if %cond3A_46 {
      %mul3A_125 = arith.constant 80 : i32
      %mul3A_126 = arith.muli %add3A_41, %mul3A_125 : i32
      "tpu.region"() ({
        %run_scoped3A = tpu.sem_alloc : memref<!tpu.dma_semaphore, #tpu.memory_space<semaphore_mem>>
        %dma_start3A = arith.constant 0 : i32
        %dma_start3A_127 = arith.constant 0 : i32
        %dma_start3A_128 = tpu.memref_slice %arg11[%dma_start3A, %dma_start3A_127] : memref<120x128xf32, #tpu.memory_space<vmem>> -> memref<80x128xf32, #tpu.memory_space<vmem>>
        %dma_start3A_129 = arith.constant 0 : i32
        %dma_start3A_130 = tpu.memref_slice %arg6[%mul3A_126, %dma_start3A_129] : memref<10008x128xf32, #tpu.memory_space<vmem_shared>> -> memref<80x128xf32, #tpu.memory_space<vmem_shared>>
        %dma_start3A_131 = arith.constant 0 : i32
        %dma_start3A_132 = tpu.memref_slice %arg6[%mul3A_126, %dma_start3A_131] : memref<10008x128xf32, #tpu.memory_space<vmem_shared>> -> memref<80x128xf32, #tpu.memory_space<vmem_shared>>
        %dma_start3A_133 = arith.constant 0 : i32
        %dma_start3A_134 = arith.constant 0 : i32
        %dma_start3A_135 = tpu.memref_slice %arg11[%dma_start3A_133, %dma_start3A_134] : memref<120x128xf32, #tpu.memory_space<vmem>> -> memref<80x128xf32, #tpu.memory_space<vmem>>
        tpu.enqueue_dma source(%dma_start3A_135 : memref<80x128xf32, #tpu.memory_space<vmem>>) target(%dma_start3A_132 : memref<80x128xf32, #tpu.memory_space<vmem_shared>>) target_semaphore(%run_scoped3A : memref<!tpu.dma_semaphore, #tpu.memory_space<semaphore_mem>>)
        %dma_wait3A = arith.constant 0 : i32
        %dma_wait3A_136 = arith.constant 0 : i32
        %dma_wait3A_137 = tpu.memref_slice %arg11[%dma_wait3A, %dma_wait3A_136] : memref<120x128xf32, #tpu.memory_space<vmem>> -> memref<80x128xf32, #tpu.memory_space<vmem>>
        %dma_wait3A_138 = arith.constant 0 : i32
        %dma_wait3A_139 = tpu.memref_slice %arg6[%mul3A_126, %dma_wait3A_138] : memref<10008x128xf32, #tpu.memory_space<vmem_shared>> -> memref<80x128xf32, #tpu.memory_space<vmem_shared>>
        %dma_wait3A_140 = arith.constant 0 : i32
        %dma_wait3A_141 = tpu.memref_slice %arg6[%mul3A_126, %dma_wait3A_140] : memref<10008x128xf32, #tpu.memory_space<vmem_shared>> -> memref<80x128xf32, #tpu.memory_space<vmem_shared>>
        %dma_wait3A_142 = arith.constant 0 : i32
        %dma_wait3A_143 = arith.constant 0 : i32
        %dma_wait3A_144 = tpu.memref_slice %arg11[%dma_wait3A_142, %dma_wait3A_143] : memref<120x128xf32, #tpu.memory_space<vmem>> -> memref<80x128xf32, #tpu.memory_space<vmem>>
        tpu.wait_dma2 semaphore(%run_scoped3A : memref<!tpu.dma_semaphore, #tpu.memory_space<semaphore_mem>>) src(%dma_wait3A_144 : memref<80x128xf32, #tpu.memory_space<vmem>>) dst(%dma_wait3A_141 : memref<80x128xf32, #tpu.memory_space<vmem_shared>>)
        tpu.yield
      }) : () -> ()
    } else {
    }
    %add3A_47 = arith.constant 96 : i32
    %add3A_48 = arith.addi %arg1, %add3A_47 : i32
    %lt3A_49 = arith.constant 125 : i32
    %lt3A_50 = arith.cmpi slt, %add3A_48, %lt3A_49 : i32
    %convert_element_type3A_51 = arith.extui %lt3A_50 : i1 to i32
    %cond3A_52 = arith.constant 0 : i32
    %cond3A_53 = arith.cmpi ne, %convert_element_type3A_51, %cond3A_52 : i32
    scf.if %cond3A_53 {
      %mul3A_125 = arith.constant 80 : i32
      %mul3A_126 = arith.muli %add3A_48, %mul3A_125 : i32
      "tpu.region"() ({
        %run_scoped3A = tpu.sem_alloc : memref<!tpu.dma_semaphore, #tpu.memory_space<semaphore_mem>>
        %dma_start3A = arith.constant 0 : i32
        %dma_start3A_127 = arith.constant 0 : i32
        %dma_start3A_128 = tpu.memref_slice %arg11[%dma_start3A, %dma_start3A_127] : memref<120x128xf32, #tpu.memory_space<vmem>> -> memref<80x128xf32, #tpu.memory_space<vmem>>
        %dma_start3A_129 = arith.constant 0 : i32
        %dma_start3A_130 = tpu.memref_slice %arg6[%mul3A_126, %dma_start3A_129] : memref<10008x128xf32, #tpu.memory_space<vmem_shared>> -> memref<80x128xf32, #tpu.memory_space<vmem_shared>>
        %dma_start3A_131 = arith.constant 0 : i32
        %dma_start3A_132 = tpu.memref_slice %arg6[%mul3A_126, %dma_start3A_131] : memref<10008x128xf32, #tpu.memory_space<vmem_shared>> -> memref<80x128xf32, #tpu.memory_space<vmem_shared>>
        %dma_start3A_133 = arith.constant 0 : i32
        %dma_start3A_134 = arith.constant 0 : i32
        %dma_start3A_135 = tpu.memref_slice %arg11[%dma_start3A_133, %dma_start3A_134] : memref<120x128xf32, #tpu.memory_space<vmem>> -> memref<80x128xf32, #tpu.memory_space<vmem>>
        tpu.enqueue_dma source(%dma_start3A_135 : memref<80x128xf32, #tpu.memory_space<vmem>>) target(%dma_start3A_132 : memref<80x128xf32, #tpu.memory_space<vmem_shared>>) target_semaphore(%run_scoped3A : memref<!tpu.dma_semaphore, #tpu.memory_space<semaphore_mem>>)
        %dma_wait3A = arith.constant 0 : i32
        %dma_wait3A_136 = arith.constant 0 : i32
        %dma_wait3A_137 = tpu.memref_slice %arg11[%dma_wait3A, %dma_wait3A_136] : memref<120x128xf32, #tpu.memory_space<vmem>> -> memref<80x128xf32, #tpu.memory_space<vmem>>
        %dma_wait3A_138 = arith.constant 0 : i32
        %dma_wait3A_139 = tpu.memref_slice %arg6[%mul3A_126, %dma_wait3A_138] : memref<10008x128xf32, #tpu.memory_space<vmem_shared>> -> memref<80x128xf32, #tpu.memory_space<vmem_shared>>
        %dma_wait3A_140 = arith.constant 0 : i32
        %dma_wait3A_141 = tpu.memref_slice %arg6[%mul3A_126, %dma_wait3A_140] : memref<10008x128xf32, #tpu.memory_space<vmem_shared>> -> memref<80x128xf32, #tpu.memory_space<vmem_shared>>
        %dma_wait3A_142 = arith.constant 0 : i32
        %dma_wait3A_143 = arith.constant 0 : i32
        %dma_wait3A_144 = tpu.memref_slice %arg11[%dma_wait3A_142, %dma_wait3A_143] : memref<120x128xf32, #tpu.memory_space<vmem>> -> memref<80x128xf32, #tpu.memory_space<vmem>>
        tpu.wait_dma2 semaphore(%run_scoped3A : memref<!tpu.dma_semaphore, #tpu.memory_space<semaphore_mem>>) src(%dma_wait3A_144 : memref<80x128xf32, #tpu.memory_space<vmem>>) dst(%dma_wait3A_141 : memref<80x128xf32, #tpu.memory_space<vmem_shared>>)
        tpu.yield
      }) : () -> ()
    } else {
    }
    %add3A_54 = arith.constant 112 : i32
    %add3A_55 = arith.addi %arg1, %add3A_54 : i32
    %lt3A_56 = arith.constant 125 : i32
    %lt3A_57 = arith.cmpi slt, %add3A_55, %lt3A_56 : i32
    %convert_element_type3A_58 = arith.extui %lt3A_57 : i1 to i32
    %cond3A_59 = arith.constant 0 : i32
    %cond3A_60 = arith.cmpi ne, %convert_element_type3A_58, %cond3A_59 : i32
    scf.if %cond3A_60 {
      %mul3A_125 = arith.constant 80 : i32
      %mul3A_126 = arith.muli %add3A_55, %mul3A_125 : i32
      "tpu.region"() ({
        %run_scoped3A = tpu.sem_alloc : memref<!tpu.dma_semaphore, #tpu.memory_space<semaphore_mem>>
        %dma_start3A = arith.constant 0 : i32
        %dma_start3A_127 = arith.constant 0 : i32
        %dma_start3A_128 = tpu.memref_slice %arg11[%dma_start3A, %dma_start3A_127] : memref<120x128xf32, #tpu.memory_space<vmem>> -> memref<80x128xf32, #tpu.memory_space<vmem>>
        %dma_start3A_129 = arith.constant 0 : i32
        %dma_start3A_130 = tpu.memref_slice %arg6[%mul3A_126, %dma_start3A_129] : memref<10008x128xf32, #tpu.memory_space<vmem_shared>> -> memref<80x128xf32, #tpu.memory_space<vmem_shared>>
        %dma_start3A_131 = arith.constant 0 : i32
        %dma_start3A_132 = tpu.memref_slice %arg6[%mul3A_126, %dma_start3A_131] : memref<10008x128xf32, #tpu.memory_space<vmem_shared>> -> memref<80x128xf32, #tpu.memory_space<vmem_shared>>
        %dma_start3A_133 = arith.constant 0 : i32
        %dma_start3A_134 = arith.constant 0 : i32
        %dma_start3A_135 = tpu.memref_slice %arg11[%dma_start3A_133, %dma_start3A_134] : memref<120x128xf32, #tpu.memory_space<vmem>> -> memref<80x128xf32, #tpu.memory_space<vmem>>
        tpu.enqueue_dma source(%dma_start3A_135 : memref<80x128xf32, #tpu.memory_space<vmem>>) target(%dma_start3A_132 : memref<80x128xf32, #tpu.memory_space<vmem_shared>>) target_semaphore(%run_scoped3A : memref<!tpu.dma_semaphore, #tpu.memory_space<semaphore_mem>>)
        %dma_wait3A = arith.constant 0 : i32
        %dma_wait3A_136 = arith.constant 0 : i32
        %dma_wait3A_137 = tpu.memref_slice %arg11[%dma_wait3A, %dma_wait3A_136] : memref<120x128xf32, #tpu.memory_space<vmem>> -> memref<80x128xf32, #tpu.memory_space<vmem>>
        %dma_wait3A_138 = arith.constant 0 : i32
        %dma_wait3A_139 = tpu.memref_slice %arg6[%mul3A_126, %dma_wait3A_138] : memref<10008x128xf32, #tpu.memory_space<vmem_shared>> -> memref<80x128xf32, #tpu.memory_space<vmem_shared>>
        %dma_wait3A_140 = arith.constant 0 : i32
        %dma_wait3A_141 = tpu.memref_slice %arg6[%mul3A_126, %dma_wait3A_140] : memref<10008x128xf32, #tpu.memory_space<vmem_shared>> -> memref<80x128xf32, #tpu.memory_space<vmem_shared>>
        %dma_wait3A_142 = arith.constant 0 : i32
        %dma_wait3A_143 = arith.constant 0 : i32
        %dma_wait3A_144 = tpu.memref_slice %arg11[%dma_wait3A_142, %dma_wait3A_143] : memref<120x128xf32, #tpu.memory_space<vmem>> -> memref<80x128xf32, #tpu.memory_space<vmem>>
        tpu.wait_dma2 semaphore(%run_scoped3A : memref<!tpu.dma_semaphore, #tpu.memory_space<semaphore_mem>>) src(%dma_wait3A_144 : memref<80x128xf32, #tpu.memory_space<vmem>>) dst(%dma_wait3A_141 : memref<80x128xf32, #tpu.memory_space<vmem_shared>>)
        tpu.yield
      }) : () -> ()
    } else {
    }
    %barrier3A = arith.constant 0 : index
    tpu.barrier barrier_id(%barrier3A)
    %scan3A_61 = arith.constant 0 : i32
    %scan3A_62 = arith.constant 0 : i32
    %scan3A_63 = arith.constant 42 : i32
    %scan3A_64 = arith.addi %scan3A_62, %scan3A_63 : i32
    %scan3A_65 = arith.constant 1 : i32
    %scan3A_66 = scf.for %scan3A_125 = %scan3A_62 to %scan3A_64 step %scan3A_65 iter_args(%scan3A_126 = %scan3A_61) -> (i32)  : i32 {
      %mul3A_127 = arith.constant 2 : i32
      %mul3A_128 = arith.muli %scan3A_125, %mul3A_127 : i32
      %add3A_129 = arith.constant 0 : i32
      %add3A_130 = arith.addi %mul3A_128, %add3A_129 : i32
      %mul3A_131 = arith.constant 10080 : i32
      %mul3A_132 = arith.muli %add3A, %mul3A_131 : i32
      %mul3A_133 = arith.constant 120 : i32
      %mul3A_134 = arith.muli %add3A_130, %mul3A_133 : i32
      %add3A_135 = arith.addi %mul3A_132, %mul3A_134 : i32
      %dma_start3A = tpu.memref_slice %arg3[%add3A_135] : memref<322560xi32, #tpu.memory_space<hbm>> -> memref<120xi32, #tpu.memory_space<hbm>>
      %dma_start3A_136 = tpu.memref_slice %arg3[%add3A_135] : memref<322560xi32, #tpu.memory_space<hbm>> -> memref<120xi32, #tpu.memory_space<hbm>>
      tpu.enqueue_dma source(%dma_start3A_136 : memref<120xi32, #tpu.memory_space<hbm>>) target(%arg7 : memref<120xi32, #tpu.memory_space<vmem>>) target_semaphore(%arg13 : memref<!tpu.dma_semaphore, #tpu.memory_space<semaphore_mem>>)
      %dma_start3A_137 = tpu.memref_slice %arg4[%add3A_135] : memref<322560xi32, #tpu.memory_space<hbm>> -> memref<120xi32, #tpu.memory_space<hbm>>
      %dma_start3A_138 = tpu.memref_slice %arg4[%add3A_135] : memref<322560xi32, #tpu.memory_space<hbm>> -> memref<120xi32, #tpu.memory_space<hbm>>
      tpu.enqueue_dma source(%dma_start3A_138 : memref<120xi32, #tpu.memory_space<hbm>>) target(%arg9 : memref<120xi32, #tpu.memory_space<vmem>>) target_semaphore(%arg15 : memref<!tpu.dma_semaphore, #tpu.memory_space<semaphore_mem>>)
      %mul3A_139 = arith.constant 2 : i32
      %mul3A_140 = arith.muli %scan3A_125, %mul3A_139 : i32
      %add3A_141 = arith.constant 1 : i32
      %add3A_142 = arith.addi %mul3A_140, %add3A_141 : i32
      %mul3A_143 = arith.constant 10080 : i32
      %mul3A_144 = arith.muli %add3A, %mul3A_143 : i32
      %mul3A_145 = arith.constant 120 : i32
      %mul3A_146 = arith.muli %add3A_142, %mul3A_145 : i32
      %add3A_147 = arith.addi %mul3A_144, %mul3A_146 : i32
      %dma_start3A_148 = tpu.memref_slice %arg3[%add3A_147] : memref<322560xi32, #tpu.memory_space<hbm>> -> memref<120xi32, #tpu.memory_space<hbm>>
      %dma_start3A_149 = tpu.memref_slice %arg3[%add3A_147] : memref<322560xi32, #tpu.memory_space<hbm>> -> memref<120xi32, #tpu.memory_space<hbm>>
      tpu.enqueue_dma source(%dma_start3A_149 : memref<120xi32, #tpu.memory_space<hbm>>) target(%arg8 : memref<120xi32, #tpu.memory_space<vmem>>) target_semaphore(%arg14 : memref<!tpu.dma_semaphore, #tpu.memory_space<semaphore_mem>>)
      %dma_start3A_150 = tpu.memref_slice %arg4[%add3A_147] : memref<322560xi32, #tpu.memory_space<hbm>> -> memref<120xi32, #tpu.memory_space<hbm>>
      %dma_start3A_151 = tpu.memref_slice %arg4[%add3A_147] : memref<322560xi32, #tpu.memory_space<hbm>> -> memref<120xi32, #tpu.memory_space<hbm>>
      tpu.enqueue_dma source(%dma_start3A_151 : memref<120xi32, #tpu.memory_space<hbm>>) target(%arg10 : memref<120xi32, #tpu.memory_space<vmem>>) target_semaphore(%arg16 : memref<!tpu.dma_semaphore, #tpu.memory_space<semaphore_mem>>)
      %dma_wait3A = tpu.memref_slice %arg3[%add3A_135] : memref<322560xi32, #tpu.memory_space<hbm>> -> memref<120xi32, #tpu.memory_space<hbm>>
      %dma_wait3A_152 = tpu.memref_slice %arg3[%add3A_135] : memref<322560xi32, #tpu.memory_space<hbm>> -> memref<120xi32, #tpu.memory_space<hbm>>
      tpu.wait_dma2 semaphore(%arg13 : memref<!tpu.dma_semaphore, #tpu.memory_space<semaphore_mem>>) src(%dma_wait3A_152 : memref<120xi32, #tpu.memory_space<hbm>>) dst(%arg7 : memref<120xi32, #tpu.memory_space<vmem>>)
      %dma_start3A_153 = arith.constant 0 : i32
      %dma_start3A_154 = arith.constant 0 : i32
      %dma_start3A_155 = tpu.memref_slice %arg2[%dma_start3A_153, %dma_start3A_154] : memref<10000x128xf32, #tpu.memory_space<hbm>> -> memref<10000x128xf32, #tpu.memory_space<hbm>>
      tpu.enqueue_indirect_dma source(%dma_start3A_155 : memref<10000x128xf32, #tpu.memory_space<hbm>>) target(%arg11 : memref<120x128xf32, #tpu.memory_space<vmem>>) offsets(%arg7 : memref<120xi32, #tpu.memory_space<vmem>>) semaphore(%arg17 : memref<!tpu.dma_semaphore, #tpu.memory_space<semaphore_mem>>)
      %dma_wait3A_156 = tpu.memref_slice %arg3[%add3A_147] : memref<322560xi32, #tpu.memory_space<hbm>> -> memref<120xi32, #tpu.memory_space<hbm>>
      %dma_wait3A_157 = tpu.memref_slice %arg3[%add3A_147] : memref<322560xi32, #tpu.memory_space<hbm>> -> memref<120xi32, #tpu.memory_space<hbm>>
      tpu.wait_dma2 semaphore(%arg14 : memref<!tpu.dma_semaphore, #tpu.memory_space<semaphore_mem>>) src(%dma_wait3A_157 : memref<120xi32, #tpu.memory_space<hbm>>) dst(%arg8 : memref<120xi32, #tpu.memory_space<vmem>>)
      %dma_start3A_158 = arith.constant 0 : i32
      %dma_start3A_159 = arith.constant 0 : i32
      %dma_start3A_160 = tpu.memref_slice %arg2[%dma_start3A_158, %dma_start3A_159] : memref<10000x128xf32, #tpu.memory_space<hbm>> -> memref<10000x128xf32, #tpu.memory_space<hbm>>
      tpu.enqueue_indirect_dma source(%dma_start3A_160 : memref<10000x128xf32, #tpu.memory_space<hbm>>) target(%arg12 : memref<120x128xf32, #tpu.memory_space<vmem>>) offsets(%arg8 : memref<120xi32, #tpu.memory_space<vmem>>) semaphore(%arg18 : memref<!tpu.dma_semaphore, #tpu.memory_space<semaphore_mem>>)
      %dma_wait3A_161 = arith.constant 0 : i32
      %dma_wait3A_162 = arith.constant 0 : i32
      %dma_wait3A_163 = tpu.memref_slice %arg2[%dma_wait3A_161, %dma_wait3A_162] : memref<10000x128xf32, #tpu.memory_space<hbm>> -> memref<10000x128xf32, #tpu.memory_space<hbm>>
      tpu.wait_indirect_dma semaphore(%arg17 : memref<!tpu.dma_semaphore, #tpu.memory_space<semaphore_mem>>) src(%dma_wait3A_163 : memref<10000x128xf32, #tpu.memory_space<hbm>>) dst(%arg11 : memref<120x128xf32, #tpu.memory_space<vmem>>)
      %dma_wait3A_164 = tpu.memref_slice %arg4[%add3A_135] : memref<322560xi32, #tpu.memory_space<hbm>> -> memref<120xi32, #tpu.memory_space<hbm>>
      %dma_wait3A_165 = tpu.memref_slice %arg4[%add3A_135] : memref<322560xi32, #tpu.memory_space<hbm>> -> memref<120xi32, #tpu.memory_space<hbm>>
      tpu.wait_dma2 semaphore(%arg15 : memref<!tpu.dma_semaphore, #tpu.memory_space<semaphore_mem>>) src(%dma_wait3A_165 : memref<120xi32, #tpu.memory_space<hbm>>) dst(%arg9 : memref<120xi32, #tpu.memory_space<vmem>>)
      %dma_start3A_166 = arith.constant 0 : i32
      %dma_start3A_167 = arith.constant 0 : i32
      %dma_start3A_168 = tpu.memref_slice %arg6[%dma_start3A_166, %dma_start3A_167] : memref<10008x128xf32, #tpu.memory_space<vmem_shared>> -> memref<10008x128xf32, #tpu.memory_space<vmem_shared>>
      tpu.enqueue_indirect_dma source(%arg11 : memref<120x128xf32, #tpu.memory_space<vmem>>) target(%dma_start3A_168 : memref<10008x128xf32, #tpu.memory_space<vmem_shared>>) offsets(%arg9 : memref<120xi32, #tpu.memory_space<vmem>>) semaphore(%arg19 : memref<!tpu.dma_semaphore, #tpu.memory_space<semaphore_mem>>) {add = true}
      %dma_wait3A_169 = arith.constant 0 : i32
      %dma_wait3A_170 = arith.constant 0 : i32
      %dma_wait3A_171 = tpu.memref_slice %arg2[%dma_wait3A_169, %dma_wait3A_170] : memref<10000x128xf32, #tpu.memory_space<hbm>> -> memref<10000x128xf32, #tpu.memory_space<hbm>>
      tpu.wait_indirect_dma semaphore(%arg18 : memref<!tpu.dma_semaphore, #tpu.memory_space<semaphore_mem>>) src(%dma_wait3A_171 : memref<10000x128xf32, #tpu.memory_space<hbm>>) dst(%arg12 : memref<120x128xf32, #tpu.memory_space<vmem>>)
      %dma_wait3A_172 = tpu.memref_slice %arg4[%add3A_147] : memref<322560xi32, #tpu.memory_space<hbm>> -> memref<120xi32, #tpu.memory_space<hbm>>
      %dma_wait3A_173 = tpu.memref_slice %arg4[%add3A_147] : memref<322560xi32, #tpu.memory_space<hbm>> -> memref<120xi32, #tpu.memory_space<hbm>>
      tpu.wait_dma2 semaphore(%arg16 : memref<!tpu.dma_semaphore, #tpu.memory_space<semaphore_mem>>) src(%dma_wait3A_173 : memref<120xi32, #tpu.memory_space<hbm>>) dst(%arg10 : memref<120xi32, #tpu.memory_space<vmem>>)
      %dma_start3A_174 = arith.constant 0 : i32
      %dma_start3A_175 = arith.constant 0 : i32
      %dma_start3A_176 = tpu.memref_slice %arg6[%dma_start3A_174, %dma_start3A_175] : memref<10008x128xf32, #tpu.memory_space<vmem_shared>> -> memref<10008x128xf32, #tpu.memory_space<vmem_shared>>
      tpu.enqueue_indirect_dma source(%arg12 : memref<120x128xf32, #tpu.memory_space<vmem>>) target(%dma_start3A_176 : memref<10008x128xf32, #tpu.memory_space<vmem_shared>>) offsets(%arg10 : memref<120xi32, #tpu.memory_space<vmem>>) semaphore(%arg20 : memref<!tpu.dma_semaphore, #tpu.memory_space<semaphore_mem>>) {add = true}
      %dma_wait3A_177 = arith.constant 0 : i32
      %dma_wait3A_178 = arith.constant 0 : i32
      %dma_wait3A_179 = tpu.memref_slice %arg6[%dma_wait3A_177, %dma_wait3A_178] : memref<10008x128xf32, #tpu.memory_space<vmem_shared>> -> memref<10008x128xf32, #tpu.memory_space<vmem_shared>>
      tpu.wait_indirect_dma semaphore(%arg19 : memref<!tpu.dma_semaphore, #tpu.memory_space<semaphore_mem>>) src(%arg11 : memref<120x128xf32, #tpu.memory_space<vmem>>) dst(%dma_wait3A_179 : memref<10008x128xf32, #tpu.memory_space<vmem_shared>>)
      %dma_wait3A_180 = arith.constant 0 : i32
      %dma_wait3A_181 = arith.constant 0 : i32
      %dma_wait3A_182 = tpu.memref_slice %arg6[%dma_wait3A_180, %dma_wait3A_181] : memref<10008x128xf32, #tpu.memory_space<vmem_shared>> -> memref<10008x128xf32, #tpu.memory_space<vmem_shared>>
      tpu.wait_indirect_dma semaphore(%arg20 : memref<!tpu.dma_semaphore, #tpu.memory_space<semaphore_mem>>) src(%arg12 : memref<120x128xf32, #tpu.memory_space<vmem>>) dst(%dma_wait3A_182 : memref<10008x128xf32, #tpu.memory_space<vmem_shared>>)
      %scan3A_183 = arith.constant 0 : i32
      scf.yield %scan3A_183 : i32
    }
    %scan3A_67 = arith.constant 42 : i32
    %barrier3A_68 = arith.constant 0 : index
    tpu.barrier barrier_id(%barrier3A_68)
    %add3A_69 = arith.constant 0 : i32
    %add3A_70 = arith.addi %arg1, %add3A_69 : i32
    %lt3A_71 = arith.constant 125 : i32
    %lt3A_72 = arith.cmpi slt, %add3A_70, %lt3A_71 : i32
    %convert_element_type3A_73 = arith.extui %lt3A_72 : i1 to i32
    %cond3A_74 = arith.constant 0 : i32
    %cond3A_75 = arith.cmpi ne, %convert_element_type3A_73, %cond3A_74 : i32
    scf.if %cond3A_75 {
      %mul3A_125 = arith.constant 80 : i32
      %mul3A_126 = arith.muli %add3A_70, %mul3A_125 : i32
      "tpu.region"() ({
        %run_scoped3A = tpu.sem_alloc : memref<!tpu.dma_semaphore, #tpu.memory_space<semaphore_mem>>
        %dma_start3A = arith.constant 0 : i32
        %dma_start3A_129 = arith.constant 0 : i32
        %dma_start3A_130 = tpu.memref_slice %arg11[%dma_start3A, %dma_start3A_129] : memref<120x128xf32, #tpu.memory_space<vmem>> -> memref<80x128xf32, #tpu.memory_space<vmem>>
        %dma_start3A_131 = arith.constant 0 : i32
        %dma_start3A_132 = tpu.memref_slice %arg6[%mul3A_126, %dma_start3A_131] : memref<10008x128xf32, #tpu.memory_space<vmem_shared>> -> memref<80x128xf32, #tpu.memory_space<vmem_shared>>
        %dma_start3A_133 = arith.constant 0 : i32
        %dma_start3A_134 = arith.constant 0 : i32
        %dma_start3A_135 = tpu.memref_slice %arg11[%dma_start3A_133, %dma_start3A_134] : memref<120x128xf32, #tpu.memory_space<vmem>> -> memref<80x128xf32, #tpu.memory_space<vmem>>
        %dma_start3A_136 = arith.constant 0 : i32
        %dma_start3A_137 = tpu.memref_slice %arg6[%mul3A_126, %dma_start3A_136] : memref<10008x128xf32, #tpu.memory_space<vmem_shared>> -> memref<80x128xf32, #tpu.memory_space<vmem_shared>>
        tpu.enqueue_dma source(%dma_start3A_137 : memref<80x128xf32, #tpu.memory_space<vmem_shared>>) target(%dma_start3A_135 : memref<80x128xf32, #tpu.memory_space<vmem>>) target_semaphore(%run_scoped3A : memref<!tpu.dma_semaphore, #tpu.memory_space<semaphore_mem>>)
        %dma_wait3A = arith.constant 0 : i32
        %dma_wait3A_138 = arith.constant 0 : i32
        %dma_wait3A_139 = tpu.memref_slice %arg11[%dma_wait3A, %dma_wait3A_138] : memref<120x128xf32, #tpu.memory_space<vmem>> -> memref<80x128xf32, #tpu.memory_space<vmem>>
        %dma_wait3A_140 = arith.constant 0 : i32
        %dma_wait3A_141 = tpu.memref_slice %arg6[%mul3A_126, %dma_wait3A_140] : memref<10008x128xf32, #tpu.memory_space<vmem_shared>> -> memref<80x128xf32, #tpu.memory_space<vmem_shared>>
        %dma_wait3A_142 = arith.constant 0 : i32
        %dma_wait3A_143 = arith.constant 0 : i32
        %dma_wait3A_144 = tpu.memref_slice %arg11[%dma_wait3A_142, %dma_wait3A_143] : memref<120x128xf32, #tpu.memory_space<vmem>> -> memref<80x128xf32, #tpu.memory_space<vmem>>
        %dma_wait3A_145 = arith.constant 0 : i32
        %dma_wait3A_146 = tpu.memref_slice %arg6[%mul3A_126, %dma_wait3A_145] : memref<10008x128xf32, #tpu.memory_space<vmem_shared>> -> memref<80x128xf32, #tpu.memory_space<vmem_shared>>
        tpu.wait_dma2 semaphore(%run_scoped3A : memref<!tpu.dma_semaphore, #tpu.memory_space<semaphore_mem>>) src(%dma_wait3A_146 : memref<80x128xf32, #tpu.memory_space<vmem_shared>>) dst(%dma_wait3A_144 : memref<80x128xf32, #tpu.memory_space<vmem>>)
        tpu.yield
      }) : () -> ()
      %mul3A_127 = arith.constant 80 : i32
      %mul3A_128 = arith.muli %add3A_70, %mul3A_127 : i32
      "tpu.region"() ({
        %run_scoped3A = tpu.sem_alloc : memref<!tpu.dma_semaphore, #tpu.memory_space<semaphore_mem>>
        %dma_start3A = arith.constant 0 : i32
        %dma_start3A_129 = arith.constant 0 : i32
        %dma_start3A_130 = tpu.memref_slice %arg11[%dma_start3A, %dma_start3A_129] : memref<120x128xf32, #tpu.memory_space<vmem>> -> memref<80x128xf32, #tpu.memory_space<vmem>>
        %dma_start3A_131 = arith.constant 0 : i32
        %dma_start3A_132 = tpu.memref_slice %arg5[%arg0, %mul3A_128, %dma_start3A_131] : memref<2x10000x128xf32, #tpu.memory_space<hbm>> -> memref<1x80x128xf32, #tpu.memory_space<hbm>>
        %dma_start3A_133 = tpu.memref_squeeze %dma_start3A_132 : memref<1x80x128xf32, #tpu.memory_space<hbm>> -> memref<80x128xf32, #tpu.memory_space<hbm>>
        %dma_start3A_134 = arith.constant 0 : i32
        %dma_start3A_135 = tpu.memref_slice %arg5[%arg0, %mul3A_128, %dma_start3A_134] : memref<2x10000x128xf32, #tpu.memory_space<hbm>> -> memref<1x80x128xf32, #tpu.memory_space<hbm>>
        %dma_start3A_136 = tpu.memref_squeeze %dma_start3A_135 : memref<1x80x128xf32, #tpu.memory_space<hbm>> -> memref<80x128xf32, #tpu.memory_space<hbm>>
        %dma_start3A_137 = arith.constant 0 : i32
        %dma_start3A_138 = arith.constant 0 : i32
        %dma_start3A_139 = tpu.memref_slice %arg11[%dma_start3A_137, %dma_start3A_138] : memref<120x128xf32, #tpu.memory_space<vmem>> -> memref<80x128xf32, #tpu.memory_space<vmem>>
        tpu.enqueue_dma source(%dma_start3A_139 : memref<80x128xf32, #tpu.memory_space<vmem>>) target(%dma_start3A_136 : memref<80x128xf32, #tpu.memory_space<hbm>>) target_semaphore(%run_scoped3A : memref<!tpu.dma_semaphore, #tpu.memory_space<semaphore_mem>>)
        %dma_wait3A = arith.constant 0 : i32
        %dma_wait3A_140 = arith.constant 0 : i32
        %dma_wait3A_141 = tpu.memref_slice %arg11[%dma_wait3A, %dma_wait3A_140] : memref<120x128xf32, #tpu.memory_space<vmem>> -> memref<80x128xf32, #tpu.memory_space<vmem>>
        %dma_wait3A_142 = arith.constant 0 : i32
        %dma_wait3A_143 = tpu.memref_slice %arg5[%arg0, %mul3A_128, %dma_wait3A_142] : memref<2x10000x128xf32, #tpu.memory_space<hbm>> -> memref<1x80x128xf32, #tpu.memory_space<hbm>>
        %dma_wait3A_144 = tpu.memref_squeeze %dma_wait3A_143 : memref<1x80x128xf32, #tpu.memory_space<hbm>> -> memref<80x128xf32, #tpu.memory_space<hbm>>
        %dma_wait3A_145 = arith.constant 0 : i32
        %dma_wait3A_146 = tpu.memref_slice %arg5[%arg0, %mul3A_128, %dma_wait3A_145] : memref<2x10000x128xf32, #tpu.memory_space<hbm>> -> memref<1x80x128xf32, #tpu.memory_space<hbm>>
        %dma_wait3A_147 = tpu.memref_squeeze %dma_wait3A_146 : memref<1x80x128xf32, #tpu.memory_space<hbm>> -> memref<80x128xf32, #tpu.memory_space<hbm>>
        %dma_wait3A_148 = arith.constant 0 : i32
        %dma_wait3A_149 = arith.constant 0 : i32
        %dma_wait3A_150 = tpu.memref_slice %arg11[%dma_wait3A_148, %dma_wait3A_149] : memref<120x128xf32, #tpu.memory_space<vmem>> -> memref<80x128xf32, #tpu.memory_space<vmem>>
        tpu.wait_dma2 semaphore(%run_scoped3A : memref<!tpu.dma_semaphore, #tpu.memory_space<semaphore_mem>>) src(%dma_wait3A_150 : memref<80x128xf32, #tpu.memory_space<vmem>>) dst(%dma_wait3A_147 : memref<80x128xf32, #tpu.memory_space<hbm>>)
        tpu.yield
      }) : () -> ()
    } else {
    }
    %add3A_76 = arith.constant 16 : i32
    %add3A_77 = arith.addi %arg1, %add3A_76 : i32
    %lt3A_78 = arith.constant 125 : i32
    %lt3A_79 = arith.cmpi slt, %add3A_77, %lt3A_78 : i32
    %convert_element_type3A_80 = arith.extui %lt3A_79 : i1 to i32
    %cond3A_81 = arith.constant 0 : i32
    %cond3A_82 = arith.cmpi ne, %convert_element_type3A_80, %cond3A_81 : i32
    scf.if %cond3A_82 {
      %mul3A_125 = arith.constant 80 : i32
      %mul3A_126 = arith.muli %add3A_77, %mul3A_125 : i32
      "tpu.region"() ({
        %run_scoped3A = tpu.sem_alloc : memref<!tpu.dma_semaphore, #tpu.memory_space<semaphore_mem>>
        %dma_start3A = arith.constant 0 : i32
        %dma_start3A_129 = arith.constant 0 : i32
        %dma_start3A_130 = tpu.memref_slice %arg11[%dma_start3A, %dma_start3A_129] : memref<120x128xf32, #tpu.memory_space<vmem>> -> memref<80x128xf32, #tpu.memory_space<vmem>>
        %dma_start3A_131 = arith.constant 0 : i32
        %dma_start3A_132 = tpu.memref_slice %arg6[%mul3A_126, %dma_start3A_131] : memref<10008x128xf32, #tpu.memory_space<vmem_shared>> -> memref<80x128xf32, #tpu.memory_space<vmem_shared>>
        %dma_start3A_133 = arith.constant 0 : i32
        %dma_start3A_134 = arith.constant 0 : i32
        %dma_start3A_135 = tpu.memref_slice %arg11[%dma_start3A_133, %dma_start3A_134] : memref<120x128xf32, #tpu.memory_space<vmem>> -> memref<80x128xf32, #tpu.memory_space<vmem>>
        %dma_start3A_136 = arith.constant 0 : i32
        %dma_start3A_137 = tpu.memref_slice %arg6[%mul3A_126, %dma_start3A_136] : memref<10008x128xf32, #tpu.memory_space<vmem_shared>> -> memref<80x128xf32, #tpu.memory_space<vmem_shared>>
        tpu.enqueue_dma source(%dma_start3A_137 : memref<80x128xf32, #tpu.memory_space<vmem_shared>>) target(%dma_start3A_135 : memref<80x128xf32, #tpu.memory_space<vmem>>) target_semaphore(%run_scoped3A : memref<!tpu.dma_semaphore, #tpu.memory_space<semaphore_mem>>)
        %dma_wait3A = arith.constant 0 : i32
        %dma_wait3A_138 = arith.constant 0 : i32
        %dma_wait3A_139 = tpu.memref_slice %arg11[%dma_wait3A, %dma_wait3A_138] : memref<120x128xf32, #tpu.memory_space<vmem>> -> memref<80x128xf32, #tpu.memory_space<vmem>>
        %dma_wait3A_140 = arith.constant 0 : i32
        %dma_wait3A_141 = tpu.memref_slice %arg6[%mul3A_126, %dma_wait3A_140] : memref<10008x128xf32, #tpu.memory_space<vmem_shared>> -> memref<80x128xf32, #tpu.memory_space<vmem_shared>>
        %dma_wait3A_142 = arith.constant 0 : i32
        %dma_wait3A_143 = arith.constant 0 : i32
        %dma_wait3A_144 = tpu.memref_slice %arg11[%dma_wait3A_142, %dma_wait3A_143] : memref<120x128xf32, #tpu.memory_space<vmem>> -> memref<80x128xf32, #tpu.memory_space<vmem>>
        %dma_wait3A_145 = arith.constant 0 : i32
        %dma_wait3A_146 = tpu.memref_slice %arg6[%mul3A_126, %dma_wait3A_145] : memref<10008x128xf32, #tpu.memory_space<vmem_shared>> -> memref<80x128xf32, #tpu.memory_space<vmem_shared>>
        tpu.wait_dma2 semaphore(%run_scoped3A : memref<!tpu.dma_semaphore, #tpu.memory_space<semaphore_mem>>) src(%dma_wait3A_146 : memref<80x128xf32, #tpu.memory_space<vmem_shared>>) dst(%dma_wait3A_144 : memref<80x128xf32, #tpu.memory_space<vmem>>)
        tpu.yield
      }) : () -> ()
      %mul3A_127 = arith.constant 80 : i32
      %mul3A_128 = arith.muli %add3A_77, %mul3A_127 : i32
      "tpu.region"() ({
        %run_scoped3A = tpu.sem_alloc : memref<!tpu.dma_semaphore, #tpu.memory_space<semaphore_mem>>
        %dma_start3A = arith.constant 0 : i32
        %dma_start3A_129 = arith.constant 0 : i32
        %dma_start3A_130 = tpu.memref_slice %arg11[%dma_start3A, %dma_start3A_129] : memref<120x128xf32, #tpu.memory_space<vmem>> -> memref<80x128xf32, #tpu.memory_space<vmem>>
        %dma_start3A_131 = arith.constant 0 : i32
        %dma_start3A_132 = tpu.memref_slice %arg5[%arg0, %mul3A_128, %dma_start3A_131] : memref<2x10000x128xf32, #tpu.memory_space<hbm>> -> memref<1x80x128xf32, #tpu.memory_space<hbm>>
        %dma_start3A_133 = tpu.memref_squeeze %dma_start3A_132 : memref<1x80x128xf32, #tpu.memory_space<hbm>> -> memref<80x128xf32, #tpu.memory_space<hbm>>
        %dma_start3A_134 = arith.constant 0 : i32
        %dma_start3A_135 = tpu.memref_slice %arg5[%arg0, %mul3A_128, %dma_start3A_134] : memref<2x10000x128xf32, #tpu.memory_space<hbm>> -> memref<1x80x128xf32, #tpu.memory_space<hbm>>
        %dma_start3A_136 = tpu.memref_squeeze %dma_start3A_135 : memref<1x80x128xf32, #tpu.memory_space<hbm>> -> memref<80x128xf32, #tpu.memory_space<hbm>>
        %dma_start3A_137 = arith.constant 0 : i32
        %dma_start3A_138 = arith.constant 0 : i32
        %dma_start3A_139 = tpu.memref_slice %arg11[%dma_start3A_137, %dma_start3A_138] : memref<120x128xf32, #tpu.memory_space<vmem>> -> memref<80x128xf32, #tpu.memory_space<vmem>>
        tpu.enqueue_dma source(%dma_start3A_139 : memref<80x128xf32, #tpu.memory_space<vmem>>) target(%dma_start3A_136 : memref<80x128xf32, #tpu.memory_space<hbm>>) target_semaphore(%run_scoped3A : memref<!tpu.dma_semaphore, #tpu.memory_space<semaphore_mem>>)
        %dma_wait3A = arith.constant 0 : i32
        %dma_wait3A_140 = arith.constant 0 : i32
        %dma_wait3A_141 = tpu.memref_slice %arg11[%dma_wait3A, %dma_wait3A_140] : memref<120x128xf32, #tpu.memory_space<vmem>> -> memref<80x128xf32, #tpu.memory_space<vmem>>
        %dma_wait3A_142 = arith.constant 0 : i32
        %dma_wait3A_143 = tpu.memref_slice %arg5[%arg0, %mul3A_128, %dma_wait3A_142] : memref<2x10000x128xf32, #tpu.memory_space<hbm>> -> memref<1x80x128xf32, #tpu.memory_space<hbm>>
        %dma_wait3A_144 = tpu.memref_squeeze %dma_wait3A_143 : memref<1x80x128xf32, #tpu.memory_space<hbm>> -> memref<80x128xf32, #tpu.memory_space<hbm>>
        %dma_wait3A_145 = arith.constant 0 : i32
        %dma_wait3A_146 = tpu.memref_slice %arg5[%arg0, %mul3A_128, %dma_wait3A_145] : memref<2x10000x128xf32, #tpu.memory_space<hbm>> -> memref<1x80x128xf32, #tpu.memory_space<hbm>>
        %dma_wait3A_147 = tpu.memref_squeeze %dma_wait3A_146 : memref<1x80x128xf32, #tpu.memory_space<hbm>> -> memref<80x128xf32, #tpu.memory_space<hbm>>
        %dma_wait3A_148 = arith.constant 0 : i32
        %dma_wait3A_149 = arith.constant 0 : i32
        %dma_wait3A_150 = tpu.memref_slice %arg11[%dma_wait3A_148, %dma_wait3A_149] : memref<120x128xf32, #tpu.memory_space<vmem>> -> memref<80x128xf32, #tpu.memory_space<vmem>>
        tpu.wait_dma2 semaphore(%run_scoped3A : memref<!tpu.dma_semaphore, #tpu.memory_space<semaphore_mem>>) src(%dma_wait3A_150 : memref<80x128xf32, #tpu.memory_space<vmem>>) dst(%dma_wait3A_147 : memref<80x128xf32, #tpu.memory_space<hbm>>)
        tpu.yield
      }) : () -> ()
    } else {
    }
    %add3A_83 = arith.constant 32 : i32
    %add3A_84 = arith.addi %arg1, %add3A_83 : i32
    %lt3A_85 = arith.constant 125 : i32
    %lt3A_86 = arith.cmpi slt, %add3A_84, %lt3A_85 : i32
    %convert_element_type3A_87 = arith.extui %lt3A_86 : i1 to i32
    %cond3A_88 = arith.constant 0 : i32
    %cond3A_89 = arith.cmpi ne, %convert_element_type3A_87, %cond3A_88 : i32
    scf.if %cond3A_89 {
      %mul3A_125 = arith.constant 80 : i32
      %mul3A_126 = arith.muli %add3A_84, %mul3A_125 : i32
      "tpu.region"() ({
        %run_scoped3A = tpu.sem_alloc : memref<!tpu.dma_semaphore, #tpu.memory_space<semaphore_mem>>
        %dma_start3A = arith.constant 0 : i32
        %dma_start3A_129 = arith.constant 0 : i32
        %dma_start3A_130 = tpu.memref_slice %arg11[%dma_start3A, %dma_start3A_129] : memref<120x128xf32, #tpu.memory_space<vmem>> -> memref<80x128xf32, #tpu.memory_space<vmem>>
        %dma_start3A_131 = arith.constant 0 : i32
        %dma_start3A_132 = tpu.memref_slice %arg6[%mul3A_126, %dma_start3A_131] : memref<10008x128xf32, #tpu.memory_space<vmem_shared>> -> memref<80x128xf32, #tpu.memory_space<vmem_shared>>
        %dma_start3A_133 = arith.constant 0 : i32
        %dma_start3A_134 = arith.constant 0 : i32
        %dma_start3A_135 = tpu.memref_slice %arg11[%dma_start3A_133, %dma_start3A_134] : memref<120x128xf32, #tpu.memory_space<vmem>> -> memref<80x128xf32, #tpu.memory_space<vmem>>
        %dma_start3A_136 = arith.constant 0 : i32
        %dma_start3A_137 = tpu.memref_slice %arg6[%mul3A_126, %dma_start3A_136] : memref<10008x128xf32, #tpu.memory_space<vmem_shared>> -> memref<80x128xf32, #tpu.memory_space<vmem_shared>>
        tpu.enqueue_dma source(%dma_start3A_137 : memref<80x128xf32, #tpu.memory_space<vmem_shared>>) target(%dma_start3A_135 : memref<80x128xf32, #tpu.memory_space<vmem>>) target_semaphore(%run_scoped3A : memref<!tpu.dma_semaphore, #tpu.memory_space<semaphore_mem>>)
        %dma_wait3A = arith.constant 0 : i32
        %dma_wait3A_138 = arith.constant 0 : i32
        %dma_wait3A_139 = tpu.memref_slice %arg11[%dma_wait3A, %dma_wait3A_138] : memref<120x128xf32, #tpu.memory_space<vmem>> -> memref<80x128xf32, #tpu.memory_space<vmem>>
        %dma_wait3A_140 = arith.constant 0 : i32
        %dma_wait3A_141 = tpu.memref_slice %arg6[%mul3A_126, %dma_wait3A_140] : memref<10008x128xf32, #tpu.memory_space<vmem_shared>> -> memref<80x128xf32, #tpu.memory_space<vmem_shared>>
        %dma_wait3A_142 = arith.constant 0 : i32
        %dma_wait3A_143 = arith.constant 0 : i32
        %dma_wait3A_144 = tpu.memref_slice %arg11[%dma_wait3A_142, %dma_wait3A_143] : memref<120x128xf32, #tpu.memory_space<vmem>> -> memref<80x128xf32, #tpu.memory_space<vmem>>
        %dma_wait3A_145 = arith.constant 0 : i32
        %dma_wait3A_146 = tpu.memref_slice %arg6[%mul3A_126, %dma_wait3A_145] : memref<10008x128xf32, #tpu.memory_space<vmem_shared>> -> memref<80x128xf32, #tpu.memory_space<vmem_shared>>
        tpu.wait_dma2 semaphore(%run_scoped3A : memref<!tpu.dma_semaphore, #tpu.memory_space<semaphore_mem>>) src(%dma_wait3A_146 : memref<80x128xf32, #tpu.memory_space<vmem_shared>>) dst(%dma_wait3A_144 : memref<80x128xf32, #tpu.memory_space<vmem>>)
        tpu.yield
      }) : () -> ()
      %mul3A_127 = arith.constant 80 : i32
      %mul3A_128 = arith.muli %add3A_84, %mul3A_127 : i32
      "tpu.region"() ({
        %run_scoped3A = tpu.sem_alloc : memref<!tpu.dma_semaphore, #tpu.memory_space<semaphore_mem>>
        %dma_start3A = arith.constant 0 : i32
        %dma_start3A_129 = arith.constant 0 : i32
        %dma_start3A_130 = tpu.memref_slice %arg11[%dma_start3A, %dma_start3A_129] : memref<120x128xf32, #tpu.memory_space<vmem>> -> memref<80x128xf32, #tpu.memory_space<vmem>>
        %dma_start3A_131 = arith.constant 0 : i32
        %dma_start3A_132 = tpu.memref_slice %arg5[%arg0, %mul3A_128, %dma_start3A_131] : memref<2x10000x128xf32, #tpu.memory_space<hbm>> -> memref<1x80x128xf32, #tpu.memory_space<hbm>>
        %dma_start3A_133 = tpu.memref_squeeze %dma_start3A_132 : memref<1x80x128xf32, #tpu.memory_space<hbm>> -> memref<80x128xf32, #tpu.memory_space<hbm>>
        %dma_start3A_134 = arith.constant 0 : i32
        %dma_start3A_135 = tpu.memref_slice %arg5[%arg0, %mul3A_128, %dma_start3A_134] : memref<2x10000x128xf32, #tpu.memory_space<hbm>> -> memref<1x80x128xf32, #tpu.memory_space<hbm>>
        %dma_start3A_136 = tpu.memref_squeeze %dma_start3A_135 : memref<1x80x128xf32, #tpu.memory_space<hbm>> -> memref<80x128xf32, #tpu.memory_space<hbm>>
        %dma_start3A_137 = arith.constant 0 : i32
        %dma_start3A_138 = arith.constant 0 : i32
        %dma_start3A_139 = tpu.memref_slice %arg11[%dma_start3A_137, %dma_start3A_138] : memref<120x128xf32, #tpu.memory_space<vmem>> -> memref<80x128xf32, #tpu.memory_space<vmem>>
        tpu.enqueue_dma source(%dma_start3A_139 : memref<80x128xf32, #tpu.memory_space<vmem>>) target(%dma_start3A_136 : memref<80x128xf32, #tpu.memory_space<hbm>>) target_semaphore(%run_scoped3A : memref<!tpu.dma_semaphore, #tpu.memory_space<semaphore_mem>>)
        %dma_wait3A = arith.constant 0 : i32
        %dma_wait3A_140 = arith.constant 0 : i32
        %dma_wait3A_141 = tpu.memref_slice %arg11[%dma_wait3A, %dma_wait3A_140] : memref<120x128xf32, #tpu.memory_space<vmem>> -> memref<80x128xf32, #tpu.memory_space<vmem>>
        %dma_wait3A_142 = arith.constant 0 : i32
        %dma_wait3A_143 = tpu.memref_slice %arg5[%arg0, %mul3A_128, %dma_wait3A_142] : memref<2x10000x128xf32, #tpu.memory_space<hbm>> -> memref<1x80x128xf32, #tpu.memory_space<hbm>>
        %dma_wait3A_144 = tpu.memref_squeeze %dma_wait3A_143 : memref<1x80x128xf32, #tpu.memory_space<hbm>> -> memref<80x128xf32, #tpu.memory_space<hbm>>
        %dma_wait3A_145 = arith.constant 0 : i32
        %dma_wait3A_146 = tpu.memref_slice %arg5[%arg0, %mul3A_128, %dma_wait3A_145] : memref<2x10000x128xf32, #tpu.memory_space<hbm>> -> memref<1x80x128xf32, #tpu.memory_space<hbm>>
        %dma_wait3A_147 = tpu.memref_squeeze %dma_wait3A_146 : memref<1x80x128xf32, #tpu.memory_space<hbm>> -> memref<80x128xf32, #tpu.memory_space<hbm>>
        %dma_wait3A_148 = arith.constant 0 : i32
        %dma_wait3A_149 = arith.constant 0 : i32
        %dma_wait3A_150 = tpu.memref_slice %arg11[%dma_wait3A_148, %dma_wait3A_149] : memref<120x128xf32, #tpu.memory_space<vmem>> -> memref<80x128xf32, #tpu.memory_space<vmem>>
        tpu.wait_dma2 semaphore(%run_scoped3A : memref<!tpu.dma_semaphore, #tpu.memory_space<semaphore_mem>>) src(%dma_wait3A_150 : memref<80x128xf32, #tpu.memory_space<vmem>>) dst(%dma_wait3A_147 : memref<80x128xf32, #tpu.memory_space<hbm>>)
        tpu.yield
      }) : () -> ()
    } else {
    }
    %add3A_90 = arith.constant 48 : i32
    %add3A_91 = arith.addi %arg1, %add3A_90 : i32
    %lt3A_92 = arith.constant 125 : i32
    %lt3A_93 = arith.cmpi slt, %add3A_91, %lt3A_92 : i32
    %convert_element_type3A_94 = arith.extui %lt3A_93 : i1 to i32
    %cond3A_95 = arith.constant 0 : i32
    %cond3A_96 = arith.cmpi ne, %convert_element_type3A_94, %cond3A_95 : i32
    scf.if %cond3A_96 {
      %mul3A_125 = arith.constant 80 : i32
      %mul3A_126 = arith.muli %add3A_91, %mul3A_125 : i32
      "tpu.region"() ({
        %run_scoped3A = tpu.sem_alloc : memref<!tpu.dma_semaphore, #tpu.memory_space<semaphore_mem>>
        %dma_start3A = arith.constant 0 : i32
        %dma_start3A_129 = arith.constant 0 : i32
        %dma_start3A_130 = tpu.memref_slice %arg11[%dma_start3A, %dma_start3A_129] : memref<120x128xf32, #tpu.memory_space<vmem>> -> memref<80x128xf32, #tpu.memory_space<vmem>>
        %dma_start3A_131 = arith.constant 0 : i32
        %dma_start3A_132 = tpu.memref_slice %arg6[%mul3A_126, %dma_start3A_131] : memref<10008x128xf32, #tpu.memory_space<vmem_shared>> -> memref<80x128xf32, #tpu.memory_space<vmem_shared>>
        %dma_start3A_133 = arith.constant 0 : i32
        %dma_start3A_134 = arith.constant 0 : i32
        %dma_start3A_135 = tpu.memref_slice %arg11[%dma_start3A_133, %dma_start3A_134] : memref<120x128xf32, #tpu.memory_space<vmem>> -> memref<80x128xf32, #tpu.memory_space<vmem>>
        %dma_start3A_136 = arith.constant 0 : i32
        %dma_start3A_137 = tpu.memref_slice %arg6[%mul3A_126, %dma_start3A_136] : memref<10008x128xf32, #tpu.memory_space<vmem_shared>> -> memref<80x128xf32, #tpu.memory_space<vmem_shared>>
        tpu.enqueue_dma source(%dma_start3A_137 : memref<80x128xf32, #tpu.memory_space<vmem_shared>>) target(%dma_start3A_135 : memref<80x128xf32, #tpu.memory_space<vmem>>) target_semaphore(%run_scoped3A : memref<!tpu.dma_semaphore, #tpu.memory_space<semaphore_mem>>)
        %dma_wait3A = arith.constant 0 : i32
        %dma_wait3A_138 = arith.constant 0 : i32
        %dma_wait3A_139 = tpu.memref_slice %arg11[%dma_wait3A, %dma_wait3A_138] : memref<120x128xf32, #tpu.memory_space<vmem>> -> memref<80x128xf32, #tpu.memory_space<vmem>>
        %dma_wait3A_140 = arith.constant 0 : i32
        %dma_wait3A_141 = tpu.memref_slice %arg6[%mul3A_126, %dma_wait3A_140] : memref<10008x128xf32, #tpu.memory_space<vmem_shared>> -> memref<80x128xf32, #tpu.memory_space<vmem_shared>>
        %dma_wait3A_142 = arith.constant 0 : i32
        %dma_wait3A_143 = arith.constant 0 : i32
        %dma_wait3A_144 = tpu.memref_slice %arg11[%dma_wait3A_142, %dma_wait3A_143] : memref<120x128xf32, #tpu.memory_space<vmem>> -> memref<80x128xf32, #tpu.memory_space<vmem>>
        %dma_wait3A_145 = arith.constant 0 : i32
        %dma_wait3A_146 = tpu.memref_slice %arg6[%mul3A_126, %dma_wait3A_145] : memref<10008x128xf32, #tpu.memory_space<vmem_shared>> -> memref<80x128xf32, #tpu.memory_space<vmem_shared>>
        tpu.wait_dma2 semaphore(%run_scoped3A : memref<!tpu.dma_semaphore, #tpu.memory_space<semaphore_mem>>) src(%dma_wait3A_146 : memref<80x128xf32, #tpu.memory_space<vmem_shared>>) dst(%dma_wait3A_144 : memref<80x128xf32, #tpu.memory_space<vmem>>)
        tpu.yield
      }) : () -> ()
      %mul3A_127 = arith.constant 80 : i32
      %mul3A_128 = arith.muli %add3A_91, %mul3A_127 : i32
      "tpu.region"() ({
        %run_scoped3A = tpu.sem_alloc : memref<!tpu.dma_semaphore, #tpu.memory_space<semaphore_mem>>
        %dma_start3A = arith.constant 0 : i32
        %dma_start3A_129 = arith.constant 0 : i32
        %dma_start3A_130 = tpu.memref_slice %arg11[%dma_start3A, %dma_start3A_129] : memref<120x128xf32, #tpu.memory_space<vmem>> -> memref<80x128xf32, #tpu.memory_space<vmem>>
        %dma_start3A_131 = arith.constant 0 : i32
        %dma_start3A_132 = tpu.memref_slice %arg5[%arg0, %mul3A_128, %dma_start3A_131] : memref<2x10000x128xf32, #tpu.memory_space<hbm>> -> memref<1x80x128xf32, #tpu.memory_space<hbm>>
        %dma_start3A_133 = tpu.memref_squeeze %dma_start3A_132 : memref<1x80x128xf32, #tpu.memory_space<hbm>> -> memref<80x128xf32, #tpu.memory_space<hbm>>
        %dma_start3A_134 = arith.constant 0 : i32
        %dma_start3A_135 = tpu.memref_slice %arg5[%arg0, %mul3A_128, %dma_start3A_134] : memref<2x10000x128xf32, #tpu.memory_space<hbm>> -> memref<1x80x128xf32, #tpu.memory_space<hbm>>
        %dma_start3A_136 = tpu.memref_squeeze %dma_start3A_135 : memref<1x80x128xf32, #tpu.memory_space<hbm>> -> memref<80x128xf32, #tpu.memory_space<hbm>>
        %dma_start3A_137 = arith.constant 0 : i32
        %dma_start3A_138 = arith.constant 0 : i32
        %dma_start3A_139 = tpu.memref_slice %arg11[%dma_start3A_137, %dma_start3A_138] : memref<120x128xf32, #tpu.memory_space<vmem>> -> memref<80x128xf32, #tpu.memory_space<vmem>>
        tpu.enqueue_dma source(%dma_start3A_139 : memref<80x128xf32, #tpu.memory_space<vmem>>) target(%dma_start3A_136 : memref<80x128xf32, #tpu.memory_space<hbm>>) target_semaphore(%run_scoped3A : memref<!tpu.dma_semaphore, #tpu.memory_space<semaphore_mem>>)
        %dma_wait3A = arith.constant 0 : i32
        %dma_wait3A_140 = arith.constant 0 : i32
        %dma_wait3A_141 = tpu.memref_slice %arg11[%dma_wait3A, %dma_wait3A_140] : memref<120x128xf32, #tpu.memory_space<vmem>> -> memref<80x128xf32, #tpu.memory_space<vmem>>
        %dma_wait3A_142 = arith.constant 0 : i32
        %dma_wait3A_143 = tpu.memref_slice %arg5[%arg0, %mul3A_128, %dma_wait3A_142] : memref<2x10000x128xf32, #tpu.memory_space<hbm>> -> memref<1x80x128xf32, #tpu.memory_space<hbm>>
        %dma_wait3A_144 = tpu.memref_squeeze %dma_wait3A_143 : memref<1x80x128xf32, #tpu.memory_space<hbm>> -> memref<80x128xf32, #tpu.memory_space<hbm>>
        %dma_wait3A_145 = arith.constant 0 : i32
        %dma_wait3A_146 = tpu.memref_slice %arg5[%arg0, %mul3A_128, %dma_wait3A_145] : memref<2x10000x128xf32, #tpu.memory_space<hbm>> -> memref<1x80x128xf32, #tpu.memory_space<hbm>>
        %dma_wait3A_147 = tpu.memref_squeeze %dma_wait3A_146 : memref<1x80x128xf32, #tpu.memory_space<hbm>> -> memref<80x128xf32, #tpu.memory_space<hbm>>
        %dma_wait3A_148 = arith.constant 0 : i32
        %dma_wait3A_149 = arith.constant 0 : i32
        %dma_wait3A_150 = tpu.memref_slice %arg11[%dma_wait3A_148, %dma_wait3A_149] : memref<120x128xf32, #tpu.memory_space<vmem>> -> memref<80x128xf32, #tpu.memory_space<vmem>>
        tpu.wait_dma2 semaphore(%run_scoped3A : memref<!tpu.dma_semaphore, #tpu.memory_space<semaphore_mem>>) src(%dma_wait3A_150 : memref<80x128xf32, #tpu.memory_space<vmem>>) dst(%dma_wait3A_147 : memref<80x128xf32, #tpu.memory_space<hbm>>)
        tpu.yield
      }) : () -> ()
    } else {
    }
    %add3A_97 = arith.constant 64 : i32
    %add3A_98 = arith.addi %arg1, %add3A_97 : i32
    %lt3A_99 = arith.constant 125 : i32
    %lt3A_100 = arith.cmpi slt, %add3A_98, %lt3A_99 : i32
    %convert_element_type3A_101 = arith.extui %lt3A_100 : i1 to i32
    %cond3A_102 = arith.constant 0 : i32
    %cond3A_103 = arith.cmpi ne, %convert_element_type3A_101, %cond3A_102 : i32
    scf.if %cond3A_103 {
      %mul3A_125 = arith.constant 80 : i32
      %mul3A_126 = arith.muli %add3A_98, %mul3A_125 : i32
      "tpu.region"() ({
        %run_scoped3A = tpu.sem_alloc : memref<!tpu.dma_semaphore, #tpu.memory_space<semaphore_mem>>
        %dma_start3A = arith.constant 0 : i32
        %dma_start3A_129 = arith.constant 0 : i32
        %dma_start3A_130 = tpu.memref_slice %arg11[%dma_start3A, %dma_start3A_129] : memref<120x128xf32, #tpu.memory_space<vmem>> -> memref<80x128xf32, #tpu.memory_space<vmem>>
        %dma_start3A_131 = arith.constant 0 : i32
        %dma_start3A_132 = tpu.memref_slice %arg6[%mul3A_126, %dma_start3A_131] : memref<10008x128xf32, #tpu.memory_space<vmem_shared>> -> memref<80x128xf32, #tpu.memory_space<vmem_shared>>
        %dma_start3A_133 = arith.constant 0 : i32
        %dma_start3A_134 = arith.constant 0 : i32
        %dma_start3A_135 = tpu.memref_slice %arg11[%dma_start3A_133, %dma_start3A_134] : memref<120x128xf32, #tpu.memory_space<vmem>> -> memref<80x128xf32, #tpu.memory_space<vmem>>
        %dma_start3A_136 = arith.constant 0 : i32
        %dma_start3A_137 = tpu.memref_slice %arg6[%mul3A_126, %dma_start3A_136] : memref<10008x128xf32, #tpu.memory_space<vmem_shared>> -> memref<80x128xf32, #tpu.memory_space<vmem_shared>>
        tpu.enqueue_dma source(%dma_start3A_137 : memref<80x128xf32, #tpu.memory_space<vmem_shared>>) target(%dma_start3A_135 : memref<80x128xf32, #tpu.memory_space<vmem>>) target_semaphore(%run_scoped3A : memref<!tpu.dma_semaphore, #tpu.memory_space<semaphore_mem>>)
        %dma_wait3A = arith.constant 0 : i32
        %dma_wait3A_138 = arith.constant 0 : i32
        %dma_wait3A_139 = tpu.memref_slice %arg11[%dma_wait3A, %dma_wait3A_138] : memref<120x128xf32, #tpu.memory_space<vmem>> -> memref<80x128xf32, #tpu.memory_space<vmem>>
        %dma_wait3A_140 = arith.constant 0 : i32
        %dma_wait3A_141 = tpu.memref_slice %arg6[%mul3A_126, %dma_wait3A_140] : memref<10008x128xf32, #tpu.memory_space<vmem_shared>> -> memref<80x128xf32, #tpu.memory_space<vmem_shared>>
        %dma_wait3A_142 = arith.constant 0 : i32
        %dma_wait3A_143 = arith.constant 0 : i32
        %dma_wait3A_144 = tpu.memref_slice %arg11[%dma_wait3A_142, %dma_wait3A_143] : memref<120x128xf32, #tpu.memory_space<vmem>> -> memref<80x128xf32, #tpu.memory_space<vmem>>
        %dma_wait3A_145 = arith.constant 0 : i32
        %dma_wait3A_146 = tpu.memref_slice %arg6[%mul3A_126, %dma_wait3A_145] : memref<10008x128xf32, #tpu.memory_space<vmem_shared>> -> memref<80x128xf32, #tpu.memory_space<vmem_shared>>
        tpu.wait_dma2 semaphore(%run_scoped3A : memref<!tpu.dma_semaphore, #tpu.memory_space<semaphore_mem>>) src(%dma_wait3A_146 : memref<80x128xf32, #tpu.memory_space<vmem_shared>>) dst(%dma_wait3A_144 : memref<80x128xf32, #tpu.memory_space<vmem>>)
        tpu.yield
      }) : () -> ()
      %mul3A_127 = arith.constant 80 : i32
      %mul3A_128 = arith.muli %add3A_98, %mul3A_127 : i32
      "tpu.region"() ({
        %run_scoped3A = tpu.sem_alloc : memref<!tpu.dma_semaphore, #tpu.memory_space<semaphore_mem>>
        %dma_start3A = arith.constant 0 : i32
        %dma_start3A_129 = arith.constant 0 : i32
        %dma_start3A_130 = tpu.memref_slice %arg11[%dma_start3A, %dma_start3A_129] : memref<120x128xf32, #tpu.memory_space<vmem>> -> memref<80x128xf32, #tpu.memory_space<vmem>>
        %dma_start3A_131 = arith.constant 0 : i32
        %dma_start3A_132 = tpu.memref_slice %arg5[%arg0, %mul3A_128, %dma_start3A_131] : memref<2x10000x128xf32, #tpu.memory_space<hbm>> -> memref<1x80x128xf32, #tpu.memory_space<hbm>>
        %dma_start3A_133 = tpu.memref_squeeze %dma_start3A_132 : memref<1x80x128xf32, #tpu.memory_space<hbm>> -> memref<80x128xf32, #tpu.memory_space<hbm>>
        %dma_start3A_134 = arith.constant 0 : i32
        %dma_start3A_135 = tpu.memref_slice %arg5[%arg0, %mul3A_128, %dma_start3A_134] : memref<2x10000x128xf32, #tpu.memory_space<hbm>> -> memref<1x80x128xf32, #tpu.memory_space<hbm>>
        %dma_start3A_136 = tpu.memref_squeeze %dma_start3A_135 : memref<1x80x128xf32, #tpu.memory_space<hbm>> -> memref<80x128xf32, #tpu.memory_space<hbm>>
        %dma_start3A_137 = arith.constant 0 : i32
        %dma_start3A_138 = arith.constant 0 : i32
        %dma_start3A_139 = tpu.memref_slice %arg11[%dma_start3A_137, %dma_start3A_138] : memref<120x128xf32, #tpu.memory_space<vmem>> -> memref<80x128xf32, #tpu.memory_space<vmem>>
        tpu.enqueue_dma source(%dma_start3A_139 : memref<80x128xf32, #tpu.memory_space<vmem>>) target(%dma_start3A_136 : memref<80x128xf32, #tpu.memory_space<hbm>>) target_semaphore(%run_scoped3A : memref<!tpu.dma_semaphore, #tpu.memory_space<semaphore_mem>>)
        %dma_wait3A = arith.constant 0 : i32
        %dma_wait3A_140 = arith.constant 0 : i32
        %dma_wait3A_141 = tpu.memref_slice %arg11[%dma_wait3A, %dma_wait3A_140] : memref<120x128xf32, #tpu.memory_space<vmem>> -> memref<80x128xf32, #tpu.memory_space<vmem>>
        %dma_wait3A_142 = arith.constant 0 : i32
        %dma_wait3A_143 = tpu.memref_slice %arg5[%arg0, %mul3A_128, %dma_wait3A_142] : memref<2x10000x128xf32, #tpu.memory_space<hbm>> -> memref<1x80x128xf32, #tpu.memory_space<hbm>>
        %dma_wait3A_144 = tpu.memref_squeeze %dma_wait3A_143 : memref<1x80x128xf32, #tpu.memory_space<hbm>> -> memref<80x128xf32, #tpu.memory_space<hbm>>
        %dma_wait3A_145 = arith.constant 0 : i32
        %dma_wait3A_146 = tpu.memref_slice %arg5[%arg0, %mul3A_128, %dma_wait3A_145] : memref<2x10000x128xf32, #tpu.memory_space<hbm>> -> memref<1x80x128xf32, #tpu.memory_space<hbm>>
        %dma_wait3A_147 = tpu.memref_squeeze %dma_wait3A_146 : memref<1x80x128xf32, #tpu.memory_space<hbm>> -> memref<80x128xf32, #tpu.memory_space<hbm>>
        %dma_wait3A_148 = arith.constant 0 : i32
        %dma_wait3A_149 = arith.constant 0 : i32
        %dma_wait3A_150 = tpu.memref_slice %arg11[%dma_wait3A_148, %dma_wait3A_149] : memref<120x128xf32, #tpu.memory_space<vmem>> -> memref<80x128xf32, #tpu.memory_space<vmem>>
        tpu.wait_dma2 semaphore(%run_scoped3A : memref<!tpu.dma_semaphore, #tpu.memory_space<semaphore_mem>>) src(%dma_wait3A_150 : memref<80x128xf32, #tpu.memory_space<vmem>>) dst(%dma_wait3A_147 : memref<80x128xf32, #tpu.memory_space<hbm>>)
        tpu.yield
      }) : () -> ()
    } else {
    }
    %add3A_104 = arith.constant 80 : i32
    %add3A_105 = arith.addi %arg1, %add3A_104 : i32
    %lt3A_106 = arith.constant 125 : i32
    %lt3A_107 = arith.cmpi slt, %add3A_105, %lt3A_106 : i32
    %convert_element_type3A_108 = arith.extui %lt3A_107 : i1 to i32
    %cond3A_109 = arith.constant 0 : i32
    %cond3A_110 = arith.cmpi ne, %convert_element_type3A_108, %cond3A_109 : i32
    scf.if %cond3A_110 {
      %mul3A_125 = arith.constant 80 : i32
      %mul3A_126 = arith.muli %add3A_105, %mul3A_125 : i32
      "tpu.region"() ({
        %run_scoped3A = tpu.sem_alloc : memref<!tpu.dma_semaphore, #tpu.memory_space<semaphore_mem>>
        %dma_start3A = arith.constant 0 : i32
        %dma_start3A_129 = arith.constant 0 : i32
        %dma_start3A_130 = tpu.memref_slice %arg11[%dma_start3A, %dma_start3A_129] : memref<120x128xf32, #tpu.memory_space<vmem>> -> memref<80x128xf32, #tpu.memory_space<vmem>>
        %dma_start3A_131 = arith.constant 0 : i32
        %dma_start3A_132 = tpu.memref_slice %arg6[%mul3A_126, %dma_start3A_131] : memref<10008x128xf32, #tpu.memory_space<vmem_shared>> -> memref<80x128xf32, #tpu.memory_space<vmem_shared>>
        %dma_start3A_133 = arith.constant 0 : i32
        %dma_start3A_134 = arith.constant 0 : i32
        %dma_start3A_135 = tpu.memref_slice %arg11[%dma_start3A_133, %dma_start3A_134] : memref<120x128xf32, #tpu.memory_space<vmem>> -> memref<80x128xf32, #tpu.memory_space<vmem>>
        %dma_start3A_136 = arith.constant 0 : i32
        %dma_start3A_137 = tpu.memref_slice %arg6[%mul3A_126, %dma_start3A_136] : memref<10008x128xf32, #tpu.memory_space<vmem_shared>> -> memref<80x128xf32, #tpu.memory_space<vmem_shared>>
        tpu.enqueue_dma source(%dma_start3A_137 : memref<80x128xf32, #tpu.memory_space<vmem_shared>>) target(%dma_start3A_135 : memref<80x128xf32, #tpu.memory_space<vmem>>) target_semaphore(%run_scoped3A : memref<!tpu.dma_semaphore, #tpu.memory_space<semaphore_mem>>)
        %dma_wait3A = arith.constant 0 : i32
        %dma_wait3A_138 = arith.constant 0 : i32
        %dma_wait3A_139 = tpu.memref_slice %arg11[%dma_wait3A, %dma_wait3A_138] : memref<120x128xf32, #tpu.memory_space<vmem>> -> memref<80x128xf32, #tpu.memory_space<vmem>>
        %dma_wait3A_140 = arith.constant 0 : i32
        %dma_wait3A_141 = tpu.memref_slice %arg6[%mul3A_126, %dma_wait3A_140] : memref<10008x128xf32, #tpu.memory_space<vmem_shared>> -> memref<80x128xf32, #tpu.memory_space<vmem_shared>>
        %dma_wait3A_142 = arith.constant 0 : i32
        %dma_wait3A_143 = arith.constant 0 : i32
        %dma_wait3A_144 = tpu.memref_slice %arg11[%dma_wait3A_142, %dma_wait3A_143] : memref<120x128xf32, #tpu.memory_space<vmem>> -> memref<80x128xf32, #tpu.memory_space<vmem>>
        %dma_wait3A_145 = arith.constant 0 : i32
        %dma_wait3A_146 = tpu.memref_slice %arg6[%mul3A_126, %dma_wait3A_145] : memref<10008x128xf32, #tpu.memory_space<vmem_shared>> -> memref<80x128xf32, #tpu.memory_space<vmem_shared>>
        tpu.wait_dma2 semaphore(%run_scoped3A : memref<!tpu.dma_semaphore, #tpu.memory_space<semaphore_mem>>) src(%dma_wait3A_146 : memref<80x128xf32, #tpu.memory_space<vmem_shared>>) dst(%dma_wait3A_144 : memref<80x128xf32, #tpu.memory_space<vmem>>)
        tpu.yield
      }) : () -> ()
      %mul3A_127 = arith.constant 80 : i32
      %mul3A_128 = arith.muli %add3A_105, %mul3A_127 : i32
      "tpu.region"() ({
        %run_scoped3A = tpu.sem_alloc : memref<!tpu.dma_semaphore, #tpu.memory_space<semaphore_mem>>
        %dma_start3A = arith.constant 0 : i32
        %dma_start3A_129 = arith.constant 0 : i32
        %dma_start3A_130 = tpu.memref_slice %arg11[%dma_start3A, %dma_start3A_129] : memref<120x128xf32, #tpu.memory_space<vmem>> -> memref<80x128xf32, #tpu.memory_space<vmem>>
        %dma_start3A_131 = arith.constant 0 : i32
        %dma_start3A_132 = tpu.memref_slice %arg5[%arg0, %mul3A_128, %dma_start3A_131] : memref<2x10000x128xf32, #tpu.memory_space<hbm>> -> memref<1x80x128xf32, #tpu.memory_space<hbm>>
        %dma_start3A_133 = tpu.memref_squeeze %dma_start3A_132 : memref<1x80x128xf32, #tpu.memory_space<hbm>> -> memref<80x128xf32, #tpu.memory_space<hbm>>
        %dma_start3A_134 = arith.constant 0 : i32
        %dma_start3A_135 = tpu.memref_slice %arg5[%arg0, %mul3A_128, %dma_start3A_134] : memref<2x10000x128xf32, #tpu.memory_space<hbm>> -> memref<1x80x128xf32, #tpu.memory_space<hbm>>
        %dma_start3A_136 = tpu.memref_squeeze %dma_start3A_135 : memref<1x80x128xf32, #tpu.memory_space<hbm>> -> memref<80x128xf32, #tpu.memory_space<hbm>>
        %dma_start3A_137 = arith.constant 0 : i32
        %dma_start3A_138 = arith.constant 0 : i32
        %dma_start3A_139 = tpu.memref_slice %arg11[%dma_start3A_137, %dma_start3A_138] : memref<120x128xf32, #tpu.memory_space<vmem>> -> memref<80x128xf32, #tpu.memory_space<vmem>>
        tpu.enqueue_dma source(%dma_start3A_139 : memref<80x128xf32, #tpu.memory_space<vmem>>) target(%dma_start3A_136 : memref<80x128xf32, #tpu.memory_space<hbm>>) target_semaphore(%run_scoped3A : memref<!tpu.dma_semaphore, #tpu.memory_space<semaphore_mem>>)
        %dma_wait3A = arith.constant 0 : i32
        %dma_wait3A_140 = arith.constant 0 : i32
        %dma_wait3A_141 = tpu.memref_slice %arg11[%dma_wait3A, %dma_wait3A_140] : memref<120x128xf32, #tpu.memory_space<vmem>> -> memref<80x128xf32, #tpu.memory_space<vmem>>
        %dma_wait3A_142 = arith.constant 0 : i32
        %dma_wait3A_143 = tpu.memref_slice %arg5[%arg0, %mul3A_128, %dma_wait3A_142] : memref<2x10000x128xf32, #tpu.memory_space<hbm>> -> memref<1x80x128xf32, #tpu.memory_space<hbm>>
        %dma_wait3A_144 = tpu.memref_squeeze %dma_wait3A_143 : memref<1x80x128xf32, #tpu.memory_space<hbm>> -> memref<80x128xf32, #tpu.memory_space<hbm>>
        %dma_wait3A_145 = arith.constant 0 : i32
        %dma_wait3A_146 = tpu.memref_slice %arg5[%arg0, %mul3A_128, %dma_wait3A_145] : memref<2x10000x128xf32, #tpu.memory_space<hbm>> -> memref<1x80x128xf32, #tpu.memory_space<hbm>>
        %dma_wait3A_147 = tpu.memref_squeeze %dma_wait3A_146 : memref<1x80x128xf32, #tpu.memory_space<hbm>> -> memref<80x128xf32, #tpu.memory_space<hbm>>
        %dma_wait3A_148 = arith.constant 0 : i32
        %dma_wait3A_149 = arith.constant 0 : i32
        %dma_wait3A_150 = tpu.memref_slice %arg11[%dma_wait3A_148, %dma_wait3A_149] : memref<120x128xf32, #tpu.memory_space<vmem>> -> memref<80x128xf32, #tpu.memory_space<vmem>>
        tpu.wait_dma2 semaphore(%run_scoped3A : memref<!tpu.dma_semaphore, #tpu.memory_space<semaphore_mem>>) src(%dma_wait3A_150 : memref<80x128xf32, #tpu.memory_space<vmem>>) dst(%dma_wait3A_147 : memref<80x128xf32, #tpu.memory_space<hbm>>)
        tpu.yield
      }) : () -> ()
    } else {
    }
    %add3A_111 = arith.constant 96 : i32
    %add3A_112 = arith.addi %arg1, %add3A_111 : i32
    %lt3A_113 = arith.constant 125 : i32
    %lt3A_114 = arith.cmpi slt, %add3A_112, %lt3A_113 : i32
    %convert_element_type3A_115 = arith.extui %lt3A_114 : i1 to i32
    %cond3A_116 = arith.constant 0 : i32
    %cond3A_117 = arith.cmpi ne, %convert_element_type3A_115, %cond3A_116 : i32
    scf.if %cond3A_117 {
      %mul3A_125 = arith.constant 80 : i32
      %mul3A_126 = arith.muli %add3A_112, %mul3A_125 : i32
      "tpu.region"() ({
        %run_scoped3A = tpu.sem_alloc : memref<!tpu.dma_semaphore, #tpu.memory_space<semaphore_mem>>
        %dma_start3A = arith.constant 0 : i32
        %dma_start3A_129 = arith.constant 0 : i32
        %dma_start3A_130 = tpu.memref_slice %arg11[%dma_start3A, %dma_start3A_129] : memref<120x128xf32, #tpu.memory_space<vmem>> -> memref<80x128xf32, #tpu.memory_space<vmem>>
        %dma_start3A_131 = arith.constant 0 : i32
        %dma_start3A_132 = tpu.memref_slice %arg6[%mul3A_126, %dma_start3A_131] : memref<10008x128xf32, #tpu.memory_space<vmem_shared>> -> memref<80x128xf32, #tpu.memory_space<vmem_shared>>
        %dma_start3A_133 = arith.constant 0 : i32
        %dma_start3A_134 = arith.constant 0 : i32
        %dma_start3A_135 = tpu.memref_slice %arg11[%dma_start3A_133, %dma_start3A_134] : memref<120x128xf32, #tpu.memory_space<vmem>> -> memref<80x128xf32, #tpu.memory_space<vmem>>
        %dma_start3A_136 = arith.constant 0 : i32
        %dma_start3A_137 = tpu.memref_slice %arg6[%mul3A_126, %dma_start3A_136] : memref<10008x128xf32, #tpu.memory_space<vmem_shared>> -> memref<80x128xf32, #tpu.memory_space<vmem_shared>>
        tpu.enqueue_dma source(%dma_start3A_137 : memref<80x128xf32, #tpu.memory_space<vmem_shared>>) target(%dma_start3A_135 : memref<80x128xf32, #tpu.memory_space<vmem>>) target_semaphore(%run_scoped3A : memref<!tpu.dma_semaphore, #tpu.memory_space<semaphore_mem>>)
        %dma_wait3A = arith.constant 0 : i32
        %dma_wait3A_138 = arith.constant 0 : i32
        %dma_wait3A_139 = tpu.memref_slice %arg11[%dma_wait3A, %dma_wait3A_138] : memref<120x128xf32, #tpu.memory_space<vmem>> -> memref<80x128xf32, #tpu.memory_space<vmem>>
        %dma_wait3A_140 = arith.constant 0 : i32
        %dma_wait3A_141 = tpu.memref_slice %arg6[%mul3A_126, %dma_wait3A_140] : memref<10008x128xf32, #tpu.memory_space<vmem_shared>> -> memref<80x128xf32, #tpu.memory_space<vmem_shared>>
        %dma_wait3A_142 = arith.constant 0 : i32
        %dma_wait3A_143 = arith.constant 0 : i32
        %dma_wait3A_144 = tpu.memref_slice %arg11[%dma_wait3A_142, %dma_wait3A_143] : memref<120x128xf32, #tpu.memory_space<vmem>> -> memref<80x128xf32, #tpu.memory_space<vmem>>
        %dma_wait3A_145 = arith.constant 0 : i32
        %dma_wait3A_146 = tpu.memref_slice %arg6[%mul3A_126, %dma_wait3A_145] : memref<10008x128xf32, #tpu.memory_space<vmem_shared>> -> memref<80x128xf32, #tpu.memory_space<vmem_shared>>
        tpu.wait_dma2 semaphore(%run_scoped3A : memref<!tpu.dma_semaphore, #tpu.memory_space<semaphore_mem>>) src(%dma_wait3A_146 : memref<80x128xf32, #tpu.memory_space<vmem_shared>>) dst(%dma_wait3A_144 : memref<80x128xf32, #tpu.memory_space<vmem>>)
        tpu.yield
      }) : () -> ()
      %mul3A_127 = arith.constant 80 : i32
      %mul3A_128 = arith.muli %add3A_112, %mul3A_127 : i32
      "tpu.region"() ({
        %run_scoped3A = tpu.sem_alloc : memref<!tpu.dma_semaphore, #tpu.memory_space<semaphore_mem>>
        %dma_start3A = arith.constant 0 : i32
        %dma_start3A_129 = arith.constant 0 : i32
        %dma_start3A_130 = tpu.memref_slice %arg11[%dma_start3A, %dma_start3A_129] : memref<120x128xf32, #tpu.memory_space<vmem>> -> memref<80x128xf32, #tpu.memory_space<vmem>>
        %dma_start3A_131 = arith.constant 0 : i32
        %dma_start3A_132 = tpu.memref_slice %arg5[%arg0, %mul3A_128, %dma_start3A_131] : memref<2x10000x128xf32, #tpu.memory_space<hbm>> -> memref<1x80x128xf32, #tpu.memory_space<hbm>>
        %dma_start3A_133 = tpu.memref_squeeze %dma_start3A_132 : memref<1x80x128xf32, #tpu.memory_space<hbm>> -> memref<80x128xf32, #tpu.memory_space<hbm>>
        %dma_start3A_134 = arith.constant 0 : i32
        %dma_start3A_135 = tpu.memref_slice %arg5[%arg0, %mul3A_128, %dma_start3A_134] : memref<2x10000x128xf32, #tpu.memory_space<hbm>> -> memref<1x80x128xf32, #tpu.memory_space<hbm>>
        %dma_start3A_136 = tpu.memref_squeeze %dma_start3A_135 : memref<1x80x128xf32, #tpu.memory_space<hbm>> -> memref<80x128xf32, #tpu.memory_space<hbm>>
        %dma_start3A_137 = arith.constant 0 : i32
        %dma_start3A_138 = arith.constant 0 : i32
        %dma_start3A_139 = tpu.memref_slice %arg11[%dma_start3A_137, %dma_start3A_138] : memref<120x128xf32, #tpu.memory_space<vmem>> -> memref<80x128xf32, #tpu.memory_space<vmem>>
        tpu.enqueue_dma source(%dma_start3A_139 : memref<80x128xf32, #tpu.memory_space<vmem>>) target(%dma_start3A_136 : memref<80x128xf32, #tpu.memory_space<hbm>>) target_semaphore(%run_scoped3A : memref<!tpu.dma_semaphore, #tpu.memory_space<semaphore_mem>>)
        %dma_wait3A = arith.constant 0 : i32
        %dma_wait3A_140 = arith.constant 0 : i32
        %dma_wait3A_141 = tpu.memref_slice %arg11[%dma_wait3A, %dma_wait3A_140] : memref<120x128xf32, #tpu.memory_space<vmem>> -> memref<80x128xf32, #tpu.memory_space<vmem>>
        %dma_wait3A_142 = arith.constant 0 : i32
        %dma_wait3A_143 = tpu.memref_slice %arg5[%arg0, %mul3A_128, %dma_wait3A_142] : memref<2x10000x128xf32, #tpu.memory_space<hbm>> -> memref<1x80x128xf32, #tpu.memory_space<hbm>>
        %dma_wait3A_144 = tpu.memref_squeeze %dma_wait3A_143 : memref<1x80x128xf32, #tpu.memory_space<hbm>> -> memref<80x128xf32, #tpu.memory_space<hbm>>
        %dma_wait3A_145 = arith.constant 0 : i32
        %dma_wait3A_146 = tpu.memref_slice %arg5[%arg0, %mul3A_128, %dma_wait3A_145] : memref<2x10000x128xf32, #tpu.memory_space<hbm>> -> memref<1x80x128xf32, #tpu.memory_space<hbm>>
        %dma_wait3A_147 = tpu.memref_squeeze %dma_wait3A_146 : memref<1x80x128xf32, #tpu.memory_space<hbm>> -> memref<80x128xf32, #tpu.memory_space<hbm>>
        %dma_wait3A_148 = arith.constant 0 : i32
        %dma_wait3A_149 = arith.constant 0 : i32
        %dma_wait3A_150 = tpu.memref_slice %arg11[%dma_wait3A_148, %dma_wait3A_149] : memref<120x128xf32, #tpu.memory_space<vmem>> -> memref<80x128xf32, #tpu.memory_space<vmem>>
        tpu.wait_dma2 semaphore(%run_scoped3A : memref<!tpu.dma_semaphore, #tpu.memory_space<semaphore_mem>>) src(%dma_wait3A_150 : memref<80x128xf32, #tpu.memory_space<vmem>>) dst(%dma_wait3A_147 : memref<80x128xf32, #tpu.memory_space<hbm>>)
        tpu.yield
      }) : () -> ()
    } else {
    }
    %add3A_118 = arith.constant 112 : i32
    %add3A_119 = arith.addi %arg1, %add3A_118 : i32
    %lt3A_120 = arith.constant 125 : i32
    %lt3A_121 = arith.cmpi slt, %add3A_119, %lt3A_120 : i32
    %convert_element_type3A_122 = arith.extui %lt3A_121 : i1 to i32
    %cond3A_123 = arith.constant 0 : i32
    %cond3A_124 = arith.cmpi ne, %convert_element_type3A_122, %cond3A_123 : i32
    scf.if %cond3A_124 {
      %mul3A_125 = arith.constant 80 : i32
      %mul3A_126 = arith.muli %add3A_119, %mul3A_125 : i32
      "tpu.region"() ({
        %run_scoped3A = tpu.sem_alloc : memref<!tpu.dma_semaphore, #tpu.memory_space<semaphore_mem>>
        %dma_start3A = arith.constant 0 : i32
        %dma_start3A_129 = arith.constant 0 : i32
        %dma_start3A_130 = tpu.memref_slice %arg11[%dma_start3A, %dma_start3A_129] : memref<120x128xf32, #tpu.memory_space<vmem>> -> memref<80x128xf32, #tpu.memory_space<vmem>>
        %dma_start3A_131 = arith.constant 0 : i32
        %dma_start3A_132 = tpu.memref_slice %arg6[%mul3A_126, %dma_start3A_131] : memref<10008x128xf32, #tpu.memory_space<vmem_shared>> -> memref<80x128xf32, #tpu.memory_space<vmem_shared>>
        %dma_start3A_133 = arith.constant 0 : i32
        %dma_start3A_134 = arith.constant 0 : i32
        %dma_start3A_135 = tpu.memref_slice %arg11[%dma_start3A_133, %dma_start3A_134] : memref<120x128xf32, #tpu.memory_space<vmem>> -> memref<80x128xf32, #tpu.memory_space<vmem>>
        %dma_start3A_136 = arith.constant 0 : i32
        %dma_start3A_137 = tpu.memref_slice %arg6[%mul3A_126, %dma_start3A_136] : memref<10008x128xf32, #tpu.memory_space<vmem_shared>> -> memref<80x128xf32, #tpu.memory_space<vmem_shared>>
        tpu.enqueue_dma source(%dma_start3A_137 : memref<80x128xf32, #tpu.memory_space<vmem_shared>>) target(%dma_start3A_135 : memref<80x128xf32, #tpu.memory_space<vmem>>) target_semaphore(%run_scoped3A : memref<!tpu.dma_semaphore, #tpu.memory_space<semaphore_mem>>)
        %dma_wait3A = arith.constant 0 : i32
        %dma_wait3A_138 = arith.constant 0 : i32
        %dma_wait3A_139 = tpu.memref_slice %arg11[%dma_wait3A, %dma_wait3A_138] : memref<120x128xf32, #tpu.memory_space<vmem>> -> memref<80x128xf32, #tpu.memory_space<vmem>>
        %dma_wait3A_140 = arith.constant 0 : i32
        %dma_wait3A_141 = tpu.memref_slice %arg6[%mul3A_126, %dma_wait3A_140] : memref<10008x128xf32, #tpu.memory_space<vmem_shared>> -> memref<80x128xf32, #tpu.memory_space<vmem_shared>>
        %dma_wait3A_142 = arith.constant 0 : i32
        %dma_wait3A_143 = arith.constant 0 : i32
        %dma_wait3A_144 = tpu.memref_slice %arg11[%dma_wait3A_142, %dma_wait3A_143] : memref<120x128xf32, #tpu.memory_space<vmem>> -> memref<80x128xf32, #tpu.memory_space<vmem>>
        %dma_wait3A_145 = arith.constant 0 : i32
        %dma_wait3A_146 = tpu.memref_slice %arg6[%mul3A_126, %dma_wait3A_145] : memref<10008x128xf32, #tpu.memory_space<vmem_shared>> -> memref<80x128xf32, #tpu.memory_space<vmem_shared>>
        tpu.wait_dma2 semaphore(%run_scoped3A : memref<!tpu.dma_semaphore, #tpu.memory_space<semaphore_mem>>) src(%dma_wait3A_146 : memref<80x128xf32, #tpu.memory_space<vmem_shared>>) dst(%dma_wait3A_144 : memref<80x128xf32, #tpu.memory_space<vmem>>)
        tpu.yield
      }) : () -> ()
      %mul3A_127 = arith.constant 80 : i32
      %mul3A_128 = arith.muli %add3A_119, %mul3A_127 : i32
      "tpu.region"() ({
        %run_scoped3A = tpu.sem_alloc : memref<!tpu.dma_semaphore, #tpu.memory_space<semaphore_mem>>
        %dma_start3A = arith.constant 0 : i32
        %dma_start3A_129 = arith.constant 0 : i32
        %dma_start3A_130 = tpu.memref_slice %arg11[%dma_start3A, %dma_start3A_129] : memref<120x128xf32, #tpu.memory_space<vmem>> -> memref<80x128xf32, #tpu.memory_space<vmem>>
        %dma_start3A_131 = arith.constant 0 : i32
        %dma_start3A_132 = tpu.memref_slice %arg5[%arg0, %mul3A_128, %dma_start3A_131] : memref<2x10000x128xf32, #tpu.memory_space<hbm>> -> memref<1x80x128xf32, #tpu.memory_space<hbm>>
        %dma_start3A_133 = tpu.memref_squeeze %dma_start3A_132 : memref<1x80x128xf32, #tpu.memory_space<hbm>> -> memref<80x128xf32, #tpu.memory_space<hbm>>
        %dma_start3A_134 = arith.constant 0 : i32
        %dma_start3A_135 = tpu.memref_slice %arg5[%arg0, %mul3A_128, %dma_start3A_134] : memref<2x10000x128xf32, #tpu.memory_space<hbm>> -> memref<1x80x128xf32, #tpu.memory_space<hbm>>
        %dma_start3A_136 = tpu.memref_squeeze %dma_start3A_135 : memref<1x80x128xf32, #tpu.memory_space<hbm>> -> memref<80x128xf32, #tpu.memory_space<hbm>>
        %dma_start3A_137 = arith.constant 0 : i32
        %dma_start3A_138 = arith.constant 0 : i32
        %dma_start3A_139 = tpu.memref_slice %arg11[%dma_start3A_137, %dma_start3A_138] : memref<120x128xf32, #tpu.memory_space<vmem>> -> memref<80x128xf32, #tpu.memory_space<vmem>>
        tpu.enqueue_dma source(%dma_start3A_139 : memref<80x128xf32, #tpu.memory_space<vmem>>) target(%dma_start3A_136 : memref<80x128xf32, #tpu.memory_space<hbm>>) target_semaphore(%run_scoped3A : memref<!tpu.dma_semaphore, #tpu.memory_space<semaphore_mem>>)
        %dma_wait3A = arith.constant 0 : i32
        %dma_wait3A_140 = arith.constant 0 : i32
        %dma_wait3A_141 = tpu.memref_slice %arg11[%dma_wait3A, %dma_wait3A_140] : memref<120x128xf32, #tpu.memory_space<vmem>> -> memref<80x128xf32, #tpu.memory_space<vmem>>
        %dma_wait3A_142 = arith.constant 0 : i32
        %dma_wait3A_143 = tpu.memref_slice %arg5[%arg0, %mul3A_128, %dma_wait3A_142] : memref<2x10000x128xf32, #tpu.memory_space<hbm>> -> memref<1x80x128xf32, #tpu.memory_space<hbm>>
        %dma_wait3A_144 = tpu.memref_squeeze %dma_wait3A_143 : memref<1x80x128xf32, #tpu.memory_space<hbm>> -> memref<80x128xf32, #tpu.memory_space<hbm>>
        %dma_wait3A_145 = arith.constant 0 : i32
        %dma_wait3A_146 = tpu.memref_slice %arg5[%arg0, %mul3A_128, %dma_wait3A_145] : memref<2x10000x128xf32, #tpu.memory_space<hbm>> -> memref<1x80x128xf32, #tpu.memory_space<hbm>>
        %dma_wait3A_147 = tpu.memref_squeeze %dma_wait3A_146 : memref<1x80x128xf32, #tpu.memory_space<hbm>> -> memref<80x128xf32, #tpu.memory_space<hbm>>
        %dma_wait3A_148 = arith.constant 0 : i32
        %dma_wait3A_149 = arith.constant 0 : i32
        %dma_wait3A_150 = tpu.memref_slice %arg11[%dma_wait3A_148, %dma_wait3A_149] : memref<120x128xf32, #tpu.memory_space<vmem>> -> memref<80x128xf32, #tpu.memory_space<vmem>>
        tpu.wait_dma2 semaphore(%run_scoped3A : memref<!tpu.dma_semaphore, #tpu.memory_space<semaphore_mem>>) src(%dma_wait3A_150 : memref<80x128xf32, #tpu.memory_space<vmem>>) dst(%dma_wait3A_147 : memref<80x128xf32, #tpu.memory_space<hbm>>)
        tpu.yield
      }) : () -> ()
    } else {
    }
    return
  }
}

#map = affine_map<(d0, d1) -> (0, 0)>
#map1 = affine_map<(d0, d1) -> (0)>
#map2 = affine_map<(d0, d1) -> (0, 0, 0)>
module attributes {stable_mosaic.version = 14 : i64} {
  func.func @body(%arg0: i32, %arg1: i32, %arg2: memref<10000x128xf32, #tpu.memory_space<hbm>>, %arg3: memref<322560xi32, #tpu.memory_space<hbm>>, %arg4: memref<322560xi32, #tpu.memory_space<hbm>>, %arg5: memref<2x10000x128xf32, #tpu.memory_space<hbm>>, %arg6: memref<10008x128xf32, #tpu.memory_space<vmem_shared>>, %arg7: memref<120xi32, #tpu.memory_space<vmem>>, %arg8: memref<120xi32, #tpu.memory_space<vmem>>, %arg9: memref<120xi32, #tpu.memory_space<vmem>>, %arg10: memref<120xi32, #tpu.memory_space<vmem>>, %arg11: memref<120x128xf32, #tpu.memory_space<vmem>>, %arg12: memref<120x128xf32, #tpu.memory_space<vmem>>, %arg13: memref<!tpu.dma_semaphore, #tpu.memory_space<semaphore_mem>>, %arg14: memref<!tpu.dma_semaphore, #tpu.memory_space<semaphore_mem>>, %arg15: memref<!tpu.dma_semaphore, #tpu.memory_space<semaphore_mem>>, %arg16: memref<!tpu.dma_semaphore, #tpu.memory_space<semaphore_mem>>, %arg17: memref<!tpu.dma_semaphore, #tpu.memory_space<semaphore_mem>>, %arg18: memref<!tpu.dma_semaphore, #tpu.memory_space<semaphore_mem>>, %arg19: memref<!tpu.dma_semaphore, #tpu.memory_space<semaphore_mem>>, %arg20: memref<!tpu.dma_semaphore, #tpu.memory_space<semaphore_mem>>) attributes {dimension_semantics = [#tpu.dimension_semantics<core_parallel>, #tpu.dimension_semantics<subcore_parallel>], iteration_bounds = array<i64: 2, 16>, scalar_prefetch = 0 : i64, scratch_operands = 15 : i64, tpu.core_type = #tpu.core_type<sc_vector_subcore>, window_params = [{transform_indices = #map}, {transform_indices = #map1}, {transform_indices = #map1}, {transform_indices = #map2}]} {
    %mul3A = arith.constant 2 : i32
    %mul3A_0 = arith.muli %arg1, %mul3A : i32
    %add3A = arith.addi %mul3A_0, %arg0 : i32
    %broadcast_in_dim3A = arith.constant 0.000000e+00 : f32
    %broadcast_in_dim3A_1 = vector.broadcast %broadcast_in_dim3A : f32 to vector<16xf32>
    %scan3A = arith.constant 0 : i32
    %scan3A_2 = arith.constant 0 : i32
    %scan3A_3 = arith.constant 80 : i32
    %scan3A_4 = arith.addi %scan3A_2, %scan3A_3 : i32
    %scan3A_5 = arith.constant 1 : i32
    %scan3A_6 = scf.for %scan3A_125 = %scan3A_2 to %scan3A_4 step %scan3A_5 iter_args(%scan3A_126 = %scan3A) -> (i32)  : i32 {
      %swap3A = arith.index_cast %scan3A_125 : i32 to index
      %swap3A_127 = arith.constant 0 : index
      %swap3A_128 = tpu.vector_load %arg11[%swap3A, %swap3A_127] {strides = array<i32>} : memref<120x128xf32, #tpu.memory_space<vmem>>, vector<1x16xf32>,
      %swap3A_129 = vector.shape_cast %swap3A_128 : vector<1x16xf32> to vector<16xf32>
      %swap3A_130 = vector.shape_cast %broadcast_in_dim3A_1 : vector<16xf32> to vector<1x16xf32>
      tpu.vector_store %arg11[%swap3A, %swap3A_127], %swap3A_130 {strides = array<i32>} : memref<120x128xf32, #tpu.memory_space<vmem>>, vector<1x16xf32>,
      %swap3A_131 = arith.index_cast %scan3A_125 : i32 to index
      %swap3A_132 = arith.constant 16 : index
      %swap3A_133 = tpu.vector_load %arg11[%swap3A_131, %swap3A_132] {strides = array<i32>} : memref<120x128xf32, #tpu.memory_space<vmem>>, vector<1x16xf32>,
      %swap3A_134 = vector.shape_cast %swap3A_133 : vector<1x16xf32> to vector<16xf32>
      %swap3A_135 = vector.shape_cast %broadcast_in_dim3A_1 : vector<16xf32> to vector<1x16xf32>
      tpu.vector_store %arg11[%swap3A_131, %swap3A_132], %swap3A_135 {strides = array<i32>} : memref<120x128xf32, #tpu.memory_space<vmem>>, vector<1x16xf32>,
      %swap3A_136 = arith.index_cast %scan3A_125 : i32 to index
      %swap3A_137 = arith.constant 32 : index
      %swap3A_138 = tpu.vector_load %arg11[%swap3A_136, %swap3A_137] {strides = array<i32>} : memref<120x128xf32, #tpu.memory_space<vmem>>, vector<1x16xf32>,
      %swap3A_139 = vector.shape_cast %swap3A_138 : vector<1x16xf32> to vector<16xf32>
      %swap3A_140 = vector.shape_cast %broadcast_in_dim3A_1 : vector<16xf32> to vector<1x16xf32>
      tpu.vector_store %arg11[%swap3A_136, %swap3A_137], %swap3A_140 {strides = array<i32>} : memref<120x128xf32, #tpu.memory_space<vmem>>, vector<1x16xf32>,
      %swap3A_141 = arith.index_cast %scan3A_125 : i32 to index
      %swap3A_142 = arith.constant 48 : index
      %swap3A_143 = tpu.vector_load %arg11[%swap3A_141, %swap3A_142] {strides = array<i32>} : memref<120x128xf32, #tpu.memory_space<vmem>>, vector<1x16xf32>,
      %swap3A_144 = vector.shape_cast %swap3A_143 : vector<1x16xf32> to vector<16xf32>
      %swap3A_145 = vector.shape_cast %broadcast_in_dim3A_1 : vector<16xf32> to vector<1x16xf32>
      tpu.vector_store %arg11[%swap3A_141, %swap3A_142], %swap3A_145 {strides = array<i32>} : memref<120x128xf32, #tpu.memory_space<vmem>>, vector<1x16xf32>,
      %swap3A_146 = arith.index_cast %scan3A_125 : i32 to index
      %swap3A_147 = arith.constant 64 : index
      %swap3A_148 = tpu.vector_load %arg11[%swap3A_146, %swap3A_147] {strides = array<i32>} : memref<120x128xf32, #tpu.memory_space<vmem>>, vector<1x16xf32>,
      %swap3A_149 = vector.shape_cast %swap3A_148 : vector<1x16xf32> to vector<16xf32>
      %swap3A_150 = vector.shape_cast %broadcast_in_dim3A_1 : vector<16xf32> to vector<1x16xf32>
      tpu.vector_store %arg11[%swap3A_146, %swap3A_147], %swap3A_150 {strides = array<i32>} : memref<120x128xf32, #tpu.memory_space<vmem>>, vector<1x16xf32>,
      %swap3A_151 = arith.index_cast %scan3A_125 : i32 to index
      %swap3A_152 = arith.constant 80 : index
      %swap3A_153 = tpu.vector_load %arg11[%swap3A_151, %swap3A_152] {strides = array<i32>} : memref<120x128xf32, #tpu.memory_space<vmem>>, vector<1x16xf32>,
      %swap3A_154 = vector.shape_cast %swap3A_153 : vector<1x16xf32> to vector<16xf32>
      %swap3A_155 = vector.shape_cast %broadcast_in_dim3A_1 : vector<16xf32> to vector<1x16xf32>
      tpu.vector_store %arg11[%swap3A_151, %swap3A_152], %swap3A_155 {strides = array<i32>} : memref<120x128xf32, #tpu.memory_space<vmem>>, vector<1x16xf32>,
      %swap3A_156 = arith.index_cast %scan3A_125 : i32 to index
      %swap3A_157 = arith.constant 96 : index
      %swap3A_158 = tpu.vector_load %arg11[%swap3A_156, %swap3A_157] {strides = array<i32>} : memref<120x128xf32, #tpu.memory_space<vmem>>, vector<1x16xf32>,
      %swap3A_159 = vector.shape_cast %swap3A_158 : vector<1x16xf32> to vector<16xf32>
      %swap3A_160 = vector.shape_cast %broadcast_in_dim3A_1 : vector<16xf32> to vector<1x16xf32>
      tpu.vector_store %arg11[%swap3A_156, %swap3A_157], %swap3A_160 {strides = array<i32>} : memref<120x128xf32, #tpu.memory_space<vmem>>, vector<1x16xf32>,
      %swap3A_161 = arith.index_cast %scan3A_125 : i32 to index
      %swap3A_162 = arith.constant 112 : index
      %swap3A_163 = tpu.vector_load %arg11[%swap3A_161, %swap3A_162] {strides = array<i32>} : memref<120x128xf32, #tpu.memory_space<vmem>>, vector<1x16xf32>,
      %swap3A_164 = vector.shape_cast %swap3A_163 : vector<1x16xf32> to vector<16xf32>
      %swap3A_165 = vector.shape_cast %broadcast_in_dim3A_1 : vector<16xf32> to vector<1x16xf32>
      tpu.vector_store %arg11[%swap3A_161, %swap3A_162], %swap3A_165 {strides = array<i32>} : memref<120x128xf32, #tpu.memory_space<vmem>>, vector<1x16xf32>,
      %scan3A_166 = arith.constant 0 : i32
      scf.yield %scan3A_166 : i32
    }
    %scan3A_7 = arith.constant 80 : i32
    %add3A_8 = arith.constant 0 : i32
    %add3A_9 = arith.addi %arg1, %add3A_8 : i32
    %lt3A = arith.constant 125 : i32
    %lt3A_10 = arith.cmpi slt, %add3A_9, %lt3A : i32
    %convert_element_type3A = arith.extui %lt3A_10 : i1 to i32
    %cond3A = arith.constant 0 : i32
    %cond3A_11 = arith.cmpi ne, %convert_element_type3A, %cond3A : i32
    scf.if %cond3A_11 {
      %mul3A_125 = arith.constant 80 : i32
      %mul3A_126 = arith.muli %add3A_9, %mul3A_125 : i32
      "tpu.region"() ({
        %run_scoped3A = tpu.sem_alloc : memref<!tpu.dma_semaphore, #tpu.memory_space<semaphore_mem>>
        %dma_start3A = arith.constant 0 : i32
        %dma_start3A_127 = arith.constant 0 : i32
        %dma_start3A_128 = tpu.memref_slice %arg11[%dma_start3A, %dma_start3A_127] : memref<120x128xf32, #tpu.memory_space<vmem>> -> memref<80x128xf32, #tpu.memory_space<vmem>>
        %dma_start3A_129 = arith.constant 0 : i32
        %dma_start3A_130 = tpu.memref_slice %arg6[%mul3A_126, %dma_start3A_129] : memref<10008x128xf32, #tpu.memory_space<vmem_shared>> -> memref<80x128xf32, #tpu.memory_space<vmem_shared>>
        %dma_start3A_131 = arith.constant 0 : i32
        %dma_start3A_132 = tpu.memref_slice %arg6[%mul3A_126, %dma_start3A_131] : memref<10008x128xf32, #tpu.memory_space<vmem_shared>> -> memref<80x128xf32, #tpu.memory_space<vmem_shared>>
        %dma_start3A_133 = arith.constant 0 : i32
        %dma_start3A_134 = arith.constant 0 : i32
        %dma_start3A_135 = tpu.memref_slice %arg11[%dma_start3A_133, %dma_start3A_134] : memref<120x128xf32, #tpu.memory_space<vmem>> -> memref<80x128xf32, #tpu.memory_space<vmem>>
        tpu.enqueue_dma source(%dma_start3A_135 : memref<80x128xf32, #tpu.memory_space<vmem>>) target(%dma_start3A_132 : memref<80x128xf32, #tpu.memory_space<vmem_shared>>) target_semaphore(%run_scoped3A : memref<!tpu.dma_semaphore, #tpu.memory_space<semaphore_mem>>)
        %dma_wait3A = arith.constant 0 : i32
        %dma_wait3A_136 = arith.constant 0 : i32
        %dma_wait3A_137 = tpu.memref_slice %arg11[%dma_wait3A, %dma_wait3A_136] : memref<120x128xf32, #tpu.memory_space<vmem>> -> memref<80x128xf32, #tpu.memory_space<vmem>>
        %dma_wait3A_138 = arith.constant 0 : i32
        %dma_wait3A_139 = tpu.memref_slice %arg6[%mul3A_126, %dma_wait3A_138] : memref<10008x128xf32, #tpu.memory_space<vmem_shared>> -> memref<80x128xf32, #tpu.memory_space<vmem_shared>>
        %dma_wait3A_140 = arith.constant 0 : i32
        %dma_wait3A_141 = tpu.memref_slice %arg6[%mul3A_126, %dma_wait3A_140] : memref<10008x128xf32, #tpu.memory_space<vmem_shared>> -> memref<80x128xf32, #tpu.memory_space<vmem_shared>>
        %dma_wait3A_142 = arith.constant 0 : i32
        %dma_wait3A_143 = arith.constant 0 : i32
        %dma_wait3A_144 = tpu.memref_slice %arg11[%dma_wait3A_142, %dma_wait3A_143] : memref<120x128xf32, #tpu.memory_space<vmem>> -> memref<80x128xf32, #tpu.memory_space<vmem>>
        tpu.wait_dma2 semaphore(%run_scoped3A : memref<!tpu.dma_semaphore, #tpu.memory_space<semaphore_mem>>) src(%dma_wait3A_144 : memref<80x128xf32, #tpu.memory_space<vmem>>) dst(%dma_wait3A_141 : memref<80x128xf32, #tpu.memory_space<vmem_shared>>)
        tpu.yield
      }) : () -> ()
    } else {
    }
    %add3A_12 = arith.constant 16 : i32
    %add3A_13 = arith.addi %arg1, %add3A_12 : i32
    %lt3A_14 = arith.constant 125 : i32
    %lt3A_15 = arith.cmpi slt, %add3A_13, %lt3A_14 : i32
    %convert_element_type3A_16 = arith.extui %lt3A_15 : i1 to i32
    %cond3A_17 = arith.constant 0 : i32
    %cond3A_18 = arith.cmpi ne, %convert_element_type3A_16, %cond3A_17 : i32
    scf.if %cond3A_18 {
      %mul3A_125 = arith.constant 80 : i32
      %mul3A_126 = arith.muli %add3A_13, %mul3A_125 : i32
      "tpu.region"() ({
        %run_scoped3A = tpu.sem_alloc : memref<!tpu.dma_semaphore, #tpu.memory_space<semaphore_mem>>
        %dma_start3A = arith.constant 0 : i32
        %dma_start3A_127 = arith.constant 0 : i32
        %dma_start3A_128 = tpu.memref_slice %arg11[%dma_start3A, %dma_start3A_127] : memref<120x128xf32, #tpu.memory_space<vmem>> -> memref<80x128xf32, #tpu.memory_space<vmem>>
        %dma_start3A_129 = arith.constant 0 : i32
        %dma_start3A_130 = tpu.memref_slice %arg6[%mul3A_126, %dma_start3A_129] : memref<10008x128xf32, #tpu.memory_space<vmem_shared>> -> memref<80x128xf32, #tpu.memory_space<vmem_shared>>
        %dma_start3A_131 = arith.constant 0 : i32
        %dma_start3A_132 = tpu.memref_slice %arg6[%mul3A_126, %dma_start3A_131] : memref<10008x128xf32, #tpu.memory_space<vmem_shared>> -> memref<80x128xf32, #tpu.memory_space<vmem_shared>>
        %dma_start3A_133 = arith.constant 0 : i32
        %dma_start3A_134 = arith.constant 0 : i32
        %dma_start3A_135 = tpu.memref_slice %arg11[%dma_start3A_133, %dma_start3A_134] : memref<120x128xf32, #tpu.memory_space<vmem>> -> memref<80x128xf32, #tpu.memory_space<vmem>>
        tpu.enqueue_dma source(%dma_start3A_135 : memref<80x128xf32, #tpu.memory_space<vmem>>) target(%dma_start3A_132 : memref<80x128xf32, #tpu.memory_space<vmem_shared>>) target_semaphore(%run_scoped3A : memref<!tpu.dma_semaphore, #tpu.memory_space<semaphore_mem>>)
        %dma_wait3A = arith.constant 0 : i32
        %dma_wait3A_136 = arith.constant 0 : i32
        %dma_wait3A_137 = tpu.memref_slice %arg11[%dma_wait3A, %dma_wait3A_136] : memref<120x128xf32, #tpu.memory_space<vmem>> -> memref<80x128xf32, #tpu.memory_space<vmem>>
        %dma_wait3A_138 = arith.constant 0 : i32
        %dma_wait3A_139 = tpu.memref_slice %arg6[%mul3A_126, %dma_wait3A_138] : memref<10008x128xf32, #tpu.memory_space<vmem_shared>> -> memref<80x128xf32, #tpu.memory_space<vmem_shared>>
        %dma_wait3A_140 = arith.constant 0 : i32
        %dma_wait3A_141 = tpu.memref_slice %arg6[%mul3A_126, %dma_wait3A_140] : memref<10008x128xf32, #tpu.memory_space<vmem_shared>> -> memref<80x128xf32, #tpu.memory_space<vmem_shared>>
        %dma_wait3A_142 = arith.constant 0 : i32
        %dma_wait3A_143 = arith.constant 0 : i32
        %dma_wait3A_144 = tpu.memref_slice %arg11[%dma_wait3A_142, %dma_wait3A_143] : memref<120x128xf32, #tpu.memory_space<vmem>> -> memref<80x128xf32, #tpu.memory_space<vmem>>
        tpu.wait_dma2 semaphore(%run_scoped3A : memref<!tpu.dma_semaphore, #tpu.memory_space<semaphore_mem>>) src(%dma_wait3A_144 : memref<80x128xf32, #tpu.memory_space<vmem>>) dst(%dma_wait3A_141 : memref<80x128xf32, #tpu.memory_space<vmem_shared>>)
        tpu.yield
      }) : () -> ()
    } else {
    }
    %add3A_19 = arith.constant 32 : i32
    %add3A_20 = arith.addi %arg1, %add3A_19 : i32
    %lt3A_21 = arith.constant 125 : i32
    %lt3A_22 = arith.cmpi slt, %add3A_20, %lt3A_21 : i32
    %convert_element_type3A_23 = arith.extui %lt3A_22 : i1 to i32
    %cond3A_24 = arith.constant 0 : i32
    %cond3A_25 = arith.cmpi ne, %convert_element_type3A_23, %cond3A_24 : i32
    scf.if %cond3A_25 {
      %mul3A_125 = arith.constant 80 : i32
      %mul3A_126 = arith.muli %add3A_20, %mul3A_125 : i32
      "tpu.region"() ({
        %run_scoped3A = tpu.sem_alloc : memref<!tpu.dma_semaphore, #tpu.memory_space<semaphore_mem>>
        %dma_start3A = arith.constant 0 : i32
        %dma_start3A_127 = arith.constant 0 : i32
        %dma_start3A_128 = tpu.memref_slice %arg11[%dma_start3A, %dma_start3A_127] : memref<120x128xf32, #tpu.memory_space<vmem>> -> memref<80x128xf32, #tpu.memory_space<vmem>>
        %dma_start3A_129 = arith.constant 0 : i32
        %dma_start3A_130 = tpu.memref_slice %arg6[%mul3A_126, %dma_start3A_129] : memref<10008x128xf32, #tpu.memory_space<vmem_shared>> -> memref<80x128xf32, #tpu.memory_space<vmem_shared>>
        %dma_start3A_131 = arith.constant 0 : i32
        %dma_start3A_132 = tpu.memref_slice %arg6[%mul3A_126, %dma_start3A_131] : memref<10008x128xf32, #tpu.memory_space<vmem_shared>> -> memref<80x128xf32, #tpu.memory_space<vmem_shared>>
        %dma_start3A_133 = arith.constant 0 : i32
        %dma_start3A_134 = arith.constant 0 : i32
        %dma_start3A_135 = tpu.memref_slice %arg11[%dma_start3A_133, %dma_start3A_134] : memref<120x128xf32, #tpu.memory_space<vmem>> -> memref<80x128xf32, #tpu.memory_space<vmem>>
        tpu.enqueue_dma source(%dma_start3A_135 : memref<80x128xf32, #tpu.memory_space<vmem>>) target(%dma_start3A_132 : memref<80x128xf32, #tpu.memory_space<vmem_shared>>) target_semaphore(%run_scoped3A : memref<!tpu.dma_semaphore, #tpu.memory_space<semaphore_mem>>)
        %dma_wait3A = arith.constant 0 : i32
        %dma_wait3A_136 = arith.constant 0 : i32
        %dma_wait3A_137 = tpu.memref_slice %arg11[%dma_wait3A, %dma_wait3A_136] : memref<120x128xf32, #tpu.memory_space<vmem>> -> memref<80x128xf32, #tpu.memory_space<vmem>>
        %dma_wait3A_138 = arith.constant 0 : i32
        %dma_wait3A_139 = tpu.memref_slice %arg6[%mul3A_126, %dma_wait3A_138] : memref<10008x128xf32, #tpu.memory_space<vmem_shared>> -> memref<80x128xf32, #tpu.memory_space<vmem_shared>>
        %dma_wait3A_140 = arith.constant 0 : i32
        %dma_wait3A_141 = tpu.memref_slice %arg6[%mul3A_126, %dma_wait3A_140] : memref<10008x128xf32, #tpu.memory_space<vmem_shared>> -> memref<80x128xf32, #tpu.memory_space<vmem_shared>>
        %dma_wait3A_142 = arith.constant 0 : i32
        %dma_wait3A_143 = arith.constant 0 : i32
        %dma_wait3A_144 = tpu.memref_slice %arg11[%dma_wait3A_142, %dma_wait3A_143] : memref<120x128xf32, #tpu.memory_space<vmem>> -> memref<80x128xf32, #tpu.memory_space<vmem>>
        tpu.wait_dma2 semaphore(%run_scoped3A : memref<!tpu.dma_semaphore, #tpu.memory_space<semaphore_mem>>) src(%dma_wait3A_144 : memref<80x128xf32, #tpu.memory_space<vmem>>) dst(%dma_wait3A_141 : memref<80x128xf32, #tpu.memory_space<vmem_shared>>)
        tpu.yield
      }) : () -> ()
    } else {
    }
    %add3A_26 = arith.constant 48 : i32
    %add3A_27 = arith.addi %arg1, %add3A_26 : i32
    %lt3A_28 = arith.constant 125 : i32
    %lt3A_29 = arith.cmpi slt, %add3A_27, %lt3A_28 : i32
    %convert_element_type3A_30 = arith.extui %lt3A_29 : i1 to i32
    %cond3A_31 = arith.constant 0 : i32
    %cond3A_32 = arith.cmpi ne, %convert_element_type3A_30, %cond3A_31 : i32
    scf.if %cond3A_32 {
      %mul3A_125 = arith.constant 80 : i32
      %mul3A_126 = arith.muli %add3A_27, %mul3A_125 : i32
      "tpu.region"() ({
        %run_scoped3A = tpu.sem_alloc : memref<!tpu.dma_semaphore, #tpu.memory_space<semaphore_mem>>
        %dma_start3A = arith.constant 0 : i32
        %dma_start3A_127 = arith.constant 0 : i32
        %dma_start3A_128 = tpu.memref_slice %arg11[%dma_start3A, %dma_start3A_127] : memref<120x128xf32, #tpu.memory_space<vmem>> -> memref<80x128xf32, #tpu.memory_space<vmem>>
        %dma_start3A_129 = arith.constant 0 : i32
        %dma_start3A_130 = tpu.memref_slice %arg6[%mul3A_126, %dma_start3A_129] : memref<10008x128xf32, #tpu.memory_space<vmem_shared>> -> memref<80x128xf32, #tpu.memory_space<vmem_shared>>
        %dma_start3A_131 = arith.constant 0 : i32
        %dma_start3A_132 = tpu.memref_slice %arg6[%mul3A_126, %dma_start3A_131] : memref<10008x128xf32, #tpu.memory_space<vmem_shared>> -> memref<80x128xf32, #tpu.memory_space<vmem_shared>>
        %dma_start3A_133 = arith.constant 0 : i32
        %dma_start3A_134 = arith.constant 0 : i32
        %dma_start3A_135 = tpu.memref_slice %arg11[%dma_start3A_133, %dma_start3A_134] : memref<120x128xf32, #tpu.memory_space<vmem>> -> memref<80x128xf32, #tpu.memory_space<vmem>>
        tpu.enqueue_dma source(%dma_start3A_135 : memref<80x128xf32, #tpu.memory_space<vmem>>) target(%dma_start3A_132 : memref<80x128xf32, #tpu.memory_space<vmem_shared>>) target_semaphore(%run_scoped3A : memref<!tpu.dma_semaphore, #tpu.memory_space<semaphore_mem>>)
        %dma_wait3A = arith.constant 0 : i32
        %dma_wait3A_136 = arith.constant 0 : i32
        %dma_wait3A_137 = tpu.memref_slice %arg11[%dma_wait3A, %dma_wait3A_136] : memref<120x128xf32, #tpu.memory_space<vmem>> -> memref<80x128xf32, #tpu.memory_space<vmem>>
        %dma_wait3A_138 = arith.constant 0 : i32
        %dma_wait3A_139 = tpu.memref_slice %arg6[%mul3A_126, %dma_wait3A_138] : memref<10008x128xf32, #tpu.memory_space<vmem_shared>> -> memref<80x128xf32, #tpu.memory_space<vmem_shared>>
        %dma_wait3A_140 = arith.constant 0 : i32
        %dma_wait3A_141 = tpu.memref_slice %arg6[%mul3A_126, %dma_wait3A_140] : memref<10008x128xf32, #tpu.memory_space<vmem_shared>> -> memref<80x128xf32, #tpu.memory_space<vmem_shared>>
        %dma_wait3A_142 = arith.constant 0 : i32
        %dma_wait3A_143 = arith.constant 0 : i32
        %dma_wait3A_144 = tpu.memref_slice %arg11[%dma_wait3A_142, %dma_wait3A_143] : memref<120x128xf32, #tpu.memory_space<vmem>> -> memref<80x128xf32, #tpu.memory_space<vmem>>
        tpu.wait_dma2 semaphore(%run_scoped3A : memref<!tpu.dma_semaphore, #tpu.memory_space<semaphore_mem>>) src(%dma_wait3A_144 : memref<80x128xf32, #tpu.memory_space<vmem>>) dst(%dma_wait3A_141 : memref<80x128xf32, #tpu.memory_space<vmem_shared>>)
        tpu.yield
      }) : () -> ()
    } else {
    }
    %add3A_33 = arith.constant 64 : i32
    %add3A_34 = arith.addi %arg1, %add3A_33 : i32
    %lt3A_35 = arith.constant 125 : i32
    %lt3A_36 = arith.cmpi slt, %add3A_34, %lt3A_35 : i32
    %convert_element_type3A_37 = arith.extui %lt3A_36 : i1 to i32
    %cond3A_38 = arith.constant 0 : i32
    %cond3A_39 = arith.cmpi ne, %convert_element_type3A_37, %cond3A_38 : i32
    scf.if %cond3A_39 {
      %mul3A_125 = arith.constant 80 : i32
      %mul3A_126 = arith.muli %add3A_34, %mul3A_125 : i32
      "tpu.region"() ({
        %run_scoped3A = tpu.sem_alloc : memref<!tpu.dma_semaphore, #tpu.memory_space<semaphore_mem>>
        %dma_start3A = arith.constant 0 : i32
        %dma_start3A_127 = arith.constant 0 : i32
        %dma_start3A_128 = tpu.memref_slice %arg11[%dma_start3A, %dma_start3A_127] : memref<120x128xf32, #tpu.memory_space<vmem>> -> memref<80x128xf32, #tpu.memory_space<vmem>>
        %dma_start3A_129 = arith.constant 0 : i32
        %dma_start3A_130 = tpu.memref_slice %arg6[%mul3A_126, %dma_start3A_129] : memref<10008x128xf32, #tpu.memory_space<vmem_shared>> -> memref<80x128xf32, #tpu.memory_space<vmem_shared>>
        %dma_start3A_131 = arith.constant 0 : i32
        %dma_start3A_132 = tpu.memref_slice %arg6[%mul3A_126, %dma_start3A_131] : memref<10008x128xf32, #tpu.memory_space<vmem_shared>> -> memref<80x128xf32, #tpu.memory_space<vmem_shared>>
        %dma_start3A_133 = arith.constant 0 : i32
        %dma_start3A_134 = arith.constant 0 : i32
        %dma_start3A_135 = tpu.memref_slice %arg11[%dma_start3A_133, %dma_start3A_134] : memref<120x128xf32, #tpu.memory_space<vmem>> -> memref<80x128xf32, #tpu.memory_space<vmem>>
        tpu.enqueue_dma source(%dma_start3A_135 : memref<80x128xf32, #tpu.memory_space<vmem>>) target(%dma_start3A_132 : memref<80x128xf32, #tpu.memory_space<vmem_shared>>) target_semaphore(%run_scoped3A : memref<!tpu.dma_semaphore, #tpu.memory_space<semaphore_mem>>)
        %dma_wait3A = arith.constant 0 : i32
        %dma_wait3A_136 = arith.constant 0 : i32
        %dma_wait3A_137 = tpu.memref_slice %arg11[%dma_wait3A, %dma_wait3A_136] : memref<120x128xf32, #tpu.memory_space<vmem>> -> memref<80x128xf32, #tpu.memory_space<vmem>>
        %dma_wait3A_138 = arith.constant 0 : i32
        %dma_wait3A_139 = tpu.memref_slice %arg6[%mul3A_126, %dma_wait3A_138] : memref<10008x128xf32, #tpu.memory_space<vmem_shared>> -> memref<80x128xf32, #tpu.memory_space<vmem_shared>>
        %dma_wait3A_140 = arith.constant 0 : i32
        %dma_wait3A_141 = tpu.memref_slice %arg6[%mul3A_126, %dma_wait3A_140] : memref<10008x128xf32, #tpu.memory_space<vmem_shared>> -> memref<80x128xf32, #tpu.memory_space<vmem_shared>>
        %dma_wait3A_142 = arith.constant 0 : i32
        %dma_wait3A_143 = arith.constant 0 : i32
        %dma_wait3A_144 = tpu.memref_slice %arg11[%dma_wait3A_142, %dma_wait3A_143] : memref<120x128xf32, #tpu.memory_space<vmem>> -> memref<80x128xf32, #tpu.memory_space<vmem>>
        tpu.wait_dma2 semaphore(%run_scoped3A : memref<!tpu.dma_semaphore, #tpu.memory_space<semaphore_mem>>) src(%dma_wait3A_144 : memref<80x128xf32, #tpu.memory_space<vmem>>) dst(%dma_wait3A_141 : memref<80x128xf32, #tpu.memory_space<vmem_shared>>)
        tpu.yield
      }) : () -> ()
    } else {
    }
    %add3A_40 = arith.constant 80 : i32
    %add3A_41 = arith.addi %arg1, %add3A_40 : i32
    %lt3A_42 = arith.constant 125 : i32
    %lt3A_43 = arith.cmpi slt, %add3A_41, %lt3A_42 : i32
    %convert_element_type3A_44 = arith.extui %lt3A_43 : i1 to i32
    %cond3A_45 = arith.constant 0 : i32
    %cond3A_46 = arith.cmpi ne, %convert_element_type3A_44, %cond3A_45 : i32
    scf.if %cond3A_46 {
      %mul3A_125 = arith.constant 80 : i32
      %mul3A_126 = arith.muli %add3A_41, %mul3A_125 : i32
      "tpu.region"() ({
        %run_scoped3A = tpu.sem_alloc : memref<!tpu.dma_semaphore, #tpu.memory_space<semaphore_mem>>
        %dma_start3A = arith.constant 0 : i32
        %dma_start3A_127 = arith.constant 0 : i32
        %dma_start3A_128 = tpu.memref_slice %arg11[%dma_start3A, %dma_start3A_127] : memref<120x128xf32, #tpu.memory_space<vmem>> -> memref<80x128xf32, #tpu.memory_space<vmem>>
        %dma_start3A_129 = arith.constant 0 : i32
        %dma_start3A_130 = tpu.memref_slice %arg6[%mul3A_126, %dma_start3A_129] : memref<10008x128xf32, #tpu.memory_space<vmem_shared>> -> memref<80x128xf32, #tpu.memory_space<vmem_shared>>
        %dma_start3A_131 = arith.constant 0 : i32
        %dma_start3A_132 = tpu.memref_slice %arg6[%mul3A_126, %dma_start3A_131] : memref<10008x128xf32, #tpu.memory_space<vmem_shared>> -> memref<80x128xf32, #tpu.memory_space<vmem_shared>>
        %dma_start3A_133 = arith.constant 0 : i32
        %dma_start3A_134 = arith.constant 0 : i32
        %dma_start3A_135 = tpu.memref_slice %arg11[%dma_start3A_133, %dma_start3A_134] : memref<120x128xf32, #tpu.memory_space<vmem>> -> memref<80x128xf32, #tpu.memory_space<vmem>>
        tpu.enqueue_dma source(%dma_start3A_135 : memref<80x128xf32, #tpu.memory_space<vmem>>) target(%dma_start3A_132 : memref<80x128xf32, #tpu.memory_space<vmem_shared>>) target_semaphore(%run_scoped3A : memref<!tpu.dma_semaphore, #tpu.memory_space<semaphore_mem>>)
        %dma_wait3A = arith.constant 0 : i32
        %dma_wait3A_136 = arith.constant 0 : i32
        %dma_wait3A_137 = tpu.memref_slice %arg11[%dma_wait3A, %dma_wait3A_136] : memref<120x128xf32, #tpu.memory_space<vmem>> -> memref<80x128xf32, #tpu.memory_space<vmem>>
        %dma_wait3A_138 = arith.constant 0 : i32
        %dma_wait3A_139 = tpu.memref_slice %arg6[%mul3A_126, %dma_wait3A_138] : memref<10008x128xf32, #tpu.memory_space<vmem_shared>> -> memref<80x128xf32, #tpu.memory_space<vmem_shared>>
        %dma_wait3A_140 = arith.constant 0 : i32
        %dma_wait3A_141 = tpu.memref_slice %arg6[%mul3A_126, %dma_wait3A_140] : memref<10008x128xf32, #tpu.memory_space<vmem_shared>> -> memref<80x128xf32, #tpu.memory_space<vmem_shared>>
        %dma_wait3A_142 = arith.constant 0 : i32
        %dma_wait3A_143 = arith.constant 0 : i32
        %dma_wait3A_144 = tpu.memref_slice %arg11[%dma_wait3A_142, %dma_wait3A_143] : memref<120x128xf32, #tpu.memory_space<vmem>> -> memref<80x128xf32, #tpu.memory_space<vmem>>
        tpu.wait_dma2 semaphore(%run_scoped3A : memref<!tpu.dma_semaphore, #tpu.memory_space<semaphore_mem>>) src(%dma_wait3A_144 : memref<80x128xf32, #tpu.memory_space<vmem>>) dst(%dma_wait3A_141 : memref<80x128xf32, #tpu.memory_space<vmem_shared>>)
        tpu.yield
      }) : () -> ()
    } else {
    }
    %add3A_47 = arith.constant 96 : i32
    %add3A_48 = arith.addi %arg1, %add3A_47 : i32
    %lt3A_49 = arith.constant 125 : i32
    %lt3A_50 = arith.cmpi slt, %add3A_48, %lt3A_49 : i32
    %convert_element_type3A_51 = arith.extui %lt3A_50 : i1 to i32
    %cond3A_52 = arith.constant 0 : i32
    %cond3A_53 = arith.cmpi ne, %convert_element_type3A_51, %cond3A_52 : i32
    scf.if %cond3A_53 {
      %mul3A_125 = arith.constant 80 : i32
      %mul3A_126 = arith.muli %add3A_48, %mul3A_125 : i32
      "tpu.region"() ({
        %run_scoped3A = tpu.sem_alloc : memref<!tpu.dma_semaphore, #tpu.memory_space<semaphore_mem>>
        %dma_start3A = arith.constant 0 : i32
        %dma_start3A_127 = arith.constant 0 : i32
        %dma_start3A_128 = tpu.memref_slice %arg11[%dma_start3A, %dma_start3A_127] : memref<120x128xf32, #tpu.memory_space<vmem>> -> memref<80x128xf32, #tpu.memory_space<vmem>>
        %dma_start3A_129 = arith.constant 0 : i32
        %dma_start3A_130 = tpu.memref_slice %arg6[%mul3A_126, %dma_start3A_129] : memref<10008x128xf32, #tpu.memory_space<vmem_shared>> -> memref<80x128xf32, #tpu.memory_space<vmem_shared>>
        %dma_start3A_131 = arith.constant 0 : i32
        %dma_start3A_132 = tpu.memref_slice %arg6[%mul3A_126, %dma_start3A_131] : memref<10008x128xf32, #tpu.memory_space<vmem_shared>> -> memref<80x128xf32, #tpu.memory_space<vmem_shared>>
        %dma_start3A_133 = arith.constant 0 : i32
        %dma_start3A_134 = arith.constant 0 : i32
        %dma_start3A_135 = tpu.memref_slice %arg11[%dma_start3A_133, %dma_start3A_134] : memref<120x128xf32, #tpu.memory_space<vmem>> -> memref<80x128xf32, #tpu.memory_space<vmem>>
        tpu.enqueue_dma source(%dma_start3A_135 : memref<80x128xf32, #tpu.memory_space<vmem>>) target(%dma_start3A_132 : memref<80x128xf32, #tpu.memory_space<vmem_shared>>) target_semaphore(%run_scoped3A : memref<!tpu.dma_semaphore, #tpu.memory_space<semaphore_mem>>)
        %dma_wait3A = arith.constant 0 : i32
        %dma_wait3A_136 = arith.constant 0 : i32
        %dma_wait3A_137 = tpu.memref_slice %arg11[%dma_wait3A, %dma_wait3A_136] : memref<120x128xf32, #tpu.memory_space<vmem>> -> memref<80x128xf32, #tpu.memory_space<vmem>>
        %dma_wait3A_138 = arith.constant 0 : i32
        %dma_wait3A_139 = tpu.memref_slice %arg6[%mul3A_126, %dma_wait3A_138] : memref<10008x128xf32, #tpu.memory_space<vmem_shared>> -> memref<80x128xf32, #tpu.memory_space<vmem_shared>>
        %dma_wait3A_140 = arith.constant 0 : i32
        %dma_wait3A_141 = tpu.memref_slice %arg6[%mul3A_126, %dma_wait3A_140] : memref<10008x128xf32, #tpu.memory_space<vmem_shared>> -> memref<80x128xf32, #tpu.memory_space<vmem_shared>>
        %dma_wait3A_142 = arith.constant 0 : i32
        %dma_wait3A_143 = arith.constant 0 : i32
        %dma_wait3A_144 = tpu.memref_slice %arg11[%dma_wait3A_142, %dma_wait3A_143] : memref<120x128xf32, #tpu.memory_space<vmem>> -> memref<80x128xf32, #tpu.memory_space<vmem>>
        tpu.wait_dma2 semaphore(%run_scoped3A : memref<!tpu.dma_semaphore, #tpu.memory_space<semaphore_mem>>) src(%dma_wait3A_144 : memref<80x128xf32, #tpu.memory_space<vmem>>) dst(%dma_wait3A_141 : memref<80x128xf32, #tpu.memory_space<vmem_shared>>)
        tpu.yield
      }) : () -> ()
    } else {
    }
    %add3A_54 = arith.constant 112 : i32
    %add3A_55 = arith.addi %arg1, %add3A_54 : i32
    %lt3A_56 = arith.constant 125 : i32
    %lt3A_57 = arith.cmpi slt, %add3A_55, %lt3A_56 : i32
    %convert_element_type3A_58 = arith.extui %lt3A_57 : i1 to i32
    %cond3A_59 = arith.constant 0 : i32
    %cond3A_60 = arith.cmpi ne, %convert_element_type3A_58, %cond3A_59 : i32
    scf.if %cond3A_60 {
      %mul3A_125 = arith.constant 80 : i32
      %mul3A_126 = arith.muli %add3A_55, %mul3A_125 : i32
      "tpu.region"() ({
        %run_scoped3A = tpu.sem_alloc : memref<!tpu.dma_semaphore, #tpu.memory_space<semaphore_mem>>
        %dma_start3A = arith.constant 0 : i32
        %dma_start3A_127 = arith.constant 0 : i32
        %dma_start3A_128 = tpu.memref_slice %arg11[%dma_start3A, %dma_start3A_127] : memref<120x128xf32, #tpu.memory_space<vmem>> -> memref<80x128xf32, #tpu.memory_space<vmem>>
        %dma_start3A_129 = arith.constant 0 : i32
        %dma_start3A_130 = tpu.memref_slice %arg6[%mul3A_126, %dma_start3A_129] : memref<10008x128xf32, #tpu.memory_space<vmem_shared>> -> memref<80x128xf32, #tpu.memory_space<vmem_shared>>
        %dma_start3A_131 = arith.constant 0 : i32
        %dma_start3A_132 = tpu.memref_slice %arg6[%mul3A_126, %dma_start3A_131] : memref<10008x128xf32, #tpu.memory_space<vmem_shared>> -> memref<80x128xf32, #tpu.memory_space<vmem_shared>>
        %dma_start3A_133 = arith.constant 0 : i32
        %dma_start3A_134 = arith.constant 0 : i32
        %dma_start3A_135 = tpu.memref_slice %arg11[%dma_start3A_133, %dma_start3A_134] : memref<120x128xf32, #tpu.memory_space<vmem>> -> memref<80x128xf32, #tpu.memory_space<vmem>>
        tpu.enqueue_dma source(%dma_start3A_135 : memref<80x128xf32, #tpu.memory_space<vmem>>) target(%dma_start3A_132 : memref<80x128xf32, #tpu.memory_space<vmem_shared>>) target_semaphore(%run_scoped3A : memref<!tpu.dma_semaphore, #tpu.memory_space<semaphore_mem>>)
        %dma_wait3A = arith.constant 0 : i32
        %dma_wait3A_136 = arith.constant 0 : i32
        %dma_wait3A_137 = tpu.memref_slice %arg11[%dma_wait3A, %dma_wait3A_136] : memref<120x128xf32, #tpu.memory_space<vmem>> -> memref<80x128xf32, #tpu.memory_space<vmem>>
        %dma_wait3A_138 = arith.constant 0 : i32
        %dma_wait3A_139 = tpu.memref_slice %arg6[%mul3A_126, %dma_wait3A_138] : memref<10008x128xf32, #tpu.memory_space<vmem_shared>> -> memref<80x128xf32, #tpu.memory_space<vmem_shared>>
        %dma_wait3A_140 = arith.constant 0 : i32
        %dma_wait3A_141 = tpu.memref_slice %arg6[%mul3A_126, %dma_wait3A_140] : memref<10008x128xf32, #tpu.memory_space<vmem_shared>> -> memref<80x128xf32, #tpu.memory_space<vmem_shared>>
        %dma_wait3A_142 = arith.constant 0 : i32
        %dma_wait3A_143 = arith.constant 0 : i32
        %dma_wait3A_144 = tpu.memref_slice %arg11[%dma_wait3A_142, %dma_wait3A_143] : memref<120x128xf32, #tpu.memory_space<vmem>> -> memref<80x128xf32, #tpu.memory_space<vmem>>
        tpu.wait_dma2 semaphore(%run_scoped3A : memref<!tpu.dma_semaphore, #tpu.memory_space<semaphore_mem>>) src(%dma_wait3A_144 : memref<80x128xf32, #tpu.memory_space<vmem>>) dst(%dma_wait3A_141 : memref<80x128xf32, #tpu.memory_space<vmem_shared>>)
        tpu.yield
      }) : () -> ()
    } else {
    }
    %barrier3A = arith.constant 0 : index
    tpu.barrier barrier_id(%barrier3A)
    %scan3A_61 = arith.constant 0 : i32
    %scan3A_62 = arith.constant 0 : i32
    %scan3A_63 = arith.constant 42 : i32
    %scan3A_64 = arith.addi %scan3A_62, %scan3A_63 : i32
    %scan3A_65 = arith.constant 1 : i32
    %scan3A_66 = scf.for %scan3A_125 = %scan3A_62 to %scan3A_64 step %scan3A_65 iter_args(%scan3A_126 = %scan3A_61) -> (i32)  : i32 {
      %mul3A_127 = arith.constant 2 : i32
      %mul3A_128 = arith.muli %scan3A_125, %mul3A_127 : i32
      %add3A_129 = arith.constant 0 : i32
      %add3A_130 = arith.addi %mul3A_128, %add3A_129 : i32
      %mul3A_131 = arith.constant 10080 : i32
      %mul3A_132 = arith.muli %add3A, %mul3A_131 : i32
      %mul3A_133 = arith.constant 120 : i32
      %mul3A_134 = arith.muli %add3A_130, %mul3A_133 : i32
      %add3A_135 = arith.addi %mul3A_132, %mul3A_134 : i32
      %dma_start3A = tpu.memref_slice %arg3[%add3A_135] : memref<322560xi32, #tpu.memory_space<hbm>> -> memref<120xi32, #tpu.memory_space<hbm>>
      %dma_start3A_136 = tpu.memref_slice %arg3[%add3A_135] : memref<322560xi32, #tpu.memory_space<hbm>> -> memref<120xi32, #tpu.memory_space<hbm>>
      tpu.enqueue_dma source(%dma_start3A_136 : memref<120xi32, #tpu.memory_space<hbm>>) target(%arg7 : memref<120xi32, #tpu.memory_space<vmem>>) target_semaphore(%arg13 : memref<!tpu.dma_semaphore, #tpu.memory_space<semaphore_mem>>)
      %dma_start3A_137 = tpu.memref_slice %arg4[%add3A_135] : memref<322560xi32, #tpu.memory_space<hbm>> -> memref<120xi32, #tpu.memory_space<hbm>>
      %dma_start3A_138 = tpu.memref_slice %arg4[%add3A_135] : memref<322560xi32, #tpu.memory_space<hbm>> -> memref<120xi32, #tpu.memory_space<hbm>>
      tpu.enqueue_dma source(%dma_start3A_138 : memref<120xi32, #tpu.memory_space<hbm>>) target(%arg9 : memref<120xi32, #tpu.memory_space<vmem>>) target_semaphore(%arg15 : memref<!tpu.dma_semaphore, #tpu.memory_space<semaphore_mem>>)
      %mul3A_139 = arith.constant 2 : i32
      %mul3A_140 = arith.muli %scan3A_125, %mul3A_139 : i32
      %add3A_141 = arith.constant 1 : i32
      %add3A_142 = arith.addi %mul3A_140, %add3A_141 : i32
      %mul3A_143 = arith.constant 10080 : i32
      %mul3A_144 = arith.muli %add3A, %mul3A_143 : i32
      %mul3A_145 = arith.constant 120 : i32
      %mul3A_146 = arith.muli %add3A_142, %mul3A_145 : i32
      %add3A_147 = arith.addi %mul3A_144, %mul3A_146 : i32
      %dma_start3A_148 = tpu.memref_slice %arg3[%add3A_147] : memref<322560xi32, #tpu.memory_space<hbm>> -> memref<120xi32, #tpu.memory_space<hbm>>
      %dma_start3A_149 = tpu.memref_slice %arg3[%add3A_147] : memref<322560xi32, #tpu.memory_space<hbm>> -> memref<120xi32, #tpu.memory_space<hbm>>
      tpu.enqueue_dma source(%dma_start3A_149 : memref<120xi32, #tpu.memory_space<hbm>>) target(%arg8 : memref<120xi32, #tpu.memory_space<vmem>>) target_semaphore(%arg14 : memref<!tpu.dma_semaphore, #tpu.memory_space<semaphore_mem>>)
      %dma_start3A_150 = tpu.memref_slice %arg4[%add3A_147] : memref<322560xi32, #tpu.memory_space<hbm>> -> memref<120xi32, #tpu.memory_space<hbm>>
      %dma_start3A_151 = tpu.memref_slice %arg4[%add3A_147] : memref<322560xi32, #tpu.memory_space<hbm>> -> memref<120xi32, #tpu.memory_space<hbm>>
      tpu.enqueue_dma source(%dma_start3A_151 : memref<120xi32, #tpu.memory_space<hbm>>) target(%arg10 : memref<120xi32, #tpu.memory_space<vmem>>) target_semaphore(%arg16 : memref<!tpu.dma_semaphore, #tpu.memory_space<semaphore_mem>>)
      %dma_wait3A = tpu.memref_slice %arg3[%add3A_135] : memref<322560xi32, #tpu.memory_space<hbm>> -> memref<120xi32, #tpu.memory_space<hbm>>
      %dma_wait3A_152 = tpu.memref_slice %arg3[%add3A_135] : memref<322560xi32, #tpu.memory_space<hbm>> -> memref<120xi32, #tpu.memory_space<hbm>>
      tpu.wait_dma2 semaphore(%arg13 : memref<!tpu.dma_semaphore, #tpu.memory_space<semaphore_mem>>) src(%dma_wait3A_152 : memref<120xi32, #tpu.memory_space<hbm>>) dst(%arg7 : memref<120xi32, #tpu.memory_space<vmem>>)
      %dma_start3A_153 = arith.constant 0 : i32
      %dma_start3A_154 = arith.constant 0 : i32
      %dma_start3A_155 = tpu.memref_slice %arg2[%dma_start3A_153, %dma_start3A_154] : memref<10000x128xf32, #tpu.memory_space<hbm>> -> memref<10000x128xf32, #tpu.memory_space<hbm>>
      tpu.enqueue_indirect_dma source(%dma_start3A_155 : memref<10000x128xf32, #tpu.memory_space<hbm>>) target(%arg11 : memref<120x128xf32, #tpu.memory_space<vmem>>) offsets(%arg7 : memref<120xi32, #tpu.memory_space<vmem>>) semaphore(%arg17 : memref<!tpu.dma_semaphore, #tpu.memory_space<semaphore_mem>>)
      %dma_wait3A_156 = tpu.memref_slice %arg3[%add3A_147] : memref<322560xi32, #tpu.memory_space<hbm>> -> memref<120xi32, #tpu.memory_space<hbm>>
      %dma_wait3A_157 = tpu.memref_slice %arg3[%add3A_147] : memref<322560xi32, #tpu.memory_space<hbm>> -> memref<120xi32, #tpu.memory_space<hbm>>
      tpu.wait_dma2 semaphore(%arg14 : memref<!tpu.dma_semaphore, #tpu.memory_space<semaphore_mem>>) src(%dma_wait3A_157 : memref<120xi32, #tpu.memory_space<hbm>>) dst(%arg8 : memref<120xi32, #tpu.memory_space<vmem>>)
      %dma_start3A_158 = arith.constant 0 : i32
      %dma_start3A_159 = arith.constant 0 : i32
      %dma_start3A_160 = tpu.memref_slice %arg2[%dma_start3A_158, %dma_start3A_159] : memref<10000x128xf32, #tpu.memory_space<hbm>> -> memref<10000x128xf32, #tpu.memory_space<hbm>>
      tpu.enqueue_indirect_dma source(%dma_start3A_160 : memref<10000x128xf32, #tpu.memory_space<hbm>>) target(%arg12 : memref<120x128xf32, #tpu.memory_space<vmem>>) offsets(%arg8 : memref<120xi32, #tpu.memory_space<vmem>>) semaphore(%arg18 : memref<!tpu.dma_semaphore, #tpu.memory_space<semaphore_mem>>)
      %dma_wait3A_161 = arith.constant 0 : i32
      %dma_wait3A_162 = arith.constant 0 : i32
      %dma_wait3A_163 = tpu.memref_slice %arg2[%dma_wait3A_161, %dma_wait3A_162] : memref<10000x128xf32, #tpu.memory_space<hbm>> -> memref<10000x128xf32, #tpu.memory_space<hbm>>
      tpu.wait_indirect_dma semaphore(%arg17 : memref<!tpu.dma_semaphore, #tpu.memory_space<semaphore_mem>>) src(%dma_wait3A_163 : memref<10000x128xf32, #tpu.memory_space<hbm>>) dst(%arg11 : memref<120x128xf32, #tpu.memory_space<vmem>>)
      %dma_wait3A_164 = tpu.memref_slice %arg4[%add3A_135] : memref<322560xi32, #tpu.memory_space<hbm>> -> memref<120xi32, #tpu.memory_space<hbm>>
      %dma_wait3A_165 = tpu.memref_slice %arg4[%add3A_135] : memref<322560xi32, #tpu.memory_space<hbm>> -> memref<120xi32, #tpu.memory_space<hbm>>
      tpu.wait_dma2 semaphore(%arg15 : memref<!tpu.dma_semaphore, #tpu.memory_space<semaphore_mem>>) src(%dma_wait3A_165 : memref<120xi32, #tpu.memory_space<hbm>>) dst(%arg9 : memref<120xi32, #tpu.memory_space<vmem>>)
      %dma_start3A_166 = arith.constant 0 : i32
      %dma_start3A_167 = arith.constant 0 : i32
      %dma_start3A_168 = tpu.memref_slice %arg6[%dma_start3A_166, %dma_start3A_167] : memref<10008x128xf32, #tpu.memory_space<vmem_shared>> -> memref<10008x128xf32, #tpu.memory_space<vmem_shared>>
      tpu.enqueue_indirect_dma source(%arg11 : memref<120x128xf32, #tpu.memory_space<vmem>>) target(%dma_start3A_168 : memref<10008x128xf32, #tpu.memory_space<vmem_shared>>) offsets(%arg9 : memref<120xi32, #tpu.memory_space<vmem>>) semaphore(%arg19 : memref<!tpu.dma_semaphore, #tpu.memory_space<semaphore_mem>>) {add = true}
      %dma_wait3A_169 = arith.constant 0 : i32
      %dma_wait3A_170 = arith.constant 0 : i32
      %dma_wait3A_171 = tpu.memref_slice %arg2[%dma_wait3A_169, %dma_wait3A_170] : memref<10000x128xf32, #tpu.memory_space<hbm>> -> memref<10000x128xf32, #tpu.memory_space<hbm>>
      tpu.wait_indirect_dma semaphore(%arg18 : memref<!tpu.dma_semaphore, #tpu.memory_space<semaphore_mem>>) src(%dma_wait3A_171 : memref<10000x128xf32, #tpu.memory_space<hbm>>) dst(%arg12 : memref<120x128xf32, #tpu.memory_space<vmem>>)
      %dma_wait3A_172 = tpu.memref_slice %arg4[%add3A_147] : memref<322560xi32, #tpu.memory_space<hbm>> -> memref<120xi32, #tpu.memory_space<hbm>>
      %dma_wait3A_173 = tpu.memref_slice %arg4[%add3A_147] : memref<322560xi32, #tpu.memory_space<hbm>> -> memref<120xi32, #tpu.memory_space<hbm>>
      tpu.wait_dma2 semaphore(%arg16 : memref<!tpu.dma_semaphore, #tpu.memory_space<semaphore_mem>>) src(%dma_wait3A_173 : memref<120xi32, #tpu.memory_space<hbm>>) dst(%arg10 : memref<120xi32, #tpu.memory_space<vmem>>)
      %dma_start3A_174 = arith.constant 0 : i32
      %dma_start3A_175 = arith.constant 0 : i32
      %dma_start3A_176 = tpu.memref_slice %arg6[%dma_start3A_174, %dma_start3A_175] : memref<10008x128xf32, #tpu.memory_space<vmem_shared>> -> memref<10008x128xf32, #tpu.memory_space<vmem_shared>>
      tpu.enqueue_indirect_dma source(%arg12 : memref<120x128xf32, #tpu.memory_space<vmem>>) target(%dma_start3A_176 : memref<10008x128xf32, #tpu.memory_space<vmem_shared>>) offsets(%arg10 : memref<120xi32, #tpu.memory_space<vmem>>) semaphore(%arg20 : memref<!tpu.dma_semaphore, #tpu.memory_space<semaphore_mem>>) {add = true}
      %dma_wait3A_177 = arith.constant 0 : i32
      %dma_wait3A_178 = arith.constant 0 : i32
      %dma_wait3A_179 = tpu.memref_slice %arg6[%dma_wait3A_177, %dma_wait3A_178] : memref<10008x128xf32, #tpu.memory_space<vmem_shared>> -> memref<10008x128xf32, #tpu.memory_space<vmem_shared>>
      tpu.wait_indirect_dma semaphore(%arg19 : memref<!tpu.dma_semaphore, #tpu.memory_space<semaphore_mem>>) src(%arg11 : memref<120x128xf32, #tpu.memory_space<vmem>>) dst(%dma_wait3A_179 : memref<10008x128xf32, #tpu.memory_space<vmem_shared>>)
      %dma_wait3A_180 = arith.constant 0 : i32
      %dma_wait3A_181 = arith.constant 0 : i32
      %dma_wait3A_182 = tpu.memref_slice %arg6[%dma_wait3A_180, %dma_wait3A_181] : memref<10008x128xf32, #tpu.memory_space<vmem_shared>> -> memref<10008x128xf32, #tpu.memory_space<vmem_shared>>
      tpu.wait_indirect_dma semaphore(%arg20 : memref<!tpu.dma_semaphore, #tpu.memory_space<semaphore_mem>>) src(%arg12 : memref<120x128xf32, #tpu.memory_space<vmem>>) dst(%dma_wait3A_182 : memref<10008x128xf32, #tpu.memory_space<vmem_shared>>)
      %scan3A_183 = arith.constant 0 : i32
      scf.yield %scan3A_183 : i32
    }
    %scan3A_67 = arith.constant 42 : i32
    %barrier3A_68 = arith.constant 0 : index
    tpu.barrier barrier_id(%barrier3A_68)
    %add3A_69 = arith.constant 0 : i32
    %add3A_70 = arith.addi %arg1, %add3A_69 : i32
    %lt3A_71 = arith.constant 125 : i32
    %lt3A_72 = arith.cmpi slt, %add3A_70, %lt3A_71 : i32
    %convert_element_type3A_73 = arith.extui %lt3A_72 : i1 to i32
    %cond3A_74 = arith.constant 0 : i32
    %cond3A_75 = arith.cmpi ne, %convert_element_type3A_73, %cond3A_74 : i32
    scf.if %cond3A_75 {
      %mul3A_125 = arith.constant 80 : i32
      %mul3A_126 = arith.muli %add3A_70, %mul3A_125 : i32
      "tpu.region"() ({
        %run_scoped3A = tpu.sem_alloc : memref<!tpu.dma_semaphore, #tpu.memory_space<semaphore_mem>>
        %dma_start3A = arith.constant 0 : i32
        %dma_start3A_129 = arith.constant 0 : i32
        %dma_start3A_130 = tpu.memref_slice %arg11[%dma_start3A, %dma_start3A_129] : memref<120x128xf32, #tpu.memory_space<vmem>> -> memref<80x128xf32, #tpu.memory_space<vmem>>
        %dma_start3A_131 = arith.constant 0 : i32
        %dma_start3A_132 = tpu.memref_slice %arg6[%mul3A_126, %dma_start3A_131] : memref<10008x128xf32, #tpu.memory_space<vmem_shared>> -> memref<80x128xf32, #tpu.memory_space<vmem_shared>>
        %dma_start3A_133 = arith.constant 0 : i32
        %dma_start3A_134 = arith.constant 0 : i32
        %dma_start3A_135 = tpu.memref_slice %arg11[%dma_start3A_133, %dma_start3A_134] : memref<120x128xf32, #tpu.memory_space<vmem>> -> memref<80x128xf32, #tpu.memory_space<vmem>>
        %dma_start3A_136 = arith.constant 0 : i32
        %dma_start3A_137 = tpu.memref_slice %arg6[%mul3A_126, %dma_start3A_136] : memref<10008x128xf32, #tpu.memory_space<vmem_shared>> -> memref<80x128xf32, #tpu.memory_space<vmem_shared>>
        tpu.enqueue_dma source(%dma_start3A_137 : memref<80x128xf32, #tpu.memory_space<vmem_shared>>) target(%dma_start3A_135 : memref<80x128xf32, #tpu.memory_space<vmem>>) target_semaphore(%run_scoped3A : memref<!tpu.dma_semaphore, #tpu.memory_space<semaphore_mem>>)
        %dma_wait3A = arith.constant 0 : i32
        %dma_wait3A_138 = arith.constant 0 : i32
        %dma_wait3A_139 = tpu.memref_slice %arg11[%dma_wait3A, %dma_wait3A_138] : memref<120x128xf32, #tpu.memory_space<vmem>> -> memref<80x128xf32, #tpu.memory_space<vmem>>
        %dma_wait3A_140 = arith.constant 0 : i32
        %dma_wait3A_141 = tpu.memref_slice %arg6[%mul3A_126, %dma_wait3A_140] : memref<10008x128xf32, #tpu.memory_space<vmem_shared>> -> memref<80x128xf32, #tpu.memory_space<vmem_shared>>
        %dma_wait3A_142 = arith.constant 0 : i32
        %dma_wait3A_143 = arith.constant 0 : i32
        %dma_wait3A_144 = tpu.memref_slice %arg11[%dma_wait3A_142, %dma_wait3A_143] : memref<120x128xf32, #tpu.memory_space<vmem>> -> memref<80x128xf32, #tpu.memory_space<vmem>>
        %dma_wait3A_145 = arith.constant 0 : i32
        %dma_wait3A_146 = tpu.memref_slice %arg6[%mul3A_126, %dma_wait3A_145] : memref<10008x128xf32, #tpu.memory_space<vmem_shared>> -> memref<80x128xf32, #tpu.memory_space<vmem_shared>>
        tpu.wait_dma2 semaphore(%run_scoped3A : memref<!tpu.dma_semaphore, #tpu.memory_space<semaphore_mem>>) src(%dma_wait3A_146 : memref<80x128xf32, #tpu.memory_space<vmem_shared>>) dst(%dma_wait3A_144 : memref<80x128xf32, #tpu.memory_space<vmem>>)
        tpu.yield
      }) : () -> ()
      %mul3A_127 = arith.constant 80 : i32
      %mul3A_128 = arith.muli %add3A_70, %mul3A_127 : i32
      "tpu.region"() ({
        %run_scoped3A = tpu.sem_alloc : memref<!tpu.dma_semaphore, #tpu.memory_space<semaphore_mem>>
        %dma_start3A = arith.constant 0 : i32
        %dma_start3A_129 = arith.constant 0 : i32
        %dma_start3A_130 = tpu.memref_slice %arg11[%dma_start3A, %dma_start3A_129] : memref<120x128xf32, #tpu.memory_space<vmem>> -> memref<80x128xf32, #tpu.memory_space<vmem>>
        %dma_start3A_131 = arith.constant 0 : i32
        %dma_start3A_132 = tpu.memref_slice %arg5[%arg0, %mul3A_128, %dma_start3A_131] : memref<2x10000x128xf32, #tpu.memory_space<hbm>> -> memref<1x80x128xf32, #tpu.memory_space<hbm>>
        %dma_start3A_133 = tpu.memref_squeeze %dma_start3A_132 : memref<1x80x128xf32, #tpu.memory_space<hbm>> -> memref<80x128xf32, #tpu.memory_space<hbm>>
        %dma_start3A_134 = arith.constant 0 : i32
        %dma_start3A_135 = tpu.memref_slice %arg5[%arg0, %mul3A_128, %dma_start3A_134] : memref<2x10000x128xf32, #tpu.memory_space<hbm>> -> memref<1x80x128xf32, #tpu.memory_space<hbm>>
        %dma_start3A_136 = tpu.memref_squeeze %dma_start3A_135 : memref<1x80x128xf32, #tpu.memory_space<hbm>> -> memref<80x128xf32, #tpu.memory_space<hbm>>
        %dma_start3A_137 = arith.constant 0 : i32
        %dma_start3A_138 = arith.constant 0 : i32
        %dma_start3A_139 = tpu.memref_slice %arg11[%dma_start3A_137, %dma_start3A_138] : memref<120x128xf32, #tpu.memory_space<vmem>> -> memref<80x128xf32, #tpu.memory_space<vmem>>
        tpu.enqueue_dma source(%dma_start3A_139 : memref<80x128xf32, #tpu.memory_space<vmem>>) target(%dma_start3A_136 : memref<80x128xf32, #tpu.memory_space<hbm>>) target_semaphore(%run_scoped3A : memref<!tpu.dma_semaphore, #tpu.memory_space<semaphore_mem>>)
        %dma_wait3A = arith.constant 0 : i32
        %dma_wait3A_140 = arith.constant 0 : i32
        %dma_wait3A_141 = tpu.memref_slice %arg11[%dma_wait3A, %dma_wait3A_140] : memref<120x128xf32, #tpu.memory_space<vmem>> -> memref<80x128xf32, #tpu.memory_space<vmem>>
        %dma_wait3A_142 = arith.constant 0 : i32
        %dma_wait3A_143 = tpu.memref_slice %arg5[%arg0, %mul3A_128, %dma_wait3A_142] : memref<2x10000x128xf32, #tpu.memory_space<hbm>> -> memref<1x80x128xf32, #tpu.memory_space<hbm>>
        %dma_wait3A_144 = tpu.memref_squeeze %dma_wait3A_143 : memref<1x80x128xf32, #tpu.memory_space<hbm>> -> memref<80x128xf32, #tpu.memory_space<hbm>>
        %dma_wait3A_145 = arith.constant 0 : i32
        %dma_wait3A_146 = tpu.memref_slice %arg5[%arg0, %mul3A_128, %dma_wait3A_145] : memref<2x10000x128xf32, #tpu.memory_space<hbm>> -> memref<1x80x128xf32, #tpu.memory_space<hbm>>
        %dma_wait3A_147 = tpu.memref_squeeze %dma_wait3A_146 : memref<1x80x128xf32, #tpu.memory_space<hbm>> -> memref<80x128xf32, #tpu.memory_space<hbm>>
        %dma_wait3A_148 = arith.constant 0 : i32
        %dma_wait3A_149 = arith.constant 0 : i32
        %dma_wait3A_150 = tpu.memref_slice %arg11[%dma_wait3A_148, %dma_wait3A_149] : memref<120x128xf32, #tpu.memory_space<vmem>> -> memref<80x128xf32, #tpu.memory_space<vmem>>
        tpu.wait_dma2 semaphore(%run_scoped3A : memref<!tpu.dma_semaphore, #tpu.memory_space<semaphore_mem>>) src(%dma_wait3A_150 : memref<80x128xf32, #tpu.memory_space<vmem>>) dst(%dma_wait3A_147 : memref<80x128xf32, #tpu.memory_space<hbm>>)
        tpu.yield
      }) : () -> ()
    } else {
    }
    %add3A_76 = arith.constant 16 : i32
    %add3A_77 = arith.addi %arg1, %add3A_76 : i32
    %lt3A_78 = arith.constant 125 : i32
    %lt3A_79 = arith.cmpi slt, %add3A_77, %lt3A_78 : i32
    %convert_element_type3A_80 = arith.extui %lt3A_79 : i1 to i32
    %cond3A_81 = arith.constant 0 : i32
    %cond3A_82 = arith.cmpi ne, %convert_element_type3A_80, %cond3A_81 : i32
    scf.if %cond3A_82 {
      %mul3A_125 = arith.constant 80 : i32
      %mul3A_126 = arith.muli %add3A_77, %mul3A_125 : i32
      "tpu.region"() ({
        %run_scoped3A = tpu.sem_alloc : memref<!tpu.dma_semaphore, #tpu.memory_space<semaphore_mem>>
        %dma_start3A = arith.constant 0 : i32
        %dma_start3A_129 = arith.constant 0 : i32
        %dma_start3A_130 = tpu.memref_slice %arg11[%dma_start3A, %dma_start3A_129] : memref<120x128xf32, #tpu.memory_space<vmem>> -> memref<80x128xf32, #tpu.memory_space<vmem>>
        %dma_start3A_131 = arith.constant 0 : i32
        %dma_start3A_132 = tpu.memref_slice %arg6[%mul3A_126, %dma_start3A_131] : memref<10008x128xf32, #tpu.memory_space<vmem_shared>> -> memref<80x128xf32, #tpu.memory_space<vmem_shared>>
        %dma_start3A_133 = arith.constant 0 : i32
        %dma_start3A_134 = arith.constant 0 : i32
        %dma_start3A_135 = tpu.memref_slice %arg11[%dma_start3A_133, %dma_start3A_134] : memref<120x128xf32, #tpu.memory_space<vmem>> -> memref<80x128xf32, #tpu.memory_space<vmem>>
        %dma_start3A_136 = arith.constant 0 : i32
        %dma_start3A_137 = tpu.memref_slice %arg6[%mul3A_126, %dma_start3A_136] : memref<10008x128xf32, #tpu.memory_space<vmem_shared>> -> memref<80x128xf32, #tpu.memory_space<vmem_shared>>
        tpu.enqueue_dma source(%dma_start3A_137 : memref<80x128xf32, #tpu.memory_space<vmem_shared>>) target(%dma_start3A_135 : memref<80x128xf32, #tpu.memory_space<vmem>>) target_semaphore(%run_scoped3A : memref<!tpu.dma_semaphore, #tpu.memory_space<semaphore_mem>>)
        %dma_wait3A = arith.constant 0 : i32
        %dma_wait3A_138 = arith.constant 0 : i32
        %dma_wait3A_139 = tpu.memref_slice %arg11[%dma_wait3A, %dma_wait3A_138] : memref<120x128xf32, #tpu.memory_space<vmem>> -> memref<80x128xf32, #tpu.memory_space<vmem>>
        %dma_wait3A_140 = arith.constant 0 : i32
        %dma_wait3A_141 = tpu.memref_slice %arg6[%mul3A_126, %dma_wait3A_140] : memref<10008x128xf32, #tpu.memory_space<vmem_shared>> -> memref<80x128xf32, #tpu.memory_space<vmem_shared>>
        %dma_wait3A_142 = arith.constant 0 : i32
        %dma_wait3A_143 = arith.constant 0 : i32
        %dma_wait3A_144 = tpu.memref_slice %arg11[%dma_wait3A_142, %dma_wait3A_143] : memref<120x128xf32, #tpu.memory_space<vmem>> -> memref<80x128xf32, #tpu.memory_space<vmem>>
        %dma_wait3A_145 = arith.constant 0 : i32
        %dma_wait3A_146 = tpu.memref_slice %arg6[%mul3A_126, %dma_wait3A_145] : memref<10008x128xf32, #tpu.memory_space<vmem_shared>> -> memref<80x128xf32, #tpu.memory_space<vmem_shared>>
        tpu.wait_dma2 semaphore(%run_scoped3A : memref<!tpu.dma_semaphore, #tpu.memory_space<semaphore_mem>>) src(%dma_wait3A_146 : memref<80x128xf32, #tpu.memory_space<vmem_shared>>) dst(%dma_wait3A_144 : memref<80x128xf32, #tpu.memory_space<vmem>>)
        tpu.yield
      }) : () -> ()
      %mul3A_127 = arith.constant 80 : i32
      %mul3A_128 = arith.muli %add3A_77, %mul3A_127 : i32
      "tpu.region"() ({
        %run_scoped3A = tpu.sem_alloc : memref<!tpu.dma_semaphore, #tpu.memory_space<semaphore_mem>>
        %dma_start3A = arith.constant 0 : i32
        %dma_start3A_129 = arith.constant 0 : i32
        %dma_start3A_130 = tpu.memref_slice %arg11[%dma_start3A, %dma_start3A_129] : memref<120x128xf32, #tpu.memory_space<vmem>> -> memref<80x128xf32, #tpu.memory_space<vmem>>
        %dma_start3A_131 = arith.constant 0 : i32
        %dma_start3A_132 = tpu.memref_slice %arg5[%arg0, %mul3A_128, %dma_start3A_131] : memref<2x10000x128xf32, #tpu.memory_space<hbm>> -> memref<1x80x128xf32, #tpu.memory_space<hbm>>
        %dma_start3A_133 = tpu.memref_squeeze %dma_start3A_132 : memref<1x80x128xf32, #tpu.memory_space<hbm>> -> memref<80x128xf32, #tpu.memory_space<hbm>>
        %dma_start3A_134 = arith.constant 0 : i32
        %dma_start3A_135 = tpu.memref_slice %arg5[%arg0, %mul3A_128, %dma_start3A_134] : memref<2x10000x128xf32, #tpu.memory_space<hbm>> -> memref<1x80x128xf32, #tpu.memory_space<hbm>>
        %dma_start3A_136 = tpu.memref_squeeze %dma_start3A_135 : memref<1x80x128xf32, #tpu.memory_space<hbm>> -> memref<80x128xf32, #tpu.memory_space<hbm>>
        %dma_start3A_137 = arith.constant 0 : i32
        %dma_start3A_138 = arith.constant 0 : i32
        %dma_start3A_139 = tpu.memref_slice %arg11[%dma_start3A_137, %dma_start3A_138] : memref<120x128xf32, #tpu.memory_space<vmem>> -> memref<80x128xf32, #tpu.memory_space<vmem>>
        tpu.enqueue_dma source(%dma_start3A_139 : memref<80x128xf32, #tpu.memory_space<vmem>>) target(%dma_start3A_136 : memref<80x128xf32, #tpu.memory_space<hbm>>) target_semaphore(%run_scoped3A : memref<!tpu.dma_semaphore, #tpu.memory_space<semaphore_mem>>)
        %dma_wait3A = arith.constant 0 : i32
        %dma_wait3A_140 = arith.constant 0 : i32
        %dma_wait3A_141 = tpu.memref_slice %arg11[%dma_wait3A, %dma_wait3A_140] : memref<120x128xf32, #tpu.memory_space<vmem>> -> memref<80x128xf32, #tpu.memory_space<vmem>>
        %dma_wait3A_142 = arith.constant 0 : i32
        %dma_wait3A_143 = tpu.memref_slice %arg5[%arg0, %mul3A_128, %dma_wait3A_142] : memref<2x10000x128xf32, #tpu.memory_space<hbm>> -> memref<1x80x128xf32, #tpu.memory_space<hbm>>
        %dma_wait3A_144 = tpu.memref_squeeze %dma_wait3A_143 : memref<1x80x128xf32, #tpu.memory_space<hbm>> -> memref<80x128xf32, #tpu.memory_space<hbm>>
        %dma_wait3A_145 = arith.constant 0 : i32
        %dma_wait3A_146 = tpu.memref_slice %arg5[%arg0, %mul3A_128, %dma_wait3A_145] : memref<2x10000x128xf32, #tpu.memory_space<hbm>> -> memref<1x80x128xf32, #tpu.memory_space<hbm>>
        %dma_wait3A_147 = tpu.memref_squeeze %dma_wait3A_146 : memref<1x80x128xf32, #tpu.memory_space<hbm>> -> memref<80x128xf32, #tpu.memory_space<hbm>>
        %dma_wait3A_148 = arith.constant 0 : i32
        %dma_wait3A_149 = arith.constant 0 : i32
        %dma_wait3A_150 = tpu.memref_slice %arg11[%dma_wait3A_148, %dma_wait3A_149] : memref<120x128xf32, #tpu.memory_space<vmem>> -> memref<80x128xf32, #tpu.memory_space<vmem>>
        tpu.wait_dma2 semaphore(%run_scoped3A : memref<!tpu.dma_semaphore, #tpu.memory_space<semaphore_mem>>) src(%dma_wait3A_150 : memref<80x128xf32, #tpu.memory_space<vmem>>) dst(%dma_wait3A_147 : memref<80x128xf32, #tpu.memory_space<hbm>>)
        tpu.yield
      }) : () -> ()
    } else {
    }
    %add3A_83 = arith.constant 32 : i32
    %add3A_84 = arith.addi %arg1, %add3A_83 : i32
    %lt3A_85 = arith.constant 125 : i32
    %lt3A_86 = arith.cmpi slt, %add3A_84, %lt3A_85 : i32
    %convert_element_type3A_87 = arith.extui %lt3A_86 : i1 to i32
    %cond3A_88 = arith.constant 0 : i32
    %cond3A_89 = arith.cmpi ne, %convert_element_type3A_87, %cond3A_88 : i32
    scf.if %cond3A_89 {
      %mul3A_125 = arith.constant 80 : i32
      %mul3A_126 = arith.muli %add3A_84, %mul3A_125 : i32
      "tpu.region"() ({
        %run_scoped3A = tpu.sem_alloc : memref<!tpu.dma_semaphore, #tpu.memory_space<semaphore_mem>>
        %dma_start3A = arith.constant 0 : i32
        %dma_start3A_129 = arith.constant 0 : i32
        %dma_start3A_130 = tpu.memref_slice %arg11[%dma_start3A, %dma_start3A_129] : memref<120x128xf32, #tpu.memory_space<vmem>> -> memref<80x128xf32, #tpu.memory_space<vmem>>
        %dma_start3A_131 = arith.constant 0 : i32
        %dma_start3A_132 = tpu.memref_slice %arg6[%mul3A_126, %dma_start3A_131] : memref<10008x128xf32, #tpu.memory_space<vmem_shared>> -> memref<80x128xf32, #tpu.memory_space<vmem_shared>>
        %dma_start3A_133 = arith.constant 0 : i32
        %dma_start3A_134 = arith.constant 0 : i32
        %dma_start3A_135 = tpu.memref_slice %arg11[%dma_start3A_133, %dma_start3A_134] : memref<120x128xf32, #tpu.memory_space<vmem>> -> memref<80x128xf32, #tpu.memory_space<vmem>>
        %dma_start3A_136 = arith.constant 0 : i32
        %dma_start3A_137 = tpu.memref_slice %arg6[%mul3A_126, %dma_start3A_136] : memref<10008x128xf32, #tpu.memory_space<vmem_shared>> -> memref<80x128xf32, #tpu.memory_space<vmem_shared>>
        tpu.enqueue_dma source(%dma_start3A_137 : memref<80x128xf32, #tpu.memory_space<vmem_shared>>) target(%dma_start3A_135 : memref<80x128xf32, #tpu.memory_space<vmem>>) target_semaphore(%run_scoped3A : memref<!tpu.dma_semaphore, #tpu.memory_space<semaphore_mem>>)
        %dma_wait3A = arith.constant 0 : i32
        %dma_wait3A_138 = arith.constant 0 : i32
        %dma_wait3A_139 = tpu.memref_slice %arg11[%dma_wait3A, %dma_wait3A_138] : memref<120x128xf32, #tpu.memory_space<vmem>> -> memref<80x128xf32, #tpu.memory_space<vmem>>
        %dma_wait3A_140 = arith.constant 0 : i32
        %dma_wait3A_141 = tpu.memref_slice %arg6[%mul3A_126, %dma_wait3A_140] : memref<10008x128xf32, #tpu.memory_space<vmem_shared>> -> memref<80x128xf32, #tpu.memory_space<vmem_shared>>
        %dma_wait3A_142 = arith.constant 0 : i32
        %dma_wait3A_143 = arith.constant 0 : i32
        %dma_wait3A_144 = tpu.memref_slice %arg11[%dma_wait3A_142, %dma_wait3A_143] : memref<120x128xf32, #tpu.memory_space<vmem>> -> memref<80x128xf32, #tpu.memory_space<vmem>>
        %dma_wait3A_145 = arith.constant 0 : i32
        %dma_wait3A_146 = tpu.memref_slice %arg6[%mul3A_126, %dma_wait3A_145] : memref<10008x128xf32, #tpu.memory_space<vmem_shared>> -> memref<80x128xf32, #tpu.memory_space<vmem_shared>>
        tpu.wait_dma2 semaphore(%run_scoped3A : memref<!tpu.dma_semaphore, #tpu.memory_space<semaphore_mem>>) src(%dma_wait3A_146 : memref<80x128xf32, #tpu.memory_space<vmem_shared>>) dst(%dma_wait3A_144 : memref<80x128xf32, #tpu.memory_space<vmem>>)
        tpu.yield
      }) : () -> ()
      %mul3A_127 = arith.constant 80 : i32
      %mul3A_128 = arith.muli %add3A_84, %mul3A_127 : i32
      "tpu.region"() ({
        %run_scoped3A = tpu.sem_alloc : memref<!tpu.dma_semaphore, #tpu.memory_space<semaphore_mem>>
        %dma_start3A = arith.constant 0 : i32
        %dma_start3A_129 = arith.constant 0 : i32
        %dma_start3A_130 = tpu.memref_slice %arg11[%dma_start3A, %dma_start3A_129] : memref<120x128xf32, #tpu.memory_space<vmem>> -> memref<80x128xf32, #tpu.memory_space<vmem>>
        %dma_start3A_131 = arith.constant 0 : i32
        %dma_start3A_132 = tpu.memref_slice %arg5[%arg0, %mul3A_128, %dma_start3A_131] : memref<2x10000x128xf32, #tpu.memory_space<hbm>> -> memref<1x80x128xf32, #tpu.memory_space<hbm>>
        %dma_start3A_133 = tpu.memref_squeeze %dma_start3A_132 : memref<1x80x128xf32, #tpu.memory_space<hbm>> -> memref<80x128xf32, #tpu.memory_space<hbm>>
        %dma_start3A_134 = arith.constant 0 : i32
        %dma_start3A_135 = tpu.memref_slice %arg5[%arg0, %mul3A_128, %dma_start3A_134] : memref<2x10000x128xf32, #tpu.memory_space<hbm>> -> memref<1x80x128xf32, #tpu.memory_space<hbm>>
        %dma_start3A_136 = tpu.memref_squeeze %dma_start3A_135 : memref<1x80x128xf32, #tpu.memory_space<hbm>> -> memref<80x128xf32, #tpu.memory_space<hbm>>
        %dma_start3A_137 = arith.constant 0 : i32
        %dma_start3A_138 = arith.constant 0 : i32
        %dma_start3A_139 = tpu.memref_slice %arg11[%dma_start3A_137, %dma_start3A_138] : memref<120x128xf32, #tpu.memory_space<vmem>> -> memref<80x128xf32, #tpu.memory_space<vmem>>
        tpu.enqueue_dma source(%dma_start3A_139 : memref<80x128xf32, #tpu.memory_space<vmem>>) target(%dma_start3A_136 : memref<80x128xf32, #tpu.memory_space<hbm>>) target_semaphore(%run_scoped3A : memref<!tpu.dma_semaphore, #tpu.memory_space<semaphore_mem>>)
        %dma_wait3A = arith.constant 0 : i32
        %dma_wait3A_140 = arith.constant 0 : i32
        %dma_wait3A_141 = tpu.memref_slice %arg11[%dma_wait3A, %dma_wait3A_140] : memref<120x128xf32, #tpu.memory_space<vmem>> -> memref<80x128xf32, #tpu.memory_space<vmem>>
        %dma_wait3A_142 = arith.constant 0 : i32
        %dma_wait3A_143 = tpu.memref_slice %arg5[%arg0, %mul3A_128, %dma_wait3A_142] : memref<2x10000x128xf32, #tpu.memory_space<hbm>> -> memref<1x80x128xf32, #tpu.memory_space<hbm>>
        %dma_wait3A_144 = tpu.memref_squeeze %dma_wait3A_143 : memref<1x80x128xf32, #tpu.memory_space<hbm>> -> memref<80x128xf32, #tpu.memory_space<hbm>>
        %dma_wait3A_145 = arith.constant 0 : i32
        %dma_wait3A_146 = tpu.memref_slice %arg5[%arg0, %mul3A_128, %dma_wait3A_145] : memref<2x10000x128xf32, #tpu.memory_space<hbm>> -> memref<1x80x128xf32, #tpu.memory_space<hbm>>
        %dma_wait3A_147 = tpu.memref_squeeze %dma_wait3A_146 : memref<1x80x128xf32, #tpu.memory_space<hbm>> -> memref<80x128xf32, #tpu.memory_space<hbm>>
        %dma_wait3A_148 = arith.constant 0 : i32
        %dma_wait3A_149 = arith.constant 0 : i32
        %dma_wait3A_150 = tpu.memref_slice %arg11[%dma_wait3A_148, %dma_wait3A_149] : memref<120x128xf32, #tpu.memory_space<vmem>> -> memref<80x128xf32, #tpu.memory_space<vmem>>
        tpu.wait_dma2 semaphore(%run_scoped3A : memref<!tpu.dma_semaphore, #tpu.memory_space<semaphore_mem>>) src(%dma_wait3A_150 : memref<80x128xf32, #tpu.memory_space<vmem>>) dst(%dma_wait3A_147 : memref<80x128xf32, #tpu.memory_space<hbm>>)
        tpu.yield
      }) : () -> ()
    } else {
    }
    %add3A_90 = arith.constant 48 : i32
    %add3A_91 = arith.addi %arg1, %add3A_90 : i32
    %lt3A_92 = arith.constant 125 : i32
    %lt3A_93 = arith.cmpi slt, %add3A_91, %lt3A_92 : i32
    %convert_element_type3A_94 = arith.extui %lt3A_93 : i1 to i32
    %cond3A_95 = arith.constant 0 : i32
    %cond3A_96 = arith.cmpi ne, %convert_element_type3A_94, %cond3A_95 : i32
    scf.if %cond3A_96 {
      %mul3A_125 = arith.constant 80 : i32
      %mul3A_126 = arith.muli %add3A_91, %mul3A_125 : i32
      "tpu.region"() ({
        %run_scoped3A = tpu.sem_alloc : memref<!tpu.dma_semaphore, #tpu.memory_space<semaphore_mem>>
        %dma_start3A = arith.constant 0 : i32
        %dma_start3A_129 = arith.constant 0 : i32
        %dma_start3A_130 = tpu.memref_slice %arg11[%dma_start3A, %dma_start3A_129] : memref<120x128xf32, #tpu.memory_space<vmem>> -> memref<80x128xf32, #tpu.memory_space<vmem>>
        %dma_start3A_131 = arith.constant 0 : i32
        %dma_start3A_132 = tpu.memref_slice %arg6[%mul3A_126, %dma_start3A_131] : memref<10008x128xf32, #tpu.memory_space<vmem_shared>> -> memref<80x128xf32, #tpu.memory_space<vmem_shared>>
        %dma_start3A_133 = arith.constant 0 : i32
        %dma_start3A_134 = arith.constant 0 : i32
        %dma_start3A_135 = tpu.memref_slice %arg11[%dma_start3A_133, %dma_start3A_134] : memref<120x128xf32, #tpu.memory_space<vmem>> -> memref<80x128xf32, #tpu.memory_space<vmem>>
        %dma_start3A_136 = arith.constant 0 : i32
        %dma_start3A_137 = tpu.memref_slice %arg6[%mul3A_126, %dma_start3A_136] : memref<10008x128xf32, #tpu.memory_space<vmem_shared>> -> memref<80x128xf32, #tpu.memory_space<vmem_shared>>
        tpu.enqueue_dma source(%dma_start3A_137 : memref<80x128xf32, #tpu.memory_space<vmem_shared>>) target(%dma_start3A_135 : memref<80x128xf32, #tpu.memory_space<vmem>>) target_semaphore(%run_scoped3A : memref<!tpu.dma_semaphore, #tpu.memory_space<semaphore_mem>>)
        %dma_wait3A = arith.constant 0 : i32
        %dma_wait3A_138 = arith.constant 0 : i32
        %dma_wait3A_139 = tpu.memref_slice %arg11[%dma_wait3A, %dma_wait3A_138] : memref<120x128xf32, #tpu.memory_space<vmem>> -> memref<80x128xf32, #tpu.memory_space<vmem>>
        %dma_wait3A_140 = arith.constant 0 : i32
        %dma_wait3A_141 = tpu.memref_slice %arg6[%mul3A_126, %dma_wait3A_140] : memref<10008x128xf32, #tpu.memory_space<vmem_shared>> -> memref<80x128xf32, #tpu.memory_space<vmem_shared>>
        %dma_wait3A_142 = arith.constant 0 : i32
        %dma_wait3A_143 = arith.constant 0 : i32
        %dma_wait3A_144 = tpu.memref_slice %arg11[%dma_wait3A_142, %dma_wait3A_143] : memref<120x128xf32, #tpu.memory_space<vmem>> -> memref<80x128xf32, #tpu.memory_space<vmem>>
        %dma_wait3A_145 = arith.constant 0 : i32
        %dma_wait3A_146 = tpu.memref_slice %arg6[%mul3A_126, %dma_wait3A_145] : memref<10008x128xf32, #tpu.memory_space<vmem_shared>> -> memref<80x128xf32, #tpu.memory_space<vmem_shared>>
        tpu.wait_dma2 semaphore(%run_scoped3A : memref<!tpu.dma_semaphore, #tpu.memory_space<semaphore_mem>>) src(%dma_wait3A_146 : memref<80x128xf32, #tpu.memory_space<vmem_shared>>) dst(%dma_wait3A_144 : memref<80x128xf32, #tpu.memory_space<vmem>>)
        tpu.yield
      }) : () -> ()
      %mul3A_127 = arith.constant 80 : i32
      %mul3A_128 = arith.muli %add3A_91, %mul3A_127 : i32
      "tpu.region"() ({
        %run_scoped3A = tpu.sem_alloc : memref<!tpu.dma_semaphore, #tpu.memory_space<semaphore_mem>>
        %dma_start3A = arith.constant 0 : i32
        %dma_start3A_129 = arith.constant 0 : i32
        %dma_start3A_130 = tpu.memref_slice %arg11[%dma_start3A, %dma_start3A_129] : memref<120x128xf32, #tpu.memory_space<vmem>> -> memref<80x128xf32, #tpu.memory_space<vmem>>
        %dma_start3A_131 = arith.constant 0 : i32
        %dma_start3A_132 = tpu.memref_slice %arg5[%arg0, %mul3A_128, %dma_start3A_131] : memref<2x10000x128xf32, #tpu.memory_space<hbm>> -> memref<1x80x128xf32, #tpu.memory_space<hbm>>
        %dma_start3A_133 = tpu.memref_squeeze %dma_start3A_132 : memref<1x80x128xf32, #tpu.memory_space<hbm>> -> memref<80x128xf32, #tpu.memory_space<hbm>>
        %dma_start3A_134 = arith.constant 0 : i32
        %dma_start3A_135 = tpu.memref_slice %arg5[%arg0, %mul3A_128, %dma_start3A_134] : memref<2x10000x128xf32, #tpu.memory_space<hbm>> -> memref<1x80x128xf32, #tpu.memory_space<hbm>>
        %dma_start3A_136 = tpu.memref_squeeze %dma_start3A_135 : memref<1x80x128xf32, #tpu.memory_space<hbm>> -> memref<80x128xf32, #tpu.memory_space<hbm>>
        %dma_start3A_137 = arith.constant 0 : i32
        %dma_start3A_138 = arith.constant 0 : i32
        %dma_start3A_139 = tpu.memref_slice %arg11[%dma_start3A_137, %dma_start3A_138] : memref<120x128xf32, #tpu.memory_space<vmem>> -> memref<80x128xf32, #tpu.memory_space<vmem>>
        tpu.enqueue_dma source(%dma_start3A_139 : memref<80x128xf32, #tpu.memory_space<vmem>>) target(%dma_start3A_136 : memref<80x128xf32, #tpu.memory_space<hbm>>) target_semaphore(%run_scoped3A : memref<!tpu.dma_semaphore, #tpu.memory_space<semaphore_mem>>)
        %dma_wait3A = arith.constant 0 : i32
        %dma_wait3A_140 = arith.constant 0 : i32
        %dma_wait3A_141 = tpu.memref_slice %arg11[%dma_wait3A, %dma_wait3A_140] : memref<120x128xf32, #tpu.memory_space<vmem>> -> memref<80x128xf32, #tpu.memory_space<vmem>>
        %dma_wait3A_142 = arith.constant 0 : i32
        %dma_wait3A_143 = tpu.memref_slice %arg5[%arg0, %mul3A_128, %dma_wait3A_142] : memref<2x10000x128xf32, #tpu.memory_space<hbm>> -> memref<1x80x128xf32, #tpu.memory_space<hbm>>
        %dma_wait3A_144 = tpu.memref_squeeze %dma_wait3A_143 : memref<1x80x128xf32, #tpu.memory_space<hbm>> -> memref<80x128xf32, #tpu.memory_space<hbm>>
        %dma_wait3A_145 = arith.constant 0 : i32
        %dma_wait3A_146 = tpu.memref_slice %arg5[%arg0, %mul3A_128, %dma_wait3A_145] : memref<2x10000x128xf32, #tpu.memory_space<hbm>> -> memref<1x80x128xf32, #tpu.memory_space<hbm>>
        %dma_wait3A_147 = tpu.memref_squeeze %dma_wait3A_146 : memref<1x80x128xf32, #tpu.memory_space<hbm>> -> memref<80x128xf32, #tpu.memory_space<hbm>>
        %dma_wait3A_148 = arith.constant 0 : i32
        %dma_wait3A_149 = arith.constant 0 : i32
        %dma_wait3A_150 = tpu.memref_slice %arg11[%dma_wait3A_148, %dma_wait3A_149] : memref<120x128xf32, #tpu.memory_space<vmem>> -> memref<80x128xf32, #tpu.memory_space<vmem>>
        tpu.wait_dma2 semaphore(%run_scoped3A : memref<!tpu.dma_semaphore, #tpu.memory_space<semaphore_mem>>) src(%dma_wait3A_150 : memref<80x128xf32, #tpu.memory_space<vmem>>) dst(%dma_wait3A_147 : memref<80x128xf32, #tpu.memory_space<hbm>>)
        tpu.yield
      }) : () -> ()
    } else {
    }
    %add3A_97 = arith.constant 64 : i32
    %add3A_98 = arith.addi %arg1, %add3A_97 : i32
    %lt3A_99 = arith.constant 125 : i32
    %lt3A_100 = arith.cmpi slt, %add3A_98, %lt3A_99 : i32
    %convert_element_type3A_101 = arith.extui %lt3A_100 : i1 to i32
    %cond3A_102 = arith.constant 0 : i32
    %cond3A_103 = arith.cmpi ne, %convert_element_type3A_101, %cond3A_102 : i32
    scf.if %cond3A_103 {
      %mul3A_125 = arith.constant 80 : i32
      %mul3A_126 = arith.muli %add3A_98, %mul3A_125 : i32
      "tpu.region"() ({
        %run_scoped3A = tpu.sem_alloc : memref<!tpu.dma_semaphore, #tpu.memory_space<semaphore_mem>>
        %dma_start3A = arith.constant 0 : i32
        %dma_start3A_129 = arith.constant 0 : i32
        %dma_start3A_130 = tpu.memref_slice %arg11[%dma_start3A, %dma_start3A_129] : memref<120x128xf32, #tpu.memory_space<vmem>> -> memref<80x128xf32, #tpu.memory_space<vmem>>
        %dma_start3A_131 = arith.constant 0 : i32
        %dma_start3A_132 = tpu.memref_slice %arg6[%mul3A_126, %dma_start3A_131] : memref<10008x128xf32, #tpu.memory_space<vmem_shared>> -> memref<80x128xf32, #tpu.memory_space<vmem_shared>>
        %dma_start3A_133 = arith.constant 0 : i32
        %dma_start3A_134 = arith.constant 0 : i32
        %dma_start3A_135 = tpu.memref_slice %arg11[%dma_start3A_133, %dma_start3A_134] : memref<120x128xf32, #tpu.memory_space<vmem>> -> memref<80x128xf32, #tpu.memory_space<vmem>>
        %dma_start3A_136 = arith.constant 0 : i32
        %dma_start3A_137 = tpu.memref_slice %arg6[%mul3A_126, %dma_start3A_136] : memref<10008x128xf32, #tpu.memory_space<vmem_shared>> -> memref<80x128xf32, #tpu.memory_space<vmem_shared>>
        tpu.enqueue_dma source(%dma_start3A_137 : memref<80x128xf32, #tpu.memory_space<vmem_shared>>) target(%dma_start3A_135 : memref<80x128xf32, #tpu.memory_space<vmem>>) target_semaphore(%run_scoped3A : memref<!tpu.dma_semaphore, #tpu.memory_space<semaphore_mem>>)
        %dma_wait3A = arith.constant 0 : i32
        %dma_wait3A_138 = arith.constant 0 : i32
        %dma_wait3A_139 = tpu.memref_slice %arg11[%dma_wait3A, %dma_wait3A_138] : memref<120x128xf32, #tpu.memory_space<vmem>> -> memref<80x128xf32, #tpu.memory_space<vmem>>
        %dma_wait3A_140 = arith.constant 0 : i32
        %dma_wait3A_141 = tpu.memref_slice %arg6[%mul3A_126, %dma_wait3A_140] : memref<10008x128xf32, #tpu.memory_space<vmem_shared>> -> memref<80x128xf32, #tpu.memory_space<vmem_shared>>
        %dma_wait3A_142 = arith.constant 0 : i32
        %dma_wait3A_143 = arith.constant 0 : i32
        %dma_wait3A_144 = tpu.memref_slice %arg11[%dma_wait3A_142, %dma_wait3A_143] : memref<120x128xf32, #tpu.memory_space<vmem>> -> memref<80x128xf32, #tpu.memory_space<vmem>>
        %dma_wait3A_145 = arith.constant 0 : i32
        %dma_wait3A_146 = tpu.memref_slice %arg6[%mul3A_126, %dma_wait3A_145] : memref<10008x128xf32, #tpu.memory_space<vmem_shared>> -> memref<80x128xf32, #tpu.memory_space<vmem_shared>>
        tpu.wait_dma2 semaphore(%run_scoped3A : memref<!tpu.dma_semaphore, #tpu.memory_space<semaphore_mem>>) src(%dma_wait3A_146 : memref<80x128xf32, #tpu.memory_space<vmem_shared>>) dst(%dma_wait3A_144 : memref<80x128xf32, #tpu.memory_space<vmem>>)
        tpu.yield
      }) : () -> ()
      %mul3A_127 = arith.constant 80 : i32
      %mul3A_128 = arith.muli %add3A_98, %mul3A_127 : i32
      "tpu.region"() ({
        %run_scoped3A = tpu.sem_alloc : memref<!tpu.dma_semaphore, #tpu.memory_space<semaphore_mem>>
        %dma_start3A = arith.constant 0 : i32
        %dma_start3A_129 = arith.constant 0 : i32
        %dma_start3A_130 = tpu.memref_slice %arg11[%dma_start3A, %dma_start3A_129] : memref<120x128xf32, #tpu.memory_space<vmem>> -> memref<80x128xf32, #tpu.memory_space<vmem>>
        %dma_start3A_131 = arith.constant 0 : i32
        %dma_start3A_132 = tpu.memref_slice %arg5[%arg0, %mul3A_128, %dma_start3A_131] : memref<2x10000x128xf32, #tpu.memory_space<hbm>> -> memref<1x80x128xf32, #tpu.memory_space<hbm>>
        %dma_start3A_133 = tpu.memref_squeeze %dma_start3A_132 : memref<1x80x128xf32, #tpu.memory_space<hbm>> -> memref<80x128xf32, #tpu.memory_space<hbm>>
        %dma_start3A_134 = arith.constant 0 : i32
        %dma_start3A_135 = tpu.memref_slice %arg5[%arg0, %mul3A_128, %dma_start3A_134] : memref<2x10000x128xf32, #tpu.memory_space<hbm>> -> memref<1x80x128xf32, #tpu.memory_space<hbm>>
        %dma_start3A_136 = tpu.memref_squeeze %dma_start3A_135 : memref<1x80x128xf32, #tpu.memory_space<hbm>> -> memref<80x128xf32, #tpu.memory_space<hbm>>
        %dma_start3A_137 = arith.constant 0 : i32
        %dma_start3A_138 = arith.constant 0 : i32
        %dma_start3A_139 = tpu.memref_slice %arg11[%dma_start3A_137, %dma_start3A_138] : memref<120x128xf32, #tpu.memory_space<vmem>> -> memref<80x128xf32, #tpu.memory_space<vmem>>
        tpu.enqueue_dma source(%dma_start3A_139 : memref<80x128xf32, #tpu.memory_space<vmem>>) target(%dma_start3A_136 : memref<80x128xf32, #tpu.memory_space<hbm>>) target_semaphore(%run_scoped3A : memref<!tpu.dma_semaphore, #tpu.memory_space<semaphore_mem>>)
        %dma_wait3A = arith.constant 0 : i32
        %dma_wait3A_140 = arith.constant 0 : i32
        %dma_wait3A_141 = tpu.memref_slice %arg11[%dma_wait3A, %dma_wait3A_140] : memref<120x128xf32, #tpu.memory_space<vmem>> -> memref<80x128xf32, #tpu.memory_space<vmem>>
        %dma_wait3A_142 = arith.constant 0 : i32
        %dma_wait3A_143 = tpu.memref_slice %arg5[%arg0, %mul3A_128, %dma_wait3A_142] : memref<2x10000x128xf32, #tpu.memory_space<hbm>> -> memref<1x80x128xf32, #tpu.memory_space<hbm>>
        %dma_wait3A_144 = tpu.memref_squeeze %dma_wait3A_143 : memref<1x80x128xf32, #tpu.memory_space<hbm>> -> memref<80x128xf32, #tpu.memory_space<hbm>>
        %dma_wait3A_145 = arith.constant 0 : i32
        %dma_wait3A_146 = tpu.memref_slice %arg5[%arg0, %mul3A_128, %dma_wait3A_145] : memref<2x10000x128xf32, #tpu.memory_space<hbm>> -> memref<1x80x128xf32, #tpu.memory_space<hbm>>
        %dma_wait3A_147 = tpu.memref_squeeze %dma_wait3A_146 : memref<1x80x128xf32, #tpu.memory_space<hbm>> -> memref<80x128xf32, #tpu.memory_space<hbm>>
        %dma_wait3A_148 = arith.constant 0 : i32
        %dma_wait3A_149 = arith.constant 0 : i32
        %dma_wait3A_150 = tpu.memref_slice %arg11[%dma_wait3A_148, %dma_wait3A_149] : memref<120x128xf32, #tpu.memory_space<vmem>> -> memref<80x128xf32, #tpu.memory_space<vmem>>
        tpu.wait_dma2 semaphore(%run_scoped3A : memref<!tpu.dma_semaphore, #tpu.memory_space<semaphore_mem>>) src(%dma_wait3A_150 : memref<80x128xf32, #tpu.memory_space<vmem>>) dst(%dma_wait3A_147 : memref<80x128xf32, #tpu.memory_space<hbm>>)
        tpu.yield
      }) : () -> ()
    } else {
    }
    %add3A_104 = arith.constant 80 : i32
    %add3A_105 = arith.addi %arg1, %add3A_104 : i32
    %lt3A_106 = arith.constant 125 : i32
    %lt3A_107 = arith.cmpi slt, %add3A_105, %lt3A_106 : i32
    %convert_element_type3A_108 = arith.extui %lt3A_107 : i1 to i32
    %cond3A_109 = arith.constant 0 : i32
    %cond3A_110 = arith.cmpi ne, %convert_element_type3A_108, %cond3A_109 : i32
    scf.if %cond3A_110 {
      %mul3A_125 = arith.constant 80 : i32
      %mul3A_126 = arith.muli %add3A_105, %mul3A_125 : i32
      "tpu.region"() ({
        %run_scoped3A = tpu.sem_alloc : memref<!tpu.dma_semaphore, #tpu.memory_space<semaphore_mem>>
        %dma_start3A = arith.constant 0 : i32
        %dma_start3A_129 = arith.constant 0 : i32
        %dma_start3A_130 = tpu.memref_slice %arg11[%dma_start3A, %dma_start3A_129] : memref<120x128xf32, #tpu.memory_space<vmem>> -> memref<80x128xf32, #tpu.memory_space<vmem>>
        %dma_start3A_131 = arith.constant 0 : i32
        %dma_start3A_132 = tpu.memref_slice %arg6[%mul3A_126, %dma_start3A_131] : memref<10008x128xf32, #tpu.memory_space<vmem_shared>> -> memref<80x128xf32, #tpu.memory_space<vmem_shared>>
        %dma_start3A_133 = arith.constant 0 : i32
        %dma_start3A_134 = arith.constant 0 : i32
        %dma_start3A_135 = tpu.memref_slice %arg11[%dma_start3A_133, %dma_start3A_134] : memref<120x128xf32, #tpu.memory_space<vmem>> -> memref<80x128xf32, #tpu.memory_space<vmem>>
        %dma_start3A_136 = arith.constant 0 : i32
        %dma_start3A_137 = tpu.memref_slice %arg6[%mul3A_126, %dma_start3A_136] : memref<10008x128xf32, #tpu.memory_space<vmem_shared>> -> memref<80x128xf32, #tpu.memory_space<vmem_shared>>
        tpu.enqueue_dma source(%dma_start3A_137 : memref<80x128xf32, #tpu.memory_space<vmem_shared>>) target(%dma_start3A_135 : memref<80x128xf32, #tpu.memory_space<vmem>>) target_semaphore(%run_scoped3A : memref<!tpu.dma_semaphore, #tpu.memory_space<semaphore_mem>>)
        %dma_wait3A = arith.constant 0 : i32
        %dma_wait3A_138 = arith.constant 0 : i32
        %dma_wait3A_139 = tpu.memref_slice %arg11[%dma_wait3A, %dma_wait3A_138] : memref<120x128xf32, #tpu.memory_space<vmem>> -> memref<80x128xf32, #tpu.memory_space<vmem>>
        %dma_wait3A_140 = arith.constant 0 : i32
        %dma_wait3A_141 = tpu.memref_slice %arg6[%mul3A_126, %dma_wait3A_140] : memref<10008x128xf32, #tpu.memory_space<vmem_shared>> -> memref<80x128xf32, #tpu.memory_space<vmem_shared>>
        %dma_wait3A_142 = arith.constant 0 : i32
        %dma_wait3A_143 = arith.constant 0 : i32
        %dma_wait3A_144 = tpu.memref_slice %arg11[%dma_wait3A_142, %dma_wait3A_143] : memref<120x128xf32, #tpu.memory_space<vmem>> -> memref<80x128xf32, #tpu.memory_space<vmem>>
        %dma_wait3A_145 = arith.constant 0 : i32
        %dma_wait3A_146 = tpu.memref_slice %arg6[%mul3A_126, %dma_wait3A_145] : memref<10008x128xf32, #tpu.memory_space<vmem_shared>> -> memref<80x128xf32, #tpu.memory_space<vmem_shared>>
        tpu.wait_dma2 semaphore(%run_scoped3A : memref<!tpu.dma_semaphore, #tpu.memory_space<semaphore_mem>>) src(%dma_wait3A_146 : memref<80x128xf32, #tpu.memory_space<vmem_shared>>) dst(%dma_wait3A_144 : memref<80x128xf32, #tpu.memory_space<vmem>>)
        tpu.yield
      }) : () -> ()
      %mul3A_127 = arith.constant 80 : i32
      %mul3A_128 = arith.muli %add3A_105, %mul3A_127 : i32
      "tpu.region"() ({
        %run_scoped3A = tpu.sem_alloc : memref<!tpu.dma_semaphore, #tpu.memory_space<semaphore_mem>>
        %dma_start3A = arith.constant 0 : i32
        %dma_start3A_129 = arith.constant 0 : i32
        %dma_start3A_130 = tpu.memref_slice %arg11[%dma_start3A, %dma_start3A_129] : memref<120x128xf32, #tpu.memory_space<vmem>> -> memref<80x128xf32, #tpu.memory_space<vmem>>
        %dma_start3A_131 = arith.constant 0 : i32
        %dma_start3A_132 = tpu.memref_slice %arg5[%arg0, %mul3A_128, %dma_start3A_131] : memref<2x10000x128xf32, #tpu.memory_space<hbm>> -> memref<1x80x128xf32, #tpu.memory_space<hbm>>
        %dma_start3A_133 = tpu.memref_squeeze %dma_start3A_132 : memref<1x80x128xf32, #tpu.memory_space<hbm>> -> memref<80x128xf32, #tpu.memory_space<hbm>>
        %dma_start3A_134 = arith.constant 0 : i32
        %dma_start3A_135 = tpu.memref_slice %arg5[%arg0, %mul3A_128, %dma_start3A_134] : memref<2x10000x128xf32, #tpu.memory_space<hbm>> -> memref<1x80x128xf32, #tpu.memory_space<hbm>>
        %dma_start3A_136 = tpu.memref_squeeze %dma_start3A_135 : memref<1x80x128xf32, #tpu.memory_space<hbm>> -> memref<80x128xf32, #tpu.memory_space<hbm>>
        %dma_start3A_137 = arith.constant 0 : i32
        %dma_start3A_138 = arith.constant 0 : i32
        %dma_start3A_139 = tpu.memref_slice %arg11[%dma_start3A_137, %dma_start3A_138] : memref<120x128xf32, #tpu.memory_space<vmem>> -> memref<80x128xf32, #tpu.memory_space<vmem>>
        tpu.enqueue_dma source(%dma_start3A_139 : memref<80x128xf32, #tpu.memory_space<vmem>>) target(%dma_start3A_136 : memref<80x128xf32, #tpu.memory_space<hbm>>) target_semaphore(%run_scoped3A : memref<!tpu.dma_semaphore, #tpu.memory_space<semaphore_mem>>)
        %dma_wait3A = arith.constant 0 : i32
        %dma_wait3A_140 = arith.constant 0 : i32
        %dma_wait3A_141 = tpu.memref_slice %arg11[%dma_wait3A, %dma_wait3A_140] : memref<120x128xf32, #tpu.memory_space<vmem>> -> memref<80x128xf32, #tpu.memory_space<vmem>>
        %dma_wait3A_142 = arith.constant 0 : i32
        %dma_wait3A_143 = tpu.memref_slice %arg5[%arg0, %mul3A_128, %dma_wait3A_142] : memref<2x10000x128xf32, #tpu.memory_space<hbm>> -> memref<1x80x128xf32, #tpu.memory_space<hbm>>
        %dma_wait3A_144 = tpu.memref_squeeze %dma_wait3A_143 : memref<1x80x128xf32, #tpu.memory_space<hbm>> -> memref<80x128xf32, #tpu.memory_space<hbm>>
        %dma_wait3A_145 = arith.constant 0 : i32
        %dma_wait3A_146 = tpu.memref_slice %arg5[%arg0, %mul3A_128, %dma_wait3A_145] : memref<2x10000x128xf32, #tpu.memory_space<hbm>> -> memref<1x80x128xf32, #tpu.memory_space<hbm>>
        %dma_wait3A_147 = tpu.memref_squeeze %dma_wait3A_146 : memref<1x80x128xf32, #tpu.memory_space<hbm>> -> memref<80x128xf32, #tpu.memory_space<hbm>>
        %dma_wait3A_148 = arith.constant 0 : i32
        %dma_wait3A_149 = arith.constant 0 : i32
        %dma_wait3A_150 = tpu.memref_slice %arg11[%dma_wait3A_148, %dma_wait3A_149] : memref<120x128xf32, #tpu.memory_space<vmem>> -> memref<80x128xf32, #tpu.memory_space<vmem>>
        tpu.wait_dma2 semaphore(%run_scoped3A : memref<!tpu.dma_semaphore, #tpu.memory_space<semaphore_mem>>) src(%dma_wait3A_150 : memref<80x128xf32, #tpu.memory_space<vmem>>) dst(%dma_wait3A_147 : memref<80x128xf32, #tpu.memory_space<hbm>>)
        tpu.yield
      }) : () -> ()
    } else {
    }
    %add3A_111 = arith.constant 96 : i32
    %add3A_112 = arith.addi %arg1, %add3A_111 : i32
    %lt3A_113 = arith.constant 125 : i32
    %lt3A_114 = arith.cmpi slt, %add3A_112, %lt3A_113 : i32
    %convert_element_type3A_115 = arith.extui %lt3A_114 : i1 to i32
    %cond3A_116 = arith.constant 0 : i32
    %cond3A_117 = arith.cmpi ne, %convert_element_type3A_115, %cond3A_116 : i32
    scf.if %cond3A_117 {
      %mul3A_125 = arith.constant 80 : i32
      %mul3A_126 = arith.muli %add3A_112, %mul3A_125 : i32
      "tpu.region"() ({
        %run_scoped3A = tpu.sem_alloc : memref<!tpu.dma_semaphore, #tpu.memory_space<semaphore_mem>>
        %dma_start3A = arith.constant 0 : i32
        %dma_start3A_129 = arith.constant 0 : i32
        %dma_start3A_130 = tpu.memref_slice %arg11[%dma_start3A, %dma_start3A_129] : memref<120x128xf32, #tpu.memory_space<vmem>> -> memref<80x128xf32, #tpu.memory_space<vmem>>
        %dma_start3A_131 = arith.constant 0 : i32
        %dma_start3A_132 = tpu.memref_slice %arg6[%mul3A_126, %dma_start3A_131] : memref<10008x128xf32, #tpu.memory_space<vmem_shared>> -> memref<80x128xf32, #tpu.memory_space<vmem_shared>>
        %dma_start3A_133 = arith.constant 0 : i32
        %dma_start3A_134 = arith.constant 0 : i32
        %dma_start3A_135 = tpu.memref_slice %arg11[%dma_start3A_133, %dma_start3A_134] : memref<120x128xf32, #tpu.memory_space<vmem>> -> memref<80x128xf32, #tpu.memory_space<vmem>>
        %dma_start3A_136 = arith.constant 0 : i32
        %dma_start3A_137 = tpu.memref_slice %arg6[%mul3A_126, %dma_start3A_136] : memref<10008x128xf32, #tpu.memory_space<vmem_shared>> -> memref<80x128xf32, #tpu.memory_space<vmem_shared>>
        tpu.enqueue_dma source(%dma_start3A_137 : memref<80x128xf32, #tpu.memory_space<vmem_shared>>) target(%dma_start3A_135 : memref<80x128xf32, #tpu.memory_space<vmem>>) target_semaphore(%run_scoped3A : memref<!tpu.dma_semaphore, #tpu.memory_space<semaphore_mem>>)
        %dma_wait3A = arith.constant 0 : i32
        %dma_wait3A_138 = arith.constant 0 : i32
        %dma_wait3A_139 = tpu.memref_slice %arg11[%dma_wait3A, %dma_wait3A_138] : memref<120x128xf32, #tpu.memory_space<vmem>> -> memref<80x128xf32, #tpu.memory_space<vmem>>
        %dma_wait3A_140 = arith.constant 0 : i32
        %dma_wait3A_141 = tpu.memref_slice %arg6[%mul3A_126, %dma_wait3A_140] : memref<10008x128xf32, #tpu.memory_space<vmem_shared>> -> memref<80x128xf32, #tpu.memory_space<vmem_shared>>
        %dma_wait3A_142 = arith.constant 0 : i32
        %dma_wait3A_143 = arith.constant 0 : i32
        %dma_wait3A_144 = tpu.memref_slice %arg11[%dma_wait3A_142, %dma_wait3A_143] : memref<120x128xf32, #tpu.memory_space<vmem>> -> memref<80x128xf32, #tpu.memory_space<vmem>>
        %dma_wait3A_145 = arith.constant 0 : i32
        %dma_wait3A_146 = tpu.memref_slice %arg6[%mul3A_126, %dma_wait3A_145] : memref<10008x128xf32, #tpu.memory_space<vmem_shared>> -> memref<80x128xf32, #tpu.memory_space<vmem_shared>>
        tpu.wait_dma2 semaphore(%run_scoped3A : memref<!tpu.dma_semaphore, #tpu.memory_space<semaphore_mem>>) src(%dma_wait3A_146 : memref<80x128xf32, #tpu.memory_space<vmem_shared>>) dst(%dma_wait3A_144 : memref<80x128xf32, #tpu.memory_space<vmem>>)
        tpu.yield
      }) : () -> ()
      %mul3A_127 = arith.constant 80 : i32
      %mul3A_128 = arith.muli %add3A_112, %mul3A_127 : i32
      "tpu.region"() ({
        %run_scoped3A = tpu.sem_alloc : memref<!tpu.dma_semaphore, #tpu.memory_space<semaphore_mem>>
        %dma_start3A = arith.constant 0 : i32
        %dma_start3A_129 = arith.constant 0 : i32
        %dma_start3A_130 = tpu.memref_slice %arg11[%dma_start3A, %dma_start3A_129] : memref<120x128xf32, #tpu.memory_space<vmem>> -> memref<80x128xf32, #tpu.memory_space<vmem>>
        %dma_start3A_131 = arith.constant 0 : i32
        %dma_start3A_132 = tpu.memref_slice %arg5[%arg0, %mul3A_128, %dma_start3A_131] : memref<2x10000x128xf32, #tpu.memory_space<hbm>> -> memref<1x80x128xf32, #tpu.memory_space<hbm>>
        %dma_start3A_133 = tpu.memref_squeeze %dma_start3A_132 : memref<1x80x128xf32, #tpu.memory_space<hbm>> -> memref<80x128xf32, #tpu.memory_space<hbm>>
        %dma_start3A_134 = arith.constant 0 : i32
        %dma_start3A_135 = tpu.memref_slice %arg5[%arg0, %mul3A_128, %dma_start3A_134] : memref<2x10000x128xf32, #tpu.memory_space<hbm>> -> memref<1x80x128xf32, #tpu.memory_space<hbm>>
        %dma_start3A_136 = tpu.memref_squeeze %dma_start3A_135 : memref<1x80x128xf32, #tpu.memory_space<hbm>> -> memref<80x128xf32, #tpu.memory_space<hbm>>
        %dma_start3A_137 = arith.constant 0 : i32
        %dma_start3A_138 = arith.constant 0 : i32
        %dma_start3A_139 = tpu.memref_slice %arg11[%dma_start3A_137, %dma_start3A_138] : memref<120x128xf32, #tpu.memory_space<vmem>> -> memref<80x128xf32, #tpu.memory_space<vmem>>
        tpu.enqueue_dma source(%dma_start3A_139 : memref<80x128xf32, #tpu.memory_space<vmem>>) target(%dma_start3A_136 : memref<80x128xf32, #tpu.memory_space<hbm>>) target_semaphore(%run_scoped3A : memref<!tpu.dma_semaphore, #tpu.memory_space<semaphore_mem>>)
        %dma_wait3A = arith.constant 0 : i32
        %dma_wait3A_140 = arith.constant 0 : i32
        %dma_wait3A_141 = tpu.memref_slice %arg11[%dma_wait3A, %dma_wait3A_140] : memref<120x128xf32, #tpu.memory_space<vmem>> -> memref<80x128xf32, #tpu.memory_space<vmem>>
        %dma_wait3A_142 = arith.constant 0 : i32
        %dma_wait3A_143 = tpu.memref_slice %arg5[%arg0, %mul3A_128, %dma_wait3A_142] : memref<2x10000x128xf32, #tpu.memory_space<hbm>> -> memref<1x80x128xf32, #tpu.memory_space<hbm>>
        %dma_wait3A_144 = tpu.memref_squeeze %dma_wait3A_143 : memref<1x80x128xf32, #tpu.memory_space<hbm>> -> memref<80x128xf32, #tpu.memory_space<hbm>>
        %dma_wait3A_145 = arith.constant 0 : i32
        %dma_wait3A_146 = tpu.memref_slice %arg5[%arg0, %mul3A_128, %dma_wait3A_145] : memref<2x10000x128xf32, #tpu.memory_space<hbm>> -> memref<1x80x128xf32, #tpu.memory_space<hbm>>
        %dma_wait3A_147 = tpu.memref_squeeze %dma_wait3A_146 : memref<1x80x128xf32, #tpu.memory_space<hbm>> -> memref<80x128xf32, #tpu.memory_space<hbm>>
        %dma_wait3A_148 = arith.constant 0 : i32
        %dma_wait3A_149 = arith.constant 0 : i32
        %dma_wait3A_150 = tpu.memref_slice %arg11[%dma_wait3A_148, %dma_wait3A_149] : memref<120x128xf32, #tpu.memory_space<vmem>> -> memref<80x128xf32, #tpu.memory_space<vmem>>
        tpu.wait_dma2 semaphore(%run_scoped3A : memref<!tpu.dma_semaphore, #tpu.memory_space<semaphore_mem>>) src(%dma_wait3A_150 : memref<80x128xf32, #tpu.memory_space<vmem>>) dst(%dma_wait3A_147 : memref<80x128xf32, #tpu.memory_space<hbm>>)
        tpu.yield
      }) : () -> ()
    } else {
    }
    %add3A_118 = arith.constant 112 : i32
    %add3A_119 = arith.addi %arg1, %add3A_118 : i32
    %lt3A_120 = arith.constant 125 : i32
    %lt3A_121 = arith.cmpi slt, %add3A_119, %lt3A_120 : i32
    %convert_element_type3A_122 = arith.extui %lt3A_121 : i1 to i32
    %cond3A_123 = arith.constant 0 : i32
    %cond3A_124 = arith.cmpi ne, %convert_element_type3A_122, %cond3A_123 : i32
    scf.if %cond3A_124 {
      %mul3A_125 = arith.constant 80 : i32
      %mul3A_126 = arith.muli %add3A_119, %mul3A_125 : i32
      "tpu.region"() ({
        %run_scoped3A = tpu.sem_alloc : memref<!tpu.dma_semaphore, #tpu.memory_space<semaphore_mem>>
        %dma_start3A = arith.constant 0 : i32
        %dma_start3A_129 = arith.constant 0 : i32
        %dma_start3A_130 = tpu.memref_slice %arg11[%dma_start3A, %dma_start3A_129] : memref<120x128xf32, #tpu.memory_space<vmem>> -> memref<80x128xf32, #tpu.memory_space<vmem>>
        %dma_start3A_131 = arith.constant 0 : i32
        %dma_start3A_132 = tpu.memref_slice %arg6[%mul3A_126, %dma_start3A_131] : memref<10008x128xf32, #tpu.memory_space<vmem_shared>> -> memref<80x128xf32, #tpu.memory_space<vmem_shared>>
        %dma_start3A_133 = arith.constant 0 : i32
        %dma_start3A_134 = arith.constant 0 : i32
        %dma_start3A_135 = tpu.memref_slice %arg11[%dma_start3A_133, %dma_start3A_134] : memref<120x128xf32, #tpu.memory_space<vmem>> -> memref<80x128xf32, #tpu.memory_space<vmem>>
        %dma_start3A_136 = arith.constant 0 : i32
        %dma_start3A_137 = tpu.memref_slice %arg6[%mul3A_126, %dma_start3A_136] : memref<10008x128xf32, #tpu.memory_space<vmem_shared>> -> memref<80x128xf32, #tpu.memory_space<vmem_shared>>
        tpu.enqueue_dma source(%dma_start3A_137 : memref<80x128xf32, #tpu.memory_space<vmem_shared>>) target(%dma_start3A_135 : memref<80x128xf32, #tpu.memory_space<vmem>>) target_semaphore(%run_scoped3A : memref<!tpu.dma_semaphore, #tpu.memory_space<semaphore_mem>>)
        %dma_wait3A = arith.constant 0 : i32
        %dma_wait3A_138 = arith.constant 0 : i32
        %dma_wait3A_139 = tpu.memref_slice %arg11[%dma_wait3A, %dma_wait3A_138] : memref<120x128xf32, #tpu.memory_space<vmem>> -> memref<80x128xf32, #tpu.memory_space<vmem>>
        %dma_wait3A_140 = arith.constant 0 : i32
        %dma_wait3A_141 = tpu.memref_slice %arg6[%mul3A_126, %dma_wait3A_140] : memref<10008x128xf32, #tpu.memory_space<vmem_shared>> -> memref<80x128xf32, #tpu.memory_space<vmem_shared>>
        %dma_wait3A_142 = arith.constant 0 : i32
        %dma_wait3A_143 = arith.constant 0 : i32
        %dma_wait3A_144 = tpu.memref_slice %arg11[%dma_wait3A_142, %dma_wait3A_143] : memref<120x128xf32, #tpu.memory_space<vmem>> -> memref<80x128xf32, #tpu.memory_space<vmem>>
        %dma_wait3A_145 = arith.constant 0 : i32
        %dma_wait3A_146 = tpu.memref_slice %arg6[%mul3A_126, %dma_wait3A_145] : memref<10008x128xf32, #tpu.memory_space<vmem_shared>> -> memref<80x128xf32, #tpu.memory_space<vmem_shared>>
        tpu.wait_dma2 semaphore(%run_scoped3A : memref<!tpu.dma_semaphore, #tpu.memory_space<semaphore_mem>>) src(%dma_wait3A_146 : memref<80x128xf32, #tpu.memory_space<vmem_shared>>) dst(%dma_wait3A_144 : memref<80x128xf32, #tpu.memory_space<vmem>>)
        tpu.yield
      }) : () -> ()
      %mul3A_127 = arith.constant 80 : i32
      %mul3A_128 = arith.muli %add3A_119, %mul3A_127 : i32
      "tpu.region"() ({
        %run_scoped3A = tpu.sem_alloc : memref<!tpu.dma_semaphore, #tpu.memory_space<semaphore_mem>>
        %dma_start3A = arith.constant 0 : i32
        %dma_start3A_129 = arith.constant 0 : i32
        %dma_start3A_130 = tpu.memref_slice %arg11[%dma_start3A, %dma_start3A_129] : memref<120x128xf32, #tpu.memory_space<vmem>> -> memref<80x128xf32, #tpu.memory_space<vmem>>
        %dma_start3A_131 = arith.constant 0 : i32
        %dma_start3A_132 = tpu.memref_slice %arg5[%arg0, %mul3A_128, %dma_start3A_131] : memref<2x10000x128xf32, #tpu.memory_space<hbm>> -> memref<1x80x128xf32, #tpu.memory_space<hbm>>
        %dma_start3A_133 = tpu.memref_squeeze %dma_start3A_132 : memref<1x80x128xf32, #tpu.memory_space<hbm>> -> memref<80x128xf32, #tpu.memory_space<hbm>>
        %dma_start3A_134 = arith.constant 0 : i32
        %dma_start3A_135 = tpu.memref_slice %arg5[%arg0, %mul3A_128, %dma_start3A_134] : memref<2x10000x128xf32, #tpu.memory_space<hbm>> -> memref<1x80x128xf32, #tpu.memory_space<hbm>>
        %dma_start3A_136 = tpu.memref_squeeze %dma_start3A_135 : memref<1x80x128xf32, #tpu.memory_space<hbm>> -> memref<80x128xf32, #tpu.memory_space<hbm>>
        %dma_start3A_137 = arith.constant 0 : i32
        %dma_start3A_138 = arith.constant 0 : i32
        %dma_start3A_139 = tpu.memref_slice %arg11[%dma_start3A_137, %dma_start3A_138] : memref<120x128xf32, #tpu.memory_space<vmem>> -> memref<80x128xf32, #tpu.memory_space<vmem>>
        tpu.enqueue_dma source(%dma_start3A_139 : memref<80x128xf32, #tpu.memory_space<vmem>>) target(%dma_start3A_136 : memref<80x128xf32, #tpu.memory_space<hbm>>) target_semaphore(%run_scoped3A : memref<!tpu.dma_semaphore, #tpu.memory_space<semaphore_mem>>)
        %dma_wait3A = arith.constant 0 : i32
        %dma_wait3A_140 = arith.constant 0 : i32
        %dma_wait3A_141 = tpu.memref_slice %arg11[%dma_wait3A, %dma_wait3A_140] : memref<120x128xf32, #tpu.memory_space<vmem>> -> memref<80x128xf32, #tpu.memory_space<vmem>>
        %dma_wait3A_142 = arith.constant 0 : i32
        %dma_wait3A_143 = tpu.memref_slice %arg5[%arg0, %mul3A_128, %dma_wait3A_142] : memref<2x10000x128xf32, #tpu.memory_space<hbm>> -> memref<1x80x128xf32, #tpu.memory_space<hbm>>
        %dma_wait3A_144 = tpu.memref_squeeze %dma_wait3A_143 : memref<1x80x128xf32, #tpu.memory_space<hbm>> -> memref<80x128xf32, #tpu.memory_space<hbm>>
        %dma_wait3A_145 = arith.constant 0 : i32
        %dma_wait3A_146 = tpu.memref_slice %arg5[%arg0, %mul3A_128, %dma_wait3A_145] : memref<2x10000x128xf32, #tpu.memory_space<hbm>> -> memref<1x80x128xf32, #tpu.memory_space<hbm>>
        %dma_wait3A_147 = tpu.memref_squeeze %dma_wait3A_146 : memref<1x80x128xf32, #tpu.memory_space<hbm>> -> memref<80x128xf32, #tpu.memory_space<hbm>>
        %dma_wait3A_148 = arith.constant 0 : i32
        %dma_wait3A_149 = arith.constant 0 : i32
        %dma_wait3A_150 = tpu.memref_slice %arg11[%dma_wait3A_148, %dma_wait3A_149] : memref<120x128xf32, #tpu.memory_space<vmem>> -> memref<80x128xf32, #tpu.memory_space<vmem>>
        tpu.wait_dma2 semaphore(%run_scoped3A : memref<!tpu.dma_semaphore, #tpu.memory_space<semaphore_mem>>) src(%dma_wait3A_150 : memref<80x128xf32, #tpu.memory_space<vmem>>) dst(%dma_wait3A_147 : memref<80x128xf32, #tpu.memory_space<hbm>>)
        tpu.yield
      }) : () -> ()
    } else {
    }
    return
  }
}

#map = affine_map<(d0, d1) -> (0, 0)>
#map1 = affine_map<(d0, d1) -> (0)>
#map2 = affine_map<(d0, d1) -> (0, 0, 0)>
module attributes {stable_mosaic.version = 14 : i64} {
  func.func @body(%arg0: i32, %arg1: i32, %arg2: memref<10000x128xf32, #tpu.memory_space<hbm>>, %arg3: memref<322560xi32, #tpu.memory_space<hbm>>, %arg4: memref<322560xi32, #tpu.memory_space<hbm>>, %arg5: memref<320000x128xf32, #tpu.memory_space<hbm>>, %arg6: memref<2x10000x128xf32, #tpu.memory_space<hbm>>, %arg7: memref<10008x128xf32, #tpu.memory_space<vmem_shared>>, %arg8: memref<80xi32, #tpu.memory_space<vmem>>, %arg9: memref<80xi32, #tpu.memory_space<vmem>>, %arg10: memref<80xi32, #tpu.memory_space<vmem>>, %arg11: memref<80xi32, #tpu.memory_space<vmem>>, %arg12: memref<80x128xf32, #tpu.memory_space<vmem>>, %arg13: memref<80x128xf32, #tpu.memory_space<vmem>>, %arg14: memref<!tpu.dma_semaphore, #tpu.memory_space<semaphore_mem>>, %arg15: memref<!tpu.dma_semaphore, #tpu.memory_space<semaphore_mem>>, %arg16: memref<!tpu.dma_semaphore, #tpu.memory_space<semaphore_mem>>, %arg17: memref<!tpu.dma_semaphore, #tpu.memory_space<semaphore_mem>>, %arg18: memref<!tpu.dma_semaphore, #tpu.memory_space<semaphore_mem>>, %arg19: memref<!tpu.dma_semaphore, #tpu.memory_space<semaphore_mem>>, %arg20: memref<!tpu.dma_semaphore, #tpu.memory_space<semaphore_mem>>, %arg21: memref<!tpu.dma_semaphore, #tpu.memory_space<semaphore_mem>>, %arg22: memref<80x128xf32, #tpu.memory_space<vmem>>, %arg23: memref<80x128xf32, #tpu.memory_space<vmem>>, %arg24: memref<!tpu.dma_semaphore, #tpu.memory_space<semaphore_mem>>, %arg25: memref<!tpu.dma_semaphore, #tpu.memory_space<semaphore_mem>>) attributes {dimension_semantics = [#tpu.dimension_semantics<core_parallel>, #tpu.dimension_semantics<subcore_parallel>], iteration_bounds = array<i64: 2, 16>, scalar_prefetch = 0 : i64, scratch_operands = 19 : i64, tpu.core_type = #tpu.core_type<sc_vector_subcore>, window_params = [{transform_indices = #map}, {transform_indices = #map1}, {transform_indices = #map1}, {transform_indices = #map}, {transform_indices = #map2}]} {
    %mul3A = arith.constant 2 : i32
    %mul3A_0 = arith.muli %arg1, %mul3A : i32
    %add3A = arith.addi %mul3A_0, %arg0 : i32
    %broadcast_in_dim3A = arith.constant 0.000000e+00 : f32
    %broadcast_in_dim3A_1 = vector.broadcast %broadcast_in_dim3A : f32 to vector<16xf32>
    %scan3A = arith.constant 0 : i32
    %scan3A_2 = arith.constant 0 : i32
    %scan3A_3 = arith.constant 80 : i32
    %scan3A_4 = arith.addi %scan3A_2, %scan3A_3 : i32
    %scan3A_5 = arith.constant 1 : i32
    %scan3A_6 = scf.for %scan3A_125 = %scan3A_2 to %scan3A_4 step %scan3A_5 iter_args(%scan3A_126 = %scan3A) -> (i32)  : i32 {
      %swap3A = arith.index_cast %scan3A_125 : i32 to index
      %swap3A_127 = arith.constant 0 : index
      %swap3A_128 = tpu.vector_load %arg12[%swap3A, %swap3A_127] {strides = array<i32>} : memref<80x128xf32, #tpu.memory_space<vmem>>, vector<1x16xf32>,
      %swap3A_129 = vector.shape_cast %swap3A_128 : vector<1x16xf32> to vector<16xf32>
      %swap3A_130 = vector.shape_cast %broadcast_in_dim3A_1 : vector<16xf32> to vector<1x16xf32>
      tpu.vector_store %arg12[%swap3A, %swap3A_127], %swap3A_130 {strides = array<i32>} : memref<80x128xf32, #tpu.memory_space<vmem>>, vector<1x16xf32>,
      %swap3A_131 = arith.index_cast %scan3A_125 : i32 to index
      %swap3A_132 = arith.constant 16 : index
      %swap3A_133 = tpu.vector_load %arg12[%swap3A_131, %swap3A_132] {strides = array<i32>} : memref<80x128xf32, #tpu.memory_space<vmem>>, vector<1x16xf32>,
      %swap3A_134 = vector.shape_cast %swap3A_133 : vector<1x16xf32> to vector<16xf32>
      %swap3A_135 = vector.shape_cast %broadcast_in_dim3A_1 : vector<16xf32> to vector<1x16xf32>
      tpu.vector_store %arg12[%swap3A_131, %swap3A_132], %swap3A_135 {strides = array<i32>} : memref<80x128xf32, #tpu.memory_space<vmem>>, vector<1x16xf32>,
      %swap3A_136 = arith.index_cast %scan3A_125 : i32 to index
      %swap3A_137 = arith.constant 32 : index
      %swap3A_138 = tpu.vector_load %arg12[%swap3A_136, %swap3A_137] {strides = array<i32>} : memref<80x128xf32, #tpu.memory_space<vmem>>, vector<1x16xf32>,
      %swap3A_139 = vector.shape_cast %swap3A_138 : vector<1x16xf32> to vector<16xf32>
      %swap3A_140 = vector.shape_cast %broadcast_in_dim3A_1 : vector<16xf32> to vector<1x16xf32>
      tpu.vector_store %arg12[%swap3A_136, %swap3A_137], %swap3A_140 {strides = array<i32>} : memref<80x128xf32, #tpu.memory_space<vmem>>, vector<1x16xf32>,
      %swap3A_141 = arith.index_cast %scan3A_125 : i32 to index
      %swap3A_142 = arith.constant 48 : index
      %swap3A_143 = tpu.vector_load %arg12[%swap3A_141, %swap3A_142] {strides = array<i32>} : memref<80x128xf32, #tpu.memory_space<vmem>>, vector<1x16xf32>,
      %swap3A_144 = vector.shape_cast %swap3A_143 : vector<1x16xf32> to vector<16xf32>
      %swap3A_145 = vector.shape_cast %broadcast_in_dim3A_1 : vector<16xf32> to vector<1x16xf32>
      tpu.vector_store %arg12[%swap3A_141, %swap3A_142], %swap3A_145 {strides = array<i32>} : memref<80x128xf32, #tpu.memory_space<vmem>>, vector<1x16xf32>,
      %swap3A_146 = arith.index_cast %scan3A_125 : i32 to index
      %swap3A_147 = arith.constant 64 : index
      %swap3A_148 = tpu.vector_load %arg12[%swap3A_146, %swap3A_147] {strides = array<i32>} : memref<80x128xf32, #tpu.memory_space<vmem>>, vector<1x16xf32>,
      %swap3A_149 = vector.shape_cast %swap3A_148 : vector<1x16xf32> to vector<16xf32>
      %swap3A_150 = vector.shape_cast %broadcast_in_dim3A_1 : vector<16xf32> to vector<1x16xf32>
      tpu.vector_store %arg12[%swap3A_146, %swap3A_147], %swap3A_150 {strides = array<i32>} : memref<80x128xf32, #tpu.memory_space<vmem>>, vector<1x16xf32>,
      %swap3A_151 = arith.index_cast %scan3A_125 : i32 to index
      %swap3A_152 = arith.constant 80 : index
      %swap3A_153 = tpu.vector_load %arg12[%swap3A_151, %swap3A_152] {strides = array<i32>} : memref<80x128xf32, #tpu.memory_space<vmem>>, vector<1x16xf32>,
      %swap3A_154 = vector.shape_cast %swap3A_153 : vector<1x16xf32> to vector<16xf32>
      %swap3A_155 = vector.shape_cast %broadcast_in_dim3A_1 : vector<16xf32> to vector<1x16xf32>
      tpu.vector_store %arg12[%swap3A_151, %swap3A_152], %swap3A_155 {strides = array<i32>} : memref<80x128xf32, #tpu.memory_space<vmem>>, vector<1x16xf32>,
      %swap3A_156 = arith.index_cast %scan3A_125 : i32 to index
      %swap3A_157 = arith.constant 96 : index
      %swap3A_158 = tpu.vector_load %arg12[%swap3A_156, %swap3A_157] {strides = array<i32>} : memref<80x128xf32, #tpu.memory_space<vmem>>, vector<1x16xf32>,
      %swap3A_159 = vector.shape_cast %swap3A_158 : vector<1x16xf32> to vector<16xf32>
      %swap3A_160 = vector.shape_cast %broadcast_in_dim3A_1 : vector<16xf32> to vector<1x16xf32>
      tpu.vector_store %arg12[%swap3A_156, %swap3A_157], %swap3A_160 {strides = array<i32>} : memref<80x128xf32, #tpu.memory_space<vmem>>, vector<1x16xf32>,
      %swap3A_161 = arith.index_cast %scan3A_125 : i32 to index
      %swap3A_162 = arith.constant 112 : index
      %swap3A_163 = tpu.vector_load %arg12[%swap3A_161, %swap3A_162] {strides = array<i32>} : memref<80x128xf32, #tpu.memory_space<vmem>>, vector<1x16xf32>,
      %swap3A_164 = vector.shape_cast %swap3A_163 : vector<1x16xf32> to vector<16xf32>
      %swap3A_165 = vector.shape_cast %broadcast_in_dim3A_1 : vector<16xf32> to vector<1x16xf32>
      tpu.vector_store %arg12[%swap3A_161, %swap3A_162], %swap3A_165 {strides = array<i32>} : memref<80x128xf32, #tpu.memory_space<vmem>>, vector<1x16xf32>,
      %scan3A_166 = arith.constant 0 : i32
      scf.yield %scan3A_166 : i32
    }
    %scan3A_7 = arith.constant 80 : i32
    %add3A_8 = arith.constant 0 : i32
    %add3A_9 = arith.addi %arg1, %add3A_8 : i32
    %lt3A = arith.constant 125 : i32
    %lt3A_10 = arith.cmpi slt, %add3A_9, %lt3A : i32
    %convert_element_type3A = arith.extui %lt3A_10 : i1 to i32
    %cond3A = arith.constant 0 : i32
    %cond3A_11 = arith.cmpi ne, %convert_element_type3A, %cond3A : i32
    scf.if %cond3A_11 {
      %mul3A_125 = arith.constant 80 : i32
      %mul3A_126 = arith.muli %add3A_9, %mul3A_125 : i32
      "tpu.region"() ({
        %run_scoped3A = tpu.sem_alloc : memref<!tpu.dma_semaphore, #tpu.memory_space<semaphore_mem>>
        %dma_start3A = arith.constant 0 : i32
        %dma_start3A_127 = arith.constant 0 : i32
        %dma_start3A_128 = tpu.memref_slice %arg12[%dma_start3A, %dma_start3A_127] : memref<80x128xf32, #tpu.memory_space<vmem>> -> memref<80x128xf32, #tpu.memory_space<vmem>>
        %dma_start3A_129 = arith.constant 0 : i32
        %dma_start3A_130 = tpu.memref_slice %arg7[%mul3A_126, %dma_start3A_129] : memref<10008x128xf32, #tpu.memory_space<vmem_shared>> -> memref<80x128xf32, #tpu.memory_space<vmem_shared>>
        %dma_start3A_131 = arith.constant 0 : i32
        %dma_start3A_132 = tpu.memref_slice %arg7[%mul3A_126, %dma_start3A_131] : memref<10008x128xf32, #tpu.memory_space<vmem_shared>> -> memref<80x128xf32, #tpu.memory_space<vmem_shared>>
        %dma_start3A_133 = arith.constant 0 : i32
        %dma_start3A_134 = arith.constant 0 : i32
        %dma_start3A_135 = tpu.memref_slice %arg12[%dma_start3A_133, %dma_start3A_134] : memref<80x128xf32, #tpu.memory_space<vmem>> -> memref<80x128xf32, #tpu.memory_space<vmem>>
        tpu.enqueue_dma source(%dma_start3A_135 : memref<80x128xf32, #tpu.memory_space<vmem>>) target(%dma_start3A_132 : memref<80x128xf32, #tpu.memory_space<vmem_shared>>) target_semaphore(%run_scoped3A : memref<!tpu.dma_semaphore, #tpu.memory_space<semaphore_mem>>)
        %dma_wait3A = arith.constant 0 : i32
        %dma_wait3A_136 = arith.constant 0 : i32
        %dma_wait3A_137 = tpu.memref_slice %arg12[%dma_wait3A, %dma_wait3A_136] : memref<80x128xf32, #tpu.memory_space<vmem>> -> memref<80x128xf32, #tpu.memory_space<vmem>>
        %dma_wait3A_138 = arith.constant 0 : i32
        %dma_wait3A_139 = tpu.memref_slice %arg7[%mul3A_126, %dma_wait3A_138] : memref<10008x128xf32, #tpu.memory_space<vmem_shared>> -> memref<80x128xf32, #tpu.memory_space<vmem_shared>>
        %dma_wait3A_140 = arith.constant 0 : i32
        %dma_wait3A_141 = tpu.memref_slice %arg7[%mul3A_126, %dma_wait3A_140] : memref<10008x128xf32, #tpu.memory_space<vmem_shared>> -> memref<80x128xf32, #tpu.memory_space<vmem_shared>>
        %dma_wait3A_142 = arith.constant 0 : i32
        %dma_wait3A_143 = arith.constant 0 : i32
        %dma_wait3A_144 = tpu.memref_slice %arg12[%dma_wait3A_142, %dma_wait3A_143] : memref<80x128xf32, #tpu.memory_space<vmem>> -> memref<80x128xf32, #tpu.memory_space<vmem>>
        tpu.wait_dma2 semaphore(%run_scoped3A : memref<!tpu.dma_semaphore, #tpu.memory_space<semaphore_mem>>) src(%dma_wait3A_144 : memref<80x128xf32, #tpu.memory_space<vmem>>) dst(%dma_wait3A_141 : memref<80x128xf32, #tpu.memory_space<vmem_shared>>)
        tpu.yield
      }) : () -> ()
    } else {
    }
    %add3A_12 = arith.constant 16 : i32
    %add3A_13 = arith.addi %arg1, %add3A_12 : i32
    %lt3A_14 = arith.constant 125 : i32
    %lt3A_15 = arith.cmpi slt, %add3A_13, %lt3A_14 : i32
    %convert_element_type3A_16 = arith.extui %lt3A_15 : i1 to i32
    %cond3A_17 = arith.constant 0 : i32
    %cond3A_18 = arith.cmpi ne, %convert_element_type3A_16, %cond3A_17 : i32
    scf.if %cond3A_18 {
      %mul3A_125 = arith.constant 80 : i32
      %mul3A_126 = arith.muli %add3A_13, %mul3A_125 : i32
      "tpu.region"() ({
        %run_scoped3A = tpu.sem_alloc : memref<!tpu.dma_semaphore, #tpu.memory_space<semaphore_mem>>
        %dma_start3A = arith.constant 0 : i32
        %dma_start3A_127 = arith.constant 0 : i32
        %dma_start3A_128 = tpu.memref_slice %arg12[%dma_start3A, %dma_start3A_127] : memref<80x128xf32, #tpu.memory_space<vmem>> -> memref<80x128xf32, #tpu.memory_space<vmem>>
        %dma_start3A_129 = arith.constant 0 : i32
        %dma_start3A_130 = tpu.memref_slice %arg7[%mul3A_126, %dma_start3A_129] : memref<10008x128xf32, #tpu.memory_space<vmem_shared>> -> memref<80x128xf32, #tpu.memory_space<vmem_shared>>
        %dma_start3A_131 = arith.constant 0 : i32
        %dma_start3A_132 = tpu.memref_slice %arg7[%mul3A_126, %dma_start3A_131] : memref<10008x128xf32, #tpu.memory_space<vmem_shared>> -> memref<80x128xf32, #tpu.memory_space<vmem_shared>>
        %dma_start3A_133 = arith.constant 0 : i32
        %dma_start3A_134 = arith.constant 0 : i32
        %dma_start3A_135 = tpu.memref_slice %arg12[%dma_start3A_133, %dma_start3A_134] : memref<80x128xf32, #tpu.memory_space<vmem>> -> memref<80x128xf32, #tpu.memory_space<vmem>>
        tpu.enqueue_dma source(%dma_start3A_135 : memref<80x128xf32, #tpu.memory_space<vmem>>) target(%dma_start3A_132 : memref<80x128xf32, #tpu.memory_space<vmem_shared>>) target_semaphore(%run_scoped3A : memref<!tpu.dma_semaphore, #tpu.memory_space<semaphore_mem>>)
        %dma_wait3A = arith.constant 0 : i32
        %dma_wait3A_136 = arith.constant 0 : i32
        %dma_wait3A_137 = tpu.memref_slice %arg12[%dma_wait3A, %dma_wait3A_136] : memref<80x128xf32, #tpu.memory_space<vmem>> -> memref<80x128xf32, #tpu.memory_space<vmem>>
        %dma_wait3A_138 = arith.constant 0 : i32
        %dma_wait3A_139 = tpu.memref_slice %arg7[%mul3A_126, %dma_wait3A_138] : memref<10008x128xf32, #tpu.memory_space<vmem_shared>> -> memref<80x128xf32, #tpu.memory_space<vmem_shared>>
        %dma_wait3A_140 = arith.constant 0 : i32
        %dma_wait3A_141 = tpu.memref_slice %arg7[%mul3A_126, %dma_wait3A_140] : memref<10008x128xf32, #tpu.memory_space<vmem_shared>> -> memref<80x128xf32, #tpu.memory_space<vmem_shared>>
        %dma_wait3A_142 = arith.constant 0 : i32
        %dma_wait3A_143 = arith.constant 0 : i32
        %dma_wait3A_144 = tpu.memref_slice %arg12[%dma_wait3A_142, %dma_wait3A_143] : memref<80x128xf32, #tpu.memory_space<vmem>> -> memref<80x128xf32, #tpu.memory_space<vmem>>
        tpu.wait_dma2 semaphore(%run_scoped3A : memref<!tpu.dma_semaphore, #tpu.memory_space<semaphore_mem>>) src(%dma_wait3A_144 : memref<80x128xf32, #tpu.memory_space<vmem>>) dst(%dma_wait3A_141 : memref<80x128xf32, #tpu.memory_space<vmem_shared>>)
        tpu.yield
      }) : () -> ()
    } else {
    }
    %add3A_19 = arith.constant 32 : i32
    %add3A_20 = arith.addi %arg1, %add3A_19 : i32
    %lt3A_21 = arith.constant 125 : i32
    %lt3A_22 = arith.cmpi slt, %add3A_20, %lt3A_21 : i32
    %convert_element_type3A_23 = arith.extui %lt3A_22 : i1 to i32
    %cond3A_24 = arith.constant 0 : i32
    %cond3A_25 = arith.cmpi ne, %convert_element_type3A_23, %cond3A_24 : i32
    scf.if %cond3A_25 {
      %mul3A_125 = arith.constant 80 : i32
      %mul3A_126 = arith.muli %add3A_20, %mul3A_125 : i32
      "tpu.region"() ({
        %run_scoped3A = tpu.sem_alloc : memref<!tpu.dma_semaphore, #tpu.memory_space<semaphore_mem>>
        %dma_start3A = arith.constant 0 : i32
        %dma_start3A_127 = arith.constant 0 : i32
        %dma_start3A_128 = tpu.memref_slice %arg12[%dma_start3A, %dma_start3A_127] : memref<80x128xf32, #tpu.memory_space<vmem>> -> memref<80x128xf32, #tpu.memory_space<vmem>>
        %dma_start3A_129 = arith.constant 0 : i32
        %dma_start3A_130 = tpu.memref_slice %arg7[%mul3A_126, %dma_start3A_129] : memref<10008x128xf32, #tpu.memory_space<vmem_shared>> -> memref<80x128xf32, #tpu.memory_space<vmem_shared>>
        %dma_start3A_131 = arith.constant 0 : i32
        %dma_start3A_132 = tpu.memref_slice %arg7[%mul3A_126, %dma_start3A_131] : memref<10008x128xf32, #tpu.memory_space<vmem_shared>> -> memref<80x128xf32, #tpu.memory_space<vmem_shared>>
        %dma_start3A_133 = arith.constant 0 : i32
        %dma_start3A_134 = arith.constant 0 : i32
        %dma_start3A_135 = tpu.memref_slice %arg12[%dma_start3A_133, %dma_start3A_134] : memref<80x128xf32, #tpu.memory_space<vmem>> -> memref<80x128xf32, #tpu.memory_space<vmem>>
        tpu.enqueue_dma source(%dma_start3A_135 : memref<80x128xf32, #tpu.memory_space<vmem>>) target(%dma_start3A_132 : memref<80x128xf32, #tpu.memory_space<vmem_shared>>) target_semaphore(%run_scoped3A : memref<!tpu.dma_semaphore, #tpu.memory_space<semaphore_mem>>)
        %dma_wait3A = arith.constant 0 : i32
        %dma_wait3A_136 = arith.constant 0 : i32
        %dma_wait3A_137 = tpu.memref_slice %arg12[%dma_wait3A, %dma_wait3A_136] : memref<80x128xf32, #tpu.memory_space<vmem>> -> memref<80x128xf32, #tpu.memory_space<vmem>>
        %dma_wait3A_138 = arith.constant 0 : i32
        %dma_wait3A_139 = tpu.memref_slice %arg7[%mul3A_126, %dma_wait3A_138] : memref<10008x128xf32, #tpu.memory_space<vmem_shared>> -> memref<80x128xf32, #tpu.memory_space<vmem_shared>>
        %dma_wait3A_140 = arith.constant 0 : i32
        %dma_wait3A_141 = tpu.memref_slice %arg7[%mul3A_126, %dma_wait3A_140] : memref<10008x128xf32, #tpu.memory_space<vmem_shared>> -> memref<80x128xf32, #tpu.memory_space<vmem_shared>>
        %dma_wait3A_142 = arith.constant 0 : i32
        %dma_wait3A_143 = arith.constant 0 : i32
        %dma_wait3A_144 = tpu.memref_slice %arg12[%dma_wait3A_142, %dma_wait3A_143] : memref<80x128xf32, #tpu.memory_space<vmem>> -> memref<80x128xf32, #tpu.memory_space<vmem>>
        tpu.wait_dma2 semaphore(%run_scoped3A : memref<!tpu.dma_semaphore, #tpu.memory_space<semaphore_mem>>) src(%dma_wait3A_144 : memref<80x128xf32, #tpu.memory_space<vmem>>) dst(%dma_wait3A_141 : memref<80x128xf32, #tpu.memory_space<vmem_shared>>)
        tpu.yield
      }) : () -> ()
    } else {
    }
    %add3A_26 = arith.constant 48 : i32
    %add3A_27 = arith.addi %arg1, %add3A_26 : i32
    %lt3A_28 = arith.constant 125 : i32
    %lt3A_29 = arith.cmpi slt, %add3A_27, %lt3A_28 : i32
    %convert_element_type3A_30 = arith.extui %lt3A_29 : i1 to i32
    %cond3A_31 = arith.constant 0 : i32
    %cond3A_32 = arith.cmpi ne, %convert_element_type3A_30, %cond3A_31 : i32
    scf.if %cond3A_32 {
      %mul3A_125 = arith.constant 80 : i32
      %mul3A_126 = arith.muli %add3A_27, %mul3A_125 : i32
      "tpu.region"() ({
        %run_scoped3A = tpu.sem_alloc : memref<!tpu.dma_semaphore, #tpu.memory_space<semaphore_mem>>
        %dma_start3A = arith.constant 0 : i32
        %dma_start3A_127 = arith.constant 0 : i32
        %dma_start3A_128 = tpu.memref_slice %arg12[%dma_start3A, %dma_start3A_127] : memref<80x128xf32, #tpu.memory_space<vmem>> -> memref<80x128xf32, #tpu.memory_space<vmem>>
        %dma_start3A_129 = arith.constant 0 : i32
        %dma_start3A_130 = tpu.memref_slice %arg7[%mul3A_126, %dma_start3A_129] : memref<10008x128xf32, #tpu.memory_space<vmem_shared>> -> memref<80x128xf32, #tpu.memory_space<vmem_shared>>
        %dma_start3A_131 = arith.constant 0 : i32
        %dma_start3A_132 = tpu.memref_slice %arg7[%mul3A_126, %dma_start3A_131] : memref<10008x128xf32, #tpu.memory_space<vmem_shared>> -> memref<80x128xf32, #tpu.memory_space<vmem_shared>>
        %dma_start3A_133 = arith.constant 0 : i32
        %dma_start3A_134 = arith.constant 0 : i32
        %dma_start3A_135 = tpu.memref_slice %arg12[%dma_start3A_133, %dma_start3A_134] : memref<80x128xf32, #tpu.memory_space<vmem>> -> memref<80x128xf32, #tpu.memory_space<vmem>>
        tpu.enqueue_dma source(%dma_start3A_135 : memref<80x128xf32, #tpu.memory_space<vmem>>) target(%dma_start3A_132 : memref<80x128xf32, #tpu.memory_space<vmem_shared>>) target_semaphore(%run_scoped3A : memref<!tpu.dma_semaphore, #tpu.memory_space<semaphore_mem>>)
        %dma_wait3A = arith.constant 0 : i32
        %dma_wait3A_136 = arith.constant 0 : i32
        %dma_wait3A_137 = tpu.memref_slice %arg12[%dma_wait3A, %dma_wait3A_136] : memref<80x128xf32, #tpu.memory_space<vmem>> -> memref<80x128xf32, #tpu.memory_space<vmem>>
        %dma_wait3A_138 = arith.constant 0 : i32
        %dma_wait3A_139 = tpu.memref_slice %arg7[%mul3A_126, %dma_wait3A_138] : memref<10008x128xf32, #tpu.memory_space<vmem_shared>> -> memref<80x128xf32, #tpu.memory_space<vmem_shared>>
        %dma_wait3A_140 = arith.constant 0 : i32
        %dma_wait3A_141 = tpu.memref_slice %arg7[%mul3A_126, %dma_wait3A_140] : memref<10008x128xf32, #tpu.memory_space<vmem_shared>> -> memref<80x128xf32, #tpu.memory_space<vmem_shared>>
        %dma_wait3A_142 = arith.constant 0 : i32
        %dma_wait3A_143 = arith.constant 0 : i32
        %dma_wait3A_144 = tpu.memref_slice %arg12[%dma_wait3A_142, %dma_wait3A_143] : memref<80x128xf32, #tpu.memory_space<vmem>> -> memref<80x128xf32, #tpu.memory_space<vmem>>
        tpu.wait_dma2 semaphore(%run_scoped3A : memref<!tpu.dma_semaphore, #tpu.memory_space<semaphore_mem>>) src(%dma_wait3A_144 : memref<80x128xf32, #tpu.memory_space<vmem>>) dst(%dma_wait3A_141 : memref<80x128xf32, #tpu.memory_space<vmem_shared>>)
        tpu.yield
      }) : () -> ()
    } else {
    }
    %add3A_33 = arith.constant 64 : i32
    %add3A_34 = arith.addi %arg1, %add3A_33 : i32
    %lt3A_35 = arith.constant 125 : i32
    %lt3A_36 = arith.cmpi slt, %add3A_34, %lt3A_35 : i32
    %convert_element_type3A_37 = arith.extui %lt3A_36 : i1 to i32
    %cond3A_38 = arith.constant 0 : i32
    %cond3A_39 = arith.cmpi ne, %convert_element_type3A_37, %cond3A_38 : i32
    scf.if %cond3A_39 {
      %mul3A_125 = arith.constant 80 : i32
      %mul3A_126 = arith.muli %add3A_34, %mul3A_125 : i32
      "tpu.region"() ({
        %run_scoped3A = tpu.sem_alloc : memref<!tpu.dma_semaphore, #tpu.memory_space<semaphore_mem>>
        %dma_start3A = arith.constant 0 : i32
        %dma_start3A_127 = arith.constant 0 : i32
        %dma_start3A_128 = tpu.memref_slice %arg12[%dma_start3A, %dma_start3A_127] : memref<80x128xf32, #tpu.memory_space<vmem>> -> memref<80x128xf32, #tpu.memory_space<vmem>>
        %dma_start3A_129 = arith.constant 0 : i32
        %dma_start3A_130 = tpu.memref_slice %arg7[%mul3A_126, %dma_start3A_129] : memref<10008x128xf32, #tpu.memory_space<vmem_shared>> -> memref<80x128xf32, #tpu.memory_space<vmem_shared>>
        %dma_start3A_131 = arith.constant 0 : i32
        %dma_start3A_132 = tpu.memref_slice %arg7[%mul3A_126, %dma_start3A_131] : memref<10008x128xf32, #tpu.memory_space<vmem_shared>> -> memref<80x128xf32, #tpu.memory_space<vmem_shared>>
        %dma_start3A_133 = arith.constant 0 : i32
        %dma_start3A_134 = arith.constant 0 : i32
        %dma_start3A_135 = tpu.memref_slice %arg12[%dma_start3A_133, %dma_start3A_134] : memref<80x128xf32, #tpu.memory_space<vmem>> -> memref<80x128xf32, #tpu.memory_space<vmem>>
        tpu.enqueue_dma source(%dma_start3A_135 : memref<80x128xf32, #tpu.memory_space<vmem>>) target(%dma_start3A_132 : memref<80x128xf32, #tpu.memory_space<vmem_shared>>) target_semaphore(%run_scoped3A : memref<!tpu.dma_semaphore, #tpu.memory_space<semaphore_mem>>)
        %dma_wait3A = arith.constant 0 : i32
        %dma_wait3A_136 = arith.constant 0 : i32
        %dma_wait3A_137 = tpu.memref_slice %arg12[%dma_wait3A, %dma_wait3A_136] : memref<80x128xf32, #tpu.memory_space<vmem>> -> memref<80x128xf32, #tpu.memory_space<vmem>>
        %dma_wait3A_138 = arith.constant 0 : i32
        %dma_wait3A_139 = tpu.memref_slice %arg7[%mul3A_126, %dma_wait3A_138] : memref<10008x128xf32, #tpu.memory_space<vmem_shared>> -> memref<80x128xf32, #tpu.memory_space<vmem_shared>>
        %dma_wait3A_140 = arith.constant 0 : i32
        %dma_wait3A_141 = tpu.memref_slice %arg7[%mul3A_126, %dma_wait3A_140] : memref<10008x128xf32, #tpu.memory_space<vmem_shared>> -> memref<80x128xf32, #tpu.memory_space<vmem_shared>>
        %dma_wait3A_142 = arith.constant 0 : i32
        %dma_wait3A_143 = arith.constant 0 : i32
        %dma_wait3A_144 = tpu.memref_slice %arg12[%dma_wait3A_142, %dma_wait3A_143] : memref<80x128xf32, #tpu.memory_space<vmem>> -> memref<80x128xf32, #tpu.memory_space<vmem>>
        tpu.wait_dma2 semaphore(%run_scoped3A : memref<!tpu.dma_semaphore, #tpu.memory_space<semaphore_mem>>) src(%dma_wait3A_144 : memref<80x128xf32, #tpu.memory_space<vmem>>) dst(%dma_wait3A_141 : memref<80x128xf32, #tpu.memory_space<vmem_shared>>)
        tpu.yield
      }) : () -> ()
    } else {
    }
    %add3A_40 = arith.constant 80 : i32
    %add3A_41 = arith.addi %arg1, %add3A_40 : i32
    %lt3A_42 = arith.constant 125 : i32
    %lt3A_43 = arith.cmpi slt, %add3A_41, %lt3A_42 : i32
    %convert_element_type3A_44 = arith.extui %lt3A_43 : i1 to i32
    %cond3A_45 = arith.constant 0 : i32
    %cond3A_46 = arith.cmpi ne, %convert_element_type3A_44, %cond3A_45 : i32
    scf.if %cond3A_46 {
      %mul3A_125 = arith.constant 80 : i32
      %mul3A_126 = arith.muli %add3A_41, %mul3A_125 : i32
      "tpu.region"() ({
        %run_scoped3A = tpu.sem_alloc : memref<!tpu.dma_semaphore, #tpu.memory_space<semaphore_mem>>
        %dma_start3A = arith.constant 0 : i32
        %dma_start3A_127 = arith.constant 0 : i32
        %dma_start3A_128 = tpu.memref_slice %arg12[%dma_start3A, %dma_start3A_127] : memref<80x128xf32, #tpu.memory_space<vmem>> -> memref<80x128xf32, #tpu.memory_space<vmem>>
        %dma_start3A_129 = arith.constant 0 : i32
        %dma_start3A_130 = tpu.memref_slice %arg7[%mul3A_126, %dma_start3A_129] : memref<10008x128xf32, #tpu.memory_space<vmem_shared>> -> memref<80x128xf32, #tpu.memory_space<vmem_shared>>
        %dma_start3A_131 = arith.constant 0 : i32
        %dma_start3A_132 = tpu.memref_slice %arg7[%mul3A_126, %dma_start3A_131] : memref<10008x128xf32, #tpu.memory_space<vmem_shared>> -> memref<80x128xf32, #tpu.memory_space<vmem_shared>>
        %dma_start3A_133 = arith.constant 0 : i32
        %dma_start3A_134 = arith.constant 0 : i32
        %dma_start3A_135 = tpu.memref_slice %arg12[%dma_start3A_133, %dma_start3A_134] : memref<80x128xf32, #tpu.memory_space<vmem>> -> memref<80x128xf32, #tpu.memory_space<vmem>>
        tpu.enqueue_dma source(%dma_start3A_135 : memref<80x128xf32, #tpu.memory_space<vmem>>) target(%dma_start3A_132 : memref<80x128xf32, #tpu.memory_space<vmem_shared>>) target_semaphore(%run_scoped3A : memref<!tpu.dma_semaphore, #tpu.memory_space<semaphore_mem>>)
        %dma_wait3A = arith.constant 0 : i32
        %dma_wait3A_136 = arith.constant 0 : i32
        %dma_wait3A_137 = tpu.memref_slice %arg12[%dma_wait3A, %dma_wait3A_136] : memref<80x128xf32, #tpu.memory_space<vmem>> -> memref<80x128xf32, #tpu.memory_space<vmem>>
        %dma_wait3A_138 = arith.constant 0 : i32
        %dma_wait3A_139 = tpu.memref_slice %arg7[%mul3A_126, %dma_wait3A_138] : memref<10008x128xf32, #tpu.memory_space<vmem_shared>> -> memref<80x128xf32, #tpu.memory_space<vmem_shared>>
        %dma_wait3A_140 = arith.constant 0 : i32
        %dma_wait3A_141 = tpu.memref_slice %arg7[%mul3A_126, %dma_wait3A_140] : memref<10008x128xf32, #tpu.memory_space<vmem_shared>> -> memref<80x128xf32, #tpu.memory_space<vmem_shared>>
        %dma_wait3A_142 = arith.constant 0 : i32
        %dma_wait3A_143 = arith.constant 0 : i32
        %dma_wait3A_144 = tpu.memref_slice %arg12[%dma_wait3A_142, %dma_wait3A_143] : memref<80x128xf32, #tpu.memory_space<vmem>> -> memref<80x128xf32, #tpu.memory_space<vmem>>
        tpu.wait_dma2 semaphore(%run_scoped3A : memref<!tpu.dma_semaphore, #tpu.memory_space<semaphore_mem>>) src(%dma_wait3A_144 : memref<80x128xf32, #tpu.memory_space<vmem>>) dst(%dma_wait3A_141 : memref<80x128xf32, #tpu.memory_space<vmem_shared>>)
        tpu.yield
      }) : () -> ()
    } else {
    }
    %add3A_47 = arith.constant 96 : i32
    %add3A_48 = arith.addi %arg1, %add3A_47 : i32
    %lt3A_49 = arith.constant 125 : i32
    %lt3A_50 = arith.cmpi slt, %add3A_48, %lt3A_49 : i32
    %convert_element_type3A_51 = arith.extui %lt3A_50 : i1 to i32
    %cond3A_52 = arith.constant 0 : i32
    %cond3A_53 = arith.cmpi ne, %convert_element_type3A_51, %cond3A_52 : i32
    scf.if %cond3A_53 {
      %mul3A_125 = arith.constant 80 : i32
      %mul3A_126 = arith.muli %add3A_48, %mul3A_125 : i32
      "tpu.region"() ({
        %run_scoped3A = tpu.sem_alloc : memref<!tpu.dma_semaphore, #tpu.memory_space<semaphore_mem>>
        %dma_start3A = arith.constant 0 : i32
        %dma_start3A_127 = arith.constant 0 : i32
        %dma_start3A_128 = tpu.memref_slice %arg12[%dma_start3A, %dma_start3A_127] : memref<80x128xf32, #tpu.memory_space<vmem>> -> memref<80x128xf32, #tpu.memory_space<vmem>>
        %dma_start3A_129 = arith.constant 0 : i32
        %dma_start3A_130 = tpu.memref_slice %arg7[%mul3A_126, %dma_start3A_129] : memref<10008x128xf32, #tpu.memory_space<vmem_shared>> -> memref<80x128xf32, #tpu.memory_space<vmem_shared>>
        %dma_start3A_131 = arith.constant 0 : i32
        %dma_start3A_132 = tpu.memref_slice %arg7[%mul3A_126, %dma_start3A_131] : memref<10008x128xf32, #tpu.memory_space<vmem_shared>> -> memref<80x128xf32, #tpu.memory_space<vmem_shared>>
        %dma_start3A_133 = arith.constant 0 : i32
        %dma_start3A_134 = arith.constant 0 : i32
        %dma_start3A_135 = tpu.memref_slice %arg12[%dma_start3A_133, %dma_start3A_134] : memref<80x128xf32, #tpu.memory_space<vmem>> -> memref<80x128xf32, #tpu.memory_space<vmem>>
        tpu.enqueue_dma source(%dma_start3A_135 : memref<80x128xf32, #tpu.memory_space<vmem>>) target(%dma_start3A_132 : memref<80x128xf32, #tpu.memory_space<vmem_shared>>) target_semaphore(%run_scoped3A : memref<!tpu.dma_semaphore, #tpu.memory_space<semaphore_mem>>)
        %dma_wait3A = arith.constant 0 : i32
        %dma_wait3A_136 = arith.constant 0 : i32
        %dma_wait3A_137 = tpu.memref_slice %arg12[%dma_wait3A, %dma_wait3A_136] : memref<80x128xf32, #tpu.memory_space<vmem>> -> memref<80x128xf32, #tpu.memory_space<vmem>>
        %dma_wait3A_138 = arith.constant 0 : i32
        %dma_wait3A_139 = tpu.memref_slice %arg7[%mul3A_126, %dma_wait3A_138] : memref<10008x128xf32, #tpu.memory_space<vmem_shared>> -> memref<80x128xf32, #tpu.memory_space<vmem_shared>>
        %dma_wait3A_140 = arith.constant 0 : i32
        %dma_wait3A_141 = tpu.memref_slice %arg7[%mul3A_126, %dma_wait3A_140] : memref<10008x128xf32, #tpu.memory_space<vmem_shared>> -> memref<80x128xf32, #tpu.memory_space<vmem_shared>>
        %dma_wait3A_142 = arith.constant 0 : i32
        %dma_wait3A_143 = arith.constant 0 : i32
        %dma_wait3A_144 = tpu.memref_slice %arg12[%dma_wait3A_142, %dma_wait3A_143] : memref<80x128xf32, #tpu.memory_space<vmem>> -> memref<80x128xf32, #tpu.memory_space<vmem>>
        tpu.wait_dma2 semaphore(%run_scoped3A : memref<!tpu.dma_semaphore, #tpu.memory_space<semaphore_mem>>) src(%dma_wait3A_144 : memref<80x128xf32, #tpu.memory_space<vmem>>) dst(%dma_wait3A_141 : memref<80x128xf32, #tpu.memory_space<vmem_shared>>)
        tpu.yield
      }) : () -> ()
    } else {
    }
    %add3A_54 = arith.constant 112 : i32
    %add3A_55 = arith.addi %arg1, %add3A_54 : i32
    %lt3A_56 = arith.constant 125 : i32
    %lt3A_57 = arith.cmpi slt, %add3A_55, %lt3A_56 : i32
    %convert_element_type3A_58 = arith.extui %lt3A_57 : i1 to i32
    %cond3A_59 = arith.constant 0 : i32
    %cond3A_60 = arith.cmpi ne, %convert_element_type3A_58, %cond3A_59 : i32
    scf.if %cond3A_60 {
      %mul3A_125 = arith.constant 80 : i32
      %mul3A_126 = arith.muli %add3A_55, %mul3A_125 : i32
      "tpu.region"() ({
        %run_scoped3A = tpu.sem_alloc : memref<!tpu.dma_semaphore, #tpu.memory_space<semaphore_mem>>
        %dma_start3A = arith.constant 0 : i32
        %dma_start3A_127 = arith.constant 0 : i32
        %dma_start3A_128 = tpu.memref_slice %arg12[%dma_start3A, %dma_start3A_127] : memref<80x128xf32, #tpu.memory_space<vmem>> -> memref<80x128xf32, #tpu.memory_space<vmem>>
        %dma_start3A_129 = arith.constant 0 : i32
        %dma_start3A_130 = tpu.memref_slice %arg7[%mul3A_126, %dma_start3A_129] : memref<10008x128xf32, #tpu.memory_space<vmem_shared>> -> memref<80x128xf32, #tpu.memory_space<vmem_shared>>
        %dma_start3A_131 = arith.constant 0 : i32
        %dma_start3A_132 = tpu.memref_slice %arg7[%mul3A_126, %dma_start3A_131] : memref<10008x128xf32, #tpu.memory_space<vmem_shared>> -> memref<80x128xf32, #tpu.memory_space<vmem_shared>>
        %dma_start3A_133 = arith.constant 0 : i32
        %dma_start3A_134 = arith.constant 0 : i32
        %dma_start3A_135 = tpu.memref_slice %arg12[%dma_start3A_133, %dma_start3A_134] : memref<80x128xf32, #tpu.memory_space<vmem>> -> memref<80x128xf32, #tpu.memory_space<vmem>>
        tpu.enqueue_dma source(%dma_start3A_135 : memref<80x128xf32, #tpu.memory_space<vmem>>) target(%dma_start3A_132 : memref<80x128xf32, #tpu.memory_space<vmem_shared>>) target_semaphore(%run_scoped3A : memref<!tpu.dma_semaphore, #tpu.memory_space<semaphore_mem>>)
        %dma_wait3A = arith.constant 0 : i32
        %dma_wait3A_136 = arith.constant 0 : i32
        %dma_wait3A_137 = tpu.memref_slice %arg12[%dma_wait3A, %dma_wait3A_136] : memref<80x128xf32, #tpu.memory_space<vmem>> -> memref<80x128xf32, #tpu.memory_space<vmem>>
        %dma_wait3A_138 = arith.constant 0 : i32
        %dma_wait3A_139 = tpu.memref_slice %arg7[%mul3A_126, %dma_wait3A_138] : memref<10008x128xf32, #tpu.memory_space<vmem_shared>> -> memref<80x128xf32, #tpu.memory_space<vmem_shared>>
        %dma_wait3A_140 = arith.constant 0 : i32
        %dma_wait3A_141 = tpu.memref_slice %arg7[%mul3A_126, %dma_wait3A_140] : memref<10008x128xf32, #tpu.memory_space<vmem_shared>> -> memref<80x128xf32, #tpu.memory_space<vmem_shared>>
        %dma_wait3A_142 = arith.constant 0 : i32
        %dma_wait3A_143 = arith.constant 0 : i32
        %dma_wait3A_144 = tpu.memref_slice %arg12[%dma_wait3A_142, %dma_wait3A_143] : memref<80x128xf32, #tpu.memory_space<vmem>> -> memref<80x128xf32, #tpu.memory_space<vmem>>
        tpu.wait_dma2 semaphore(%run_scoped3A : memref<!tpu.dma_semaphore, #tpu.memory_space<semaphore_mem>>) src(%dma_wait3A_144 : memref<80x128xf32, #tpu.memory_space<vmem>>) dst(%dma_wait3A_141 : memref<80x128xf32, #tpu.memory_space<vmem_shared>>)
        tpu.yield
      }) : () -> ()
    } else {
    }
    %barrier3A = arith.constant 0 : index
    tpu.barrier barrier_id(%barrier3A)
    %scan3A_61 = arith.constant 0 : i32
    %scan3A_62 = arith.constant 0 : i32
    %scan3A_63 = arith.constant 63 : i32
    %scan3A_64 = arith.addi %scan3A_62, %scan3A_63 : i32
    %scan3A_65 = arith.constant 1 : i32
    %scan3A_66 = scf.for %scan3A_125 = %scan3A_62 to %scan3A_64 step %scan3A_65 iter_args(%scan3A_126 = %scan3A_61) -> (i32)  : i32 {
      %mul3A_127 = arith.constant 2 : i32
      %mul3A_128 = arith.muli %scan3A_125, %mul3A_127 : i32
      %add3A_129 = arith.constant 0 : i32
      %add3A_130 = arith.addi %mul3A_128, %add3A_129 : i32
      %mul3A_131 = arith.constant 10080 : i32
      %mul3A_132 = arith.muli %add3A, %mul3A_131 : i32
      %mul3A_133 = arith.constant 80 : i32
      %mul3A_134 = arith.muli %add3A_130, %mul3A_133 : i32
      %add3A_135 = arith.addi %mul3A_132, %mul3A_134 : i32
      %dma_start3A = tpu.memref_slice %arg3[%add3A_135] : memref<322560xi32, #tpu.memory_space<hbm>> -> memref<80xi32, #tpu.memory_space<hbm>>
      %dma_start3A_136 = tpu.memref_slice %arg3[%add3A_135] : memref<322560xi32, #tpu.memory_space<hbm>> -> memref<80xi32, #tpu.memory_space<hbm>>
      tpu.enqueue_dma source(%dma_start3A_136 : memref<80xi32, #tpu.memory_space<hbm>>) target(%arg8 : memref<80xi32, #tpu.memory_space<vmem>>) target_semaphore(%arg14 : memref<!tpu.dma_semaphore, #tpu.memory_space<semaphore_mem>>)
      %dma_start3A_137 = tpu.memref_slice %arg4[%add3A_135] : memref<322560xi32, #tpu.memory_space<hbm>> -> memref<80xi32, #tpu.memory_space<hbm>>
      %dma_start3A_138 = tpu.memref_slice %arg4[%add3A_135] : memref<322560xi32, #tpu.memory_space<hbm>> -> memref<80xi32, #tpu.memory_space<hbm>>
      tpu.enqueue_dma source(%dma_start3A_138 : memref<80xi32, #tpu.memory_space<hbm>>) target(%arg10 : memref<80xi32, #tpu.memory_space<vmem>>) target_semaphore(%arg16 : memref<!tpu.dma_semaphore, #tpu.memory_space<semaphore_mem>>)
      %min3A = arith.constant 124 : i32
      %min3A_139 = arith.minsi %add3A_130, %min3A : i32
      %mul3A_140 = arith.constant 10000 : i32
      %mul3A_141 = arith.muli %add3A, %mul3A_140 : i32
      %mul3A_142 = arith.constant 80 : i32
      %mul3A_143 = arith.muli %min3A_139, %mul3A_142 : i32
      %add3A_144 = arith.addi %mul3A_141, %mul3A_143 : i32
      %dma_start3A_145 = arith.constant 0 : i32
      %dma_start3A_146 = tpu.memref_slice %arg5[%add3A_144, %dma_start3A_145] : memref<320000x128xf32, #tpu.memory_space<hbm>> -> memref<80x128xf32, #tpu.memory_space<hbm>>
      %dma_start3A_147 = arith.constant 0 : i32
      %dma_start3A_148 = tpu.memref_slice %arg5[%add3A_144, %dma_start3A_147] : memref<320000x128xf32, #tpu.memory_space<hbm>> -> memref<80x128xf32, #tpu.memory_space<hbm>>
      tpu.enqueue_dma source(%dma_start3A_148 : memref<80x128xf32, #tpu.memory_space<hbm>>) target(%arg22 : memref<80x128xf32, #tpu.memory_space<vmem>>) target_semaphore(%arg24 : memref<!tpu.dma_semaphore, #tpu.memory_space<semaphore_mem>>)
      %mul3A_149 = arith.constant 2 : i32
      %mul3A_150 = arith.muli %scan3A_125, %mul3A_149 : i32
      %add3A_151 = arith.constant 1 : i32
      %add3A_152 = arith.addi %mul3A_150, %add3A_151 : i32
      %mul3A_153 = arith.constant 10080 : i32
      %mul3A_154 = arith.muli %add3A, %mul3A_153 : i32
      %mul3A_155 = arith.constant 80 : i32
      %mul3A_156 = arith.muli %add3A_152, %mul3A_155 : i32
      %add3A_157 = arith.addi %mul3A_154, %mul3A_156 : i32
      %dma_start3A_158 = tpu.memref_slice %arg3[%add3A_157] : memref<322560xi32, #tpu.memory_space<hbm>> -> memref<80xi32, #tpu.memory_space<hbm>>
      %dma_start3A_159 = tpu.memref_slice %arg3[%add3A_157] : memref<322560xi32, #tpu.memory_space<hbm>> -> memref<80xi32, #tpu.memory_space<hbm>>
      tpu.enqueue_dma source(%dma_start3A_159 : memref<80xi32, #tpu.memory_space<hbm>>) target(%arg9 : memref<80xi32, #tpu.memory_space<vmem>>) target_semaphore(%arg15 : memref<!tpu.dma_semaphore, #tpu.memory_space<semaphore_mem>>)
      %dma_start3A_160 = tpu.memref_slice %arg4[%add3A_157] : memref<322560xi32, #tpu.memory_space<hbm>> -> memref<80xi32, #tpu.memory_space<hbm>>
      %dma_start3A_161 = tpu.memref_slice %arg4[%add3A_157] : memref<322560xi32, #tpu.memory_space<hbm>> -> memref<80xi32, #tpu.memory_space<hbm>>
      tpu.enqueue_dma source(%dma_start3A_161 : memref<80xi32, #tpu.memory_space<hbm>>) target(%arg11 : memref<80xi32, #tpu.memory_space<vmem>>) target_semaphore(%arg17 : memref<!tpu.dma_semaphore, #tpu.memory_space<semaphore_mem>>)
      %min3A_162 = arith.constant 124 : i32
      %min3A_163 = arith.minsi %add3A_152, %min3A_162 : i32
      %mul3A_164 = arith.constant 10000 : i32
      %mul3A_165 = arith.muli %add3A, %mul3A_164 : i32
      %mul3A_166 = arith.constant 80 : i32
      %mul3A_167 = arith.muli %min3A_163, %mul3A_166 : i32
      %add3A_168 = arith.addi %mul3A_165, %mul3A_167 : i32
      %dma_start3A_169 = arith.constant 0 : i32
      %dma_start3A_170 = tpu.memref_slice %arg5[%add3A_168, %dma_start3A_169] : memref<320000x128xf32, #tpu.memory_space<hbm>> -> memref<80x128xf32, #tpu.memory_space<hbm>>
      %dma_start3A_171 = arith.constant 0 : i32
      %dma_start3A_172 = tpu.memref_slice %arg5[%add3A_168, %dma_start3A_171] : memref<320000x128xf32, #tpu.memory_space<hbm>> -> memref<80x128xf32, #tpu.memory_space<hbm>>
      tpu.enqueue_dma source(%dma_start3A_172 : memref<80x128xf32, #tpu.memory_space<hbm>>) target(%arg23 : memref<80x128xf32, #tpu.memory_space<vmem>>) target_semaphore(%arg25 : memref<!tpu.dma_semaphore, #tpu.memory_space<semaphore_mem>>)
      %dma_wait3A = tpu.memref_slice %arg3[%add3A_135] : memref<322560xi32, #tpu.memory_space<hbm>> -> memref<80xi32, #tpu.memory_space<hbm>>
      %dma_wait3A_173 = tpu.memref_slice %arg3[%add3A_135] : memref<322560xi32, #tpu.memory_space<hbm>> -> memref<80xi32, #tpu.memory_space<hbm>>
      tpu.wait_dma2 semaphore(%arg14 : memref<!tpu.dma_semaphore, #tpu.memory_space<semaphore_mem>>) src(%dma_wait3A_173 : memref<80xi32, #tpu.memory_space<hbm>>) dst(%arg8 : memref<80xi32, #tpu.memory_space<vmem>>)
      %dma_start3A_174 = arith.constant 0 : i32
      %dma_start3A_175 = arith.constant 0 : i32
      %dma_start3A_176 = tpu.memref_slice %arg2[%dma_start3A_174, %dma_start3A_175] : memref<10000x128xf32, #tpu.memory_space<hbm>> -> memref<10000x128xf32, #tpu.memory_space<hbm>>
      tpu.enqueue_indirect_dma source(%dma_start3A_176 : memref<10000x128xf32, #tpu.memory_space<hbm>>) target(%arg12 : memref<80x128xf32, #tpu.memory_space<vmem>>) offsets(%arg8 : memref<80xi32, #tpu.memory_space<vmem>>) semaphore(%arg18 : memref<!tpu.dma_semaphore, #tpu.memory_space<semaphore_mem>>)
      %dma_wait3A_177 = tpu.memref_slice %arg3[%add3A_157] : memref<322560xi32, #tpu.memory_space<hbm>> -> memref<80xi32, #tpu.memory_space<hbm>>
      %dma_wait3A_178 = tpu.memref_slice %arg3[%add3A_157] : memref<322560xi32, #tpu.memory_space<hbm>> -> memref<80xi32, #tpu.memory_space<hbm>>
      tpu.wait_dma2 semaphore(%arg15 : memref<!tpu.dma_semaphore, #tpu.memory_space<semaphore_mem>>) src(%dma_wait3A_178 : memref<80xi32, #tpu.memory_space<hbm>>) dst(%arg9 : memref<80xi32, #tpu.memory_space<vmem>>)
      %dma_start3A_179 = arith.constant 0 : i32
      %dma_start3A_180 = arith.constant 0 : i32
      %dma_start3A_181 = tpu.memref_slice %arg2[%dma_start3A_179, %dma_start3A_180] : memref<10000x128xf32, #tpu.memory_space<hbm>> -> memref<10000x128xf32, #tpu.memory_space<hbm>>
      tpu.enqueue_indirect_dma source(%dma_start3A_181 : memref<10000x128xf32, #tpu.memory_space<hbm>>) target(%arg13 : memref<80x128xf32, #tpu.memory_space<vmem>>) offsets(%arg9 : memref<80xi32, #tpu.memory_space<vmem>>) semaphore(%arg19 : memref<!tpu.dma_semaphore, #tpu.memory_space<semaphore_mem>>)
      %dma_wait3A_182 = arith.constant 0 : i32
      %dma_wait3A_183 = arith.constant 0 : i32
      %dma_wait3A_184 = tpu.memref_slice %arg2[%dma_wait3A_182, %dma_wait3A_183] : memref<10000x128xf32, #tpu.memory_space<hbm>> -> memref<10000x128xf32, #tpu.memory_space<hbm>>
      tpu.wait_indirect_dma semaphore(%arg18 : memref<!tpu.dma_semaphore, #tpu.memory_space<semaphore_mem>>) src(%dma_wait3A_184 : memref<10000x128xf32, #tpu.memory_space<hbm>>) dst(%arg12 : memref<80x128xf32, #tpu.memory_space<vmem>>)
      %dma_wait3A_185 = arith.constant 0 : i32
      %dma_wait3A_186 = tpu.memref_slice %arg5[%add3A_144, %dma_wait3A_185] : memref<320000x128xf32, #tpu.memory_space<hbm>> -> memref<80x128xf32, #tpu.memory_space<hbm>>
      %dma_wait3A_187 = arith.constant 0 : i32
      %dma_wait3A_188 = tpu.memref_slice %arg5[%add3A_144, %dma_wait3A_187] : memref<320000x128xf32, #tpu.memory_space<hbm>> -> memref<80x128xf32, #tpu.memory_space<hbm>>
      tpu.wait_dma2 semaphore(%arg24 : memref<!tpu.dma_semaphore, #tpu.memory_space<semaphore_mem>>) src(%dma_wait3A_188 : memref<80x128xf32, #tpu.memory_space<hbm>>) dst(%arg22 : memref<80x128xf32, #tpu.memory_space<vmem>>)
      %scan3A_189 = arith.constant 0 : i32
      %scan3A_190 = arith.constant 0 : i32
      %scan3A_191 = arith.constant 80 : i32
      %scan3A_192 = arith.addi %scan3A_190, %scan3A_191 : i32
      %scan3A_193 = arith.constant 1 : i32
      %scan3A_194 = scf.for %scan3A_227 = %scan3A_190 to %scan3A_192 step %scan3A_193 iter_args(%scan3A_228 = %scan3A_189) -> (i32)  : i32 {
        %get3A = arith.index_cast %scan3A_227 : i32 to index
        %get3A_229 = arith.constant 0 : index
        %get3A_230 = tpu.vector_load %arg12[%get3A, %get3A_229] {strides = array<i32>} : memref<80x128xf32, #tpu.memory_space<vmem>>, vector<1x16xf32>,
        %get3A_231 = vector.shape_cast %get3A_230 : vector<1x16xf32> to vector<16xf32>
        %get3A_232 = arith.index_cast %scan3A_227 : i32 to index
        %get3A_233 = arith.constant 0 : index
        %get3A_234 = tpu.vector_load %arg22[%get3A_232, %get3A_233] {strides = array<i32>} : memref<80x128xf32, #tpu.memory_space<vmem>>, vector<1x16xf32>,
        %get3A_235 = vector.shape_cast %get3A_234 : vector<1x16xf32> to vector<16xf32>
        %add3A_236 = arith.addf %get3A_231, %get3A_235 : vector<16xf32>
        %max3A = arith.constant 0.000000e+00 : f32
        %max3A_237 = vector.broadcast %max3A : f32 to vector<16xf32>
        %max3A_238 = arith.maximumf %add3A_236, %max3A_237 : vector<16xf32>
        %swap3A = arith.index_cast %scan3A_227 : i32 to index
        %swap3A_239 = arith.constant 0 : index
        %swap3A_240 = tpu.vector_load %arg12[%swap3A, %swap3A_239] {strides = array<i32>} : memref<80x128xf32, #tpu.memory_space<vmem>>, vector<1x16xf32>,
        %swap3A_241 = vector.shape_cast %swap3A_240 : vector<1x16xf32> to vector<16xf32>
        %swap3A_242 = vector.shape_cast %max3A_238 : vector<16xf32> to vector<1x16xf32>
        tpu.vector_store %arg12[%swap3A, %swap3A_239], %swap3A_242 {strides = array<i32>} : memref<80x128xf32, #tpu.memory_space<vmem>>, vector<1x16xf32>,
        %get3A_243 = arith.index_cast %scan3A_227 : i32 to index
        %get3A_244 = arith.constant 16 : index
        %get3A_245 = tpu.vector_load %arg12[%get3A_243, %get3A_244] {strides = array<i32>} : memref<80x128xf32, #tpu.memory_space<vmem>>, vector<1x16xf32>,
        %get3A_246 = vector.shape_cast %get3A_245 : vector<1x16xf32> to vector<16xf32>
        %get3A_247 = arith.index_cast %scan3A_227 : i32 to index
        %get3A_248 = arith.constant 16 : index
        %get3A_249 = tpu.vector_load %arg22[%get3A_247, %get3A_248] {strides = array<i32>} : memref<80x128xf32, #tpu.memory_space<vmem>>, vector<1x16xf32>,
        %get3A_250 = vector.shape_cast %get3A_249 : vector<1x16xf32> to vector<16xf32>
        %add3A_251 = arith.addf %get3A_246, %get3A_250 : vector<16xf32>
        %max3A_252 = arith.constant 0.000000e+00 : f32
        %max3A_253 = vector.broadcast %max3A_252 : f32 to vector<16xf32>
        %max3A_254 = arith.maximumf %add3A_251, %max3A_253 : vector<16xf32>
        %swap3A_255 = arith.index_cast %scan3A_227 : i32 to index
        %swap3A_256 = arith.constant 16 : index
        %swap3A_257 = tpu.vector_load %arg12[%swap3A_255, %swap3A_256] {strides = array<i32>} : memref<80x128xf32, #tpu.memory_space<vmem>>, vector<1x16xf32>,
        %swap3A_258 = vector.shape_cast %swap3A_257 : vector<1x16xf32> to vector<16xf32>
        %swap3A_259 = vector.shape_cast %max3A_254 : vector<16xf32> to vector<1x16xf32>
        tpu.vector_store %arg12[%swap3A_255, %swap3A_256], %swap3A_259 {strides = array<i32>} : memref<80x128xf32, #tpu.memory_space<vmem>>, vector<1x16xf32>,
        %get3A_260 = arith.index_cast %scan3A_227 : i32 to index
        %get3A_261 = arith.constant 32 : index
        %get3A_262 = tpu.vector_load %arg12[%get3A_260, %get3A_261] {strides = array<i32>} : memref<80x128xf32, #tpu.memory_space<vmem>>, vector<1x16xf32>,
        %get3A_263 = vector.shape_cast %get3A_262 : vector<1x16xf32> to vector<16xf32>
        %get3A_264 = arith.index_cast %scan3A_227 : i32 to index
        %get3A_265 = arith.constant 32 : index
        %get3A_266 = tpu.vector_load %arg22[%get3A_264, %get3A_265] {strides = array<i32>} : memref<80x128xf32, #tpu.memory_space<vmem>>, vector<1x16xf32>,
        %get3A_267 = vector.shape_cast %get3A_266 : vector<1x16xf32> to vector<16xf32>
        %add3A_268 = arith.addf %get3A_263, %get3A_267 : vector<16xf32>
        %max3A_269 = arith.constant 0.000000e+00 : f32
        %max3A_270 = vector.broadcast %max3A_269 : f32 to vector<16xf32>
        %max3A_271 = arith.maximumf %add3A_268, %max3A_270 : vector<16xf32>
        %swap3A_272 = arith.index_cast %scan3A_227 : i32 to index
        %swap3A_273 = arith.constant 32 : index
        %swap3A_274 = tpu.vector_load %arg12[%swap3A_272, %swap3A_273] {strides = array<i32>} : memref<80x128xf32, #tpu.memory_space<vmem>>, vector<1x16xf32>,
        %swap3A_275 = vector.shape_cast %swap3A_274 : vector<1x16xf32> to vector<16xf32>
        %swap3A_276 = vector.shape_cast %max3A_271 : vector<16xf32> to vector<1x16xf32>
        tpu.vector_store %arg12[%swap3A_272, %swap3A_273], %swap3A_276 {strides = array<i32>} : memref<80x128xf32, #tpu.memory_space<vmem>>, vector<1x16xf32>,
        %get3A_277 = arith.index_cast %scan3A_227 : i32 to index
        %get3A_278 = arith.constant 48 : index
        %get3A_279 = tpu.vector_load %arg12[%get3A_277, %get3A_278] {strides = array<i32>} : memref<80x128xf32, #tpu.memory_space<vmem>>, vector<1x16xf32>,
        %get3A_280 = vector.shape_cast %get3A_279 : vector<1x16xf32> to vector<16xf32>
        %get3A_281 = arith.index_cast %scan3A_227 : i32 to index
        %get3A_282 = arith.constant 48 : index
        %get3A_283 = tpu.vector_load %arg22[%get3A_281, %get3A_282] {strides = array<i32>} : memref<80x128xf32, #tpu.memory_space<vmem>>, vector<1x16xf32>,
        %get3A_284 = vector.shape_cast %get3A_283 : vector<1x16xf32> to vector<16xf32>
        %add3A_285 = arith.addf %get3A_280, %get3A_284 : vector<16xf32>
        %max3A_286 = arith.constant 0.000000e+00 : f32
        %max3A_287 = vector.broadcast %max3A_286 : f32 to vector<16xf32>
        %max3A_288 = arith.maximumf %add3A_285, %max3A_287 : vector<16xf32>
        %swap3A_289 = arith.index_cast %scan3A_227 : i32 to index
        %swap3A_290 = arith.constant 48 : index
        %swap3A_291 = tpu.vector_load %arg12[%swap3A_289, %swap3A_290] {strides = array<i32>} : memref<80x128xf32, #tpu.memory_space<vmem>>, vector<1x16xf32>,
        %swap3A_292 = vector.shape_cast %swap3A_291 : vector<1x16xf32> to vector<16xf32>
        %swap3A_293 = vector.shape_cast %max3A_288 : vector<16xf32> to vector<1x16xf32>
        tpu.vector_store %arg12[%swap3A_289, %swap3A_290], %swap3A_293 {strides = array<i32>} : memref<80x128xf32, #tpu.memory_space<vmem>>, vector<1x16xf32>,
        %get3A_294 = arith.index_cast %scan3A_227 : i32 to index
        %get3A_295 = arith.constant 64 : index
        %get3A_296 = tpu.vector_load %arg12[%get3A_294, %get3A_295] {strides = array<i32>} : memref<80x128xf32, #tpu.memory_space<vmem>>, vector<1x16xf32>,
        %get3A_297 = vector.shape_cast %get3A_296 : vector<1x16xf32> to vector<16xf32>
        %get3A_298 = arith.index_cast %scan3A_227 : i32 to index
        %get3A_299 = arith.constant 64 : index
        %get3A_300 = tpu.vector_load %arg22[%get3A_298, %get3A_299] {strides = array<i32>} : memref<80x128xf32, #tpu.memory_space<vmem>>, vector<1x16xf32>,
        %get3A_301 = vector.shape_cast %get3A_300 : vector<1x16xf32> to vector<16xf32>
        %add3A_302 = arith.addf %get3A_297, %get3A_301 : vector<16xf32>
        %max3A_303 = arith.constant 0.000000e+00 : f32
        %max3A_304 = vector.broadcast %max3A_303 : f32 to vector<16xf32>
        %max3A_305 = arith.maximumf %add3A_302, %max3A_304 : vector<16xf32>
        %swap3A_306 = arith.index_cast %scan3A_227 : i32 to index
        %swap3A_307 = arith.constant 64 : index
        %swap3A_308 = tpu.vector_load %arg12[%swap3A_306, %swap3A_307] {strides = array<i32>} : memref<80x128xf32, #tpu.memory_space<vmem>>, vector<1x16xf32>,
        %swap3A_309 = vector.shape_cast %swap3A_308 : vector<1x16xf32> to vector<16xf32>
        %swap3A_310 = vector.shape_cast %max3A_305 : vector<16xf32> to vector<1x16xf32>
        tpu.vector_store %arg12[%swap3A_306, %swap3A_307], %swap3A_310 {strides = array<i32>} : memref<80x128xf32, #tpu.memory_space<vmem>>, vector<1x16xf32>,
        %get3A_311 = arith.index_cast %scan3A_227 : i32 to index
        %get3A_312 = arith.constant 80 : index
        %get3A_313 = tpu.vector_load %arg12[%get3A_311, %get3A_312] {strides = array<i32>} : memref<80x128xf32, #tpu.memory_space<vmem>>, vector<1x16xf32>,
        %get3A_314 = vector.shape_cast %get3A_313 : vector<1x16xf32> to vector<16xf32>
        %get3A_315 = arith.index_cast %scan3A_227 : i32 to index
        %get3A_316 = arith.constant 80 : index
        %get3A_317 = tpu.vector_load %arg22[%get3A_315, %get3A_316] {strides = array<i32>} : memref<80x128xf32, #tpu.memory_space<vmem>>, vector<1x16xf32>,
        %get3A_318 = vector.shape_cast %get3A_317 : vector<1x16xf32> to vector<16xf32>
        %add3A_319 = arith.addf %get3A_314, %get3A_318 : vector<16xf32>
        %max3A_320 = arith.constant 0.000000e+00 : f32
        %max3A_321 = vector.broadcast %max3A_320 : f32 to vector<16xf32>
        %max3A_322 = arith.maximumf %add3A_319, %max3A_321 : vector<16xf32>
        %swap3A_323 = arith.index_cast %scan3A_227 : i32 to index
        %swap3A_324 = arith.constant 80 : index
        %swap3A_325 = tpu.vector_load %arg12[%swap3A_323, %swap3A_324] {strides = array<i32>} : memref<80x128xf32, #tpu.memory_space<vmem>>, vector<1x16xf32>,
        %swap3A_326 = vector.shape_cast %swap3A_325 : vector<1x16xf32> to vector<16xf32>
        %swap3A_327 = vector.shape_cast %max3A_322 : vector<16xf32> to vector<1x16xf32>
        tpu.vector_store %arg12[%swap3A_323, %swap3A_324], %swap3A_327 {strides = array<i32>} : memref<80x128xf32, #tpu.memory_space<vmem>>, vector<1x16xf32>,
        %get3A_328 = arith.index_cast %scan3A_227 : i32 to index
        %get3A_329 = arith.constant 96 : index
        %get3A_330 = tpu.vector_load %arg12[%get3A_328, %get3A_329] {strides = array<i32>} : memref<80x128xf32, #tpu.memory_space<vmem>>, vector<1x16xf32>,
        %get3A_331 = vector.shape_cast %get3A_330 : vector<1x16xf32> to vector<16xf32>
        %get3A_332 = arith.index_cast %scan3A_227 : i32 to index
        %get3A_333 = arith.constant 96 : index
        %get3A_334 = tpu.vector_load %arg22[%get3A_332, %get3A_333] {strides = array<i32>} : memref<80x128xf32, #tpu.memory_space<vmem>>, vector<1x16xf32>,
        %get3A_335 = vector.shape_cast %get3A_334 : vector<1x16xf32> to vector<16xf32>
        %add3A_336 = arith.addf %get3A_331, %get3A_335 : vector<16xf32>
        %max3A_337 = arith.constant 0.000000e+00 : f32
        %max3A_338 = vector.broadcast %max3A_337 : f32 to vector<16xf32>
        %max3A_339 = arith.maximumf %add3A_336, %max3A_338 : vector<16xf32>
        %swap3A_340 = arith.index_cast %scan3A_227 : i32 to index
        %swap3A_341 = arith.constant 96 : index
        %swap3A_342 = tpu.vector_load %arg12[%swap3A_340, %swap3A_341] {strides = array<i32>} : memref<80x128xf32, #tpu.memory_space<vmem>>, vector<1x16xf32>,
        %swap3A_343 = vector.shape_cast %swap3A_342 : vector<1x16xf32> to vector<16xf32>
        %swap3A_344 = vector.shape_cast %max3A_339 : vector<16xf32> to vector<1x16xf32>
        tpu.vector_store %arg12[%swap3A_340, %swap3A_341], %swap3A_344 {strides = array<i32>} : memref<80x128xf32, #tpu.memory_space<vmem>>, vector<1x16xf32>,
        %get3A_345 = arith.index_cast %scan3A_227 : i32 to index
        %get3A_346 = arith.constant 112 : index
        %get3A_347 = tpu.vector_load %arg12[%get3A_345, %get3A_346] {strides = array<i32>} : memref<80x128xf32, #tpu.memory_space<vmem>>, vector<1x16xf32>,
        %get3A_348 = vector.shape_cast %get3A_347 : vector<1x16xf32> to vector<16xf32>
        %get3A_349 = arith.index_cast %scan3A_227 : i32 to index
        %get3A_350 = arith.constant 112 : index
        %get3A_351 = tpu.vector_load %arg22[%get3A_349, %get3A_350] {strides = array<i32>} : memref<80x128xf32, #tpu.memory_space<vmem>>, vector<1x16xf32>,
        %get3A_352 = vector.shape_cast %get3A_351 : vector<1x16xf32> to vector<16xf32>
        %add3A_353 = arith.addf %get3A_348, %get3A_352 : vector<16xf32>
        %max3A_354 = arith.constant 0.000000e+00 : f32
        %max3A_355 = vector.broadcast %max3A_354 : f32 to vector<16xf32>
        %max3A_356 = arith.maximumf %add3A_353, %max3A_355 : vector<16xf32>
        %swap3A_357 = arith.index_cast %scan3A_227 : i32 to index
        %swap3A_358 = arith.constant 112 : index
        %swap3A_359 = tpu.vector_load %arg12[%swap3A_357, %swap3A_358] {strides = array<i32>} : memref<80x128xf32, #tpu.memory_space<vmem>>, vector<1x16xf32>,
        %swap3A_360 = vector.shape_cast %swap3A_359 : vector<1x16xf32> to vector<16xf32>
        %swap3A_361 = vector.shape_cast %max3A_356 : vector<16xf32> to vector<1x16xf32>
        tpu.vector_store %arg12[%swap3A_357, %swap3A_358], %swap3A_361 {strides = array<i32>} : memref<80x128xf32, #tpu.memory_space<vmem>>, vector<1x16xf32>,
        %scan3A_362 = arith.constant 0 : i32
        scf.yield %scan3A_362 : i32
      }
      %scan3A_195 = arith.constant 80 : i32
      %dma_wait3A_196 = tpu.memref_slice %arg4[%add3A_135] : memref<322560xi32, #tpu.memory_space<hbm>> -> memref<80xi32, #tpu.memory_space<hbm>>
      %dma_wait3A_197 = tpu.memref_slice %arg4[%add3A_135] : memref<322560xi32, #tpu.memory_space<hbm>> -> memref<80xi32, #tpu.memory_space<hbm>>
      tpu.wait_dma2 semaphore(%arg16 : memref<!tpu.dma_semaphore, #tpu.memory_space<semaphore_mem>>) src(%dma_wait3A_197 : memref<80xi32, #tpu.memory_space<hbm>>) dst(%arg10 : memref<80xi32, #tpu.memory_space<vmem>>)
      %dma_start3A_198 = arith.constant 0 : i32
      %dma_start3A_199 = arith.constant 0 : i32
      %dma_start3A_200 = tpu.memref_slice %arg7[%dma_start3A_198, %dma_start3A_199] : memref<10008x128xf32, #tpu.memory_space<vmem_shared>> -> memref<10008x128xf32, #tpu.memory_space<vmem_shared>>
      tpu.enqueue_indirect_dma source(%arg12 : memref<80x128xf32, #tpu.memory_space<vmem>>) target(%dma_start3A_200 : memref<10008x128xf32, #tpu.memory_space<vmem_shared>>) offsets(%arg10 : memref<80xi32, #tpu.memory_space<vmem>>) semaphore(%arg20 : memref<!tpu.dma_semaphore, #tpu.memory_space<semaphore_mem>>) {add = true}
      %dma_wait3A_201 = arith.constant 0 : i32
      %dma_wait3A_202 = arith.constant 0 : i32
      %dma_wait3A_203 = tpu.memref_slice %arg2[%dma_wait3A_201, %dma_wait3A_202] : memref<10000x128xf32, #tpu.memory_space<hbm>> -> memref<10000x128xf32, #tpu.memory_space<hbm>>
      tpu.wait_indirect_dma semaphore(%arg19 : memref<!tpu.dma_semaphore, #tpu.memory_space<semaphore_mem>>) src(%dma_wait3A_203 : memref<10000x128xf32, #tpu.memory_space<hbm>>) dst(%arg13 : memref<80x128xf32, #tpu.memory_space<vmem>>)
      %dma_wait3A_204 = arith.constant 0 : i32
      %dma_wait3A_205 = tpu.memref_slice %arg5[%add3A_168, %dma_wait3A_204] : memref<320000x128xf32, #tpu.memory_space<hbm>> -> memref<80x128xf32, #tpu.memory_space<hbm>>
      %dma_wait3A_206 = arith.constant 0 : i32
      %dma_wait3A_207 = tpu.memref_slice %arg5[%add3A_168, %dma_wait3A_206] : memref<320000x128xf32, #tpu.memory_space<hbm>> -> memref<80x128xf32, #tpu.memory_space<hbm>>
      tpu.wait_dma2 semaphore(%arg25 : memref<!tpu.dma_semaphore, #tpu.memory_space<semaphore_mem>>) src(%dma_wait3A_207 : memref<80x128xf32, #tpu.memory_space<hbm>>) dst(%arg23 : memref<80x128xf32, #tpu.memory_space<vmem>>)
      %scan3A_208 = arith.constant 0 : i32
      %scan3A_209 = arith.constant 0 : i32
      %scan3A_210 = arith.constant 80 : i32
      %scan3A_211 = arith.addi %scan3A_209, %scan3A_210 : i32
      %scan3A_212 = arith.constant 1 : i32
      %scan3A_213 = scf.for %scan3A_227 = %scan3A_209 to %scan3A_211 step %scan3A_212 iter_args(%scan3A_228 = %scan3A_208) -> (i32)  : i32 {
        %get3A = arith.index_cast %scan3A_227 : i32 to index
        %get3A_229 = arith.constant 0 : index
        %get3A_230 = tpu.vector_load %arg13[%get3A, %get3A_229] {strides = array<i32>} : memref<80x128xf32, #tpu.memory_space<vmem>>, vector<1x16xf32>,
        %get3A_231 = vector.shape_cast %get3A_230 : vector<1x16xf32> to vector<16xf32>
        %get3A_232 = arith.index_cast %scan3A_227 : i32 to index
        %get3A_233 = arith.constant 0 : index
        %get3A_234 = tpu.vector_load %arg23[%get3A_232, %get3A_233] {strides = array<i32>} : memref<80x128xf32, #tpu.memory_space<vmem>>, vector<1x16xf32>,
        %get3A_235 = vector.shape_cast %get3A_234 : vector<1x16xf32> to vector<16xf32>
        %add3A_236 = arith.addf %get3A_231, %get3A_235 : vector<16xf32>
        %max3A = arith.constant 0.000000e+00 : f32
        %max3A_237 = vector.broadcast %max3A : f32 to vector<16xf32>
        %max3A_238 = arith.maximumf %add3A_236, %max3A_237 : vector<16xf32>
        %swap3A = arith.index_cast %scan3A_227 : i32 to index
        %swap3A_239 = arith.constant 0 : index
        %swap3A_240 = tpu.vector_load %arg13[%swap3A, %swap3A_239] {strides = array<i32>} : memref<80x128xf32, #tpu.memory_space<vmem>>, vector<1x16xf32>,
        %swap3A_241 = vector.shape_cast %swap3A_240 : vector<1x16xf32> to vector<16xf32>
        %swap3A_242 = vector.shape_cast %max3A_238 : vector<16xf32> to vector<1x16xf32>
        tpu.vector_store %arg13[%swap3A, %swap3A_239], %swap3A_242 {strides = array<i32>} : memref<80x128xf32, #tpu.memory_space<vmem>>, vector<1x16xf32>,
        %get3A_243 = arith.index_cast %scan3A_227 : i32 to index
        %get3A_244 = arith.constant 16 : index
        %get3A_245 = tpu.vector_load %arg13[%get3A_243, %get3A_244] {strides = array<i32>} : memref<80x128xf32, #tpu.memory_space<vmem>>, vector<1x16xf32>,
        %get3A_246 = vector.shape_cast %get3A_245 : vector<1x16xf32> to vector<16xf32>
        %get3A_247 = arith.index_cast %scan3A_227 : i32 to index
        %get3A_248 = arith.constant 16 : index
        %get3A_249 = tpu.vector_load %arg23[%get3A_247, %get3A_248] {strides = array<i32>} : memref<80x128xf32, #tpu.memory_space<vmem>>, vector<1x16xf32>,
        %get3A_250 = vector.shape_cast %get3A_249 : vector<1x16xf32> to vector<16xf32>
        %add3A_251 = arith.addf %get3A_246, %get3A_250 : vector<16xf32>
        %max3A_252 = arith.constant 0.000000e+00 : f32
        %max3A_253 = vector.broadcast %max3A_252 : f32 to vector<16xf32>
        %max3A_254 = arith.maximumf %add3A_251, %max3A_253 : vector<16xf32>
        %swap3A_255 = arith.index_cast %scan3A_227 : i32 to index
        %swap3A_256 = arith.constant 16 : index
        %swap3A_257 = tpu.vector_load %arg13[%swap3A_255, %swap3A_256] {strides = array<i32>} : memref<80x128xf32, #tpu.memory_space<vmem>>, vector<1x16xf32>,
        %swap3A_258 = vector.shape_cast %swap3A_257 : vector<1x16xf32> to vector<16xf32>
        %swap3A_259 = vector.shape_cast %max3A_254 : vector<16xf32> to vector<1x16xf32>
        tpu.vector_store %arg13[%swap3A_255, %swap3A_256], %swap3A_259 {strides = array<i32>} : memref<80x128xf32, #tpu.memory_space<vmem>>, vector<1x16xf32>,
        %get3A_260 = arith.index_cast %scan3A_227 : i32 to index
        %get3A_261 = arith.constant 32 : index
        %get3A_262 = tpu.vector_load %arg13[%get3A_260, %get3A_261] {strides = array<i32>} : memref<80x128xf32, #tpu.memory_space<vmem>>, vector<1x16xf32>,
        %get3A_263 = vector.shape_cast %get3A_262 : vector<1x16xf32> to vector<16xf32>
        %get3A_264 = arith.index_cast %scan3A_227 : i32 to index
        %get3A_265 = arith.constant 32 : index
        %get3A_266 = tpu.vector_load %arg23[%get3A_264, %get3A_265] {strides = array<i32>} : memref<80x128xf32, #tpu.memory_space<vmem>>, vector<1x16xf32>,
        %get3A_267 = vector.shape_cast %get3A_266 : vector<1x16xf32> to vector<16xf32>
        %add3A_268 = arith.addf %get3A_263, %get3A_267 : vector<16xf32>
        %max3A_269 = arith.constant 0.000000e+00 : f32
        %max3A_270 = vector.broadcast %max3A_269 : f32 to vector<16xf32>
        %max3A_271 = arith.maximumf %add3A_268, %max3A_270 : vector<16xf32>
        %swap3A_272 = arith.index_cast %scan3A_227 : i32 to index
        %swap3A_273 = arith.constant 32 : index
        %swap3A_274 = tpu.vector_load %arg13[%swap3A_272, %swap3A_273] {strides = array<i32>} : memref<80x128xf32, #tpu.memory_space<vmem>>, vector<1x16xf32>,
        %swap3A_275 = vector.shape_cast %swap3A_274 : vector<1x16xf32> to vector<16xf32>
        %swap3A_276 = vector.shape_cast %max3A_271 : vector<16xf32> to vector<1x16xf32>
        tpu.vector_store %arg13[%swap3A_272, %swap3A_273], %swap3A_276 {strides = array<i32>} : memref<80x128xf32, #tpu.memory_space<vmem>>, vector<1x16xf32>,
        %get3A_277 = arith.index_cast %scan3A_227 : i32 to index
        %get3A_278 = arith.constant 48 : index
        %get3A_279 = tpu.vector_load %arg13[%get3A_277, %get3A_278] {strides = array<i32>} : memref<80x128xf32, #tpu.memory_space<vmem>>, vector<1x16xf32>,
        %get3A_280 = vector.shape_cast %get3A_279 : vector<1x16xf32> to vector<16xf32>
        %get3A_281 = arith.index_cast %scan3A_227 : i32 to index
        %get3A_282 = arith.constant 48 : index
        %get3A_283 = tpu.vector_load %arg23[%get3A_281, %get3A_282] {strides = array<i32>} : memref<80x128xf32, #tpu.memory_space<vmem>>, vector<1x16xf32>,
        %get3A_284 = vector.shape_cast %get3A_283 : vector<1x16xf32> to vector<16xf32>
        %add3A_285 = arith.addf %get3A_280, %get3A_284 : vector<16xf32>
        %max3A_286 = arith.constant 0.000000e+00 : f32
        %max3A_287 = vector.broadcast %max3A_286 : f32 to vector<16xf32>
        %max3A_288 = arith.maximumf %add3A_285, %max3A_287 : vector<16xf32>
        %swap3A_289 = arith.index_cast %scan3A_227 : i32 to index
        %swap3A_290 = arith.constant 48 : index
        %swap3A_291 = tpu.vector_load %arg13[%swap3A_289, %swap3A_290] {strides = array<i32>} : memref<80x128xf32, #tpu.memory_space<vmem>>, vector<1x16xf32>,
        %swap3A_292 = vector.shape_cast %swap3A_291 : vector<1x16xf32> to vector<16xf32>
        %swap3A_293 = vector.shape_cast %max3A_288 : vector<16xf32> to vector<1x16xf32>
        tpu.vector_store %arg13[%swap3A_289, %swap3A_290], %swap3A_293 {strides = array<i32>} : memref<80x128xf32, #tpu.memory_space<vmem>>, vector<1x16xf32>,
        %get3A_294 = arith.index_cast %scan3A_227 : i32 to index
        %get3A_295 = arith.constant 64 : index
        %get3A_296 = tpu.vector_load %arg13[%get3A_294, %get3A_295] {strides = array<i32>} : memref<80x128xf32, #tpu.memory_space<vmem>>, vector<1x16xf32>,
        %get3A_297 = vector.shape_cast %get3A_296 : vector<1x16xf32> to vector<16xf32>
        %get3A_298 = arith.index_cast %scan3A_227 : i32 to index
        %get3A_299 = arith.constant 64 : index
        %get3A_300 = tpu.vector_load %arg23[%get3A_298, %get3A_299] {strides = array<i32>} : memref<80x128xf32, #tpu.memory_space<vmem>>, vector<1x16xf32>,
        %get3A_301 = vector.shape_cast %get3A_300 : vector<1x16xf32> to vector<16xf32>
        %add3A_302 = arith.addf %get3A_297, %get3A_301 : vector<16xf32>
        %max3A_303 = arith.constant 0.000000e+00 : f32
        %max3A_304 = vector.broadcast %max3A_303 : f32 to vector<16xf32>
        %max3A_305 = arith.maximumf %add3A_302, %max3A_304 : vector<16xf32>
        %swap3A_306 = arith.index_cast %scan3A_227 : i32 to index
        %swap3A_307 = arith.constant 64 : index
        %swap3A_308 = tpu.vector_load %arg13[%swap3A_306, %swap3A_307] {strides = array<i32>} : memref<80x128xf32, #tpu.memory_space<vmem>>, vector<1x16xf32>,
        %swap3A_309 = vector.shape_cast %swap3A_308 : vector<1x16xf32> to vector<16xf32>
        %swap3A_310 = vector.shape_cast %max3A_305 : vector<16xf32> to vector<1x16xf32>
        tpu.vector_store %arg13[%swap3A_306, %swap3A_307], %swap3A_310 {strides = array<i32>} : memref<80x128xf32, #tpu.memory_space<vmem>>, vector<1x16xf32>,
        %get3A_311 = arith.index_cast %scan3A_227 : i32 to index
        %get3A_312 = arith.constant 80 : index
        %get3A_313 = tpu.vector_load %arg13[%get3A_311, %get3A_312] {strides = array<i32>} : memref<80x128xf32, #tpu.memory_space<vmem>>, vector<1x16xf32>,
        %get3A_314 = vector.shape_cast %get3A_313 : vector<1x16xf32> to vector<16xf32>
        %get3A_315 = arith.index_cast %scan3A_227 : i32 to index
        %get3A_316 = arith.constant 80 : index
        %get3A_317 = tpu.vector_load %arg23[%get3A_315, %get3A_316] {strides = array<i32>} : memref<80x128xf32, #tpu.memory_space<vmem>>, vector<1x16xf32>,
        %get3A_318 = vector.shape_cast %get3A_317 : vector<1x16xf32> to vector<16xf32>
        %add3A_319 = arith.addf %get3A_314, %get3A_318 : vector<16xf32>
        %max3A_320 = arith.constant 0.000000e+00 : f32
        %max3A_321 = vector.broadcast %max3A_320 : f32 to vector<16xf32>
        %max3A_322 = arith.maximumf %add3A_319, %max3A_321 : vector<16xf32>
        %swap3A_323 = arith.index_cast %scan3A_227 : i32 to index
        %swap3A_324 = arith.constant 80 : index
        %swap3A_325 = tpu.vector_load %arg13[%swap3A_323, %swap3A_324] {strides = array<i32>} : memref<80x128xf32, #tpu.memory_space<vmem>>, vector<1x16xf32>,
        %swap3A_326 = vector.shape_cast %swap3A_325 : vector<1x16xf32> to vector<16xf32>
        %swap3A_327 = vector.shape_cast %max3A_322 : vector<16xf32> to vector<1x16xf32>
        tpu.vector_store %arg13[%swap3A_323, %swap3A_324], %swap3A_327 {strides = array<i32>} : memref<80x128xf32, #tpu.memory_space<vmem>>, vector<1x16xf32>,
        %get3A_328 = arith.index_cast %scan3A_227 : i32 to index
        %get3A_329 = arith.constant 96 : index
        %get3A_330 = tpu.vector_load %arg13[%get3A_328, %get3A_329] {strides = array<i32>} : memref<80x128xf32, #tpu.memory_space<vmem>>, vector<1x16xf32>,
        %get3A_331 = vector.shape_cast %get3A_330 : vector<1x16xf32> to vector<16xf32>
        %get3A_332 = arith.index_cast %scan3A_227 : i32 to index
        %get3A_333 = arith.constant 96 : index
        %get3A_334 = tpu.vector_load %arg23[%get3A_332, %get3A_333] {strides = array<i32>} : memref<80x128xf32, #tpu.memory_space<vmem>>, vector<1x16xf32>,
        %get3A_335 = vector.shape_cast %get3A_334 : vector<1x16xf32> to vector<16xf32>
        %add3A_336 = arith.addf %get3A_331, %get3A_335 : vector<16xf32>
        %max3A_337 = arith.constant 0.000000e+00 : f32
        %max3A_338 = vector.broadcast %max3A_337 : f32 to vector<16xf32>
        %max3A_339 = arith.maximumf %add3A_336, %max3A_338 : vector<16xf32>
        %swap3A_340 = arith.index_cast %scan3A_227 : i32 to index
        %swap3A_341 = arith.constant 96 : index
        %swap3A_342 = tpu.vector_load %arg13[%swap3A_340, %swap3A_341] {strides = array<i32>} : memref<80x128xf32, #tpu.memory_space<vmem>>, vector<1x16xf32>,
        %swap3A_343 = vector.shape_cast %swap3A_342 : vector<1x16xf32> to vector<16xf32>
        %swap3A_344 = vector.shape_cast %max3A_339 : vector<16xf32> to vector<1x16xf32>
        tpu.vector_store %arg13[%swap3A_340, %swap3A_341], %swap3A_344 {strides = array<i32>} : memref<80x128xf32, #tpu.memory_space<vmem>>, vector<1x16xf32>,
        %get3A_345 = arith.index_cast %scan3A_227 : i32 to index
        %get3A_346 = arith.constant 112 : index
        %get3A_347 = tpu.vector_load %arg13[%get3A_345, %get3A_346] {strides = array<i32>} : memref<80x128xf32, #tpu.memory_space<vmem>>, vector<1x16xf32>,
        %get3A_348 = vector.shape_cast %get3A_347 : vector<1x16xf32> to vector<16xf32>
        %get3A_349 = arith.index_cast %scan3A_227 : i32 to index
        %get3A_350 = arith.constant 112 : index
        %get3A_351 = tpu.vector_load %arg23[%get3A_349, %get3A_350] {strides = array<i32>} : memref<80x128xf32, #tpu.memory_space<vmem>>, vector<1x16xf32>,
        %get3A_352 = vector.shape_cast %get3A_351 : vector<1x16xf32> to vector<16xf32>
        %add3A_353 = arith.addf %get3A_348, %get3A_352 : vector<16xf32>
        %max3A_354 = arith.constant 0.000000e+00 : f32
        %max3A_355 = vector.broadcast %max3A_354 : f32 to vector<16xf32>
        %max3A_356 = arith.maximumf %add3A_353, %max3A_355 : vector<16xf32>
        %swap3A_357 = arith.index_cast %scan3A_227 : i32 to index
        %swap3A_358 = arith.constant 112 : index
        %swap3A_359 = tpu.vector_load %arg13[%swap3A_357, %swap3A_358] {strides = array<i32>} : memref<80x128xf32, #tpu.memory_space<vmem>>, vector<1x16xf32>,
        %swap3A_360 = vector.shape_cast %swap3A_359 : vector<1x16xf32> to vector<16xf32>
        %swap3A_361 = vector.shape_cast %max3A_356 : vector<16xf32> to vector<1x16xf32>
        tpu.vector_store %arg13[%swap3A_357, %swap3A_358], %swap3A_361 {strides = array<i32>} : memref<80x128xf32, #tpu.memory_space<vmem>>, vector<1x16xf32>,
        %scan3A_362 = arith.constant 0 : i32
        scf.yield %scan3A_362 : i32
      }
      %scan3A_214 = arith.constant 80 : i32
      %dma_wait3A_215 = tpu.memref_slice %arg4[%add3A_157] : memref<322560xi32, #tpu.memory_space<hbm>> -> memref<80xi32, #tpu.memory_space<hbm>>
      %dma_wait3A_216 = tpu.memref_slice %arg4[%add3A_157] : memref<322560xi32, #tpu.memory_space<hbm>> -> memref<80xi32, #tpu.memory_space<hbm>>
      tpu.wait_dma2 semaphore(%arg17 : memref<!tpu.dma_semaphore, #tpu.memory_space<semaphore_mem>>) src(%dma_wait3A_216 : memref<80xi32, #tpu.memory_space<hbm>>) dst(%arg11 : memref<80xi32, #tpu.memory_space<vmem>>)
      %dma_start3A_217 = arith.constant 0 : i32
      %dma_start3A_218 = arith.constant 0 : i32
      %dma_start3A_219 = tpu.memref_slice %arg7[%dma_start3A_217, %dma_start3A_218] : memref<10008x128xf32, #tpu.memory_space<vmem_shared>> -> memref<10008x128xf32, #tpu.memory_space<vmem_shared>>
      tpu.enqueue_indirect_dma source(%arg13 : memref<80x128xf32, #tpu.memory_space<vmem>>) target(%dma_start3A_219 : memref<10008x128xf32, #tpu.memory_space<vmem_shared>>) offsets(%arg11 : memref<80xi32, #tpu.memory_space<vmem>>) semaphore(%arg21 : memref<!tpu.dma_semaphore, #tpu.memory_space<semaphore_mem>>) {add = true}
      %dma_wait3A_220 = arith.constant 0 : i32
      %dma_wait3A_221 = arith.constant 0 : i32
      %dma_wait3A_222 = tpu.memref_slice %arg7[%dma_wait3A_220, %dma_wait3A_221] : memref<10008x128xf32, #tpu.memory_space<vmem_shared>> -> memref<10008x128xf32, #tpu.memory_space<vmem_shared>>
      tpu.wait_indirect_dma semaphore(%arg20 : memref<!tpu.dma_semaphore, #tpu.memory_space<semaphore_mem>>) src(%arg12 : memref<80x128xf32, #tpu.memory_space<vmem>>) dst(%dma_wait3A_222 : memref<10008x128xf32, #tpu.memory_space<vmem_shared>>)
      %dma_wait3A_223 = arith.constant 0 : i32
      %dma_wait3A_224 = arith.constant 0 : i32
      %dma_wait3A_225 = tpu.memref_slice %arg7[%dma_wait3A_223, %dma_wait3A_224] : memref<10008x128xf32, #tpu.memory_space<vmem_shared>> -> memref<10008x128xf32, #tpu.memory_space<vmem_shared>>
      tpu.wait_indirect_dma semaphore(%arg21 : memref<!tpu.dma_semaphore, #tpu.memory_space<semaphore_mem>>) src(%arg13 : memref<80x128xf32, #tpu.memory_space<vmem>>) dst(%dma_wait3A_225 : memref<10008x128xf32, #tpu.memory_space<vmem_shared>>)
      %scan3A_226 = arith.constant 0 : i32
      scf.yield %scan3A_226 : i32
    }
    %scan3A_67 = arith.constant 63 : i32
    %barrier3A_68 = arith.constant 0 : index
    tpu.barrier barrier_id(%barrier3A_68)
    %add3A_69 = arith.constant 0 : i32
    %add3A_70 = arith.addi %arg1, %add3A_69 : i32
    %lt3A_71 = arith.constant 125 : i32
    %lt3A_72 = arith.cmpi slt, %add3A_70, %lt3A_71 : i32
    %convert_element_type3A_73 = arith.extui %lt3A_72 : i1 to i32
    %cond3A_74 = arith.constant 0 : i32
    %cond3A_75 = arith.cmpi ne, %convert_element_type3A_73, %cond3A_74 : i32
    scf.if %cond3A_75 {
      %mul3A_125 = arith.constant 80 : i32
      %mul3A_126 = arith.muli %add3A_70, %mul3A_125 : i32
      "tpu.region"() ({
        %run_scoped3A = tpu.sem_alloc : memref<!tpu.dma_semaphore, #tpu.memory_space<semaphore_mem>>
        %dma_start3A = arith.constant 0 : i32
        %dma_start3A_129 = arith.constant 0 : i32
        %dma_start3A_130 = tpu.memref_slice %arg12[%dma_start3A, %dma_start3A_129] : memref<80x128xf32, #tpu.memory_space<vmem>> -> memref<80x128xf32, #tpu.memory_space<vmem>>
        %dma_start3A_131 = arith.constant 0 : i32
        %dma_start3A_132 = tpu.memref_slice %arg7[%mul3A_126, %dma_start3A_131] : memref<10008x128xf32, #tpu.memory_space<vmem_shared>> -> memref<80x128xf32, #tpu.memory_space<vmem_shared>>
        %dma_start3A_133 = arith.constant 0 : i32
        %dma_start3A_134 = arith.constant 0 : i32
        %dma_start3A_135 = tpu.memref_slice %arg12[%dma_start3A_133, %dma_start3A_134] : memref<80x128xf32, #tpu.memory_space<vmem>> -> memref<80x128xf32, #tpu.memory_space<vmem>>
        %dma_start3A_136 = arith.constant 0 : i32
        %dma_start3A_137 = tpu.memref_slice %arg7[%mul3A_126, %dma_start3A_136] : memref<10008x128xf32, #tpu.memory_space<vmem_shared>> -> memref<80x128xf32, #tpu.memory_space<vmem_shared>>
        tpu.enqueue_dma source(%dma_start3A_137 : memref<80x128xf32, #tpu.memory_space<vmem_shared>>) target(%dma_start3A_135 : memref<80x128xf32, #tpu.memory_space<vmem>>) target_semaphore(%run_scoped3A : memref<!tpu.dma_semaphore, #tpu.memory_space<semaphore_mem>>)
        %dma_wait3A = arith.constant 0 : i32
        %dma_wait3A_138 = arith.constant 0 : i32
        %dma_wait3A_139 = tpu.memref_slice %arg12[%dma_wait3A, %dma_wait3A_138] : memref<80x128xf32, #tpu.memory_space<vmem>> -> memref<80x128xf32, #tpu.memory_space<vmem>>
        %dma_wait3A_140 = arith.constant 0 : i32
        %dma_wait3A_141 = tpu.memref_slice %arg7[%mul3A_126, %dma_wait3A_140] : memref<10008x128xf32, #tpu.memory_space<vmem_shared>> -> memref<80x128xf32, #tpu.memory_space<vmem_shared>>
        %dma_wait3A_142 = arith.constant 0 : i32
        %dma_wait3A_143 = arith.constant 0 : i32
        %dma_wait3A_144 = tpu.memref_slice %arg12[%dma_wait3A_142, %dma_wait3A_143] : memref<80x128xf32, #tpu.memory_space<vmem>> -> memref<80x128xf32, #tpu.memory_space<vmem>>
        %dma_wait3A_145 = arith.constant 0 : i32
        %dma_wait3A_146 = tpu.memref_slice %arg7[%mul3A_126, %dma_wait3A_145] : memref<10008x128xf32, #tpu.memory_space<vmem_shared>> -> memref<80x128xf32, #tpu.memory_space<vmem_shared>>
        tpu.wait_dma2 semaphore(%run_scoped3A : memref<!tpu.dma_semaphore, #tpu.memory_space<semaphore_mem>>) src(%dma_wait3A_146 : memref<80x128xf32, #tpu.memory_space<vmem_shared>>) dst(%dma_wait3A_144 : memref<80x128xf32, #tpu.memory_space<vmem>>)
        tpu.yield
      }) : () -> ()
      %mul3A_127 = arith.constant 80 : i32
      %mul3A_128 = arith.muli %add3A_70, %mul3A_127 : i32
      "tpu.region"() ({
        %run_scoped3A = tpu.sem_alloc : memref<!tpu.dma_semaphore, #tpu.memory_space<semaphore_mem>>
        %dma_start3A = arith.constant 0 : i32
        %dma_start3A_129 = arith.constant 0 : i32
        %dma_start3A_130 = tpu.memref_slice %arg12[%dma_start3A, %dma_start3A_129] : memref<80x128xf32, #tpu.memory_space<vmem>> -> memref<80x128xf32, #tpu.memory_space<vmem>>
        %dma_start3A_131 = arith.constant 0 : i32
        %dma_start3A_132 = tpu.memref_slice %arg6[%arg0, %mul3A_128, %dma_start3A_131] : memref<2x10000x128xf32, #tpu.memory_space<hbm>> -> memref<1x80x128xf32, #tpu.memory_space<hbm>>
        %dma_start3A_133 = tpu.memref_squeeze %dma_start3A_132 : memref<1x80x128xf32, #tpu.memory_space<hbm>> -> memref<80x128xf32, #tpu.memory_space<hbm>>
        %dma_start3A_134 = arith.constant 0 : i32
        %dma_start3A_135 = tpu.memref_slice %arg6[%arg0, %mul3A_128, %dma_start3A_134] : memref<2x10000x128xf32, #tpu.memory_space<hbm>> -> memref<1x80x128xf32, #tpu.memory_space<hbm>>
        %dma_start3A_136 = tpu.memref_squeeze %dma_start3A_135 : memref<1x80x128xf32, #tpu.memory_space<hbm>> -> memref<80x128xf32, #tpu.memory_space<hbm>>
        %dma_start3A_137 = arith.constant 0 : i32
        %dma_start3A_138 = arith.constant 0 : i32
        %dma_start3A_139 = tpu.memref_slice %arg12[%dma_start3A_137, %dma_start3A_138] : memref<80x128xf32, #tpu.memory_space<vmem>> -> memref<80x128xf32, #tpu.memory_space<vmem>>
        tpu.enqueue_dma source(%dma_start3A_139 : memref<80x128xf32, #tpu.memory_space<vmem>>) target(%dma_start3A_136 : memref<80x128xf32, #tpu.memory_space<hbm>>) target_semaphore(%run_scoped3A : memref<!tpu.dma_semaphore, #tpu.memory_space<semaphore_mem>>)
        %dma_wait3A = arith.constant 0 : i32
        %dma_wait3A_140 = arith.constant 0 : i32
        %dma_wait3A_141 = tpu.memref_slice %arg12[%dma_wait3A, %dma_wait3A_140] : memref<80x128xf32, #tpu.memory_space<vmem>> -> memref<80x128xf32, #tpu.memory_space<vmem>>
        %dma_wait3A_142 = arith.constant 0 : i32
        %dma_wait3A_143 = tpu.memref_slice %arg6[%arg0, %mul3A_128, %dma_wait3A_142] : memref<2x10000x128xf32, #tpu.memory_space<hbm>> -> memref<1x80x128xf32, #tpu.memory_space<hbm>>
        %dma_wait3A_144 = tpu.memref_squeeze %dma_wait3A_143 : memref<1x80x128xf32, #tpu.memory_space<hbm>> -> memref<80x128xf32, #tpu.memory_space<hbm>>
        %dma_wait3A_145 = arith.constant 0 : i32
        %dma_wait3A_146 = tpu.memref_slice %arg6[%arg0, %mul3A_128, %dma_wait3A_145] : memref<2x10000x128xf32, #tpu.memory_space<hbm>> -> memref<1x80x128xf32, #tpu.memory_space<hbm>>
        %dma_wait3A_147 = tpu.memref_squeeze %dma_wait3A_146 : memref<1x80x128xf32, #tpu.memory_space<hbm>> -> memref<80x128xf32, #tpu.memory_space<hbm>>
        %dma_wait3A_148 = arith.constant 0 : i32
        %dma_wait3A_149 = arith.constant 0 : i32
        %dma_wait3A_150 = tpu.memref_slice %arg12[%dma_wait3A_148, %dma_wait3A_149] : memref<80x128xf32, #tpu.memory_space<vmem>> -> memref<80x128xf32, #tpu.memory_space<vmem>>
        tpu.wait_dma2 semaphore(%run_scoped3A : memref<!tpu.dma_semaphore, #tpu.memory_space<semaphore_mem>>) src(%dma_wait3A_150 : memref<80x128xf32, #tpu.memory_space<vmem>>) dst(%dma_wait3A_147 : memref<80x128xf32, #tpu.memory_space<hbm>>)
        tpu.yield
      }) : () -> ()
    } else {
    }
    %add3A_76 = arith.constant 16 : i32
    %add3A_77 = arith.addi %arg1, %add3A_76 : i32
    %lt3A_78 = arith.constant 125 : i32
    %lt3A_79 = arith.cmpi slt, %add3A_77, %lt3A_78 : i32
    %convert_element_type3A_80 = arith.extui %lt3A_79 : i1 to i32
    %cond3A_81 = arith.constant 0 : i32
    %cond3A_82 = arith.cmpi ne, %convert_element_type3A_80, %cond3A_81 : i32
    scf.if %cond3A_82 {
      %mul3A_125 = arith.constant 80 : i32
      %mul3A_126 = arith.muli %add3A_77, %mul3A_125 : i32
      "tpu.region"() ({
        %run_scoped3A = tpu.sem_alloc : memref<!tpu.dma_semaphore, #tpu.memory_space<semaphore_mem>>
        %dma_start3A = arith.constant 0 : i32
        %dma_start3A_129 = arith.constant 0 : i32
        %dma_start3A_130 = tpu.memref_slice %arg12[%dma_start3A, %dma_start3A_129] : memref<80x128xf32, #tpu.memory_space<vmem>> -> memref<80x128xf32, #tpu.memory_space<vmem>>
        %dma_start3A_131 = arith.constant 0 : i32
        %dma_start3A_132 = tpu.memref_slice %arg7[%mul3A_126, %dma_start3A_131] : memref<10008x128xf32, #tpu.memory_space<vmem_shared>> -> memref<80x128xf32, #tpu.memory_space<vmem_shared>>
        %dma_start3A_133 = arith.constant 0 : i32
        %dma_start3A_134 = arith.constant 0 : i32
        %dma_start3A_135 = tpu.memref_slice %arg12[%dma_start3A_133, %dma_start3A_134] : memref<80x128xf32, #tpu.memory_space<vmem>> -> memref<80x128xf32, #tpu.memory_space<vmem>>
        %dma_start3A_136 = arith.constant 0 : i32
        %dma_start3A_137 = tpu.memref_slice %arg7[%mul3A_126, %dma_start3A_136] : memref<10008x128xf32, #tpu.memory_space<vmem_shared>> -> memref<80x128xf32, #tpu.memory_space<vmem_shared>>
        tpu.enqueue_dma source(%dma_start3A_137 : memref<80x128xf32, #tpu.memory_space<vmem_shared>>) target(%dma_start3A_135 : memref<80x128xf32, #tpu.memory_space<vmem>>) target_semaphore(%run_scoped3A : memref<!tpu.dma_semaphore, #tpu.memory_space<semaphore_mem>>)
        %dma_wait3A = arith.constant 0 : i32
        %dma_wait3A_138 = arith.constant 0 : i32
        %dma_wait3A_139 = tpu.memref_slice %arg12[%dma_wait3A, %dma_wait3A_138] : memref<80x128xf32, #tpu.memory_space<vmem>> -> memref<80x128xf32, #tpu.memory_space<vmem>>
        %dma_wait3A_140 = arith.constant 0 : i32
        %dma_wait3A_141 = tpu.memref_slice %arg7[%mul3A_126, %dma_wait3A_140] : memref<10008x128xf32, #tpu.memory_space<vmem_shared>> -> memref<80x128xf32, #tpu.memory_space<vmem_shared>>
        %dma_wait3A_142 = arith.constant 0 : i32
        %dma_wait3A_143 = arith.constant 0 : i32
        %dma_wait3A_144 = tpu.memref_slice %arg12[%dma_wait3A_142, %dma_wait3A_143] : memref<80x128xf32, #tpu.memory_space<vmem>> -> memref<80x128xf32, #tpu.memory_space<vmem>>
        %dma_wait3A_145 = arith.constant 0 : i32
        %dma_wait3A_146 = tpu.memref_slice %arg7[%mul3A_126, %dma_wait3A_145] : memref<10008x128xf32, #tpu.memory_space<vmem_shared>> -> memref<80x128xf32, #tpu.memory_space<vmem_shared>>
        tpu.wait_dma2 semaphore(%run_scoped3A : memref<!tpu.dma_semaphore, #tpu.memory_space<semaphore_mem>>) src(%dma_wait3A_146 : memref<80x128xf32, #tpu.memory_space<vmem_shared>>) dst(%dma_wait3A_144 : memref<80x128xf32, #tpu.memory_space<vmem>>)
        tpu.yield
      }) : () -> ()
      %mul3A_127 = arith.constant 80 : i32
      %mul3A_128 = arith.muli %add3A_77, %mul3A_127 : i32
      "tpu.region"() ({
        %run_scoped3A = tpu.sem_alloc : memref<!tpu.dma_semaphore, #tpu.memory_space<semaphore_mem>>
        %dma_start3A = arith.constant 0 : i32
        %dma_start3A_129 = arith.constant 0 : i32
        %dma_start3A_130 = tpu.memref_slice %arg12[%dma_start3A, %dma_start3A_129] : memref<80x128xf32, #tpu.memory_space<vmem>> -> memref<80x128xf32, #tpu.memory_space<vmem>>
        %dma_start3A_131 = arith.constant 0 : i32
        %dma_start3A_132 = tpu.memref_slice %arg6[%arg0, %mul3A_128, %dma_start3A_131] : memref<2x10000x128xf32, #tpu.memory_space<hbm>> -> memref<1x80x128xf32, #tpu.memory_space<hbm>>
        %dma_start3A_133 = tpu.memref_squeeze %dma_start3A_132 : memref<1x80x128xf32, #tpu.memory_space<hbm>> -> memref<80x128xf32, #tpu.memory_space<hbm>>
        %dma_start3A_134 = arith.constant 0 : i32
        %dma_start3A_135 = tpu.memref_slice %arg6[%arg0, %mul3A_128, %dma_start3A_134] : memref<2x10000x128xf32, #tpu.memory_space<hbm>> -> memref<1x80x128xf32, #tpu.memory_space<hbm>>
        %dma_start3A_136 = tpu.memref_squeeze %dma_start3A_135 : memref<1x80x128xf32, #tpu.memory_space<hbm>> -> memref<80x128xf32, #tpu.memory_space<hbm>>
        %dma_start3A_137 = arith.constant 0 : i32
        %dma_start3A_138 = arith.constant 0 : i32
        %dma_start3A_139 = tpu.memref_slice %arg12[%dma_start3A_137, %dma_start3A_138] : memref<80x128xf32, #tpu.memory_space<vmem>> -> memref<80x128xf32, #tpu.memory_space<vmem>>
        tpu.enqueue_dma source(%dma_start3A_139 : memref<80x128xf32, #tpu.memory_space<vmem>>) target(%dma_start3A_136 : memref<80x128xf32, #tpu.memory_space<hbm>>) target_semaphore(%run_scoped3A : memref<!tpu.dma_semaphore, #tpu.memory_space<semaphore_mem>>)
        %dma_wait3A = arith.constant 0 : i32
        %dma_wait3A_140 = arith.constant 0 : i32
        %dma_wait3A_141 = tpu.memref_slice %arg12[%dma_wait3A, %dma_wait3A_140] : memref<80x128xf32, #tpu.memory_space<vmem>> -> memref<80x128xf32, #tpu.memory_space<vmem>>
        %dma_wait3A_142 = arith.constant 0 : i32
        %dma_wait3A_143 = tpu.memref_slice %arg6[%arg0, %mul3A_128, %dma_wait3A_142] : memref<2x10000x128xf32, #tpu.memory_space<hbm>> -> memref<1x80x128xf32, #tpu.memory_space<hbm>>
        %dma_wait3A_144 = tpu.memref_squeeze %dma_wait3A_143 : memref<1x80x128xf32, #tpu.memory_space<hbm>> -> memref<80x128xf32, #tpu.memory_space<hbm>>
        %dma_wait3A_145 = arith.constant 0 : i32
        %dma_wait3A_146 = tpu.memref_slice %arg6[%arg0, %mul3A_128, %dma_wait3A_145] : memref<2x10000x128xf32, #tpu.memory_space<hbm>> -> memref<1x80x128xf32, #tpu.memory_space<hbm>>
        %dma_wait3A_147 = tpu.memref_squeeze %dma_wait3A_146 : memref<1x80x128xf32, #tpu.memory_space<hbm>> -> memref<80x128xf32, #tpu.memory_space<hbm>>
        %dma_wait3A_148 = arith.constant 0 : i32
        %dma_wait3A_149 = arith.constant 0 : i32
        %dma_wait3A_150 = tpu.memref_slice %arg12[%dma_wait3A_148, %dma_wait3A_149] : memref<80x128xf32, #tpu.memory_space<vmem>> -> memref<80x128xf32, #tpu.memory_space<vmem>>
        tpu.wait_dma2 semaphore(%run_scoped3A : memref<!tpu.dma_semaphore, #tpu.memory_space<semaphore_mem>>) src(%dma_wait3A_150 : memref<80x128xf32, #tpu.memory_space<vmem>>) dst(%dma_wait3A_147 : memref<80x128xf32, #tpu.memory_space<hbm>>)
        tpu.yield
      }) : () -> ()
    } else {
    }
    %add3A_83 = arith.constant 32 : i32
    %add3A_84 = arith.addi %arg1, %add3A_83 : i32
    %lt3A_85 = arith.constant 125 : i32
    %lt3A_86 = arith.cmpi slt, %add3A_84, %lt3A_85 : i32
    %convert_element_type3A_87 = arith.extui %lt3A_86 : i1 to i32
    %cond3A_88 = arith.constant 0 : i32
    %cond3A_89 = arith.cmpi ne, %convert_element_type3A_87, %cond3A_88 : i32
    scf.if %cond3A_89 {
      %mul3A_125 = arith.constant 80 : i32
      %mul3A_126 = arith.muli %add3A_84, %mul3A_125 : i32
      "tpu.region"() ({
        %run_scoped3A = tpu.sem_alloc : memref<!tpu.dma_semaphore, #tpu.memory_space<semaphore_mem>>
        %dma_start3A = arith.constant 0 : i32
        %dma_start3A_129 = arith.constant 0 : i32
        %dma_start3A_130 = tpu.memref_slice %arg12[%dma_start3A, %dma_start3A_129] : memref<80x128xf32, #tpu.memory_space<vmem>> -> memref<80x128xf32, #tpu.memory_space<vmem>>
        %dma_start3A_131 = arith.constant 0 : i32
        %dma_start3A_132 = tpu.memref_slice %arg7[%mul3A_126, %dma_start3A_131] : memref<10008x128xf32, #tpu.memory_space<vmem_shared>> -> memref<80x128xf32, #tpu.memory_space<vmem_shared>>
        %dma_start3A_133 = arith.constant 0 : i32
        %dma_start3A_134 = arith.constant 0 : i32
        %dma_start3A_135 = tpu.memref_slice %arg12[%dma_start3A_133, %dma_start3A_134] : memref<80x128xf32, #tpu.memory_space<vmem>> -> memref<80x128xf32, #tpu.memory_space<vmem>>
        %dma_start3A_136 = arith.constant 0 : i32
        %dma_start3A_137 = tpu.memref_slice %arg7[%mul3A_126, %dma_start3A_136] : memref<10008x128xf32, #tpu.memory_space<vmem_shared>> -> memref<80x128xf32, #tpu.memory_space<vmem_shared>>
        tpu.enqueue_dma source(%dma_start3A_137 : memref<80x128xf32, #tpu.memory_space<vmem_shared>>) target(%dma_start3A_135 : memref<80x128xf32, #tpu.memory_space<vmem>>) target_semaphore(%run_scoped3A : memref<!tpu.dma_semaphore, #tpu.memory_space<semaphore_mem>>)
        %dma_wait3A = arith.constant 0 : i32
        %dma_wait3A_138 = arith.constant 0 : i32
        %dma_wait3A_139 = tpu.memref_slice %arg12[%dma_wait3A, %dma_wait3A_138] : memref<80x128xf32, #tpu.memory_space<vmem>> -> memref<80x128xf32, #tpu.memory_space<vmem>>
        %dma_wait3A_140 = arith.constant 0 : i32
        %dma_wait3A_141 = tpu.memref_slice %arg7[%mul3A_126, %dma_wait3A_140] : memref<10008x128xf32, #tpu.memory_space<vmem_shared>> -> memref<80x128xf32, #tpu.memory_space<vmem_shared>>
        %dma_wait3A_142 = arith.constant 0 : i32
        %dma_wait3A_143 = arith.constant 0 : i32
        %dma_wait3A_144 = tpu.memref_slice %arg12[%dma_wait3A_142, %dma_wait3A_143] : memref<80x128xf32, #tpu.memory_space<vmem>> -> memref<80x128xf32, #tpu.memory_space<vmem>>
        %dma_wait3A_145 = arith.constant 0 : i32
        %dma_wait3A_146 = tpu.memref_slice %arg7[%mul3A_126, %dma_wait3A_145] : memref<10008x128xf32, #tpu.memory_space<vmem_shared>> -> memref<80x128xf32, #tpu.memory_space<vmem_shared>>
        tpu.wait_dma2 semaphore(%run_scoped3A : memref<!tpu.dma_semaphore, #tpu.memory_space<semaphore_mem>>) src(%dma_wait3A_146 : memref<80x128xf32, #tpu.memory_space<vmem_shared>>) dst(%dma_wait3A_144 : memref<80x128xf32, #tpu.memory_space<vmem>>)
        tpu.yield
      }) : () -> ()
      %mul3A_127 = arith.constant 80 : i32
      %mul3A_128 = arith.muli %add3A_84, %mul3A_127 : i32
      "tpu.region"() ({
        %run_scoped3A = tpu.sem_alloc : memref<!tpu.dma_semaphore, #tpu.memory_space<semaphore_mem>>
        %dma_start3A = arith.constant 0 : i32
        %dma_start3A_129 = arith.constant 0 : i32
        %dma_start3A_130 = tpu.memref_slice %arg12[%dma_start3A, %dma_start3A_129] : memref<80x128xf32, #tpu.memory_space<vmem>> -> memref<80x128xf32, #tpu.memory_space<vmem>>
        %dma_start3A_131 = arith.constant 0 : i32
        %dma_start3A_132 = tpu.memref_slice %arg6[%arg0, %mul3A_128, %dma_start3A_131] : memref<2x10000x128xf32, #tpu.memory_space<hbm>> -> memref<1x80x128xf32, #tpu.memory_space<hbm>>
        %dma_start3A_133 = tpu.memref_squeeze %dma_start3A_132 : memref<1x80x128xf32, #tpu.memory_space<hbm>> -> memref<80x128xf32, #tpu.memory_space<hbm>>
        %dma_start3A_134 = arith.constant 0 : i32
        %dma_start3A_135 = tpu.memref_slice %arg6[%arg0, %mul3A_128, %dma_start3A_134] : memref<2x10000x128xf32, #tpu.memory_space<hbm>> -> memref<1x80x128xf32, #tpu.memory_space<hbm>>
        %dma_start3A_136 = tpu.memref_squeeze %dma_start3A_135 : memref<1x80x128xf32, #tpu.memory_space<hbm>> -> memref<80x128xf32, #tpu.memory_space<hbm>>
        %dma_start3A_137 = arith.constant 0 : i32
        %dma_start3A_138 = arith.constant 0 : i32
        %dma_start3A_139 = tpu.memref_slice %arg12[%dma_start3A_137, %dma_start3A_138] : memref<80x128xf32, #tpu.memory_space<vmem>> -> memref<80x128xf32, #tpu.memory_space<vmem>>
        tpu.enqueue_dma source(%dma_start3A_139 : memref<80x128xf32, #tpu.memory_space<vmem>>) target(%dma_start3A_136 : memref<80x128xf32, #tpu.memory_space<hbm>>) target_semaphore(%run_scoped3A : memref<!tpu.dma_semaphore, #tpu.memory_space<semaphore_mem>>)
        %dma_wait3A = arith.constant 0 : i32
        %dma_wait3A_140 = arith.constant 0 : i32
        %dma_wait3A_141 = tpu.memref_slice %arg12[%dma_wait3A, %dma_wait3A_140] : memref<80x128xf32, #tpu.memory_space<vmem>> -> memref<80x128xf32, #tpu.memory_space<vmem>>
        %dma_wait3A_142 = arith.constant 0 : i32
        %dma_wait3A_143 = tpu.memref_slice %arg6[%arg0, %mul3A_128, %dma_wait3A_142] : memref<2x10000x128xf32, #tpu.memory_space<hbm>> -> memref<1x80x128xf32, #tpu.memory_space<hbm>>
        %dma_wait3A_144 = tpu.memref_squeeze %dma_wait3A_143 : memref<1x80x128xf32, #tpu.memory_space<hbm>> -> memref<80x128xf32, #tpu.memory_space<hbm>>
        %dma_wait3A_145 = arith.constant 0 : i32
        %dma_wait3A_146 = tpu.memref_slice %arg6[%arg0, %mul3A_128, %dma_wait3A_145] : memref<2x10000x128xf32, #tpu.memory_space<hbm>> -> memref<1x80x128xf32, #tpu.memory_space<hbm>>
        %dma_wait3A_147 = tpu.memref_squeeze %dma_wait3A_146 : memref<1x80x128xf32, #tpu.memory_space<hbm>> -> memref<80x128xf32, #tpu.memory_space<hbm>>
        %dma_wait3A_148 = arith.constant 0 : i32
        %dma_wait3A_149 = arith.constant 0 : i32
        %dma_wait3A_150 = tpu.memref_slice %arg12[%dma_wait3A_148, %dma_wait3A_149] : memref<80x128xf32, #tpu.memory_space<vmem>> -> memref<80x128xf32, #tpu.memory_space<vmem>>
        tpu.wait_dma2 semaphore(%run_scoped3A : memref<!tpu.dma_semaphore, #tpu.memory_space<semaphore_mem>>) src(%dma_wait3A_150 : memref<80x128xf32, #tpu.memory_space<vmem>>) dst(%dma_wait3A_147 : memref<80x128xf32, #tpu.memory_space<hbm>>)
        tpu.yield
      }) : () -> ()
    } else {
    }
    %add3A_90 = arith.constant 48 : i32
    %add3A_91 = arith.addi %arg1, %add3A_90 : i32
    %lt3A_92 = arith.constant 125 : i32
    %lt3A_93 = arith.cmpi slt, %add3A_91, %lt3A_92 : i32
    %convert_element_type3A_94 = arith.extui %lt3A_93 : i1 to i32
    %cond3A_95 = arith.constant 0 : i32
    %cond3A_96 = arith.cmpi ne, %convert_element_type3A_94, %cond3A_95 : i32
    scf.if %cond3A_96 {
      %mul3A_125 = arith.constant 80 : i32
      %mul3A_126 = arith.muli %add3A_91, %mul3A_125 : i32
      "tpu.region"() ({
        %run_scoped3A = tpu.sem_alloc : memref<!tpu.dma_semaphore, #tpu.memory_space<semaphore_mem>>
        %dma_start3A = arith.constant 0 : i32
        %dma_start3A_129 = arith.constant 0 : i32
        %dma_start3A_130 = tpu.memref_slice %arg12[%dma_start3A, %dma_start3A_129] : memref<80x128xf32, #tpu.memory_space<vmem>> -> memref<80x128xf32, #tpu.memory_space<vmem>>
        %dma_start3A_131 = arith.constant 0 : i32
        %dma_start3A_132 = tpu.memref_slice %arg7[%mul3A_126, %dma_start3A_131] : memref<10008x128xf32, #tpu.memory_space<vmem_shared>> -> memref<80x128xf32, #tpu.memory_space<vmem_shared>>
        %dma_start3A_133 = arith.constant 0 : i32
        %dma_start3A_134 = arith.constant 0 : i32
        %dma_start3A_135 = tpu.memref_slice %arg12[%dma_start3A_133, %dma_start3A_134] : memref<80x128xf32, #tpu.memory_space<vmem>> -> memref<80x128xf32, #tpu.memory_space<vmem>>
        %dma_start3A_136 = arith.constant 0 : i32
        %dma_start3A_137 = tpu.memref_slice %arg7[%mul3A_126, %dma_start3A_136] : memref<10008x128xf32, #tpu.memory_space<vmem_shared>> -> memref<80x128xf32, #tpu.memory_space<vmem_shared>>
        tpu.enqueue_dma source(%dma_start3A_137 : memref<80x128xf32, #tpu.memory_space<vmem_shared>>) target(%dma_start3A_135 : memref<80x128xf32, #tpu.memory_space<vmem>>) target_semaphore(%run_scoped3A : memref<!tpu.dma_semaphore, #tpu.memory_space<semaphore_mem>>)
        %dma_wait3A = arith.constant 0 : i32
        %dma_wait3A_138 = arith.constant 0 : i32
        %dma_wait3A_139 = tpu.memref_slice %arg12[%dma_wait3A, %dma_wait3A_138] : memref<80x128xf32, #tpu.memory_space<vmem>> -> memref<80x128xf32, #tpu.memory_space<vmem>>
        %dma_wait3A_140 = arith.constant 0 : i32
        %dma_wait3A_141 = tpu.memref_slice %arg7[%mul3A_126, %dma_wait3A_140] : memref<10008x128xf32, #tpu.memory_space<vmem_shared>> -> memref<80x128xf32, #tpu.memory_space<vmem_shared>>
        %dma_wait3A_142 = arith.constant 0 : i32
        %dma_wait3A_143 = arith.constant 0 : i32
        %dma_wait3A_144 = tpu.memref_slice %arg12[%dma_wait3A_142, %dma_wait3A_143] : memref<80x128xf32, #tpu.memory_space<vmem>> -> memref<80x128xf32, #tpu.memory_space<vmem>>
        %dma_wait3A_145 = arith.constant 0 : i32
        %dma_wait3A_146 = tpu.memref_slice %arg7[%mul3A_126, %dma_wait3A_145] : memref<10008x128xf32, #tpu.memory_space<vmem_shared>> -> memref<80x128xf32, #tpu.memory_space<vmem_shared>>
        tpu.wait_dma2 semaphore(%run_scoped3A : memref<!tpu.dma_semaphore, #tpu.memory_space<semaphore_mem>>) src(%dma_wait3A_146 : memref<80x128xf32, #tpu.memory_space<vmem_shared>>) dst(%dma_wait3A_144 : memref<80x128xf32, #tpu.memory_space<vmem>>)
        tpu.yield
      }) : () -> ()
      %mul3A_127 = arith.constant 80 : i32
      %mul3A_128 = arith.muli %add3A_91, %mul3A_127 : i32
      "tpu.region"() ({
        %run_scoped3A = tpu.sem_alloc : memref<!tpu.dma_semaphore, #tpu.memory_space<semaphore_mem>>
        %dma_start3A = arith.constant 0 : i32
        %dma_start3A_129 = arith.constant 0 : i32
        %dma_start3A_130 = tpu.memref_slice %arg12[%dma_start3A, %dma_start3A_129] : memref<80x128xf32, #tpu.memory_space<vmem>> -> memref<80x128xf32, #tpu.memory_space<vmem>>
        %dma_start3A_131 = arith.constant 0 : i32
        %dma_start3A_132 = tpu.memref_slice %arg6[%arg0, %mul3A_128, %dma_start3A_131] : memref<2x10000x128xf32, #tpu.memory_space<hbm>> -> memref<1x80x128xf32, #tpu.memory_space<hbm>>
        %dma_start3A_133 = tpu.memref_squeeze %dma_start3A_132 : memref<1x80x128xf32, #tpu.memory_space<hbm>> -> memref<80x128xf32, #tpu.memory_space<hbm>>
        %dma_start3A_134 = arith.constant 0 : i32
        %dma_start3A_135 = tpu.memref_slice %arg6[%arg0, %mul3A_128, %dma_start3A_134] : memref<2x10000x128xf32, #tpu.memory_space<hbm>> -> memref<1x80x128xf32, #tpu.memory_space<hbm>>
        %dma_start3A_136 = tpu.memref_squeeze %dma_start3A_135 : memref<1x80x128xf32, #tpu.memory_space<hbm>> -> memref<80x128xf32, #tpu.memory_space<hbm>>
        %dma_start3A_137 = arith.constant 0 : i32
        %dma_start3A_138 = arith.constant 0 : i32
        %dma_start3A_139 = tpu.memref_slice %arg12[%dma_start3A_137, %dma_start3A_138] : memref<80x128xf32, #tpu.memory_space<vmem>> -> memref<80x128xf32, #tpu.memory_space<vmem>>
        tpu.enqueue_dma source(%dma_start3A_139 : memref<80x128xf32, #tpu.memory_space<vmem>>) target(%dma_start3A_136 : memref<80x128xf32, #tpu.memory_space<hbm>>) target_semaphore(%run_scoped3A : memref<!tpu.dma_semaphore, #tpu.memory_space<semaphore_mem>>)
        %dma_wait3A = arith.constant 0 : i32
        %dma_wait3A_140 = arith.constant 0 : i32
        %dma_wait3A_141 = tpu.memref_slice %arg12[%dma_wait3A, %dma_wait3A_140] : memref<80x128xf32, #tpu.memory_space<vmem>> -> memref<80x128xf32, #tpu.memory_space<vmem>>
        %dma_wait3A_142 = arith.constant 0 : i32
        %dma_wait3A_143 = tpu.memref_slice %arg6[%arg0, %mul3A_128, %dma_wait3A_142] : memref<2x10000x128xf32, #tpu.memory_space<hbm>> -> memref<1x80x128xf32, #tpu.memory_space<hbm>>
        %dma_wait3A_144 = tpu.memref_squeeze %dma_wait3A_143 : memref<1x80x128xf32, #tpu.memory_space<hbm>> -> memref<80x128xf32, #tpu.memory_space<hbm>>
        %dma_wait3A_145 = arith.constant 0 : i32
        %dma_wait3A_146 = tpu.memref_slice %arg6[%arg0, %mul3A_128, %dma_wait3A_145] : memref<2x10000x128xf32, #tpu.memory_space<hbm>> -> memref<1x80x128xf32, #tpu.memory_space<hbm>>
        %dma_wait3A_147 = tpu.memref_squeeze %dma_wait3A_146 : memref<1x80x128xf32, #tpu.memory_space<hbm>> -> memref<80x128xf32, #tpu.memory_space<hbm>>
        %dma_wait3A_148 = arith.constant 0 : i32
        %dma_wait3A_149 = arith.constant 0 : i32
        %dma_wait3A_150 = tpu.memref_slice %arg12[%dma_wait3A_148, %dma_wait3A_149] : memref<80x128xf32, #tpu.memory_space<vmem>> -> memref<80x128xf32, #tpu.memory_space<vmem>>
        tpu.wait_dma2 semaphore(%run_scoped3A : memref<!tpu.dma_semaphore, #tpu.memory_space<semaphore_mem>>) src(%dma_wait3A_150 : memref<80x128xf32, #tpu.memory_space<vmem>>) dst(%dma_wait3A_147 : memref<80x128xf32, #tpu.memory_space<hbm>>)
        tpu.yield
      }) : () -> ()
    } else {
    }
    %add3A_97 = arith.constant 64 : i32
    %add3A_98 = arith.addi %arg1, %add3A_97 : i32
    %lt3A_99 = arith.constant 125 : i32
    %lt3A_100 = arith.cmpi slt, %add3A_98, %lt3A_99 : i32
    %convert_element_type3A_101 = arith.extui %lt3A_100 : i1 to i32
    %cond3A_102 = arith.constant 0 : i32
    %cond3A_103 = arith.cmpi ne, %convert_element_type3A_101, %cond3A_102 : i32
    scf.if %cond3A_103 {
      %mul3A_125 = arith.constant 80 : i32
      %mul3A_126 = arith.muli %add3A_98, %mul3A_125 : i32
      "tpu.region"() ({
        %run_scoped3A = tpu.sem_alloc : memref<!tpu.dma_semaphore, #tpu.memory_space<semaphore_mem>>
        %dma_start3A = arith.constant 0 : i32
        %dma_start3A_129 = arith.constant 0 : i32
        %dma_start3A_130 = tpu.memref_slice %arg12[%dma_start3A, %dma_start3A_129] : memref<80x128xf32, #tpu.memory_space<vmem>> -> memref<80x128xf32, #tpu.memory_space<vmem>>
        %dma_start3A_131 = arith.constant 0 : i32
        %dma_start3A_132 = tpu.memref_slice %arg7[%mul3A_126, %dma_start3A_131] : memref<10008x128xf32, #tpu.memory_space<vmem_shared>> -> memref<80x128xf32, #tpu.memory_space<vmem_shared>>
        %dma_start3A_133 = arith.constant 0 : i32
        %dma_start3A_134 = arith.constant 0 : i32
        %dma_start3A_135 = tpu.memref_slice %arg12[%dma_start3A_133, %dma_start3A_134] : memref<80x128xf32, #tpu.memory_space<vmem>> -> memref<80x128xf32, #tpu.memory_space<vmem>>
        %dma_start3A_136 = arith.constant 0 : i32
        %dma_start3A_137 = tpu.memref_slice %arg7[%mul3A_126, %dma_start3A_136] : memref<10008x128xf32, #tpu.memory_space<vmem_shared>> -> memref<80x128xf32, #tpu.memory_space<vmem_shared>>
        tpu.enqueue_dma source(%dma_start3A_137 : memref<80x128xf32, #tpu.memory_space<vmem_shared>>) target(%dma_start3A_135 : memref<80x128xf32, #tpu.memory_space<vmem>>) target_semaphore(%run_scoped3A : memref<!tpu.dma_semaphore, #tpu.memory_space<semaphore_mem>>)
        %dma_wait3A = arith.constant 0 : i32
        %dma_wait3A_138 = arith.constant 0 : i32
        %dma_wait3A_139 = tpu.memref_slice %arg12[%dma_wait3A, %dma_wait3A_138] : memref<80x128xf32, #tpu.memory_space<vmem>> -> memref<80x128xf32, #tpu.memory_space<vmem>>
        %dma_wait3A_140 = arith.constant 0 : i32
        %dma_wait3A_141 = tpu.memref_slice %arg7[%mul3A_126, %dma_wait3A_140] : memref<10008x128xf32, #tpu.memory_space<vmem_shared>> -> memref<80x128xf32, #tpu.memory_space<vmem_shared>>
        %dma_wait3A_142 = arith.constant 0 : i32
        %dma_wait3A_143 = arith.constant 0 : i32
        %dma_wait3A_144 = tpu.memref_slice %arg12[%dma_wait3A_142, %dma_wait3A_143] : memref<80x128xf32, #tpu.memory_space<vmem>> -> memref<80x128xf32, #tpu.memory_space<vmem>>
        %dma_wait3A_145 = arith.constant 0 : i32
        %dma_wait3A_146 = tpu.memref_slice %arg7[%mul3A_126, %dma_wait3A_145] : memref<10008x128xf32, #tpu.memory_space<vmem_shared>> -> memref<80x128xf32, #tpu.memory_space<vmem_shared>>
        tpu.wait_dma2 semaphore(%run_scoped3A : memref<!tpu.dma_semaphore, #tpu.memory_space<semaphore_mem>>) src(%dma_wait3A_146 : memref<80x128xf32, #tpu.memory_space<vmem_shared>>) dst(%dma_wait3A_144 : memref<80x128xf32, #tpu.memory_space<vmem>>)
        tpu.yield
      }) : () -> ()
      %mul3A_127 = arith.constant 80 : i32
      %mul3A_128 = arith.muli %add3A_98, %mul3A_127 : i32
      "tpu.region"() ({
        %run_scoped3A = tpu.sem_alloc : memref<!tpu.dma_semaphore, #tpu.memory_space<semaphore_mem>>
        %dma_start3A = arith.constant 0 : i32
        %dma_start3A_129 = arith.constant 0 : i32
        %dma_start3A_130 = tpu.memref_slice %arg12[%dma_start3A, %dma_start3A_129] : memref<80x128xf32, #tpu.memory_space<vmem>> -> memref<80x128xf32, #tpu.memory_space<vmem>>
        %dma_start3A_131 = arith.constant 0 : i32
        %dma_start3A_132 = tpu.memref_slice %arg6[%arg0, %mul3A_128, %dma_start3A_131] : memref<2x10000x128xf32, #tpu.memory_space<hbm>> -> memref<1x80x128xf32, #tpu.memory_space<hbm>>
        %dma_start3A_133 = tpu.memref_squeeze %dma_start3A_132 : memref<1x80x128xf32, #tpu.memory_space<hbm>> -> memref<80x128xf32, #tpu.memory_space<hbm>>
        %dma_start3A_134 = arith.constant 0 : i32
        %dma_start3A_135 = tpu.memref_slice %arg6[%arg0, %mul3A_128, %dma_start3A_134] : memref<2x10000x128xf32, #tpu.memory_space<hbm>> -> memref<1x80x128xf32, #tpu.memory_space<hbm>>
        %dma_start3A_136 = tpu.memref_squeeze %dma_start3A_135 : memref<1x80x128xf32, #tpu.memory_space<hbm>> -> memref<80x128xf32, #tpu.memory_space<hbm>>
        %dma_start3A_137 = arith.constant 0 : i32
        %dma_start3A_138 = arith.constant 0 : i32
        %dma_start3A_139 = tpu.memref_slice %arg12[%dma_start3A_137, %dma_start3A_138] : memref<80x128xf32, #tpu.memory_space<vmem>> -> memref<80x128xf32, #tpu.memory_space<vmem>>
        tpu.enqueue_dma source(%dma_start3A_139 : memref<80x128xf32, #tpu.memory_space<vmem>>) target(%dma_start3A_136 : memref<80x128xf32, #tpu.memory_space<hbm>>) target_semaphore(%run_scoped3A : memref<!tpu.dma_semaphore, #tpu.memory_space<semaphore_mem>>)
        %dma_wait3A = arith.constant 0 : i32
        %dma_wait3A_140 = arith.constant 0 : i32
        %dma_wait3A_141 = tpu.memref_slice %arg12[%dma_wait3A, %dma_wait3A_140] : memref<80x128xf32, #tpu.memory_space<vmem>> -> memref<80x128xf32, #tpu.memory_space<vmem>>
        %dma_wait3A_142 = arith.constant 0 : i32
        %dma_wait3A_143 = tpu.memref_slice %arg6[%arg0, %mul3A_128, %dma_wait3A_142] : memref<2x10000x128xf32, #tpu.memory_space<hbm>> -> memref<1x80x128xf32, #tpu.memory_space<hbm>>
        %dma_wait3A_144 = tpu.memref_squeeze %dma_wait3A_143 : memref<1x80x128xf32, #tpu.memory_space<hbm>> -> memref<80x128xf32, #tpu.memory_space<hbm>>
        %dma_wait3A_145 = arith.constant 0 : i32
        %dma_wait3A_146 = tpu.memref_slice %arg6[%arg0, %mul3A_128, %dma_wait3A_145] : memref<2x10000x128xf32, #tpu.memory_space<hbm>> -> memref<1x80x128xf32, #tpu.memory_space<hbm>>
        %dma_wait3A_147 = tpu.memref_squeeze %dma_wait3A_146 : memref<1x80x128xf32, #tpu.memory_space<hbm>> -> memref<80x128xf32, #tpu.memory_space<hbm>>
        %dma_wait3A_148 = arith.constant 0 : i32
        %dma_wait3A_149 = arith.constant 0 : i32
        %dma_wait3A_150 = tpu.memref_slice %arg12[%dma_wait3A_148, %dma_wait3A_149] : memref<80x128xf32, #tpu.memory_space<vmem>> -> memref<80x128xf32, #tpu.memory_space<vmem>>
        tpu.wait_dma2 semaphore(%run_scoped3A : memref<!tpu.dma_semaphore, #tpu.memory_space<semaphore_mem>>) src(%dma_wait3A_150 : memref<80x128xf32, #tpu.memory_space<vmem>>) dst(%dma_wait3A_147 : memref<80x128xf32, #tpu.memory_space<hbm>>)
        tpu.yield
      }) : () -> ()
    } else {
    }
    %add3A_104 = arith.constant 80 : i32
    %add3A_105 = arith.addi %arg1, %add3A_104 : i32
    %lt3A_106 = arith.constant 125 : i32
    %lt3A_107 = arith.cmpi slt, %add3A_105, %lt3A_106 : i32
    %convert_element_type3A_108 = arith.extui %lt3A_107 : i1 to i32
    %cond3A_109 = arith.constant 0 : i32
    %cond3A_110 = arith.cmpi ne, %convert_element_type3A_108, %cond3A_109 : i32
    scf.if %cond3A_110 {
      %mul3A_125 = arith.constant 80 : i32
      %mul3A_126 = arith.muli %add3A_105, %mul3A_125 : i32
      "tpu.region"() ({
        %run_scoped3A = tpu.sem_alloc : memref<!tpu.dma_semaphore, #tpu.memory_space<semaphore_mem>>
        %dma_start3A = arith.constant 0 : i32
        %dma_start3A_129 = arith.constant 0 : i32
        %dma_start3A_130 = tpu.memref_slice %arg12[%dma_start3A, %dma_start3A_129] : memref<80x128xf32, #tpu.memory_space<vmem>> -> memref<80x128xf32, #tpu.memory_space<vmem>>
        %dma_start3A_131 = arith.constant 0 : i32
        %dma_start3A_132 = tpu.memref_slice %arg7[%mul3A_126, %dma_start3A_131] : memref<10008x128xf32, #tpu.memory_space<vmem_shared>> -> memref<80x128xf32, #tpu.memory_space<vmem_shared>>
        %dma_start3A_133 = arith.constant 0 : i32
        %dma_start3A_134 = arith.constant 0 : i32
        %dma_start3A_135 = tpu.memref_slice %arg12[%dma_start3A_133, %dma_start3A_134] : memref<80x128xf32, #tpu.memory_space<vmem>> -> memref<80x128xf32, #tpu.memory_space<vmem>>
        %dma_start3A_136 = arith.constant 0 : i32
        %dma_start3A_137 = tpu.memref_slice %arg7[%mul3A_126, %dma_start3A_136] : memref<10008x128xf32, #tpu.memory_space<vmem_shared>> -> memref<80x128xf32, #tpu.memory_space<vmem_shared>>
        tpu.enqueue_dma source(%dma_start3A_137 : memref<80x128xf32, #tpu.memory_space<vmem_shared>>) target(%dma_start3A_135 : memref<80x128xf32, #tpu.memory_space<vmem>>) target_semaphore(%run_scoped3A : memref<!tpu.dma_semaphore, #tpu.memory_space<semaphore_mem>>)
        %dma_wait3A = arith.constant 0 : i32
        %dma_wait3A_138 = arith.constant 0 : i32
        %dma_wait3A_139 = tpu.memref_slice %arg12[%dma_wait3A, %dma_wait3A_138] : memref<80x128xf32, #tpu.memory_space<vmem>> -> memref<80x128xf32, #tpu.memory_space<vmem>>
        %dma_wait3A_140 = arith.constant 0 : i32
        %dma_wait3A_141 = tpu.memref_slice %arg7[%mul3A_126, %dma_wait3A_140] : memref<10008x128xf32, #tpu.memory_space<vmem_shared>> -> memref<80x128xf32, #tpu.memory_space<vmem_shared>>
        %dma_wait3A_142 = arith.constant 0 : i32
        %dma_wait3A_143 = arith.constant 0 : i32
        %dma_wait3A_144 = tpu.memref_slice %arg12[%dma_wait3A_142, %dma_wait3A_143] : memref<80x128xf32, #tpu.memory_space<vmem>> -> memref<80x128xf32, #tpu.memory_space<vmem>>
        %dma_wait3A_145 = arith.constant 0 : i32
        %dma_wait3A_146 = tpu.memref_slice %arg7[%mul3A_126, %dma_wait3A_145] : memref<10008x128xf32, #tpu.memory_space<vmem_shared>> -> memref<80x128xf32, #tpu.memory_space<vmem_shared>>
        tpu.wait_dma2 semaphore(%run_scoped3A : memref<!tpu.dma_semaphore, #tpu.memory_space<semaphore_mem>>) src(%dma_wait3A_146 : memref<80x128xf32, #tpu.memory_space<vmem_shared>>) dst(%dma_wait3A_144 : memref<80x128xf32, #tpu.memory_space<vmem>>)
        tpu.yield
      }) : () -> ()
      %mul3A_127 = arith.constant 80 : i32
      %mul3A_128 = arith.muli %add3A_105, %mul3A_127 : i32
      "tpu.region"() ({
        %run_scoped3A = tpu.sem_alloc : memref<!tpu.dma_semaphore, #tpu.memory_space<semaphore_mem>>
        %dma_start3A = arith.constant 0 : i32
        %dma_start3A_129 = arith.constant 0 : i32
        %dma_start3A_130 = tpu.memref_slice %arg12[%dma_start3A, %dma_start3A_129] : memref<80x128xf32, #tpu.memory_space<vmem>> -> memref<80x128xf32, #tpu.memory_space<vmem>>
        %dma_start3A_131 = arith.constant 0 : i32
        %dma_start3A_132 = tpu.memref_slice %arg6[%arg0, %mul3A_128, %dma_start3A_131] : memref<2x10000x128xf32, #tpu.memory_space<hbm>> -> memref<1x80x128xf32, #tpu.memory_space<hbm>>
        %dma_start3A_133 = tpu.memref_squeeze %dma_start3A_132 : memref<1x80x128xf32, #tpu.memory_space<hbm>> -> memref<80x128xf32, #tpu.memory_space<hbm>>
        %dma_start3A_134 = arith.constant 0 : i32
        %dma_start3A_135 = tpu.memref_slice %arg6[%arg0, %mul3A_128, %dma_start3A_134] : memref<2x10000x128xf32, #tpu.memory_space<hbm>> -> memref<1x80x128xf32, #tpu.memory_space<hbm>>
        %dma_start3A_136 = tpu.memref_squeeze %dma_start3A_135 : memref<1x80x128xf32, #tpu.memory_space<hbm>> -> memref<80x128xf32, #tpu.memory_space<hbm>>
        %dma_start3A_137 = arith.constant 0 : i32
        %dma_start3A_138 = arith.constant 0 : i32
        %dma_start3A_139 = tpu.memref_slice %arg12[%dma_start3A_137, %dma_start3A_138] : memref<80x128xf32, #tpu.memory_space<vmem>> -> memref<80x128xf32, #tpu.memory_space<vmem>>
        tpu.enqueue_dma source(%dma_start3A_139 : memref<80x128xf32, #tpu.memory_space<vmem>>) target(%dma_start3A_136 : memref<80x128xf32, #tpu.memory_space<hbm>>) target_semaphore(%run_scoped3A : memref<!tpu.dma_semaphore, #tpu.memory_space<semaphore_mem>>)
        %dma_wait3A = arith.constant 0 : i32
        %dma_wait3A_140 = arith.constant 0 : i32
        %dma_wait3A_141 = tpu.memref_slice %arg12[%dma_wait3A, %dma_wait3A_140] : memref<80x128xf32, #tpu.memory_space<vmem>> -> memref<80x128xf32, #tpu.memory_space<vmem>>
        %dma_wait3A_142 = arith.constant 0 : i32
        %dma_wait3A_143 = tpu.memref_slice %arg6[%arg0, %mul3A_128, %dma_wait3A_142] : memref<2x10000x128xf32, #tpu.memory_space<hbm>> -> memref<1x80x128xf32, #tpu.memory_space<hbm>>
        %dma_wait3A_144 = tpu.memref_squeeze %dma_wait3A_143 : memref<1x80x128xf32, #tpu.memory_space<hbm>> -> memref<80x128xf32, #tpu.memory_space<hbm>>
        %dma_wait3A_145 = arith.constant 0 : i32
        %dma_wait3A_146 = tpu.memref_slice %arg6[%arg0, %mul3A_128, %dma_wait3A_145] : memref<2x10000x128xf32, #tpu.memory_space<hbm>> -> memref<1x80x128xf32, #tpu.memory_space<hbm>>
        %dma_wait3A_147 = tpu.memref_squeeze %dma_wait3A_146 : memref<1x80x128xf32, #tpu.memory_space<hbm>> -> memref<80x128xf32, #tpu.memory_space<hbm>>
        %dma_wait3A_148 = arith.constant 0 : i32
        %dma_wait3A_149 = arith.constant 0 : i32
        %dma_wait3A_150 = tpu.memref_slice %arg12[%dma_wait3A_148, %dma_wait3A_149] : memref<80x128xf32, #tpu.memory_space<vmem>> -> memref<80x128xf32, #tpu.memory_space<vmem>>
        tpu.wait_dma2 semaphore(%run_scoped3A : memref<!tpu.dma_semaphore, #tpu.memory_space<semaphore_mem>>) src(%dma_wait3A_150 : memref<80x128xf32, #tpu.memory_space<vmem>>) dst(%dma_wait3A_147 : memref<80x128xf32, #tpu.memory_space<hbm>>)
        tpu.yield
      }) : () -> ()
    } else {
    }
    %add3A_111 = arith.constant 96 : i32
    %add3A_112 = arith.addi %arg1, %add3A_111 : i32
    %lt3A_113 = arith.constant 125 : i32
    %lt3A_114 = arith.cmpi slt, %add3A_112, %lt3A_113 : i32
    %convert_element_type3A_115 = arith.extui %lt3A_114 : i1 to i32
    %cond3A_116 = arith.constant 0 : i32
    %cond3A_117 = arith.cmpi ne, %convert_element_type3A_115, %cond3A_116 : i32
    scf.if %cond3A_117 {
      %mul3A_125 = arith.constant 80 : i32
      %mul3A_126 = arith.muli %add3A_112, %mul3A_125 : i32
      "tpu.region"() ({
        %run_scoped3A = tpu.sem_alloc : memref<!tpu.dma_semaphore, #tpu.memory_space<semaphore_mem>>
        %dma_start3A = arith.constant 0 : i32
        %dma_start3A_129 = arith.constant 0 : i32
        %dma_start3A_130 = tpu.memref_slice %arg12[%dma_start3A, %dma_start3A_129] : memref<80x128xf32, #tpu.memory_space<vmem>> -> memref<80x128xf32, #tpu.memory_space<vmem>>
        %dma_start3A_131 = arith.constant 0 : i32
        %dma_start3A_132 = tpu.memref_slice %arg7[%mul3A_126, %dma_start3A_131] : memref<10008x128xf32, #tpu.memory_space<vmem_shared>> -> memref<80x128xf32, #tpu.memory_space<vmem_shared>>
        %dma_start3A_133 = arith.constant 0 : i32
        %dma_start3A_134 = arith.constant 0 : i32
        %dma_start3A_135 = tpu.memref_slice %arg12[%dma_start3A_133, %dma_start3A_134] : memref<80x128xf32, #tpu.memory_space<vmem>> -> memref<80x128xf32, #tpu.memory_space<vmem>>
        %dma_start3A_136 = arith.constant 0 : i32
        %dma_start3A_137 = tpu.memref_slice %arg7[%mul3A_126, %dma_start3A_136] : memref<10008x128xf32, #tpu.memory_space<vmem_shared>> -> memref<80x128xf32, #tpu.memory_space<vmem_shared>>
        tpu.enqueue_dma source(%dma_start3A_137 : memref<80x128xf32, #tpu.memory_space<vmem_shared>>) target(%dma_start3A_135 : memref<80x128xf32, #tpu.memory_space<vmem>>) target_semaphore(%run_scoped3A : memref<!tpu.dma_semaphore, #tpu.memory_space<semaphore_mem>>)
        %dma_wait3A = arith.constant 0 : i32
        %dma_wait3A_138 = arith.constant 0 : i32
        %dma_wait3A_139 = tpu.memref_slice %arg12[%dma_wait3A, %dma_wait3A_138] : memref<80x128xf32, #tpu.memory_space<vmem>> -> memref<80x128xf32, #tpu.memory_space<vmem>>
        %dma_wait3A_140 = arith.constant 0 : i32
        %dma_wait3A_141 = tpu.memref_slice %arg7[%mul3A_126, %dma_wait3A_140] : memref<10008x128xf32, #tpu.memory_space<vmem_shared>> -> memref<80x128xf32, #tpu.memory_space<vmem_shared>>
        %dma_wait3A_142 = arith.constant 0 : i32
        %dma_wait3A_143 = arith.constant 0 : i32
        %dma_wait3A_144 = tpu.memref_slice %arg12[%dma_wait3A_142, %dma_wait3A_143] : memref<80x128xf32, #tpu.memory_space<vmem>> -> memref<80x128xf32, #tpu.memory_space<vmem>>
        %dma_wait3A_145 = arith.constant 0 : i32
        %dma_wait3A_146 = tpu.memref_slice %arg7[%mul3A_126, %dma_wait3A_145] : memref<10008x128xf32, #tpu.memory_space<vmem_shared>> -> memref<80x128xf32, #tpu.memory_space<vmem_shared>>
        tpu.wait_dma2 semaphore(%run_scoped3A : memref<!tpu.dma_semaphore, #tpu.memory_space<semaphore_mem>>) src(%dma_wait3A_146 : memref<80x128xf32, #tpu.memory_space<vmem_shared>>) dst(%dma_wait3A_144 : memref<80x128xf32, #tpu.memory_space<vmem>>)
        tpu.yield
      }) : () -> ()
      %mul3A_127 = arith.constant 80 : i32
      %mul3A_128 = arith.muli %add3A_112, %mul3A_127 : i32
      "tpu.region"() ({
        %run_scoped3A = tpu.sem_alloc : memref<!tpu.dma_semaphore, #tpu.memory_space<semaphore_mem>>
        %dma_start3A = arith.constant 0 : i32
        %dma_start3A_129 = arith.constant 0 : i32
        %dma_start3A_130 = tpu.memref_slice %arg12[%dma_start3A, %dma_start3A_129] : memref<80x128xf32, #tpu.memory_space<vmem>> -> memref<80x128xf32, #tpu.memory_space<vmem>>
        %dma_start3A_131 = arith.constant 0 : i32
        %dma_start3A_132 = tpu.memref_slice %arg6[%arg0, %mul3A_128, %dma_start3A_131] : memref<2x10000x128xf32, #tpu.memory_space<hbm>> -> memref<1x80x128xf32, #tpu.memory_space<hbm>>
        %dma_start3A_133 = tpu.memref_squeeze %dma_start3A_132 : memref<1x80x128xf32, #tpu.memory_space<hbm>> -> memref<80x128xf32, #tpu.memory_space<hbm>>
        %dma_start3A_134 = arith.constant 0 : i32
        %dma_start3A_135 = tpu.memref_slice %arg6[%arg0, %mul3A_128, %dma_start3A_134] : memref<2x10000x128xf32, #tpu.memory_space<hbm>> -> memref<1x80x128xf32, #tpu.memory_space<hbm>>
        %dma_start3A_136 = tpu.memref_squeeze %dma_start3A_135 : memref<1x80x128xf32, #tpu.memory_space<hbm>> -> memref<80x128xf32, #tpu.memory_space<hbm>>
        %dma_start3A_137 = arith.constant 0 : i32
        %dma_start3A_138 = arith.constant 0 : i32
        %dma_start3A_139 = tpu.memref_slice %arg12[%dma_start3A_137, %dma_start3A_138] : memref<80x128xf32, #tpu.memory_space<vmem>> -> memref<80x128xf32, #tpu.memory_space<vmem>>
        tpu.enqueue_dma source(%dma_start3A_139 : memref<80x128xf32, #tpu.memory_space<vmem>>) target(%dma_start3A_136 : memref<80x128xf32, #tpu.memory_space<hbm>>) target_semaphore(%run_scoped3A : memref<!tpu.dma_semaphore, #tpu.memory_space<semaphore_mem>>)
        %dma_wait3A = arith.constant 0 : i32
        %dma_wait3A_140 = arith.constant 0 : i32
        %dma_wait3A_141 = tpu.memref_slice %arg12[%dma_wait3A, %dma_wait3A_140] : memref<80x128xf32, #tpu.memory_space<vmem>> -> memref<80x128xf32, #tpu.memory_space<vmem>>
        %dma_wait3A_142 = arith.constant 0 : i32
        %dma_wait3A_143 = tpu.memref_slice %arg6[%arg0, %mul3A_128, %dma_wait3A_142] : memref<2x10000x128xf32, #tpu.memory_space<hbm>> -> memref<1x80x128xf32, #tpu.memory_space<hbm>>
        %dma_wait3A_144 = tpu.memref_squeeze %dma_wait3A_143 : memref<1x80x128xf32, #tpu.memory_space<hbm>> -> memref<80x128xf32, #tpu.memory_space<hbm>>
        %dma_wait3A_145 = arith.constant 0 : i32
        %dma_wait3A_146 = tpu.memref_slice %arg6[%arg0, %mul3A_128, %dma_wait3A_145] : memref<2x10000x128xf32, #tpu.memory_space<hbm>> -> memref<1x80x128xf32, #tpu.memory_space<hbm>>
        %dma_wait3A_147 = tpu.memref_squeeze %dma_wait3A_146 : memref<1x80x128xf32, #tpu.memory_space<hbm>> -> memref<80x128xf32, #tpu.memory_space<hbm>>
        %dma_wait3A_148 = arith.constant 0 : i32
        %dma_wait3A_149 = arith.constant 0 : i32
        %dma_wait3A_150 = tpu.memref_slice %arg12[%dma_wait3A_148, %dma_wait3A_149] : memref<80x128xf32, #tpu.memory_space<vmem>> -> memref<80x128xf32, #tpu.memory_space<vmem>>
        tpu.wait_dma2 semaphore(%run_scoped3A : memref<!tpu.dma_semaphore, #tpu.memory_space<semaphore_mem>>) src(%dma_wait3A_150 : memref<80x128xf32, #tpu.memory_space<vmem>>) dst(%dma_wait3A_147 : memref<80x128xf32, #tpu.memory_space<hbm>>)
        tpu.yield
      }) : () -> ()
    } else {
    }
    %add3A_118 = arith.constant 112 : i32
    %add3A_119 = arith.addi %arg1, %add3A_118 : i32
    %lt3A_120 = arith.constant 125 : i32
    %lt3A_121 = arith.cmpi slt, %add3A_119, %lt3A_120 : i32
    %convert_element_type3A_122 = arith.extui %lt3A_121 : i1 to i32
    %cond3A_123 = arith.constant 0 : i32
    %cond3A_124 = arith.cmpi ne, %convert_element_type3A_122, %cond3A_123 : i32
    scf.if %cond3A_124 {
      %mul3A_125 = arith.constant 80 : i32
      %mul3A_126 = arith.muli %add3A_119, %mul3A_125 : i32
      "tpu.region"() ({
        %run_scoped3A = tpu.sem_alloc : memref<!tpu.dma_semaphore, #tpu.memory_space<semaphore_mem>>
        %dma_start3A = arith.constant 0 : i32
        %dma_start3A_129 = arith.constant 0 : i32
        %dma_start3A_130 = tpu.memref_slice %arg12[%dma_start3A, %dma_start3A_129] : memref<80x128xf32, #tpu.memory_space<vmem>> -> memref<80x128xf32, #tpu.memory_space<vmem>>
        %dma_start3A_131 = arith.constant 0 : i32
        %dma_start3A_132 = tpu.memref_slice %arg7[%mul3A_126, %dma_start3A_131] : memref<10008x128xf32, #tpu.memory_space<vmem_shared>> -> memref<80x128xf32, #tpu.memory_space<vmem_shared>>
        %dma_start3A_133 = arith.constant 0 : i32
        %dma_start3A_134 = arith.constant 0 : i32
        %dma_start3A_135 = tpu.memref_slice %arg12[%dma_start3A_133, %dma_start3A_134] : memref<80x128xf32, #tpu.memory_space<vmem>> -> memref<80x128xf32, #tpu.memory_space<vmem>>
        %dma_start3A_136 = arith.constant 0 : i32
        %dma_start3A_137 = tpu.memref_slice %arg7[%mul3A_126, %dma_start3A_136] : memref<10008x128xf32, #tpu.memory_space<vmem_shared>> -> memref<80x128xf32, #tpu.memory_space<vmem_shared>>
        tpu.enqueue_dma source(%dma_start3A_137 : memref<80x128xf32, #tpu.memory_space<vmem_shared>>) target(%dma_start3A_135 : memref<80x128xf32, #tpu.memory_space<vmem>>) target_semaphore(%run_scoped3A : memref<!tpu.dma_semaphore, #tpu.memory_space<semaphore_mem>>)
        %dma_wait3A = arith.constant 0 : i32
        %dma_wait3A_138 = arith.constant 0 : i32
        %dma_wait3A_139 = tpu.memref_slice %arg12[%dma_wait3A, %dma_wait3A_138] : memref<80x128xf32, #tpu.memory_space<vmem>> -> memref<80x128xf32, #tpu.memory_space<vmem>>
        %dma_wait3A_140 = arith.constant 0 : i32
        %dma_wait3A_141 = tpu.memref_slice %arg7[%mul3A_126, %dma_wait3A_140] : memref<10008x128xf32, #tpu.memory_space<vmem_shared>> -> memref<80x128xf32, #tpu.memory_space<vmem_shared>>
        %dma_wait3A_142 = arith.constant 0 : i32
        %dma_wait3A_143 = arith.constant 0 : i32
        %dma_wait3A_144 = tpu.memref_slice %arg12[%dma_wait3A_142, %dma_wait3A_143] : memref<80x128xf32, #tpu.memory_space<vmem>> -> memref<80x128xf32, #tpu.memory_space<vmem>>
        %dma_wait3A_145 = arith.constant 0 : i32
        %dma_wait3A_146 = tpu.memref_slice %arg7[%mul3A_126, %dma_wait3A_145] : memref<10008x128xf32, #tpu.memory_space<vmem_shared>> -> memref<80x128xf32, #tpu.memory_space<vmem_shared>>
        tpu.wait_dma2 semaphore(%run_scoped3A : memref<!tpu.dma_semaphore, #tpu.memory_space<semaphore_mem>>) src(%dma_wait3A_146 : memref<80x128xf32, #tpu.memory_space<vmem_shared>>) dst(%dma_wait3A_144 : memref<80x128xf32, #tpu.memory_space<vmem>>)
        tpu.yield
      }) : () -> ()
      %mul3A_127 = arith.constant 80 : i32
      %mul3A_128 = arith.muli %add3A_119, %mul3A_127 : i32
      "tpu.region"() ({
        %run_scoped3A = tpu.sem_alloc : memref<!tpu.dma_semaphore, #tpu.memory_space<semaphore_mem>>
        %dma_start3A = arith.constant 0 : i32
        %dma_start3A_129 = arith.constant 0 : i32
        %dma_start3A_130 = tpu.memref_slice %arg12[%dma_start3A, %dma_start3A_129] : memref<80x128xf32, #tpu.memory_space<vmem>> -> memref<80x128xf32, #tpu.memory_space<vmem>>
        %dma_start3A_131 = arith.constant 0 : i32
        %dma_start3A_132 = tpu.memref_slice %arg6[%arg0, %mul3A_128, %dma_start3A_131] : memref<2x10000x128xf32, #tpu.memory_space<hbm>> -> memref<1x80x128xf32, #tpu.memory_space<hbm>>
        %dma_start3A_133 = tpu.memref_squeeze %dma_start3A_132 : memref<1x80x128xf32, #tpu.memory_space<hbm>> -> memref<80x128xf32, #tpu.memory_space<hbm>>
        %dma_start3A_134 = arith.constant 0 : i32
        %dma_start3A_135 = tpu.memref_slice %arg6[%arg0, %mul3A_128, %dma_start3A_134] : memref<2x10000x128xf32, #tpu.memory_space<hbm>> -> memref<1x80x128xf32, #tpu.memory_space<hbm>>
        %dma_start3A_136 = tpu.memref_squeeze %dma_start3A_135 : memref<1x80x128xf32, #tpu.memory_space<hbm>> -> memref<80x128xf32, #tpu.memory_space<hbm>>
        %dma_start3A_137 = arith.constant 0 : i32
        %dma_start3A_138 = arith.constant 0 : i32
        %dma_start3A_139 = tpu.memref_slice %arg12[%dma_start3A_137, %dma_start3A_138] : memref<80x128xf32, #tpu.memory_space<vmem>> -> memref<80x128xf32, #tpu.memory_space<vmem>>
        tpu.enqueue_dma source(%dma_start3A_139 : memref<80x128xf32, #tpu.memory_space<vmem>>) target(%dma_start3A_136 : memref<80x128xf32, #tpu.memory_space<hbm>>) target_semaphore(%run_scoped3A : memref<!tpu.dma_semaphore, #tpu.memory_space<semaphore_mem>>)
        %dma_wait3A = arith.constant 0 : i32
        %dma_wait3A_140 = arith.constant 0 : i32
        %dma_wait3A_141 = tpu.memref_slice %arg12[%dma_wait3A, %dma_wait3A_140] : memref<80x128xf32, #tpu.memory_space<vmem>> -> memref<80x128xf32, #tpu.memory_space<vmem>>
        %dma_wait3A_142 = arith.constant 0 : i32
        %dma_wait3A_143 = tpu.memref_slice %arg6[%arg0, %mul3A_128, %dma_wait3A_142] : memref<2x10000x128xf32, #tpu.memory_space<hbm>> -> memref<1x80x128xf32, #tpu.memory_space<hbm>>
        %dma_wait3A_144 = tpu.memref_squeeze %dma_wait3A_143 : memref<1x80x128xf32, #tpu.memory_space<hbm>> -> memref<80x128xf32, #tpu.memory_space<hbm>>
        %dma_wait3A_145 = arith.constant 0 : i32
        %dma_wait3A_146 = tpu.memref_slice %arg6[%arg0, %mul3A_128, %dma_wait3A_145] : memref<2x10000x128xf32, #tpu.memory_space<hbm>> -> memref<1x80x128xf32, #tpu.memory_space<hbm>>
        %dma_wait3A_147 = tpu.memref_squeeze %dma_wait3A_146 : memref<1x80x128xf32, #tpu.memory_space<hbm>> -> memref<80x128xf32, #tpu.memory_space<hbm>>
        %dma_wait3A_148 = arith.constant 0 : i32
        %dma_wait3A_149 = arith.constant 0 : i32
        %dma_wait3A_150 = tpu.memref_slice %arg12[%dma_wait3A_148, %dma_wait3A_149] : memref<80x128xf32, #tpu.memory_space<vmem>> -> memref<80x128xf32, #tpu.memory_space<vmem>>
        tpu.wait_dma2 semaphore(%run_scoped3A : memref<!tpu.dma_semaphore, #tpu.memory_space<semaphore_mem>>) src(%dma_wait3A_150 : memref<80x128xf32, #tpu.memory_space<vmem>>) dst(%dma_wait3A_147 : memref<80x128xf32, #tpu.memory_space<hbm>>)
        tpu.yield
      }) : () -> ()
    } else {
    }
    return
  }
}

module attributes {stable_mosaic.version = 14 : i64} {
  func.func @body(%arg0: i32, %arg1: memref<4000x16xf32, #tpu.memory_space<vmem>>, %arg2: memref<16x128xf32, #tpu.memory_space<vmem>>, %arg3: memref<1x128xf32, #tpu.memory_space<vmem>>, %arg4: memref<4000x128xf32, #tpu.memory_space<vmem>>) attributes {dimension_semantics = [#tpu.dimension_semantics<arbitrary>], iteration_bounds = array<i64: 80>, scalar_prefetch = 0 : i64, scratch_operands = 0 : i64, tpu.core_type = #tpu.core_type<tc>, window_params = [{transform_indices = @transform_0, window_bounds = array<i64: 4000, 16>}, {pipeline_mode = #tpu.pipeline_mode<synchronous>, transform_indices = @transform_1, window_bounds = array<i64: 16, 128>}, {pipeline_mode = #tpu.pipeline_mode<synchronous>, transform_indices = @transform_2, window_bounds = array<i64: 1, 128>}, {transform_indices = @transform_3, window_bounds = array<i64: 4000, 128>}]} {
    %get3A = arith.constant 0 : index
    %get3A_0 = arith.constant 0 : index
    %get3A_1 = vector.load %arg1[%get3A, %get3A_0] : memref<4000x16xf32, #tpu.memory_space<vmem>>, vector<4000x16xf32>
    %get3A_2 = arith.constant 0 : index
    %get3A_3 = arith.constant 0 : index
    %get3A_4 = vector.load %arg2[%get3A_2, %get3A_3] : memref<16x128xf32, #tpu.memory_space<vmem>>, vector<16x128xf32>
    %dot_general3A = arith.constant dense<0.000000e+00> : vector<4000x128xf32>
    %dot_general3A_5 = tpu.matmul %get3A_1, %get3A_4, %dot_general3A {dimension_numbers = #tpu.dot_dimension_numbers<[1], [0], [0], [1], [0, 0, 1, 1], [], []>, transpose_lhs_hint = false} : vector<4000x16xf32>, vector<16x128xf32>, vector<4000x128xf32> -> vector<4000x128xf32>
    %get3A_6 = arith.constant 0 : index
    %get3A_7 = arith.constant 0 : index
    %get3A_8 = vector.load %arg3[%get3A_6, %get3A_7] : memref<1x128xf32, #tpu.memory_space<vmem>>, vector<1x128xf32>
    %add3A = vector.broadcast %get3A_8 : vector<1x128xf32> to vector<4000x128xf32>
    %add3A_9 = arith.addf %dot_general3A_5, %add3A : vector<4000x128xf32>
    %swap3A = arith.constant 0 : index
    %swap3A_10 = arith.constant 0 : index
    %swap3A_11 = vector.load %arg4[%swap3A, %swap3A_10] : memref<4000x128xf32, #tpu.memory_space<vmem>>, vector<4000x128xf32>
    tpu.vector_store %arg4[%swap3A, %swap3A_10], %add3A_9 {strides = array<i32>} : memref<4000x128xf32, #tpu.memory_space<vmem>>, vector<4000x128xf32>,
    return
  }
  func.func @transform_0(%arg0: i32) -> (i32, i32) {
    %c0_i32 = arith.constant 0 : i32
    %c0_i32_0 = arith.constant 0 : i32
    return %arg0, %c0_i32 : i32, i32
  }
  func.func @transform_1(%arg0: i32) -> (i32, i32) {
    %c0_i32 = arith.constant 0 : i32
    %c0_i32_0 = arith.constant 0 : i32
    %c0_i32_1 = arith.constant 0 : i32
    return %c0_i32, %c0_i32_0 : i32, i32
  }
  func.func @transform_2(%arg0: i32) -> (i32, i32) {
    %c0_i32 = arith.constant 0 : i32
    %c0_i32_0 = arith.constant 0 : i32
    %c0_i32_1 = arith.constant 0 : i32
    return %c0_i32, %c0_i32_0 : i32, i32
  }
  func.func @transform_3(%arg0: i32) -> (i32, i32) {
    %c0_i32 = arith.constant 0 : i32
    %c0_i32_0 = arith.constant 0 : i32
    return %arg0, %c0_i32 : i32, i32
  }
}

module attributes {stable_mosaic.version = 14 : i64} {
  func.func @body(%arg0: memref<10000x128xf32, #tpu.memory_space<vmem>>, %arg1: memref<2x10000x128xf32, #tpu.memory_space<vmem>>, %arg2: memref<128x128xf32, #tpu.memory_space<vmem>>, %arg3: memref<1x128xf32, #tpu.memory_space<vmem>>, %arg4: memref<1x128xf32, #tpu.memory_space<vmem>>, %arg5: memref<1x128xf32, #tpu.memory_space<vmem>>, %arg6: memref<10000x128xf32, #tpu.memory_space<vmem>>) attributes {dimension_semantics = [], scalar_prefetch = 0 : i64, scratch_operands = 0 : i64, tpu.core_type = #tpu.core_type<tc>} {
    %get3A = arith.constant 0 : index
    %get3A_0 = arith.constant 0 : index
    %get3A_1 = vector.load %arg0[%get3A, %get3A_0] : memref<10000x128xf32, #tpu.memory_space<vmem>>, vector<10000x128xf32>
    %get3A_2 = arith.constant 0 : index
    %get3A_3 = arith.constant 0 : index
    %get3A_4 = arith.constant 0 : index
    %get3A_5 = vector.load %arg1[%get3A_2, %get3A_3, %get3A_4] : memref<2x10000x128xf32, #tpu.memory_space<vmem>>, vector<1x10000x128xf32>
    %get3A_6 = vector.shape_cast %get3A_5 : vector<1x10000x128xf32> to vector<10000x128xf32>
    %add3A = arith.addf %get3A_1, %get3A_6 : vector<10000x128xf32>
    %get3A_7 = arith.constant 1 : index
    %get3A_8 = arith.constant 0 : index
    %get3A_9 = arith.constant 0 : index
    %get3A_10 = vector.load %arg1[%get3A_7, %get3A_8, %get3A_9] : memref<2x10000x128xf32, #tpu.memory_space<vmem>>, vector<1x10000x128xf32>
    %get3A_11 = vector.shape_cast %get3A_10 : vector<1x10000x128xf32> to vector<10000x128xf32>
    %add3A_12 = arith.addf %add3A, %get3A_11 : vector<10000x128xf32>
    %get3A_13 = arith.constant 0 : index
    %get3A_14 = arith.constant 0 : index
    %get3A_15 = vector.load %arg2[%get3A_13, %get3A_14] : memref<128x128xf32, #tpu.memory_space<vmem>>, vector<128x128xf32>
    %dot_general3A = arith.constant dense<0.000000e+00> : vector<10000x128xf32>
    %dot_general3A_16 = tpu.matmul %add3A_12, %get3A_15, %dot_general3A {dimension_numbers = #tpu.dot_dimension_numbers<[1], [0], [0], [1], [0, 0, 1, 1], [], []>, transpose_lhs_hint = false} : vector<10000x128xf32>, vector<128x128xf32>, vector<10000x128xf32> -> vector<10000x128xf32>
    %get3A_17 = arith.constant 0 : index
    %get3A_18 = arith.constant 0 : index
    %get3A_19 = vector.load %arg3[%get3A_17, %get3A_18] : memref<1x128xf32, #tpu.memory_space<vmem>>, vector<1x128xf32>
    %add3A_20 = vector.broadcast %get3A_19 : vector<1x128xf32> to vector<10000x128xf32>
    %add3A_21 = arith.addf %dot_general3A_16, %add3A_20 : vector<10000x128xf32>
    %get3A_22 = arith.constant 0 : index
    %get3A_23 = arith.constant 0 : index
    %get3A_24 = vector.load %arg4[%get3A_22, %get3A_23] : memref<1x128xf32, #tpu.memory_space<vmem>>, vector<1x128xf32>
    %get3A_25 = arith.constant 0 : index
    %get3A_26 = arith.constant 0 : index
    %get3A_27 = vector.load %arg5[%get3A_25, %get3A_26] : memref<1x128xf32, #tpu.memory_space<vmem>>, vector<1x128xf32>
    %reduce_sum3A = arith.constant dense<0.000000e+00> : vector<128xf32>
    %reduce_sum3A_28 = vector.multi_reduction <add>, %add3A_21, %reduce_sum3A [0] : vector<10000x128xf32> to vector<128xf32>
    %broadcast_in_dim3A = vector.shape_cast %reduce_sum3A_28 : vector<128xf32> to vector<1x128xf32>
    %div3A = arith.constant 1.000000e+04 : f32
    %div3A_29 = vector.broadcast %div3A : f32 to vector<1x128xf32>
    %div3A_30 = arith.divf %broadcast_in_dim3A, %div3A_29 : vector<1x128xf32>
    %sub3A = vector.broadcast %div3A_30 : vector<1x128xf32> to vector<10000x128xf32>
    %sub3A_31 = arith.subf %add3A_21, %sub3A : vector<10000x128xf32>
    %mul3A = arith.mulf %sub3A_31, %sub3A_31 : vector<10000x128xf32>
    %reduce_sum3A_32 = arith.constant dense<0.000000e+00> : vector<128xf32>
    %reduce_sum3A_33 = vector.multi_reduction <add>, %mul3A, %reduce_sum3A_32 [0] : vector<10000x128xf32> to vector<128xf32>
    %broadcast_in_dim3A_34 = vector.shape_cast %reduce_sum3A_33 : vector<128xf32> to vector<1x128xf32>
    %div3A_35 = arith.constant 1.000000e+04 : f32
    %div3A_36 = vector.broadcast %div3A_35 : f32 to vector<1x128xf32>
    %div3A_37 = arith.divf %broadcast_in_dim3A_34, %div3A_36 : vector<1x128xf32>
    %mul3A_38 = vector.broadcast %get3A_24 : vector<1x128xf32> to vector<10000x128xf32>
    %mul3A_39 = arith.mulf %mul3A_38, %sub3A_31 : vector<10000x128xf32>
    %add3A_40 = arith.constant 9.99999974E-6 : f32
    %add3A_41 = vector.broadcast %add3A_40 : f32 to vector<1x128xf32>
    %add3A_42 = arith.addf %div3A_37, %add3A_41 : vector<1x128xf32>
    %rsqrt3A = math.rsqrt %add3A_42 : vector<1x128xf32>
    %mul3A_43 = vector.broadcast %rsqrt3A : vector<1x128xf32> to vector<10000x128xf32>
    %mul3A_44 = arith.mulf %mul3A_39, %mul3A_43 : vector<10000x128xf32>
    %add3A_45 = vector.broadcast %get3A_27 : vector<1x128xf32> to vector<10000x128xf32>
    %add3A_46 = arith.addf %mul3A_44, %add3A_45 : vector<10000x128xf32>
    %max3A = arith.constant 0.000000e+00 : f32
    %max3A_47 = vector.broadcast %max3A : f32 to vector<10000x128xf32>
    %max3A_48 = arith.maximumf %add3A_46, %max3A_47 : vector<10000x128xf32>
    %swap3A = arith.constant 0 : index
    %swap3A_49 = arith.constant 0 : index
    %swap3A_50 = vector.load %arg6[%swap3A, %swap3A_49] : memref<10000x128xf32, #tpu.memory_space<vmem>>, vector<10000x128xf32>
    tpu.vector_store %arg6[%swap3A, %swap3A_49], %max3A_48 {strides = array<i32>} : memref<10000x128xf32, #tpu.memory_space<vmem>>, vector<10000x128xf32>,
    return
  }
}

module attributes {stable_mosaic.version = 14 : i64} {
  func.func @body(%arg0: memref<10000x128xf32, #tpu.memory_space<vmem>>, %arg1: memref<2x10000x128xf32, #tpu.memory_space<vmem>>, %arg2: memref<128x128xf32, #tpu.memory_space<vmem>>, %arg3: memref<128x128xf32, #tpu.memory_space<vmem>>, %arg4: memref<1x128xf32, #tpu.memory_space<vmem>>, %arg5: memref<1x128xf32, #tpu.memory_space<vmem>>, %arg6: memref<1x128xf32, #tpu.memory_space<vmem>>, %arg7: memref<10000x128xf32, #tpu.memory_space<vmem>>) attributes {dimension_semantics = [], scalar_prefetch = 0 : i64, scratch_operands = 0 : i64, tpu.core_type = #tpu.core_type<tc>} {
    %get3A = arith.constant 0 : index
    %get3A_0 = arith.constant 0 : index
    %get3A_1 = vector.load %arg0[%get3A, %get3A_0] : memref<10000x128xf32, #tpu.memory_space<vmem>>, vector<10000x128xf32>
    %get3A_2 = arith.constant 0 : index
    %get3A_3 = arith.constant 0 : index
    %get3A_4 = vector.load %arg2[%get3A_2, %get3A_3] : memref<128x128xf32, #tpu.memory_space<vmem>>, vector<128x128xf32>
    %dot_general3A = arith.constant dense<0.000000e+00> : vector<10000x128xf32>
    %dot_general3A_5 = tpu.matmul %get3A_1, %get3A_4, %dot_general3A {dimension_numbers = #tpu.dot_dimension_numbers<[1], [0], [0], [1], [0, 0, 1, 1], [], []>, transpose_lhs_hint = false} : vector<10000x128xf32>, vector<128x128xf32>, vector<10000x128xf32> -> vector<10000x128xf32>
    %get3A_6 = arith.constant 0 : index
    %get3A_7 = arith.constant 0 : index
    %get3A_8 = arith.constant 0 : index
    %get3A_9 = vector.load %arg1[%get3A_6, %get3A_7, %get3A_8] : memref<2x10000x128xf32, #tpu.memory_space<vmem>>, vector<1x10000x128xf32>
    %get3A_10 = vector.shape_cast %get3A_9 : vector<1x10000x128xf32> to vector<10000x128xf32>
    %get3A_11 = arith.constant 1 : index
    %get3A_12 = arith.constant 0 : index
    %get3A_13 = arith.constant 0 : index
    %get3A_14 = vector.load %arg1[%get3A_11, %get3A_12, %get3A_13] : memref<2x10000x128xf32, #tpu.memory_space<vmem>>, vector<1x10000x128xf32>
    %get3A_15 = vector.shape_cast %get3A_14 : vector<1x10000x128xf32> to vector<10000x128xf32>
    %add3A = arith.addf %get3A_10, %get3A_15 : vector<10000x128xf32>
    %get3A_16 = arith.constant 0 : index
    %get3A_17 = arith.constant 0 : index
    %get3A_18 = vector.load %arg3[%get3A_16, %get3A_17] : memref<128x128xf32, #tpu.memory_space<vmem>>, vector<128x128xf32>
    %dot_general3A_19 = arith.constant dense<0.000000e+00> : vector<10000x128xf32>
    %dot_general3A_20 = tpu.matmul %add3A, %get3A_18, %dot_general3A_19 {dimension_numbers = #tpu.dot_dimension_numbers<[1], [0], [0], [1], [0, 0, 1, 1], [], []>, transpose_lhs_hint = false} : vector<10000x128xf32>, vector<128x128xf32>, vector<10000x128xf32> -> vector<10000x128xf32>
    %add3A_21 = arith.addf %dot_general3A_5, %dot_general3A_20 : vector<10000x128xf32>
    %get3A_22 = arith.constant 0 : index
    %get3A_23 = arith.constant 0 : index
    %get3A_24 = vector.load %arg4[%get3A_22, %get3A_23] : memref<1x128xf32, #tpu.memory_space<vmem>>, vector<1x128xf32>
    %add3A_25 = vector.broadcast %get3A_24 : vector<1x128xf32> to vector<10000x128xf32>
    %add3A_26 = arith.addf %add3A_21, %add3A_25 : vector<10000x128xf32>
    %get3A_27 = arith.constant 0 : index
    %get3A_28 = arith.constant 0 : index
    %get3A_29 = vector.load %arg5[%get3A_27, %get3A_28] : memref<1x128xf32, #tpu.memory_space<vmem>>, vector<1x128xf32>
    %get3A_30 = arith.constant 0 : index
    %get3A_31 = arith.constant 0 : index
    %get3A_32 = vector.load %arg6[%get3A_30, %get3A_31] : memref<1x128xf32, #tpu.memory_space<vmem>>, vector<1x128xf32>
    %reduce_sum3A = arith.constant dense<0.000000e+00> : vector<128xf32>
    %reduce_sum3A_33 = vector.multi_reduction <add>, %add3A_26, %reduce_sum3A [0] : vector<10000x128xf32> to vector<128xf32>
    %broadcast_in_dim3A = vector.shape_cast %reduce_sum3A_33 : vector<128xf32> to vector<1x128xf32>
    %div3A = arith.constant 1.000000e+04 : f32
    %div3A_34 = vector.broadcast %div3A : f32 to vector<1x128xf32>
    %div3A_35 = arith.divf %broadcast_in_dim3A, %div3A_34 : vector<1x128xf32>
    %sub3A = vector.broadcast %div3A_35 : vector<1x128xf32> to vector<10000x128xf32>
    %sub3A_36 = arith.subf %add3A_26, %sub3A : vector<10000x128xf32>
    %mul3A = arith.mulf %sub3A_36, %sub3A_36 : vector<10000x128xf32>
    %reduce_sum3A_37 = arith.constant dense<0.000000e+00> : vector<128xf32>
    %reduce_sum3A_38 = vector.multi_reduction <add>, %mul3A, %reduce_sum3A_37 [0] : vector<10000x128xf32> to vector<128xf32>
    %broadcast_in_dim3A_39 = vector.shape_cast %reduce_sum3A_38 : vector<128xf32> to vector<1x128xf32>
    %div3A_40 = arith.constant 1.000000e+04 : f32
    %div3A_41 = vector.broadcast %div3A_40 : f32 to vector<1x128xf32>
    %div3A_42 = arith.divf %broadcast_in_dim3A_39, %div3A_41 : vector<1x128xf32>
    %mul3A_43 = vector.broadcast %get3A_29 : vector<1x128xf32> to vector<10000x128xf32>
    %mul3A_44 = arith.mulf %mul3A_43, %sub3A_36 : vector<10000x128xf32>
    %add3A_45 = arith.constant 9.99999974E-6 : f32
    %add3A_46 = vector.broadcast %add3A_45 : f32 to vector<1x128xf32>
    %add3A_47 = arith.addf %div3A_42, %add3A_46 : vector<1x128xf32>
    %rsqrt3A = math.rsqrt %add3A_47 : vector<1x128xf32>
    %mul3A_48 = vector.broadcast %rsqrt3A : vector<1x128xf32> to vector<10000x128xf32>
    %mul3A_49 = arith.mulf %mul3A_44, %mul3A_48 : vector<10000x128xf32>
    %add3A_50 = vector.broadcast %get3A_32 : vector<1x128xf32> to vector<10000x128xf32>
    %add3A_51 = arith.addf %mul3A_49, %add3A_50 : vector<10000x128xf32>
    %max3A = arith.constant 0.000000e+00 : f32
    %max3A_52 = vector.broadcast %max3A : f32 to vector<10000x128xf32>
    %max3A_53 = arith.maximumf %add3A_51, %max3A_52 : vector<10000x128xf32>
    %swap3A = arith.constant 0 : index
    %swap3A_54 = arith.constant 0 : index
    %swap3A_55 = vector.load %arg7[%swap3A, %swap3A_54] : memref<10000x128xf32, #tpu.memory_space<vmem>>, vector<10000x128xf32>
    tpu.vector_store %arg7[%swap3A, %swap3A_54], %max3A_53 {strides = array<i32>} : memref<10000x128xf32, #tpu.memory_space<vmem>>, vector<10000x128xf32>,
    return
  }
}

module attributes {stable_mosaic.version = 14 : i64} {
  func.func @body(%arg0: memref<10000x128xf32, #tpu.memory_space<vmem>>, %arg1: memref<2x10000x128xf32, #tpu.memory_space<vmem>>, %arg2: memref<128x128xf32, #tpu.memory_space<vmem>>, %arg3: memref<128x128xf32, #tpu.memory_space<vmem>>, %arg4: memref<1x128xf32, #tpu.memory_space<vmem>>, %arg5: memref<1x128xf32, #tpu.memory_space<vmem>>, %arg6: memref<1x128xf32, #tpu.memory_space<vmem>>, %arg7: memref<1x10000xi32, #tpu.memory_space<vmem>>, %arg8: memref<128x8xf32, #tpu.memory_space<vmem>>, %arg9: memref<1x8xf32, #tpu.memory_space<vmem>>, %arg10: memref<64x8xf32, #tpu.memory_space<vmem>>) attributes {dimension_semantics = [], scalar_prefetch = 0 : i64, scratch_operands = 0 : i64, tpu.core_type = #tpu.core_type<tc>} {
    %get3A = arith.constant 0 : index
    %get3A_0 = arith.constant 0 : index
    %get3A_1 = vector.load %arg0[%get3A, %get3A_0] : memref<10000x128xf32, #tpu.memory_space<vmem>>, vector<10000x128xf32>
    %get3A_2 = arith.constant 0 : index
    %get3A_3 = arith.constant 0 : index
    %get3A_4 = vector.load %arg2[%get3A_2, %get3A_3] : memref<128x128xf32, #tpu.memory_space<vmem>>, vector<128x128xf32>
    %dot_general3A = arith.constant dense<0.000000e+00> : vector<10000x128xf32>
    %dot_general3A_5 = tpu.matmul %get3A_1, %get3A_4, %dot_general3A {dimension_numbers = #tpu.dot_dimension_numbers<[1], [0], [0], [1], [0, 0, 1, 1], [], []>, transpose_lhs_hint = false} : vector<10000x128xf32>, vector<128x128xf32>, vector<10000x128xf32> -> vector<10000x128xf32>
    %get3A_6 = arith.constant 0 : index
    %get3A_7 = arith.constant 0 : index
    %get3A_8 = arith.constant 0 : index
    %get3A_9 = vector.load %arg1[%get3A_6, %get3A_7, %get3A_8] : memref<2x10000x128xf32, #tpu.memory_space<vmem>>, vector<1x10000x128xf32>
    %get3A_10 = vector.shape_cast %get3A_9 : vector<1x10000x128xf32> to vector<10000x128xf32>
    %get3A_11 = arith.constant 1 : index
    %get3A_12 = arith.constant 0 : index
    %get3A_13 = arith.constant 0 : index
    %get3A_14 = vector.load %arg1[%get3A_11, %get3A_12, %get3A_13] : memref<2x10000x128xf32, #tpu.memory_space<vmem>>, vector<1x10000x128xf32>
    %get3A_15 = vector.shape_cast %get3A_14 : vector<1x10000x128xf32> to vector<10000x128xf32>
    %add3A = arith.addf %get3A_10, %get3A_15 : vector<10000x128xf32>
    %get3A_16 = arith.constant 0 : index
    %get3A_17 = arith.constant 0 : index
    %get3A_18 = vector.load %arg3[%get3A_16, %get3A_17] : memref<128x128xf32, #tpu.memory_space<vmem>>, vector<128x128xf32>
    %dot_general3A_19 = arith.constant dense<0.000000e+00> : vector<10000x128xf32>
    %dot_general3A_20 = tpu.matmul %add3A, %get3A_18, %dot_general3A_19 {dimension_numbers = #tpu.dot_dimension_numbers<[1], [0], [0], [1], [0, 0, 1, 1], [], []>, transpose_lhs_hint = false} : vector<10000x128xf32>, vector<128x128xf32>, vector<10000x128xf32> -> vector<10000x128xf32>
    %add3A_21 = arith.addf %dot_general3A_5, %dot_general3A_20 : vector<10000x128xf32>
    %get3A_22 = arith.constant 0 : index
    %get3A_23 = arith.constant 0 : index
    %get3A_24 = vector.load %arg4[%get3A_22, %get3A_23] : memref<1x128xf32, #tpu.memory_space<vmem>>, vector<1x128xf32>
    %add3A_25 = vector.broadcast %get3A_24 : vector<1x128xf32> to vector<10000x128xf32>
    %add3A_26 = arith.addf %add3A_21, %add3A_25 : vector<10000x128xf32>
    %get3A_27 = arith.constant 0 : index
    %get3A_28 = arith.constant 0 : index
    %get3A_29 = vector.load %arg5[%get3A_27, %get3A_28] : memref<1x128xf32, #tpu.memory_space<vmem>>, vector<1x128xf32>
    %get3A_30 = arith.constant 0 : index
    %get3A_31 = arith.constant 0 : index
    %get3A_32 = vector.load %arg6[%get3A_30, %get3A_31] : memref<1x128xf32, #tpu.memory_space<vmem>>, vector<1x128xf32>
    %reduce_sum3A = arith.constant dense<0.000000e+00> : vector<128xf32>
    %reduce_sum3A_33 = vector.multi_reduction <add>, %add3A_26, %reduce_sum3A [0] : vector<10000x128xf32> to vector<128xf32>
    %broadcast_in_dim3A = vector.shape_cast %reduce_sum3A_33 : vector<128xf32> to vector<1x128xf32>
    %div3A = arith.constant 1.000000e+04 : f32
    %div3A_34 = vector.broadcast %div3A : f32 to vector<1x128xf32>
    %div3A_35 = arith.divf %broadcast_in_dim3A, %div3A_34 : vector<1x128xf32>
    %sub3A = vector.broadcast %div3A_35 : vector<1x128xf32> to vector<10000x128xf32>
    %sub3A_36 = arith.subf %add3A_26, %sub3A : vector<10000x128xf32>
    %mul3A = arith.mulf %sub3A_36, %sub3A_36 : vector<10000x128xf32>
    %reduce_sum3A_37 = arith.constant dense<0.000000e+00> : vector<128xf32>
    %reduce_sum3A_38 = vector.multi_reduction <add>, %mul3A, %reduce_sum3A_37 [0] : vector<10000x128xf32> to vector<128xf32>
    %broadcast_in_dim3A_39 = vector.shape_cast %reduce_sum3A_38 : vector<128xf32> to vector<1x128xf32>
    %div3A_40 = arith.constant 1.000000e+04 : f32
    %div3A_41 = vector.broadcast %div3A_40 : f32 to vector<1x128xf32>
    %div3A_42 = arith.divf %broadcast_in_dim3A_39, %div3A_41 : vector<1x128xf32>
    %mul3A_43 = vector.broadcast %get3A_29 : vector<1x128xf32> to vector<10000x128xf32>
    %mul3A_44 = arith.mulf %mul3A_43, %sub3A_36 : vector<10000x128xf32>
    %add3A_45 = arith.constant 9.99999974E-6 : f32
    %add3A_46 = vector.broadcast %add3A_45 : f32 to vector<1x128xf32>
    %add3A_47 = arith.addf %div3A_42, %add3A_46 : vector<1x128xf32>
    %rsqrt3A = math.rsqrt %add3A_47 : vector<1x128xf32>
    %mul3A_48 = vector.broadcast %rsqrt3A : vector<1x128xf32> to vector<10000x128xf32>
    %mul3A_49 = arith.mulf %mul3A_44, %mul3A_48 : vector<10000x128xf32>
    %add3A_50 = vector.broadcast %get3A_32 : vector<1x128xf32> to vector<10000x128xf32>
    %add3A_51 = arith.addf %mul3A_49, %add3A_50 : vector<10000x128xf32>
    %max3A = arith.constant 0.000000e+00 : f32
    %max3A_52 = vector.broadcast %max3A : f32 to vector<10000x128xf32>
    %max3A_53 = arith.maximumf %add3A_51, %max3A_52 : vector<10000x128xf32>
    %get3A_54 = arith.constant 0 : index
    %get3A_55 = arith.constant 0 : index
    %get3A_56 = vector.load %arg7[%get3A_54, %get3A_55] : memref<1x10000xi32, #tpu.memory_space<vmem>>, vector<1x10000xi32>
    %iota3A = tpu.iota {dimensions = array<i32: 0>} : vector<64x10000xi32>
    %eq3A = vector.broadcast %get3A_56 : vector<1x10000xi32> to vector<64x10000xi32>
    %eq3A_57 = arith.cmpi eq, %iota3A, %eq3A : vector<64x10000xi32>
    %convert_element_type3A = arith.extui %eq3A_57 : vector<64x10000xi1> to vector<64x10000xi32>
    %convert_element_type3A_58 = arith.sitofp %convert_element_type3A : vector<64x10000xi32> to vector<64x10000xf32>
    %dot_general3A_59 = arith.constant dense<0.000000e+00> : vector<64x128xf32>
    %dot_general3A_60 = tpu.matmul %convert_element_type3A_58, %max3A_53, %dot_general3A_59 {dimension_numbers = #tpu.dot_dimension_numbers<[1], [0], [0], [1], [0, 0, 1, 1], [], []>, transpose_lhs_hint = false} : vector<64x10000xf32>, vector<10000x128xf32>, vector<64x128xf32> -> vector<64x128xf32>
    %reduce_sum3A_61 = arith.constant dense<0.000000e+00> : vector<64xf32>
    %reduce_sum3A_62 = vector.multi_reduction <add>, %convert_element_type3A_58, %reduce_sum3A_61 [1] : vector<64x10000xf32> to vector<64xf32>
    %broadcast_in_dim3A_63 = vector.shape_cast %reduce_sum3A_62 : vector<64xf32> to vector<64x1xf32>
    %max3A_64 = arith.constant 1.000000e+00 : f32
    %max3A_65 = vector.broadcast %max3A_64 : f32 to vector<64x1xf32>
    %max3A_66 = arith.maximumf %broadcast_in_dim3A_63, %max3A_65 : vector<64x1xf32>
    %div3A_67 = vector.broadcast %max3A_66 : vector<64x1xf32> to vector<64x128xf32>
    %div3A_68 = arith.divf %dot_general3A_60, %div3A_67 : vector<64x128xf32>
    %get3A_69 = arith.constant 0 : index
    %get3A_70 = arith.constant 0 : index
    %get3A_71 = vector.load %arg8[%get3A_69, %get3A_70] : memref<128x8xf32, #tpu.memory_space<vmem>>, vector<128x8xf32>
    %dot_general3A_72 = arith.constant dense<0.000000e+00> : vector<64x8xf32>
    %dot_general3A_73 = tpu.matmul %div3A_68, %get3A_71, %dot_general3A_72 {dimension_numbers = #tpu.dot_dimension_numbers<[1], [0], [0], [1], [0, 0, 1, 1], [], []>, transpose_lhs_hint = false} : vector<64x128xf32>, vector<128x8xf32>, vector<64x8xf32> -> vector<64x8xf32>
    %get3A_74 = arith.constant 0 : index
    %get3A_75 = arith.constant 0 : index
    %get3A_76 = vector.load %arg9[%get3A_74, %get3A_75] : memref<1x8xf32, #tpu.memory_space<vmem>>, vector<1x8xf32>
    %add3A_77 = vector.broadcast %get3A_76 : vector<1x8xf32> to vector<64x8xf32>
    %add3A_78 = arith.addf %dot_general3A_73, %add3A_77 : vector<64x8xf32>
    %iota3A_79 = tpu.iota {dimensions = array<i32: 1>} : vector<64x8xi32>
    %lt3A = arith.constant 3 : i32
    %lt3A_80 = vector.broadcast %lt3A : i32 to vector<64x8xi32>
    %lt3A_81 = arith.cmpi slt, %iota3A_79, %lt3A_80 : vector<64x8xi32>
    %jit3A = arith.constant -1.000000e+30 : f32
    %broadcast_in_dim3A_82 = vector.broadcast %jit3A : f32 to vector<64x8xf32>
    %select_n3A = arith.select %lt3A_81, %add3A_78, %broadcast_in_dim3A_82 : vector<64x8xi1>, vector<64x8xf32>
    %reduce_max3A = arith.constant dense<0xFF800000> : vector<64xf32>
    %reduce_max3A_83 = vector.multi_reduction <maximumf>, %select_n3A, %reduce_max3A [1] : vector<64x8xf32> to vector<64xf32>
    %broadcast_in_dim3A_84 = vector.shape_cast %reduce_max3A_83 : vector<64xf32> to vector<64x1xf32>
    %sub3A_85 = vector.broadcast %broadcast_in_dim3A_84 : vector<64x1xf32> to vector<64x8xf32>
    %sub3A_86 = arith.subf %select_n3A, %sub3A_85 : vector<64x8xf32>
    %exp3A = math.exp %sub3A_86 : vector<64x8xf32>
    %reduce_sum3A_87 = arith.constant dense<0.000000e+00> : vector<64xf32>
    %reduce_sum3A_88 = vector.multi_reduction <add>, %exp3A, %reduce_sum3A_87 [1] : vector<64x8xf32> to vector<64xf32>
    %broadcast_in_dim3A_89 = vector.shape_cast %reduce_sum3A_88 : vector<64xf32> to vector<64x1xf32>
    %div3A_90 = vector.broadcast %broadcast_in_dim3A_89 : vector<64x1xf32> to vector<64x8xf32>
    %div3A_91 = arith.divf %exp3A, %div3A_90 : vector<64x8xf32>
    %swap3A = arith.constant 0 : index
    %swap3A_92 = arith.constant 0 : index
    %swap3A_93 = vector.load %arg10[%swap3A, %swap3A_92] : memref<64x8xf32, #tpu.memory_space<vmem>>, vector<64x8xf32>
    tpu.vector_store %arg10[%swap3A, %swap3A_92], %div3A_91 {strides = array<i32>} : memref<64x8xf32, #tpu.memory_space<vmem>>, vector<64x8xf32>,
    return
  }
}

</mosaic_0001>

<sc_bundles>
// kernel: kernel.12.cloned.1.call-start
scs
__scs_entry_jumppad:
0x0: {  	(pc) =	sbr.rel $0x88, $3  }
0x1: {  	(tag) =	ssettag $0x0;
	lr =	simm.s32 $0x1  }
0x2: {  	[smem:$0x3F8B] =	sst lr;
	_ =	strace $0xD0000000  }
0x3: {  	_ = 	snop  }
0x4: {  	_ = 	snop  }
0x5: {  	_ = 	snop  }
0x6: {  	_ = 	snop  }
0x7: {  	_ = 	snop  }
__scs_overlays_trampoline_lowered:
0x8: {  	[smem:$0x3F9A] =	sst s0  }
0x9: {  	[smem:$0x3F9B] =	sst s1  }
0xa: {  	[smem:$0x3F9C] =	sst s2  }
0xb: {  	[smem:$0x3F9D] =	sst s3  }
0xc: {  	[smem:$0x3F9E] =	sst s4  }
0xd: {  	[smem:$0x3F9F] =	sst s5  }
0xe: {  	[smem:$0x3FA0] =	sst s6  }
0xf: {  	[smem:$0x3FA1] =	sst s7  }
0x10: {  	[smem:$0x3FA2] =	sst s8  }
0x11: {  	[smem:$0x3FA3] =	sst s9;
	s0 =	simm.s32 @!p0 $0x0  }
0x12: {  	s1 =	sld [smem:$0x3F89];
	s0 =	simm.s32 @p0 $0x1  }
0x13: {  	[smem:$0x3FA4] =	sst s0;
	s0 =	simm.s32 @!p1 $0x0  }
0x14: {  	s2 =	sld [smem:$0x3F88];
	s0 =	simm.s32 @p1 $0x1  }
0x15: {  	[smem:$0x3FA5] =	sst s0;
	s0 =	simm.s32 @!p2 $0x0  }
0x16: {  	s3 =	sld [smem:$0x3FDB];
	s0 =	simm.s32 @p2 $0x1  }
0x17: {  	s4 =	simm.s32 $0x1BF5;
	[smem:$0x3FA7] =	sst s0  }
0x18: {  	s0 =	sld [smem:$0x3F8A];
	_ =	swait.ge [sflag:s4], $0x0  }
0x19: {  	s7 =	sld [smem:$0x3F8B]  }
0x1a: {  	s8 =	sadd.s32 $0xFFFFE003, lr  }
0x1b: {  	s9 =	sadd.s32 $0xFFFFFEF7, lr;
	s5 =	simm.s32 $0xFFFFFFFF;
	p2 =	slt.u32 s8, $0xFFFFF086  }
0x1c: {  	p1 =	slt.u32 s9, $0xF7A;
	s5 =	simm.s32 @!p2 $0x0  }
0x1d: {  	s5 =	simm.s32 @p1 $0x1;
	p0 =	seq.s32 s7, s2  }
0x1e: {  	s7 =	smul.u32 @!p0 $0xF7A, s2;
	p2 =	seq.s32 @!p0 s5, $0x0  }
0x1f: {  	s9 =	smul.u32 $0xF7A, s1;
	s8 =	simm.s32 @!p0 $0x1BF5;
	p2 =	por !p2, p0  }
0x20: {  	[sflag:s8] =	ssyncset.s32 @!p0 $0xFFFFF086;
	s6 =	sadd.s32 @!p0 s3, s7;
	s7 =	simm.s32 @!p0 $0x108  }
0x21: {  	s3 =	sadd.s32 s3, s9;
	s6 =	sadd.s32 @!p0 $0x88, s6;
	s7 =	simm.s32 @p2 $0x1082  }
0x22: {  	[simem:s7], [sflag:s8] =	dma.local @!p0 [hbm:s6], $0xF7A  }
0x23: {  	s9 =	sor.u32 $0xD0000000, s2;
	s6 =	simm.s32 $0x108;
	_ =	swait.ge @!p0 [sflag:s8], $0x0  }
0x24: {  	s3 =	sadd.s32 $0x88, s3;
	s6 =	simm.s32 @!p1 $0x1082;
	[sflag:s4] =	ssyncset.s32 $0xFFFFF086  }
0x25: {  	[simem:s6], [sflag:s4] =	dma.local [hbm:s3], $0xF7A  }
0x26: {  	[smem:$0x3F8B] =	sst s1;
	(tag) =	ssettag s2;
	_ =	strace s9  }
0x27: {  	s1 =	sld [smem:$0x3F9B]  }
0x28: {  	s2 =	sld [smem:$0x3F9C]  }
0x29: {  	s4 =	sld [smem:$0x3F9E]  }
0x2a: {  	p0 =	seq.s32 s5, $0x0;
	s5 =	sld [smem:$0x3F9F]  }
0x2b: {  	s6 =	sld [smem:$0x3FA0]  }
0x2c: {  	s7 =	sld [smem:$0x3FA1]  }
0x2d: {  	s3 =	simm.s32 $0x108;
	s8 =	sld [smem:$0x3FA2]  }
0x2e: {  	s3 =	simm.s32 @!p0 $0x1082;
	s9 =	sld [smem:$0x3FA3]  }
0x2f: {  	lr =	sadd.s32 s0, s3;
	s0 =	sld [smem:$0x3F9A]  }
0x30: {  	s3 =	sld [smem:$0x3F9D]  }
0x31: {  	[smem:$0x3FA6] =	sst s10  }
0x32: {  	s10 =	sld [smem:$0x3FA4];
	_ =	sdelay $0x3  }
0x33: {  	p0 =	seq.s32 s10, $0x1;
	s10 =	sld [smem:$0x3FA6];
	_ =	sdelay $0x3  }
0x34: {  	[smem:$0x3FA6] =	sst s10  }
0x35: {  	s10 =	sld [smem:$0x3FA5];
	_ =	sdelay $0x3  }
0x36: {  	p1 =	seq.s32 s10, $0x1;
	s10 =	sld [smem:$0x3FA6];
	_ =	sdelay $0x3  }
0x37: {  	[smem:$0x3FA6] =	sst s10  }
0x38: {  	s10 =	sld [smem:$0x3FA7]  }
0x39: {  	_ = 	snop;
	(pc) =	sbr.ind lr, $3  }
0x3a: {  	_ = 	snop  }
0x3b: {  	_ = 	snop  }
0x3c: {  	p2 =	seq.s32 s10, $0x1;
	s10 =	sld [smem:$0x3FA6]  }
0x3d: {  	_ =	shalt  }
0x3e: {  	_ =	shalt  }
0x3f: {  	_ =	shalt  }
0x40: {  	_ =	shalt  }
0x41: {  	_ =	shalt  }
0x42: {  	_ =	shalt  }
0x43: {  	_ =	shalt  }
0x44: {  	_ =	shalt  }
0x45: {  	_ =	shalt  }
0x46: {  	_ =	shalt  }
0x47: {  	_ =	shalt  }
0x48: {  	_ =	shalt  }
0x49: {  	_ =	shalt  }
0x4a: {  	_ =	shalt  }
0x4b: {  	_ =	shalt  }
0x4c: {  	_ =	shalt  }
0x4d: {  	_ =	shalt  }
0x4e: {  	_ =	shalt  }
0x4f: {  	_ =	shalt  }
0x50: {  	_ =	shalt  }
0x51: {  	_ =	shalt  }
0x52: {  	_ =	shalt  }
0x53: {  	_ =	shalt  }
0x54: {  	_ =	shalt  }
0x55: {  	_ =	shalt  }
0x56: {  	_ =	shalt  }
0x57: {  	_ =	shalt  }
0x58: {  	_ =	shalt  }
0x59: {  	_ =	shalt  }
0x5a: {  	_ =	shalt  }
0x5b: {  	_ =	shalt  }
0x5c: {  	_ =	shalt  }
0x5d: {  	_ =	shalt  }
0x5e: {  	_ =	shalt  }
0x5f: {  	_ =	shalt  }
0x60: {  	_ =	shalt  }
0x61: {  	_ =	shalt  }
0x62: {  	_ =	shalt  }
0x63: {  	_ =	shalt  }
0x64: {  	_ =	shalt  }
0x65: {  	_ =	shalt  }
0x66: {  	_ =	shalt  }
0x67: {  	_ =	shalt  }
0x68: {  	_ =	shalt  }
0x69: {  	_ =	shalt  }
0x6a: {  	_ =	shalt  }
0x6b: {  	_ =	shalt  }
0x6c: {  	_ =	shalt  }
0x6d: {  	_ =	shalt  }
0x6e: {  	_ =	shalt  }
0x6f: {  	_ =	shalt  }
0x70: {  	_ =	shalt  }
0x71: {  	_ =	shalt  }
0x72: {  	_ =	shalt  }
0x73: {  	_ =	shalt  }
0x74: {  	_ =	shalt  }
0x75: {  	_ =	shalt  }
0x76: {  	_ =	shalt  }
0x77: {  	_ =	shalt  }
0x78: {  	_ =	shalt  }
0x79: {  	_ =	shalt  }
0x7a: {  	_ =	shalt  }
0x7b: {  	_ =	shalt  }
0x7c: {  	_ =	shalt  }
0x7d: {  	_ =	shalt  }
0x7e: {  	_ =	shalt  }
0x7f: {  	_ =	shalt  }
0x80: {  	_ =	shalt  }
0x81: {  	_ =	shalt  }
0x82: {  	_ =	shalt  }
0x83: {  	_ =	shalt  }
0x84: {  	_ =	shalt  }
0x85: {  	_ =	shalt  }
0x86: {  	_ =	shalt  }
0x87: {  	_ =	shalt  }
.Lfunc_end0:
.L_simem_size_0:
called_computation.1_lowered:
.L_overlay_start_0:
0x88: {  	s2 =	sld [smem:$0x3FD9]  }
0x89: {  	s3 =	sld [smem:$0x3FFE];
	_ =	sdelay $0x1  }
0x8a: {  	s1 =	srdreg.scid  }
0x8b: {  	s0 =	sand.u32 $0x1, s1  }
0x8c: {  	s16 =	sshll.u32 s0, $0xA;
	s2 =	sadd.s32 s3, s2  }
0x8d: {  	s2 =	sadd.s32 s2, s16  }
0x8e: {  	[smem:$0x3FB2] =	sst s2  }
0x8f: {  	_ = 	snop  }
0x90: {  	(tm) =	ssettm $0x1  }
0x91: {  	s17 =	sld [smem:$0x3FFB];
	_ =	sdelay $0x3  }
0x92: {  	_ =	strace s17  }
0x93: {  	s2 =	sld [smem:$0x3FFC];
	_ =	sdelay $0x3  }
0x94: {  	_ =	strace s2  }
0x95: {  	s2 =	sld [smem:$0x3FFD];
	_ =	sdelay $0x3  }
0x96: {  	_ =	strace s2  }
0x97: {  	_ =	strace $0x8FFFFFFF  }
0x98: {  	s18 =	sld [smem:$0x3FDB];
	_ =	sdelay $0x1  }
0x99: {  	s19 =	simm.s32 $_scs_section_size  }
0x9a: {  	s4 =	simm.s32 $_size__tile_overlayer_lowered;
	s5 =	simm.s32 $_tile_overlayer_lowered  }
0x9b: {  	s22 =	simm.s32 $0x1BFF;
	s21 =	sshll.u32 s5, $0x1;
	s2 =	sadd.s32 s19, s18  }
0x9c: {  	s6 =	simm.s32 $0x0;
	s20 =	sshll.u32 s4, $0x1;
	s4 =	sadd.s32 s21, s2  }
0x9d: {  	[timem:s6], [sflag:s22] =	dma.local [hbm:s4], s20  }
0x9e: {  	_ =	swait.ge [sflag:s22], s20  }
0x9f: {  	s3 =	ssub.s32 $0x0, s20;
	[sflag:s22] =	ssyncset.done $0x0  }
0xa0: {  	[sflag:s22] =	ssyncadd.s32 s3;
	_ =	sdelay $0x1  }
0xa1: {  	s23 =	simm.s32 $0x1B8B  }
0xa2: {  	_ =	swait.ge [sflag:s23], $0x1  }
0xa3: {  	[sflag:s23] =	ssyncset.done $0x0  }
0xa4: {  	s25 =	simm.s32 $0x1B8E;
	s24 =	sld [smem:$0x3FFE];
	[sflag:s23] =	ssyncadd.s32 $0xFFFFFFFF  }
0xa5: {  	s26 =	simm.s32 $execute0_lowered;
	[smem:$0x3FD2] =	sst s25  }
0xa6: {  	s4 =	sshll.u32 s26, $0x1;
	_ =	strace $0x80000049;
	[dreg:$0x1] =	wrdreg $0xFFFFFFFF  }
0xa7: {  	s28 =	simm.s32 $_size_execute0_lowered;
	s2 =	sadd.s32 s2, s4;
	[dreg:$0x0] =	wrdreg $0x0  }
0xa8: {  	s4 =	sshll.u32 s28, $0x1;
	[dreg:$0x2] =	wrdreg s2  }
0xa9: {  	[dreg:$0x3] =	wrdreg s4  }
0xaa: {  	[dreg:$0x4] =	wrdreg $0xC0  }
0xab: {  	_ =	task [dreg:s6], $0x5FFFF  }
0xac: {  	[dreg:$0x1] =	wrdreg $0xFFFFFFFF  }
0xad: {  	[dreg:$0x0] =	wrdreg $0x60  }
0xae: {  	[dreg:$0x2] =	wrdreg s24  }
0xaf: {  	[dreg:$0x3] =	wrdreg $0x0  }
0xb0: {  	[dreg:$0x4] =	wrdreg $0x9  }
0xb1: {  	_ =	task.clear_ibuf [dreg:s6], $0x5FFFF;
	_ =	strace $0x90000049  }
0xb2: {  	s29 =	simm.s32 $0x9;
	_ =	strace $0x8000004B  }
0xb3: {  	_ =	swait.ge [sflag:s29], $0x1  }
0xb4: {  	[sflag:s29] =	ssyncadd.s32 $0xFFFFFFFF  }
0xb5: {  	_ =	strace $0x9000004B  }
0xb6: {  	_ =	sfence  }
0xb7: {  	s30 =	sld [smem:$0x0];
	_ =	sdelay $0x2  }
0xb8: {  	s31 =	sshll.u32 s1, $0xD;
	s1 =	sshrl.u32 s1, $0x2  }
0xb9: {  	s3 =	sand.u32 $0x4000, s31;
	s1 =	sadd.s32 s1, s30  }
0xba: {  	s0 =	sor.u32 s3, s0;
	s1 =	sshll.u32 s1, $0x11  }
0xbb: {  	s0 =	sor.u32 s1, s0  }
0xbc: {  	s0 =	sadd.s32 $0x8F2B, s0  }
0xbd: {  	[sflag:s0] =	ssyncadd.remote.s32 $0x1  }
0xbe: {  	_ =	sfence.sel $0xFFFF  }
0xbf: {  	[dreg:$0x0] =	wrdreg $0xFFFFFFFF;
	(pc) =	sbr.abs _section_cstart, $3  }
0xc0: {  	[dreg:$0x1] =	wrdreg $0xFFFFFFFF  }
0xc1: {  	_ =	task.clear_ibuf [dreg:s6], $0x2FFFF;
	_ =	strace $0x9FFFFFFF  }
0xc2: {  	(tm) =	ssettm $0x7FFFFFFF  }
0xc3: {  	_ =	shalt  }
tec
execute0_lowered:
.L_overlay_start_1:
0x0: {  	(tag) =	ssettag $0x1  }
0x1: {  	s1 =	rddreg [dreg:$0x0]  }
0x2: {  	s2 =	rddreg [dreg:$0x1];
	s0 =	srdreg.scid  }
0x3: {  	s3 =	simm.s32 $0x0;
	s21 =	stileid.u32;
	s28 =	simm.s32 $0x9  }
0x4: {  	s29 =	simm.s32 $0x138C0;
	s30 =	simm.s32 $0x139C0;
	s12 =	smul.u32 $0x2800, s21  }
0x5: {  	s31 =	simm.s32 $0x13940;
	s6 =	sor.u32 $0x10, s21;
	s22 =	smul.u32 $0x4EC0, s21  }
0x6: {  	s4 =	sand.u32 $0x1, s0;
	s5 =	sadd.s32 $0x3600, s1;
	s9 =	smul.u32 $0xA000, s6  }
0x7: {  	s7 =	sadd.s32 $0xD400, s1;
	s11 =	sor.u32 $0x20, s21;
	s6 =	smul.u32 $0x2800, s6  }
0x8: {  	s10 =	sadd.s32 $0x3E400, s1;
	s16 =	sor.u32 $0x30, s21;
	s13 =	smul.u32 $0x2800, s11  }
0x9: {  	s17 =	sor.u32 $0x40, s21;
	s18 =	sor.u32 $0x50, s21;
	s24 =	smul.u32 $0x2800, s16  }
0xa: {  	s19 =	sor.u32 $0x60, s21;
	s0 =	ssub.s32 $0x2, s4;
	s26 =	smul.u32 $0x2800, s17  }
0xb: {  	s20 =	sor.u32 $0x70, s21;
	s14 =	smul.u32 $0x2800, s18;
	s8 =	sshrl.u32 s0, $0x1  }
0xc: {  	[smem:$0x7FF] =	sst s3;
	s0 =	ssub.s32 s0, s8;
	s8 =	smul.u32 $0x138800, s4  }
0xd: {  	p0 =	sgt.u32 s21, $0xC;
	s4 =	smul.u32 $0x2760, s4;
	s0 =	smax.u32 s0, $0x1  }
0xe: {  	s12 =	sadd.s32 s12, s8;
	s6 =	sadd.s32 s8, s6;
	s25 =	sadd.s32 s8, s13  }
0xf: {  	s23 =	sadd.s32 s8, s26;
	s4 =	sadd.s32 s4, s22;
	s12 =	sshrl.u32 s12, $0x3  }
0x10: {  	s26 =	smul.u32 $0x2800, s20;
	s6 =	sshrl.u32 s6, $0x3;
	s12 =	sadd.s32 s10, s12  }
0x11: {  	s22 =	sadd.s32 $0x78, s4;
	s6 =	sadd.s32 s10, s6;
	[dreg:$0x3] =	wrdreg s12  }
0x12: {  	s4 =	sshrl.u32 s4, $0x3;
	[dreg:$0x4] =	wrdreg s6;
	s6 =	sshrl.u32 s25, $0x3  }
0x13: {  	s12 =	sadd.s32 s8, s24;
	s24 =	sadd.s32 s8, s14;
	s25 =	smul.u32 $0x2800, s19  }
0x14: {  	s14 =	sadd.s32 s4, s7;
	s6 =	sadd.s32 s10, s6;
	s15 =	sshrl.u32 s12, $0x3  }
0x15: {  	s13 =	sshrl.u32 s24, $0x3;
	s24 =	sshrl.u32 s22, $0x3;
	[dreg:$0x5] =	wrdreg s6  }
0x16: {  	s6 =	sadd.s32 s10, s15;
	s13 =	sadd.s32 s10, s13;
	s15 =	sadd.s32 s8, s25  }
0x17: {  	s8 =	sadd.s32 s8, s26;
	s12 =	sadd.s32 s24, s7;
	s25 =	smul.u32 $0xA000, s21  }
0x18: {  	s26 =	smul.u32 $0xA000, s11;
	s11 =	sshrl.u32 s9, $0x2;
	[dreg:$0x6] =	wrdreg s6  }
0x19: {  	s9 =	simm.s32 $0x6;
	s6 =	sshrl.u32 s23, $0x3;
	[dreg:$0x8] =	wrdreg s13  }
0x1a: {  	s23 =	sshrl.u32 s8, $0x3;
	s13 =	sadd.s32 s24, s5;
	s8 =	smul.u32 $0xA000, s16  }
0x1b: {  	s16 =	sadd.s32 $0x17200, s1;
	s6 =	sadd.s32 s10, s6;
	s7 =	sshrl.u32 s25, $0x2  }
0x1c: {  	[dreg:$0x7] =	wrdreg s6;
	s6 =	sshrl.u32 s15, $0x3;
	s15 =	sadd.s32 s4, s5  }
0x1d: {  	s22 =	sadd.s32 s7, s2;
	s4 =	sshrl.u32 s26, $0x2;
	s6 =	sadd.s32 s10, s6  }
0x1e: {  	[dreg:$0x9] =	wrdreg s6;
	s6 =	sadd.s32 s10, s23;
	s10 =	smul.u32 $0xA000, s17  }
0x1f: {  	s5 =	sadd.s32 s11, s2;
	s7 =	simm.s32 $0x5;
	s17 =	smul.u32 $0xA000, s18  }
0x20: {  	s11 =	simm.s32 $0x7;
	s4 =	sadd.s32 s4, s2;
	s18 =	smul.u32 $0xA000, s19  }
0x21: {  	s19 =	sshrl.u32 s8, $0x2;
	s23 =	smul.u32 $0xA000, s20;
	[dreg:$0xa] =	wrdreg s6  }
0x22: {  	s8 =	simm.s32 $0x3;
	_ =	strace $0x8000004A;
	[dreg:$0xb] =	wrdreg s5  }
0x23: {  	s6 =	simm.s32 $0x176C0;
	[dreg:$0xc] =	wrdreg s4;
	s1 =	sshrl.u32 s10, $0x2  }
0x24: {  	s5 =	sadd.s32 s19, s2;
	s24 =	sshrl.u32 s17, $0x2;
	s25 =	sshrl.u32 s18, $0x2  }
0x25: {  	s26 =	sshrl.u32 s23, $0x2;
	[dreg:$0x11] =	wrdreg s0;
	s0 =	simm.s32 $0x13A40  }
0x26: {  	s4 =	simm.s32 $0x78;
	s10 =	simm.s32 $0x4;
	s17 =	simm.s32 $0x0  }
0x27: {  	[dreg:$0xd] =	wrdreg s5;
	s1 =	sadd.s32 s1, s2;
	s5 =	simm.s32 $0x2  }
0x28: {  	[dreg:$0xe] =	wrdreg s1;
	s1 =	sadd.s32 s24, s2;
	s24 =	sadd.s32 s26, s2  }
0x29: {  	s26 =	simm.s32 $0x13AC0;
	[dreg:$0xf] =	wrdreg s1;
	s1 =	sadd.s32 s25, s2  }
0x2a: {  	v0 =	vimm.f32 $0.0e+00;
	s25 =	simm.s32 $0x8;
	[dreg:$0x10] =	wrdreg s1;
	s1 =	simm.s32 $0x1  }
.LBB2_1:
0x2b: {  	s18 =	simm.s32 $0x0;
	s19 =	simm.s32 $0x200  }
.LBB2_2:
0x2c: {  	p1 =	sne.s32 s19, $0x9E00;
	[tilespmem:s18+$0x13B30] =	vst v0  }
0x2d: {  	[tilespmem:s18+$0x13AC0] =	vst v0  }
0x2e: {  	[tilespmem:s18+$0x13AD0] =	vst v0  }
.Ltmp0:
0x2f: {  	[tilespmem:s18+$0x13AE0] =	vst v0;
	(pc) =	sbr.rel @p1 .LBB2_2-.Ltmp0, $4  }
0x30: {  	[tilespmem:s18+$0x13AF0] =	vst v0  }
0x31: {  	[tilespmem:s18+$0x13B00] =	vst v0  }
0x32: {  	[tilespmem:s18+$0x13B10] =	vst v0  }
0x33: {  	[tilespmem:s18+$0x13B20] =	vst v0;
	s18 =	sshra.s32 s19, $0x2;
	s19 =	sadd.s32 $0x200, s19  }
0x34: {  	[tilespmem:s18+$0x13B30] =	vst v0  }
0x35: {  	[tilespmem:s18+$0x13AC0] =	vst v0  }
0x36: {  	[tilespmem:s18+$0x13AD0] =	vst v0  }
0x37: {  	[tilespmem:s18+$0x13AE0] =	vst v0  }
0x38: {  	[tilespmem:s18+$0x13AF0] =	vst v0  }
0x39: {  	[tilespmem:s18+$0x13B00] =	vst v0  }
0x3a: {  	[tilespmem:s18+$0x13B10] =	vst v0  }
0x3b: {  	[tilespmem:s18+$0x13B20] =	vst v0  }
0x3c: {  	[spmem:s22] =	stream.linear.scatter [tilespmem:s26], [sflag:$0x9], $0x2800, $0x38;
	[tilespmem:$0x1B2C0] =	vst v63  }
0x3d: {  	_ =	swait.ge [sflag:s28], $0x2800  }
0x3e: {  	[sflag:s28] =	ssyncset.done $0x0  }
0x3f: {  	s21 =	rddreg [dreg:$0xb];
	[sflag:s28] =	ssyncadd.s32 $0xFFFFD800  }
0x40: {  	[spmem:s21] =	stream.linear.scatter [tilespmem:s26], [sflag:$0x9], $0x2800, $0x38;
	[tilespmem:$0x1B2C0] =	vst v63  }
0x41: {  	_ =	swait.ge [sflag:s28], $0x2800  }
0x42: {  	[sflag:s28] =	ssyncset.done $0x0  }
0x43: {  	s23 =	smov.u32 s22;
	s22 =	rddreg [dreg:$0xc];
	[sflag:s28] =	ssyncadd.s32 $0xFFFFD800  }
0x44: {  	[spmem:s22] =	stream.linear.scatter [tilespmem:s26], [sflag:$0x9], $0x2800, $0x38;
	[tilespmem:$0x1B2C0] =	vst v63  }
0x45: {  	_ =	swait.ge [sflag:s28], $0x2800  }
0x46: {  	[sflag:s28] =	ssyncset.done $0x0  }
0x47: {  	s19 =	rddreg [dreg:$0xd];
	[sflag:s28] =	ssyncadd.s32 $0xFFFFD800  }
0x48: {  	[spmem:s19] =	stream.linear.scatter [tilespmem:s26], [sflag:$0x9], $0x2800, $0x38;
	[tilespmem:$0x1B2C0] =	vst v63  }
0x49: {  	_ =	swait.ge [sflag:s28], $0x2800  }
0x4a: {  	[sflag:s28] =	ssyncset.done $0x0  }
0x4b: {  	s20 =	rddreg [dreg:$0xe];
	[sflag:s28] =	ssyncadd.s32 $0xFFFFD800  }
0x4c: {  	[spmem:s20] =	stream.linear.scatter [tilespmem:s26], [sflag:$0x9], $0x2800, $0x38;
	[tilespmem:$0x1B2C0] =	vst v63  }
0x4d: {  	_ =	swait.ge [sflag:s28], $0x2800  }
0x4e: {  	[sflag:s28] =	ssyncset.done $0x0  }
0x4f: {  	s21 =	rddreg [dreg:$0xf];
	[sflag:s28] =	ssyncadd.s32 $0xFFFFD800  }
0x50: {  	[spmem:s21] =	stream.linear.scatter [tilespmem:s26], [sflag:$0x9], $0x2800, $0x38;
	[tilespmem:$0x1B2C0] =	vst v63  }
0x51: {  	_ =	swait.ge [sflag:s28], $0x2800  }
0x52: {  	[sflag:s28] =	ssyncset.done $0x0  }
0x53: {  	s22 =	rddreg [dreg:$0x10];
	[sflag:s28] =	ssyncadd.s32 $0xFFFFD800  }
0x54: {  	[spmem:s22] =	stream.linear.scatter [tilespmem:s26], [sflag:$0x9], $0x2800, $0x38;
	[tilespmem:$0x1B2C0] =	vst v63  }
0x55: {  	_ =	swait.ge [sflag:s28], $0x2800  }
0x56: {  	[sflag:s28] =	ssyncset.done $0x0  }
0x57: {  	s18 =	simm.s32 @!p0 $0x13AC0;
	[sflag:s28] =	ssyncadd.s32 $0xFFFFD800  }
0x58: {  	[spmem:s24] =	stream.linear.scatter @!p0 [tilespmem:s18], [sflag:$0x9], $0x2800, $0x38;
	[tilespmem:$0x1B2C0] =	vst v63  }
0x59: {  	s18 =	simm.s32 @!p0 $0x9  }
0x5a: {  	_ =	swait.ge @!p0 [sflag:s18], $0x2800  }
0x5b: {  	[sflag:s18] =	ssyncset.done @!p0 $0x0  }
0x5c: {  	[sflag:s18] =	ssyncadd.s32 @!p0 $0xFFFFD800  }
0x5d: {  	s19 =	sadd.s32 $0x0, s15;
	[bflag:$0x0] =	sbarrier.arrive $0xFFFF  }
0x5e: {  	[tilespmem:s29], [sflag:$0x1] =	stream.linear.gather [hbm4b:s19+s3], $0x78, $0x38;
	[tilespmem:$0x1B2C0] =	vst v63  }
0x5f: {  	s20 =	sadd.s32 $0x0, s14  }
0x60: {  	[tilespmem:s30], [sflag:$0x3] =	stream.linear.gather [hbm4b:s20+s3], $0x78, $0x38;
	[tilespmem:$0x1B2C0] =	vst v63  }
0x61: {  	s21 =	sadd.s32 $0x0, s13  }
0x62: {  	[tilespmem:s31], [sflag:$0x2] =	stream.linear.gather [hbm4b:s21+s3], $0x78, $0x38;
	[tilespmem:$0x1B2C0] =	vst v63  }
0x63: {  	s22 =	sadd.s32 $0x0, s12  }
0x64: {  	[tilespmem:s0], [sflag:$0x4] =	stream.linear.gather [hbm4b:s22+s3], $0x78, $0x38;
	[tilespmem:$0x1B2C0] =	vst v63  }
0x65: {  	_ =	swait.ge [sflag:s1], $0x78  }
0x66: {  	[sflag:s1] =	ssyncset.done $0x0  }
0x67: {  	[sflag:s1] =	ssyncadd.s32 $0xFFFFFF88  }
0x68: {  	[tilespmem:s26], [sflag:$0x5] =	stream.indirect.gather [hbm4b:s16+s4], $0x80, s29, s4, $0xb8;
	[tilespmem:$0x1B2C0] =	vst v63  }
0x69: {  	_ =	swait.ge [sflag:s5], $0x78  }
0x6a: {  	[sflag:s5] =	ssyncset.done $0x0  }
0x6b: {  	[sflag:s5] =	ssyncadd.s32 $0xFFFFFF88  }
0x6c: {  	[tilespmem:s6], [sflag:$0x6] =	stream.indirect.gather [hbm4b:s16+s4], $0x80, s31, s4, $0xb8;
	[tilespmem:$0x1B2C0] =	vst v63  }
0x6d: {  	_ =	swait.ge [sflag:s7], $0x3C00  }
0x6e: {  	[sflag:s7] =	ssyncset.done $0x0  }
0x6f: {  	[sflag:s7] =	ssyncadd.s32 $0xFFFFC400  }
0x70: {  	_ =	swait.ge [sflag:s8], $0x78  }
0x71: {  	[sflag:s8] =	ssyncset.done $0x0  }
0x72: {  	[sflag:s8] =	ssyncadd.s32 $0xFFFFFF88  }
0x73: {  	[spmem:s2] =	stream.indirect.scatter.add.f32 [tilespmem:s26], [sflag:$0x7], $0x80, s30, s4, $0xb8;
	[tilespmem:$0x1B2C0] =	vst v63  }
0x74: {  	_ =	swait.ge [sflag:s9], $0x3C00  }
0x75: {  	[sflag:s9] =	ssyncset.done $0x0  }
0x76: {  	[sflag:s9] =	ssyncadd.s32 $0xFFFFC400  }
0x77: {  	_ =	swait.ge [sflag:s10], $0x78  }
0x78: {  	[sflag:s10] =	ssyncset.done $0x0  }
0x79: {  	[sflag:s10] =	ssyncadd.s32 $0xFFFFFF88  }
0x7a: {  	[spmem:s2] =	stream.indirect.scatter.add.f32 [tilespmem:s6], [sflag:$0x8], $0x80, s0, s4, $0xb8;
	[tilespmem:$0x1B2C0] =	vst v63  }
0x7b: {  	_ =	swait.ge [sflag:s11], $0x3C00  }
0x7c: {  	[sflag:s11] =	ssyncset.done $0x0  }
0x7d: {  	[sflag:s11] =	ssyncadd.s32 $0xFFFFC400  }
0x7e: {  	_ =	swait.ge [sflag:s25], $0x3C00  }
0x7f: {  	s18 =	simm.s32 $0x1E;
	s19 =	simm.s32 $0x3C;
	[sflag:s25] =	ssyncset.done $0x0  }
.LBB2_4:
0x80: {  	s21 =	sadd.s32 s18, s15  }
0x81: {  	[sflag:s25] =	ssyncadd.s32 $0xFFFFC400;
	s22 =	smov.u32 s19;
	s20 =	sadd.s32 $0x1E, s19  }
0x82: {  	[tilespmem:s29], [sflag:$0x1] =	stream.linear.gather [hbm4b:s21+s3], $0x78, $0x38;
	[tilespmem:$0x1B2C0] =	vst v63  }
0x83: {  	p1 =	sne.s32 s19, $0x4CE;
	s19 =	sadd.s32 s18, s14  }
0x84: {  	[tilespmem:s30], [sflag:$0x3] =	stream.linear.gather [hbm4b:s19+s3], $0x78, $0x38;
	[tilespmem:$0x1B2C0] =	vst v63  }
0x85: {  	s19 =	sadd.s32 s18, s13  }
0x86: {  	[tilespmem:s31], [sflag:$0x2] =	stream.linear.gather [hbm4b:s19+s3], $0x78, $0x38;
	[tilespmem:$0x1B2C0] =	vst v63  }
0x87: {  	s19 =	sadd.s32 s18, s12;
	s18 =	smov.u32 s22  }
0x88: {  	[tilespmem:s0], [sflag:$0x4] =	stream.linear.gather [hbm4b:s19+s3], $0x78, $0x38;
	[tilespmem:$0x1B2C0] =	vst v63  }
0x89: {  	_ =	swait.ge [sflag:s1], $0x78  }
0x8a: {  	[sflag:s1] =	ssyncset.done $0x0  }
0x8b: {  	[sflag:s1] =	ssyncadd.s32 $0xFFFFFF88  }
0x8c: {  	[tilespmem:s26], [sflag:$0x5] =	stream.indirect.gather [hbm4b:s16+s4], $0x80, s29, s4, $0xb8;
	[tilespmem:$0x1B2C0] =	vst v63  }
0x8d: {  	_ =	swait.ge [sflag:s5], $0x78  }
0x8e: {  	[sflag:s5] =	ssyncset.done $0x0  }
0x8f: {  	[sflag:s5] =	ssyncadd.s32 $0xFFFFFF88  }
0x90: {  	[tilespmem:s6], [sflag:$0x6] =	stream.indirect.gather [hbm4b:s16+s4], $0x80, s31, s4, $0xb8;
	[tilespmem:$0x1B2C0] =	vst v63  }
0x91: {  	_ =	swait.ge [sflag:s7], $0x3C00  }
0x92: {  	[sflag:s7] =	ssyncset.done $0x0  }
0x93: {  	[sflag:s7] =	ssyncadd.s32 $0xFFFFC400  }
0x94: {  	_ =	swait.ge [sflag:s8], $0x78  }
0x95: {  	[sflag:s8] =	ssyncset.done $0x0  }
0x96: {  	[sflag:s8] =	ssyncadd.s32 $0xFFFFFF88  }
0x97: {  	[spmem:s2] =	stream.indirect.scatter.add.f32 [tilespmem:s26], [sflag:$0x7], $0x80, s30, s4, $0xb8;
	[tilespmem:$0x1B2C0] =	vst v63  }
0x98: {  	_ =	swait.ge [sflag:s9], $0x3C00  }
0x99: {  	[sflag:s9] =	ssyncset.done $0x0  }
0x9a: {  	[sflag:s9] =	ssyncadd.s32 $0xFFFFC400  }
0x9b: {  	_ =	swait.ge [sflag:s10], $0x78  }
0x9c: {  	[sflag:s10] =	ssyncset.done $0x0  }
0x9d: {  	[sflag:s10] =	ssyncadd.s32 $0xFFFFFF88  }
0x9e: {  	[spmem:s2] =	stream.indirect.scatter.add.f32 [tilespmem:s6], [sflag:$0x8], $0x80, s0, s4, $0xb8;
	[tilespmem:$0x1B2C0] =	vst v63  }
.Ltmp1:
0x9f: {  	_ =	swait.ge [sflag:s11], $0x3C00;
	(pc) =	sbr.rel @p1 .LBB2_4-.Ltmp1, $4  }
0xa0: {  	[sflag:s11] =	ssyncset.done $0x0  }
0xa1: {  	[sflag:s11] =	ssyncadd.s32 $0xFFFFC400  }
0xa2: {  	_ =	swait.ge [sflag:s25], $0x3C00  }
0xa3: {  	s19 =	smov.u32 s20;
	[sflag:s25] =	ssyncset.done $0x0  }
0xa4: {  	s19 =	sadd.s32 s18, s15;
	[sflag:s25] =	ssyncadd.s32 $0xFFFFC400  }
0xa5: {  	[tilespmem:s29], [sflag:$0x1] =	stream.linear.gather [hbm4b:s19+s3], $0x78, $0x38;
	[tilespmem:$0x1B2C0] =	vst v63  }
0xa6: {  	s21 =	sadd.s32 s18, s14  }
0xa7: {  	[tilespmem:s30], [sflag:$0x3] =	stream.linear.gather [hbm4b:s21+s3], $0x78, $0x38;
	[tilespmem:$0x1B2C0] =	vst v63  }
0xa8: {  	s22 =	sadd.s32 s18, s13  }
0xa9: {  	[tilespmem:s31], [sflag:$0x2] =	stream.linear.gather [hbm4b:s22+s3], $0x78, $0x38;
	[tilespmem:$0x1B2C0] =	vst v63  }
0xaa: {  	s20 =	sadd.s32 s18, s12  }
0xab: {  	[tilespmem:s0], [sflag:$0x4] =	stream.linear.gather [hbm4b:s20+s3], $0x78, $0x38;
	[tilespmem:$0x1B2C0] =	vst v63  }
0xac: {  	_ =	swait.ge [sflag:s1], $0x78  }
0xad: {  	[sflag:s1] =	ssyncset.done $0x0  }
0xae: {  	[sflag:s1] =	ssyncadd.s32 $0xFFFFFF88  }
0xaf: {  	[tilespmem:s26], [sflag:$0x5] =	stream.indirect.gather [hbm4b:s16+s4], $0x80, s29, s4, $0xb8;
	[tilespmem:$0x1B2C0] =	vst v63  }
0xb0: {  	_ =	swait.ge [sflag:s5], $0x78  }
0xb1: {  	[sflag:s5] =	ssyncset.done $0x0  }
0xb2: {  	[sflag:s5] =	ssyncadd.s32 $0xFFFFFF88  }
0xb3: {  	[tilespmem:s6], [sflag:$0x6] =	stream.indirect.gather [hbm4b:s16+s4], $0x80, s31, s4, $0xb8;
	[tilespmem:$0x1B2C0] =	vst v63  }
0xb4: {  	_ =	swait.ge [sflag:s7], $0x3C00  }
0xb5: {  	[sflag:s7] =	ssyncset.done $0x0  }
0xb6: {  	[sflag:s7] =	ssyncadd.s32 $0xFFFFC400  }
0xb7: {  	_ =	swait.ge [sflag:s8], $0x78  }
0xb8: {  	[sflag:s8] =	ssyncset.done $0x0  }
0xb9: {  	[sflag:s8] =	ssyncadd.s32 $0xFFFFFF88  }
0xba: {  	[spmem:s2] =	stream.indirect.scatter.add.f32 [tilespmem:s26], [sflag:$0x7], $0x80, s30, s4, $0xb8;
	[tilespmem:$0x1B2C0] =	vst v63  }
0xbb: {  	_ =	swait.ge [sflag:s9], $0x3C00  }
0xbc: {  	[sflag:s9] =	ssyncset.done $0x0  }
0xbd: {  	[sflag:s9] =	ssyncadd.s32 $0xFFFFC400  }
0xbe: {  	_ =	swait.ge [sflag:s10], $0x78  }
0xbf: {  	[sflag:s10] =	ssyncset.done $0x0  }
0xc0: {  	[sflag:s10] =	ssyncadd.s32 $0xFFFFFF88  }
0xc1: {  	[spmem:s2] =	stream.indirect.scatter.add.f32 [tilespmem:s6], [sflag:$0x8], $0x80, s0, s4, $0xb8;
	[tilespmem:$0x1B2C0] =	vst v63  }
0xc2: {  	_ =	swait.ge [sflag:s11], $0x3C00  }
0xc3: {  	[sflag:s11] =	ssyncset.done $0x0  }
0xc4: {  	[sflag:s11] =	ssyncadd.s32 $0xFFFFC400  }
0xc5: {  	_ =	swait.ge [sflag:s25], $0x3C00  }
0xc6: {  	[sflag:s25] =	ssyncset.done $0x0  }
0xc7: {  	[sflag:s25] =	ssyncadd.s32 $0xFFFFC400  }
0xc8: {  	[bflag:$0x0] =	sbarrier.arrive $0xFFFF  }
0xc9: {  	[tilespmem:s26], [sflag:$0x9] =	stream.linear.gather [spmem:s23], $0x2800, $0x38;
	[tilespmem:$0x1B2C0] =	vst v63  }
0xca: {  	_ =	swait.ge [sflag:s28], $0x2800  }
0xcb: {  	[sflag:s28] =	ssyncset.done $0x0  }
0xcc: {  	s21 =	rddreg [dreg:$0x3];
	[sflag:s28] =	ssyncadd.s32 $0xFFFFD800  }
0xcd: {  	[hbm4b:s21+s3] =	stream.linear.scatter [tilespmem:s26], [sflag:$0x9], $0x2800, $0x38;
	[tilespmem:$0x1B2C0] =	vst v63  }
0xce: {  	_ =	swait.ge [sflag:s28], $0x2800  }
0xcf: {  	[sflag:s28] =	ssyncset.done $0x0  }
0xd0: {  	s22 =	smov.u32 s23;
	s23 =	rddreg [dreg:$0xb];
	[sflag:s28] =	ssyncadd.s32 $0xFFFFD800  }
0xd1: {  	[tilespmem:s26], [sflag:$0x9] =	stream.linear.gather [spmem:s23], $0x2800, $0x38;
	[tilespmem:$0x1B2C0] =	vst v63  }
0xd2: {  	_ =	swait.ge [sflag:s28], $0x2800  }
0xd3: {  	[sflag:s28] =	ssyncset.done $0x0  }
0xd4: {  	s19 =	rddreg [dreg:$0x4];
	[sflag:s28] =	ssyncadd.s32 $0xFFFFD800  }
0xd5: {  	[hbm4b:s19+s3] =	stream.linear.scatter [tilespmem:s26], [sflag:$0x9], $0x2800, $0x38;
	[tilespmem:$0x1B2C0] =	vst v63  }
0xd6: {  	_ =	swait.ge [sflag:s28], $0x2800  }
0xd7: {  	[sflag:s28] =	ssyncset.done $0x0  }
0xd8: {  	s20 =	rddreg [dreg:$0xc];
	[sflag:s28] =	ssyncadd.s32 $0xFFFFD800  }
0xd9: {  	[tilespmem:s26], [sflag:$0x9] =	stream.linear.gather [spmem:s20], $0x2800, $0x38;
	[tilespmem:$0x1B2C0] =	vst v63  }
0xda: {  	_ =	swait.ge [sflag:s28], $0x2800  }
0xdb: {  	[sflag:s28] =	ssyncset.done $0x0  }
0xdc: {  	s21 =	rddreg [dreg:$0x5];
	[sflag:s28] =	ssyncadd.s32 $0xFFFFD800  }
0xdd: {  	[hbm4b:s21+s3] =	stream.linear.scatter [tilespmem:s26], [sflag:$0x9], $0x2800, $0x38;
	[tilespmem:$0x1B2C0] =	vst v63  }
0xde: {  	_ =	swait.ge [sflag:s28], $0x2800  }
0xdf: {  	[sflag:s28] =	ssyncset.done $0x0  }
0xe0: {  	s23 =	rddreg [dreg:$0xd];
	[sflag:s28] =	ssyncadd.s32 $0xFFFFD800  }
0xe1: {  	[tilespmem:s26], [sflag:$0x9] =	stream.linear.gather [spmem:s23], $0x2800, $0x38;
	[tilespmem:$0x1B2C0] =	vst v63  }
0xe2: {  	_ =	swait.ge [sflag:s28], $0x2800  }
0xe3: {  	[sflag:s28] =	ssyncset.done $0x0  }
0xe4: {  	s19 =	rddreg [dreg:$0x6];
	[sflag:s28] =	ssyncadd.s32 $0xFFFFD800  }
0xe5: {  	[hbm4b:s19+s3] =	stream.linear.scatter [tilespmem:s26], [sflag:$0x9], $0x2800, $0x38;
	[tilespmem:$0x1B2C0] =	vst v63  }
0xe6: {  	_ =	swait.ge [sflag:s28], $0x2800  }
0xe7: {  	[sflag:s28] =	ssyncset.done $0x0  }
0xe8: {  	s20 =	rddreg [dreg:$0xe];
	[sflag:s28] =	ssyncadd.s32 $0xFFFFD800  }
0xe9: {  	[tilespmem:s26], [sflag:$0x9] =	stream.linear.gather [spmem:s20], $0x2800, $0x38;
	[tilespmem:$0x1B2C0] =	vst v63  }
0xea: {  	_ =	swait.ge [sflag:s28], $0x2800  }
0xeb: {  	[sflag:s28] =	ssyncset.done $0x0  }
0xec: {  	s21 =	rddreg [dreg:$0x7];
	[sflag:s28] =	ssyncadd.s32 $0xFFFFD800  }
0xed: {  	[hbm4b:s21+s3] =	stream.linear.scatter [tilespmem:s26], [sflag:$0x9], $0x2800, $0x38;
	[tilespmem:$0x1B2C0] =	vst v63  }
0xee: {  	_ =	swait.ge [sflag:s28], $0x2800  }
0xef: {  	[sflag:s28] =	ssyncset.done $0x0  }
0xf0: {  	s23 =	rddreg [dreg:$0xf];
	[sflag:s28] =	ssyncadd.s32 $0xFFFFD800  }
0xf1: {  	[tilespmem:s26], [sflag:$0x9] =	stream.linear.gather [spmem:s23], $0x2800, $0x38;
	[tilespmem:$0x1B2C0] =	vst v63  }
0xf2: {  	_ =	swait.ge [sflag:s28], $0x2800  }
0xf3: {  	[sflag:s28] =	ssyncset.done $0x0  }
0xf4: {  	s19 =	rddreg [dreg:$0x8];
	[sflag:s28] =	ssyncadd.s32 $0xFFFFD800  }
0xf5: {  	[hbm4b:s19+s3] =	stream.linear.scatter [tilespmem:s26], [sflag:$0x9], $0x2800, $0x38;
	[tilespmem:$0x1B2C0] =	vst v63  }
0xf6: {  	_ =	swait.ge [sflag:s28], $0x2800  }
0xf7: {  	[sflag:s28] =	ssyncset.done $0x0  }
0xf8: {  	s20 =	rddreg [dreg:$0x10];
	[sflag:s28] =	ssyncadd.s32 $0xFFFFD800  }
0xf9: {  	[tilespmem:s26], [sflag:$0x9] =	stream.linear.gather [spmem:s20], $0x2800, $0x38;
	[tilespmem:$0x1B2C0] =	vst v63  }
0xfa: {  	_ =	swait.ge [sflag:s28], $0x2800  }
0xfb: {  	[sflag:s28] =	ssyncset.done $0x0  }
0xfc: {  	s21 =	rddreg [dreg:$0x9];
	[sflag:s28] =	ssyncadd.s32 $0xFFFFD800  }
0xfd: {  	[hbm4b:s21+s3] =	stream.linear.scatter [tilespmem:s26], [sflag:$0x9], $0x2800, $0x38;
	[tilespmem:$0x1B2C0] =	vst v63  }
0xfe: {  	_ =	swait.ge [sflag:s28], $0x2800  }
0xff: {  	[sflag:s28] =	ssyncset.done $0x0  }
0x100: {  	s18 =	simm.s32 @!p0 $0x13AC0;
	s19 =	simm.s32 @!p0 $0x9;
	[sflag:s28] =	ssyncadd.s32 $0xFFFFD800  }
0x101: {  	[tilespmem:s18], [sflag:$0x9] =	stream.linear.gather @!p0 [spmem:s24], $0x2800, $0x38;
	[tilespmem:$0x1B2C0] =	vst v63  }
0x102: {  	_ =	swait.ge @!p0 [sflag:s19], $0x2800  }
0x103: {  	[sflag:s19] =	ssyncset.done @!p0 $0x0  }
0x104: {  	s20 =	simm.s32 @!p0 $0x0;
	s21 =	rddreg [dreg:$0xa];
	[sflag:s19] =	ssyncadd.s32 @!p0 $0xFFFFD800  }
0x105: {  	[hbm4b:s21+s20] =	stream.linear.scatter @!p0 [tilespmem:s18], [sflag:$0x9], $0x2800, $0x38;
	[tilespmem:$0x1B2C0] =	vst v63  }
0x106: {  	_ =	swait.ge @!p0 [sflag:s19], $0x2800  }
0x107: {  	s17 =	sadd.s32 $0x1, s17;
	s23 =	rddreg [dreg:$0x11]  }
0x108: {  	p1 =	sne.s32 s17, s23  }
.Ltmp2:
0x109: {  	_ = 	snop;
	(pc) =	sbr.rel @p1 .LBB2_1-.Ltmp2, $3  }
0x10a: {  	_ =	sdelay $0x1  }
0x10b: {  	[sflag:s19] =	ssyncset.done @!p0 $0x0  }
0x10c: {  	[sflag:s19] =	ssyncadd.s32 @!p0 $0xFFFFD800  }
0x10d: {  	_ =	sfence.sel $0x180000  }
0x10e: {  	[bflag:$0x0] =	sbarrier.arrive $0xFFFF  }
0x10f: {  	_ =	strace $0x9000004A  }
0x110: {  	s0 =	stileid.u32;
	[bflag:$0x2] =	sbarrier.arrive $0xFFFF  }
0x111: {  	p0 =	sne.s32 s0, $0x0;
	s0 =	rddreg [dreg:$0x2]  }
0x112: {  	s0 =	sadd.s32 @!p0 $0x100000, s0  }
0x113: {  	[sflag:s0] =	ssyncadd.tile.s32 @!p0 $0x1;
	_ =	shalt  }
.Lfunc_end2:
_tile_overlayer_lowered:
.L_overlay_start_2:
0x114: {  	(tag) =	ssettag $0x2  }
0x115: {  	s0 =	rddreg [dreg:$0x0];
	s2 =	stileid.u32  }
0x116: {  	s1 =	rddreg [dreg:$0x1];
	p0 =	sne.s32 s2, $0x0  }
0x117: {  	s3 =	rddreg [dreg:$0x2];
	[bflag:$0x3] =	sbarrier.arrive $0xFFFF;
	s2 =	simm.s32 @!p0 $0x1C09  }
0x118: {  	[timem:s3], [sflag:s2] =	dma.local @!p0 [hbm:s0], s1  }
0x119: {  	s0 =	simm.s32 @!p0 $0x9  }
0x11a: {  	_ =	swait.ge @!p0 [sflag:s0], s1  }
0x11b: {  	s1 =	ssub.s32 @!p0 $0x0, s1;
	[sflag:s0] =	ssyncset.done @!p0 $0x0  }
0x11c: {  	[sflag:s0] =	ssyncadd.s32 @!p0 s1  }
0x11d: {  	[bflag:$0x3] =	sbarrier.arrive $0xFFFF  }
0x11e: {  	_ =	shalt  }

// kernel: kernel.15.cloned.1.call-start
scs
__scs_entry_jumppad:
0x0: {  	(pc) =	sbr.rel $0x88, $3  }
0x1: {  	(tag) =	ssettag $0x0;
	lr =	simm.s32 $0x1  }
0x2: {  	[smem:$0x3F8B] =	sst lr;
	_ =	strace $0xD0000000  }
0x3: {  	_ = 	snop  }
0x4: {  	_ = 	snop  }
0x5: {  	_ = 	snop  }
0x6: {  	_ = 	snop  }
0x7: {  	_ = 	snop  }
__scs_overlays_trampoline_lowered:
0x8: {  	[smem:$0x3F9A] =	sst s0  }
0x9: {  	[smem:$0x3F9B] =	sst s1  }
0xa: {  	[smem:$0x3F9C] =	sst s2  }
0xb: {  	[smem:$0x3F9D] =	sst s3  }
0xc: {  	[smem:$0x3F9E] =	sst s4  }
0xd: {  	[smem:$0x3F9F] =	sst s5  }
0xe: {  	[smem:$0x3FA0] =	sst s6  }
0xf: {  	[smem:$0x3FA1] =	sst s7  }
0x10: {  	[smem:$0x3FA2] =	sst s8  }
0x11: {  	[smem:$0x3FA3] =	sst s9;
	s0 =	simm.s32 @!p0 $0x0  }
0x12: {  	s1 =	sld [smem:$0x3F89];
	s0 =	simm.s32 @p0 $0x1  }
0x13: {  	[smem:$0x3FA4] =	sst s0;
	s0 =	simm.s32 @!p1 $0x0  }
0x14: {  	s2 =	sld [smem:$0x3F88];
	s0 =	simm.s32 @p1 $0x1  }
0x15: {  	[smem:$0x3FA5] =	sst s0;
	s0 =	simm.s32 @!p2 $0x0  }
0x16: {  	s3 =	sld [smem:$0x3FDB];
	s0 =	simm.s32 @p2 $0x1  }
0x17: {  	s4 =	simm.s32 $0x1BF5;
	[smem:$0x3FA7] =	sst s0  }
0x18: {  	s0 =	sld [smem:$0x3F8A];
	_ =	swait.ge [sflag:s4], $0x0  }
0x19: {  	s7 =	sld [smem:$0x3F8B]  }
0x1a: {  	s8 =	sadd.s32 $0xFFFFE003, lr  }
0x1b: {  	s9 =	sadd.s32 $0xFFFFFEF7, lr;
	s5 =	simm.s32 $0xFFFFFFFF;
	p2 =	slt.u32 s8, $0xFFFFF086  }
0x1c: {  	p1 =	slt.u32 s9, $0xF7A;
	s5 =	simm.s32 @!p2 $0x0  }
0x1d: {  	s5 =	simm.s32 @p1 $0x1;
	p0 =	seq.s32 s7, s2  }
0x1e: {  	s7 =	smul.u32 @!p0 $0xF7A, s2;
	p2 =	seq.s32 @!p0 s5, $0x0  }
0x1f: {  	s9 =	smul.u32 $0xF7A, s1;
	s8 =	simm.s32 @!p0 $0x1BF5;
	p2 =	por !p2, p0  }
0x20: {  	[sflag:s8] =	ssyncset.s32 @!p0 $0xFFFFF086;
	s6 =	sadd.s32 @!p0 s3, s7;
	s7 =	simm.s32 @!p0 $0x108  }
0x21: {  	s3 =	sadd.s32 s3, s9;
	s6 =	sadd.s32 @!p0 $0x88, s6;
	s7 =	simm.s32 @p2 $0x1082  }
0x22: {  	[simem:s7], [sflag:s8] =	dma.local @!p0 [hbm:s6], $0xF7A  }
0x23: {  	s9 =	sor.u32 $0xD0000000, s2;
	s6 =	simm.s32 $0x108;
	_ =	swait.ge @!p0 [sflag:s8], $0x0  }
0x24: {  	s3 =	sadd.s32 $0x88, s3;
	s6 =	simm.s32 @!p1 $0x1082;
	[sflag:s4] =	ssyncset.s32 $0xFFFFF086  }
0x25: {  	[simem:s6], [sflag:s4] =	dma.local [hbm:s3], $0xF7A  }
0x26: {  	[smem:$0x3F8B] =	sst s1;
	(tag) =	ssettag s2;
	_ =	strace s9  }
0x27: {  	s1 =	sld [smem:$0x3F9B]  }
0x28: {  	s2 =	sld [smem:$0x3F9C]  }
0x29: {  	s4 =	sld [smem:$0x3F9E]  }
0x2a: {  	p0 =	seq.s32 s5, $0x0;
	s5 =	sld [smem:$0x3F9F]  }
0x2b: {  	s6 =	sld [smem:$0x3FA0]  }
0x2c: {  	s7 =	sld [smem:$0x3FA1]  }
0x2d: {  	s3 =	simm.s32 $0x108;
	s8 =	sld [smem:$0x3FA2]  }
0x2e: {  	s3 =	simm.s32 @!p0 $0x1082;
	s9 =	sld [smem:$0x3FA3]  }
0x2f: {  	lr =	sadd.s32 s0, s3;
	s0 =	sld [smem:$0x3F9A]  }
0x30: {  	s3 =	sld [smem:$0x3F9D]  }
0x31: {  	[smem:$0x3FA6] =	sst s10  }
0x32: {  	s10 =	sld [smem:$0x3FA4];
	_ =	sdelay $0x3  }
0x33: {  	p0 =	seq.s32 s10, $0x1;
	s10 =	sld [smem:$0x3FA6];
	_ =	sdelay $0x3  }
0x34: {  	[smem:$0x3FA6] =	sst s10  }
0x35: {  	s10 =	sld [smem:$0x3FA5];
	_ =	sdelay $0x3  }
0x36: {  	p1 =	seq.s32 s10, $0x1;
	s10 =	sld [smem:$0x3FA6];
	_ =	sdelay $0x3  }
0x37: {  	[smem:$0x3FA6] =	sst s10  }
0x38: {  	s10 =	sld [smem:$0x3FA7]  }
0x39: {  	_ = 	snop;
	(pc) =	sbr.ind lr, $3  }
0x3a: {  	_ = 	snop  }
0x3b: {  	_ = 	snop  }
0x3c: {  	p2 =	seq.s32 s10, $0x1;
	s10 =	sld [smem:$0x3FA6]  }
0x3d: {  	_ =	shalt  }
0x3e: {  	_ =	shalt  }
0x3f: {  	_ =	shalt  }
0x40: {  	_ =	shalt  }
0x41: {  	_ =	shalt  }
0x42: {  	_ =	shalt  }
0x43: {  	_ =	shalt  }
0x44: {  	_ =	shalt  }
0x45: {  	_ =	shalt  }
0x46: {  	_ =	shalt  }
0x47: {  	_ =	shalt  }
0x48: {  	_ =	shalt  }
0x49: {  	_ =	shalt  }
0x4a: {  	_ =	shalt  }
0x4b: {  	_ =	shalt  }
0x4c: {  	_ =	shalt  }
0x4d: {  	_ =	shalt  }
0x4e: {  	_ =	shalt  }
0x4f: {  	_ =	shalt  }
0x50: {  	_ =	shalt  }
0x51: {  	_ =	shalt  }
0x52: {  	_ =	shalt  }
0x53: {  	_ =	shalt  }
0x54: {  	_ =	shalt  }
0x55: {  	_ =	shalt  }
0x56: {  	_ =	shalt  }
0x57: {  	_ =	shalt  }
0x58: {  	_ =	shalt  }
0x59: {  	_ =	shalt  }
0x5a: {  	_ =	shalt  }
0x5b: {  	_ =	shalt  }
0x5c: {  	_ =	shalt  }
0x5d: {  	_ =	shalt  }
0x5e: {  	_ =	shalt  }
0x5f: {  	_ =	shalt  }
0x60: {  	_ =	shalt  }
0x61: {  	_ =	shalt  }
0x62: {  	_ =	shalt  }
0x63: {  	_ =	shalt  }
0x64: {  	_ =	shalt  }
0x65: {  	_ =	shalt  }
0x66: {  	_ =	shalt  }
0x67: {  	_ =	shalt  }
0x68: {  	_ =	shalt  }
0x69: {  	_ =	shalt  }
0x6a: {  	_ =	shalt  }
0x6b: {  	_ =	shalt  }
0x6c: {  	_ =	shalt  }
0x6d: {  	_ =	shalt  }
0x6e: {  	_ =	shalt  }
0x6f: {  	_ =	shalt  }
0x70: {  	_ =	shalt  }
0x71: {  	_ =	shalt  }
0x72: {  	_ =	shalt  }
0x73: {  	_ =	shalt  }
0x74: {  	_ =	shalt  }
0x75: {  	_ =	shalt  }
0x76: {  	_ =	shalt  }
0x77: {  	_ =	shalt  }
0x78: {  	_ =	shalt  }
0x79: {  	_ =	shalt  }
0x7a: {  	_ =	shalt  }
0x7b: {  	_ =	shalt  }
0x7c: {  	_ =	shalt  }
0x7d: {  	_ =	shalt  }
0x7e: {  	_ =	shalt  }
0x7f: {  	_ =	shalt  }
0x80: {  	_ =	shalt  }
0x81: {  	_ =	shalt  }
0x82: {  	_ =	shalt  }
0x83: {  	_ =	shalt  }
0x84: {  	_ =	shalt  }
0x85: {  	_ =	shalt  }
0x86: {  	_ =	shalt  }
0x87: {  	_ =	shalt  }
.Lfunc_end0:
.L_simem_size_0:
called_computation.2_lowered:
.L_overlay_start_0:
0x88: {  	s2 =	sld [smem:$0x3FD9]  }
0x89: {  	s3 =	sld [smem:$0x3FFE];
	_ =	sdelay $0x1  }
0x8a: {  	s1 =	srdreg.scid  }
0x8b: {  	s0 =	sand.u32 $0x1, s1  }
0x8c: {  	s16 =	sshll.u32 s0, $0xA;
	s2 =	sadd.s32 s3, s2  }
0x8d: {  	s2 =	sadd.s32 s2, s16  }
0x8e: {  	[smem:$0x3FB2] =	sst s2  }
0x8f: {  	_ = 	snop  }
0x90: {  	(tm) =	ssettm $0x1  }
0x91: {  	s17 =	sld [smem:$0x3FFB];
	_ =	sdelay $0x3  }
0x92: {  	_ =	strace s17  }
0x93: {  	s2 =	sld [smem:$0x3FFC];
	_ =	sdelay $0x3  }
0x94: {  	_ =	strace s2  }
0x95: {  	s2 =	sld [smem:$0x3FFD];
	_ =	sdelay $0x3  }
0x96: {  	_ =	strace s2  }
0x97: {  	_ =	strace $0x8FFFFFFF  }
0x98: {  	s18 =	sld [smem:$0x3FDB];
	_ =	sdelay $0x1  }
0x99: {  	s19 =	simm.s32 $_scs_section_size  }
0x9a: {  	s4 =	simm.s32 $_size__tile_overlayer_lowered;
	s5 =	simm.s32 $_tile_overlayer_lowered  }
0x9b: {  	s22 =	simm.s32 $0x1BFF;
	s21 =	sshll.u32 s5, $0x1;
	s2 =	sadd.s32 s19, s18  }
0x9c: {  	s6 =	simm.s32 $0x0;
	s20 =	sshll.u32 s4, $0x1;
	s4 =	sadd.s32 s21, s2  }
0x9d: {  	[timem:s6], [sflag:s22] =	dma.local [hbm:s4], s20  }
0x9e: {  	_ =	swait.ge [sflag:s22], s20  }
0x9f: {  	s3 =	ssub.s32 $0x0, s20;
	[sflag:s22] =	ssyncset.done $0x0  }
0xa0: {  	[sflag:s22] =	ssyncadd.s32 s3;
	_ =	sdelay $0x1  }
0xa1: {  	s23 =	simm.s32 $0x1B8B  }
0xa2: {  	_ =	swait.ge [sflag:s23], $0x1  }
0xa3: {  	[sflag:s23] =	ssyncset.done $0x0  }
0xa4: {  	s25 =	simm.s32 $0x1B8E;
	s24 =	sld [smem:$0x3FFE];
	[sflag:s23] =	ssyncadd.s32 $0xFFFFFFFF  }
0xa5: {  	s26 =	simm.s32 $execute0_lowered;
	[smem:$0x3FD2] =	sst s25  }
0xa6: {  	s4 =	sshll.u32 s26, $0x1;
	_ =	strace $0x8000004C;
	[dreg:$0x1] =	wrdreg $0xFFFFFFFF  }
0xa7: {  	s28 =	simm.s32 $_size_execute0_lowered;
	s2 =	sadd.s32 s2, s4;
	[dreg:$0x0] =	wrdreg $0x0  }
0xa8: {  	s4 =	sshll.u32 s28, $0x1;
	[dreg:$0x2] =	wrdreg s2  }
0xa9: {  	[dreg:$0x3] =	wrdreg s4  }
0xaa: {  	[dreg:$0x4] =	wrdreg $0xC0  }
0xab: {  	_ =	task [dreg:s6], $0x5FFFF  }
0xac: {  	[dreg:$0x1] =	wrdreg $0xFFFFFFFF  }
0xad: {  	[dreg:$0x0] =	wrdreg $0x60  }
0xae: {  	[dreg:$0x2] =	wrdreg s24  }
0xaf: {  	[dreg:$0x3] =	wrdreg $0x0  }
0xb0: {  	[dreg:$0x4] =	wrdreg $0x9  }
0xb1: {  	_ =	task.clear_ibuf [dreg:s6], $0x5FFFF;
	_ =	strace $0x9000004C  }
0xb2: {  	s29 =	simm.s32 $0x9;
	_ =	strace $0x8000004E  }
0xb3: {  	_ =	swait.ge [sflag:s29], $0x1  }
0xb4: {  	[sflag:s29] =	ssyncadd.s32 $0xFFFFFFFF  }
0xb5: {  	_ =	strace $0x9000004E  }
0xb6: {  	_ =	sfence  }
0xb7: {  	s30 =	sld [smem:$0x0];
	_ =	sdelay $0x2  }
0xb8: {  	s31 =	sshll.u32 s1, $0xD;
	s1 =	sshrl.u32 s1, $0x2  }
0xb9: {  	s3 =	sand.u32 $0x4000, s31;
	s1 =	sadd.s32 s1, s30  }
0xba: {  	s0 =	sor.u32 s3, s0;
	s1 =	sshll.u32 s1, $0x11  }
0xbb: {  	s0 =	sor.u32 s1, s0  }
0xbc: {  	s0 =	sadd.s32 $0x8F2B, s0  }
0xbd: {  	[sflag:s0] =	ssyncadd.remote.s32 $0x1  }
0xbe: {  	_ =	sfence.sel $0xFFFF  }
0xbf: {  	[dreg:$0x0] =	wrdreg $0xFFFFFFFF;
	(pc) =	sbr.abs _section_cstart, $3  }
0xc0: {  	[dreg:$0x1] =	wrdreg $0xFFFFFFFF  }
0xc1: {  	_ =	task.clear_ibuf [dreg:s6], $0x2FFFF;
	_ =	strace $0x9FFFFFFF  }
0xc2: {  	(tm) =	ssettm $0x7FFFFFFF  }
0xc3: {  	_ =	shalt  }
tec
execute0_lowered:
.L_overlay_start_1:
0x0: {  	(tag) =	ssettag $0x1  }
0x1: {  	s1 =	rddreg [dreg:$0x0]  }
0x2: {  	s2 =	rddreg [dreg:$0x1];
	s0 =	srdreg.scid  }
0x3: {  	s3 =	simm.s32 $0x0;
	s21 =	stileid.u32;
	s28 =	simm.s32 $0x9  }
0x4: {  	s29 =	simm.s32 $0x138C0;
	s30 =	simm.s32 $0x139C0;
	s12 =	smul.u32 $0x2800, s21  }
0x5: {  	s31 =	simm.s32 $0x13940;
	s6 =	sor.u32 $0x10, s21;
	s22 =	smul.u32 $0x4EC0, s21  }
0x6: {  	s4 =	sand.u32 $0x1, s0;
	s5 =	sadd.s32 $0x3600, s1;
	s9 =	smul.u32 $0xA000, s6  }
0x7: {  	s7 =	sadd.s32 $0xD400, s1;
	s11 =	sor.u32 $0x20, s21;
	s6 =	smul.u32 $0x2800, s6  }
0x8: {  	s10 =	sadd.s32 $0x3E400, s1;
	s16 =	sor.u32 $0x30, s21;
	s13 =	smul.u32 $0x2800, s11  }
0x9: {  	s17 =	sor.u32 $0x40, s21;
	s18 =	sor.u32 $0x50, s21;
	s24 =	smul.u32 $0x2800, s16  }
0xa: {  	s19 =	sor.u32 $0x60, s21;
	s0 =	ssub.s32 $0x2, s4;
	s26 =	smul.u32 $0x2800, s17  }
0xb: {  	s20 =	sor.u32 $0x70, s21;
	s14 =	smul.u32 $0x2800, s18;
	s8 =	sshrl.u32 s0, $0x1  }
0xc: {  	[smem:$0x7FF] =	sst s3;
	s0 =	ssub.s32 s0, s8;
	s8 =	smul.u32 $0x138800, s4  }
0xd: {  	p0 =	sgt.u32 s21, $0xC;
	s4 =	smul.u32 $0x2760, s4;
	s0 =	smax.u32 s0, $0x1  }
0xe: {  	s12 =	sadd.s32 s12, s8;
	s6 =	sadd.s32 s8, s6;
	s25 =	sadd.s32 s8, s13  }
0xf: {  	s23 =	sadd.s32 s8, s26;
	s4 =	sadd.s32 s4, s22;
	s12 =	sshrl.u32 s12, $0x3  }
0x10: {  	s26 =	smul.u32 $0x2800, s20;
	s6 =	sshrl.u32 s6, $0x3;
	s12 =	sadd.s32 s10, s12  }
0x11: {  	s22 =	sadd.s32 $0x78, s4;
	s6 =	sadd.s32 s10, s6;
	[dreg:$0x3] =	wrdreg s12  }
0x12: {  	s4 =	sshrl.u32 s4, $0x3;
	[dreg:$0x4] =	wrdreg s6;
	s6 =	sshrl.u32 s25, $0x3  }
0x13: {  	s12 =	sadd.s32 s8, s24;
	s24 =	sadd.s32 s8, s14;
	s25 =	smul.u32 $0x2800, s19  }
0x14: {  	s14 =	sadd.s32 s4, s7;
	s6 =	sadd.s32 s10, s6;
	s15 =	sshrl.u32 s12, $0x3  }
0x15: {  	s13 =	sshrl.u32 s24, $0x3;
	s24 =	sshrl.u32 s22, $0x3;
	[dreg:$0x5] =	wrdreg s6  }
0x16: {  	s6 =	sadd.s32 s10, s15;
	s13 =	sadd.s32 s10, s13;
	s15 =	sadd.s32 s8, s25  }
0x17: {  	s8 =	sadd.s32 s8, s26;
	s12 =	sadd.s32 s24, s7;
	s25 =	smul.u32 $0xA000, s21  }
0x18: {  	s26 =	smul.u32 $0xA000, s11;
	s11 =	sshrl.u32 s9, $0x2;
	[dreg:$0x6] =	wrdreg s6  }
0x19: {  	s9 =	simm.s32 $0x6;
	s6 =	sshrl.u32 s23, $0x3;
	[dreg:$0x8] =	wrdreg s13  }
0x1a: {  	s23 =	sshrl.u32 s8, $0x3;
	s13 =	sadd.s32 s24, s5;
	s8 =	smul.u32 $0xA000, s16  }
0x1b: {  	s16 =	sadd.s32 $0x17200, s1;
	s6 =	sadd.s32 s10, s6;
	s7 =	sshrl.u32 s25, $0x2  }
0x1c: {  	[dreg:$0x7] =	wrdreg s6;
	s6 =	sshrl.u32 s15, $0x3;
	s15 =	sadd.s32 s4, s5  }
0x1d: {  	s22 =	sadd.s32 s7, s2;
	s4 =	sshrl.u32 s26, $0x2;
	s6 =	sadd.s32 s10, s6  }
0x1e: {  	[dreg:$0x9] =	wrdreg s6;
	s6 =	sadd.s32 s10, s23;
	s10 =	smul.u32 $0xA000, s17  }
0x1f: {  	s5 =	sadd.s32 s11, s2;
	s7 =	simm.s32 $0x5;
	s17 =	smul.u32 $0xA000, s18  }
0x20: {  	s11 =	simm.s32 $0x7;
	s4 =	sadd.s32 s4, s2;
	s18 =	smul.u32 $0xA000, s19  }
0x21: {  	s19 =	sshrl.u32 s8, $0x2;
	s23 =	smul.u32 $0xA000, s20;
	[dreg:$0xa] =	wrdreg s6  }
0x22: {  	s8 =	simm.s32 $0x3;
	_ =	strace $0x8000004D;
	[dreg:$0xb] =	wrdreg s5  }
0x23: {  	s6 =	simm.s32 $0x176C0;
	[dreg:$0xc] =	wrdreg s4;
	s1 =	sshrl.u32 s10, $0x2  }
0x24: {  	s5 =	sadd.s32 s19, s2;
	s24 =	sshrl.u32 s17, $0x2;
	s25 =	sshrl.u32 s18, $0x2  }
0x25: {  	s26 =	sshrl.u32 s23, $0x2;
	[dreg:$0x11] =	wrdreg s0;
	s0 =	simm.s32 $0x13A40  }
0x26: {  	s4 =	simm.s32 $0x78;
	s10 =	simm.s32 $0x4;
	s17 =	simm.s32 $0x0  }
0x27: {  	[dreg:$0xd] =	wrdreg s5;
	s1 =	sadd.s32 s1, s2;
	s5 =	simm.s32 $0x2  }
0x28: {  	[dreg:$0xe] =	wrdreg s1;
	s1 =	sadd.s32 s24, s2;
	s24 =	sadd.s32 s26, s2  }
0x29: {  	s26 =	simm.s32 $0x13AC0;
	[dreg:$0xf] =	wrdreg s1;
	s1 =	sadd.s32 s25, s2  }
0x2a: {  	v0 =	vimm.f32 $0.0e+00;
	s25 =	simm.s32 $0x8;
	[dreg:$0x10] =	wrdreg s1;
	s1 =	simm.s32 $0x1  }
.LBB2_1:
0x2b: {  	s18 =	simm.s32 $0x0;
	s19 =	simm.s32 $0x200  }
.LBB2_2:
0x2c: {  	p1 =	sne.s32 s19, $0x9E00;
	[tilespmem:s18+$0x13B30] =	vst v0  }
0x2d: {  	[tilespmem:s18+$0x13AC0] =	vst v0  }
0x2e: {  	[tilespmem:s18+$0x13AD0] =	vst v0  }
.Ltmp0:
0x2f: {  	[tilespmem:s18+$0x13AE0] =	vst v0;
	(pc) =	sbr.rel @p1 .LBB2_2-.Ltmp0, $4  }
0x30: {  	[tilespmem:s18+$0x13AF0] =	vst v0  }
0x31: {  	[tilespmem:s18+$0x13B00] =	vst v0  }
0x32: {  	[tilespmem:s18+$0x13B10] =	vst v0  }
0x33: {  	[tilespmem:s18+$0x13B20] =	vst v0;
	s18 =	sshra.s32 s19, $0x2;
	s19 =	sadd.s32 $0x200, s19  }
0x34: {  	[tilespmem:s18+$0x13B30] =	vst v0  }
0x35: {  	[tilespmem:s18+$0x13AC0] =	vst v0  }
0x36: {  	[tilespmem:s18+$0x13AD0] =	vst v0  }
0x37: {  	[tilespmem:s18+$0x13AE0] =	vst v0  }
0x38: {  	[tilespmem:s18+$0x13AF0] =	vst v0  }
0x39: {  	[tilespmem:s18+$0x13B00] =	vst v0  }
0x3a: {  	[tilespmem:s18+$0x13B10] =	vst v0  }
0x3b: {  	[tilespmem:s18+$0x13B20] =	vst v0  }
0x3c: {  	[spmem:s22] =	stream.linear.scatter [tilespmem:s26], [sflag:$0x9], $0x2800, $0x38;
	[tilespmem:$0x1B2C0] =	vst v63  }
0x3d: {  	_ =	swait.ge [sflag:s28], $0x2800  }
0x3e: {  	[sflag:s28] =	ssyncset.done $0x0  }
0x3f: {  	s21 =	rddreg [dreg:$0xb];
	[sflag:s28] =	ssyncadd.s32 $0xFFFFD800  }
0x40: {  	[spmem:s21] =	stream.linear.scatter [tilespmem:s26], [sflag:$0x9], $0x2800, $0x38;
	[tilespmem:$0x1B2C0] =	vst v63  }
0x41: {  	_ =	swait.ge [sflag:s28], $0x2800  }
0x42: {  	[sflag:s28] =	ssyncset.done $0x0  }
0x43: {  	s23 =	smov.u32 s22;
	s22 =	rddreg [dreg:$0xc];
	[sflag:s28] =	ssyncadd.s32 $0xFFFFD800  }
0x44: {  	[spmem:s22] =	stream.linear.scatter [tilespmem:s26], [sflag:$0x9], $0x2800, $0x38;
	[tilespmem:$0x1B2C0] =	vst v63  }
0x45: {  	_ =	swait.ge [sflag:s28], $0x2800  }
0x46: {  	[sflag:s28] =	ssyncset.done $0x0  }
0x47: {  	s19 =	rddreg [dreg:$0xd];
	[sflag:s28] =	ssyncadd.s32 $0xFFFFD800  }
0x48: {  	[spmem:s19] =	stream.linear.scatter [tilespmem:s26], [sflag:$0x9], $0x2800, $0x38;
	[tilespmem:$0x1B2C0] =	vst v63  }
0x49: {  	_ =	swait.ge [sflag:s28], $0x2800  }
0x4a: {  	[sflag:s28] =	ssyncset.done $0x0  }
0x4b: {  	s20 =	rddreg [dreg:$0xe];
	[sflag:s28] =	ssyncadd.s32 $0xFFFFD800  }
0x4c: {  	[spmem:s20] =	stream.linear.scatter [tilespmem:s26], [sflag:$0x9], $0x2800, $0x38;
	[tilespmem:$0x1B2C0] =	vst v63  }
0x4d: {  	_ =	swait.ge [sflag:s28], $0x2800  }
0x4e: {  	[sflag:s28] =	ssyncset.done $0x0  }
0x4f: {  	s21 =	rddreg [dreg:$0xf];
	[sflag:s28] =	ssyncadd.s32 $0xFFFFD800  }
0x50: {  	[spmem:s21] =	stream.linear.scatter [tilespmem:s26], [sflag:$0x9], $0x2800, $0x38;
	[tilespmem:$0x1B2C0] =	vst v63  }
0x51: {  	_ =	swait.ge [sflag:s28], $0x2800  }
0x52: {  	[sflag:s28] =	ssyncset.done $0x0  }
0x53: {  	s22 =	rddreg [dreg:$0x10];
	[sflag:s28] =	ssyncadd.s32 $0xFFFFD800  }
0x54: {  	[spmem:s22] =	stream.linear.scatter [tilespmem:s26], [sflag:$0x9], $0x2800, $0x38;
	[tilespmem:$0x1B2C0] =	vst v63  }
0x55: {  	_ =	swait.ge [sflag:s28], $0x2800  }
0x56: {  	[sflag:s28] =	ssyncset.done $0x0  }
0x57: {  	s18 =	simm.s32 @!p0 $0x13AC0;
	[sflag:s28] =	ssyncadd.s32 $0xFFFFD800  }
0x58: {  	[spmem:s24] =	stream.linear.scatter @!p0 [tilespmem:s18], [sflag:$0x9], $0x2800, $0x38;
	[tilespmem:$0x1B2C0] =	vst v63  }
0x59: {  	s18 =	simm.s32 @!p0 $0x9  }
0x5a: {  	_ =	swait.ge @!p0 [sflag:s18], $0x2800  }
0x5b: {  	[sflag:s18] =	ssyncset.done @!p0 $0x0  }
0x5c: {  	[sflag:s18] =	ssyncadd.s32 @!p0 $0xFFFFD800  }
0x5d: {  	s19 =	sadd.s32 $0x0, s15;
	[bflag:$0x0] =	sbarrier.arrive $0xFFFF  }
0x5e: {  	[tilespmem:s29], [sflag:$0x1] =	stream.linear.gather [hbm4b:s19+s3], $0x78, $0x38;
	[tilespmem:$0x1B2C0] =	vst v63  }
0x5f: {  	s20 =	sadd.s32 $0x0, s14  }
0x60: {  	[tilespmem:s30], [sflag:$0x3] =	stream.linear.gather [hbm4b:s20+s3], $0x78, $0x38;
	[tilespmem:$0x1B2C0] =	vst v63  }
0x61: {  	s21 =	sadd.s32 $0x0, s13  }
0x62: {  	[tilespmem:s31], [sflag:$0x2] =	stream.linear.gather [hbm4b:s21+s3], $0x78, $0x38;
	[tilespmem:$0x1B2C0] =	vst v63  }
0x63: {  	s22 =	sadd.s32 $0x0, s12  }
0x64: {  	[tilespmem:s0], [sflag:$0x4] =	stream.linear.gather [hbm4b:s22+s3], $0x78, $0x38;
	[tilespmem:$0x1B2C0] =	vst v63  }
0x65: {  	_ =	swait.ge [sflag:s1], $0x78  }
0x66: {  	[sflag:s1] =	ssyncset.done $0x0  }
0x67: {  	[sflag:s1] =	ssyncadd.s32 $0xFFFFFF88  }
0x68: {  	[tilespmem:s26], [sflag:$0x5] =	stream.indirect.gather [hbm4b:s16+s4], $0x80, s29, s4, $0xb8;
	[tilespmem:$0x1B2C0] =	vst v63  }
0x69: {  	_ =	swait.ge [sflag:s5], $0x78  }
0x6a: {  	[sflag:s5] =	ssyncset.done $0x0  }
0x6b: {  	[sflag:s5] =	ssyncadd.s32 $0xFFFFFF88  }
0x6c: {  	[tilespmem:s6], [sflag:$0x6] =	stream.indirect.gather [hbm4b:s16+s4], $0x80, s31, s4, $0xb8;
	[tilespmem:$0x1B2C0] =	vst v63  }
0x6d: {  	_ =	swait.ge [sflag:s7], $0x3C00  }
0x6e: {  	[sflag:s7] =	ssyncset.done $0x0  }
0x6f: {  	[sflag:s7] =	ssyncadd.s32 $0xFFFFC400  }
0x70: {  	_ =	swait.ge [sflag:s8], $0x78  }
0x71: {  	[sflag:s8] =	ssyncset.done $0x0  }
0x72: {  	[sflag:s8] =	ssyncadd.s32 $0xFFFFFF88  }
0x73: {  	[spmem:s2] =	stream.indirect.scatter.add.f32 [tilespmem:s26], [sflag:$0x7], $0x80, s30, s4, $0xb8;
	[tilespmem:$0x1B2C0] =	vst v63  }
0x74: {  	_ =	swait.ge [sflag:s9], $0x3C00  }
0x75: {  	[sflag:s9] =	ssyncset.done $0x0  }
0x76: {  	[sflag:s9] =	ssyncadd.s32 $0xFFFFC400  }
0x77: {  	_ =	swait.ge [sflag:s10], $0x78  }
0x78: {  	[sflag:s10] =	ssyncset.done $0x0  }
0x79: {  	[sflag:s10] =	ssyncadd.s32 $0xFFFFFF88  }
0x7a: {  	[spmem:s2] =	stream.indirect.scatter.add.f32 [tilespmem:s6], [sflag:$0x8], $0x80, s0, s4, $0xb8;
	[tilespmem:$0x1B2C0] =	vst v63  }
0x7b: {  	_ =	swait.ge [sflag:s11], $0x3C00  }
0x7c: {  	[sflag:s11] =	ssyncset.done $0x0  }
0x7d: {  	[sflag:s11] =	ssyncadd.s32 $0xFFFFC400  }
0x7e: {  	_ =	swait.ge [sflag:s25], $0x3C00  }
0x7f: {  	s18 =	simm.s32 $0x1E;
	s19 =	simm.s32 $0x3C;
	[sflag:s25] =	ssyncset.done $0x0  }
.LBB2_4:
0x80: {  	s21 =	sadd.s32 s18, s15  }
0x81: {  	[sflag:s25] =	ssyncadd.s32 $0xFFFFC400;
	s22 =	smov.u32 s19;
	s20 =	sadd.s32 $0x1E, s19  }
0x82: {  	[tilespmem:s29], [sflag:$0x1] =	stream.linear.gather [hbm4b:s21+s3], $0x78, $0x38;
	[tilespmem:$0x1B2C0] =	vst v63  }
0x83: {  	p1 =	sne.s32 s19, $0x4CE;
	s19 =	sadd.s32 s18, s14  }
0x84: {  	[tilespmem:s30], [sflag:$0x3] =	stream.linear.gather [hbm4b:s19+s3], $0x78, $0x38;
	[tilespmem:$0x1B2C0] =	vst v63  }
0x85: {  	s19 =	sadd.s32 s18, s13  }
0x86: {  	[tilespmem:s31], [sflag:$0x2] =	stream.linear.gather [hbm4b:s19+s3], $0x78, $0x38;
	[tilespmem:$0x1B2C0] =	vst v63  }
0x87: {  	s19 =	sadd.s32 s18, s12;
	s18 =	smov.u32 s22  }
0x88: {  	[tilespmem:s0], [sflag:$0x4] =	stream.linear.gather [hbm4b:s19+s3], $0x78, $0x38;
	[tilespmem:$0x1B2C0] =	vst v63  }
0x89: {  	_ =	swait.ge [sflag:s1], $0x78  }
0x8a: {  	[sflag:s1] =	ssyncset.done $0x0  }
0x8b: {  	[sflag:s1] =	ssyncadd.s32 $0xFFFFFF88  }
0x8c: {  	[tilespmem:s26], [sflag:$0x5] =	stream.indirect.gather [hbm4b:s16+s4], $0x80, s29, s4, $0xb8;
	[tilespmem:$0x1B2C0] =	vst v63  }
0x8d: {  	_ =	swait.ge [sflag:s5], $0x78  }
0x8e: {  	[sflag:s5] =	ssyncset.done $0x0  }
0x8f: {  	[sflag:s5] =	ssyncadd.s32 $0xFFFFFF88  }
0x90: {  	[tilespmem:s6], [sflag:$0x6] =	stream.indirect.gather [hbm4b:s16+s4], $0x80, s31, s4, $0xb8;
	[tilespmem:$0x1B2C0] =	vst v63  }
0x91: {  	_ =	swait.ge [sflag:s7], $0x3C00  }
0x92: {  	[sflag:s7] =	ssyncset.done $0x0  }
0x93: {  	[sflag:s7] =	ssyncadd.s32 $0xFFFFC400  }
0x94: {  	_ =	swait.ge [sflag:s8], $0x78  }
0x95: {  	[sflag:s8] =	ssyncset.done $0x0  }
0x96: {  	[sflag:s8] =	ssyncadd.s32 $0xFFFFFF88  }
0x97: {  	[spmem:s2] =	stream.indirect.scatter.add.f32 [tilespmem:s26], [sflag:$0x7], $0x80, s30, s4, $0xb8;
	[tilespmem:$0x1B2C0] =	vst v63  }
0x98: {  	_ =	swait.ge [sflag:s9], $0x3C00  }
0x99: {  	[sflag:s9] =	ssyncset.done $0x0  }
0x9a: {  	[sflag:s9] =	ssyncadd.s32 $0xFFFFC400  }
0x9b: {  	_ =	swait.ge [sflag:s10], $0x78  }
0x9c: {  	[sflag:s10] =	ssyncset.done $0x0  }
0x9d: {  	[sflag:s10] =	ssyncadd.s32 $0xFFFFFF88  }
0x9e: {  	[spmem:s2] =	stream.indirect.scatter.add.f32 [tilespmem:s6], [sflag:$0x8], $0x80, s0, s4, $0xb8;
	[tilespmem:$0x1B2C0] =	vst v63  }
.Ltmp1:
0x9f: {  	_ =	swait.ge [sflag:s11], $0x3C00;
	(pc) =	sbr.rel @p1 .LBB2_4-.Ltmp1, $4  }
0xa0: {  	[sflag:s11] =	ssyncset.done $0x0  }
0xa1: {  	[sflag:s11] =	ssyncadd.s32 $0xFFFFC400  }
0xa2: {  	_ =	swait.ge [sflag:s25], $0x3C00  }
0xa3: {  	s19 =	smov.u32 s20;
	[sflag:s25] =	ssyncset.done $0x0  }
0xa4: {  	s19 =	sadd.s32 s18, s15;
	[sflag:s25] =	ssyncadd.s32 $0xFFFFC400  }
0xa5: {  	[tilespmem:s29], [sflag:$0x1] =	stream.linear.gather [hbm4b:s19+s3], $0x78, $0x38;
	[tilespmem:$0x1B2C0] =	vst v63  }
0xa6: {  	s21 =	sadd.s32 s18, s14  }
0xa7: {  	[tilespmem:s30], [sflag:$0x3] =	stream.linear.gather [hbm4b:s21+s3], $0x78, $0x38;
	[tilespmem:$0x1B2C0] =	vst v63  }
0xa8: {  	s22 =	sadd.s32 s18, s13  }
0xa9: {  	[tilespmem:s31], [sflag:$0x2] =	stream.linear.gather [hbm4b:s22+s3], $0x78, $0x38;
	[tilespmem:$0x1B2C0] =	vst v63  }
0xaa: {  	s20 =	sadd.s32 s18, s12  }
0xab: {  	[tilespmem:s0], [sflag:$0x4] =	stream.linear.gather [hbm4b:s20+s3], $0x78, $0x38;
	[tilespmem:$0x1B2C0] =	vst v63  }
0xac: {  	_ =	swait.ge [sflag:s1], $0x78  }
0xad: {  	[sflag:s1] =	ssyncset.done $0x0  }
0xae: {  	[sflag:s1] =	ssyncadd.s32 $0xFFFFFF88  }
0xaf: {  	[tilespmem:s26], [sflag:$0x5] =	stream.indirect.gather [hbm4b:s16+s4], $0x80, s29, s4, $0xb8;
	[tilespmem:$0x1B2C0] =	vst v63  }
0xb0: {  	_ =	swait.ge [sflag:s5], $0x78  }
0xb1: {  	[sflag:s5] =	ssyncset.done $0x0  }
0xb2: {  	[sflag:s5] =	ssyncadd.s32 $0xFFFFFF88  }
0xb3: {  	[tilespmem:s6], [sflag:$0x6] =	stream.indirect.gather [hbm4b:s16+s4], $0x80, s31, s4, $0xb8;
	[tilespmem:$0x1B2C0] =	vst v63  }
0xb4: {  	_ =	swait.ge [sflag:s7], $0x3C00  }
0xb5: {  	[sflag:s7] =	ssyncset.done $0x0  }
0xb6: {  	[sflag:s7] =	ssyncadd.s32 $0xFFFFC400  }
0xb7: {  	_ =	swait.ge [sflag:s8], $0x78  }
0xb8: {  	[sflag:s8] =	ssyncset.done $0x0  }
0xb9: {  	[sflag:s8] =	ssyncadd.s32 $0xFFFFFF88  }
0xba: {  	[spmem:s2] =	stream.indirect.scatter.add.f32 [tilespmem:s26], [sflag:$0x7], $0x80, s30, s4, $0xb8;
	[tilespmem:$0x1B2C0] =	vst v63  }
0xbb: {  	_ =	swait.ge [sflag:s9], $0x3C00  }
0xbc: {  	[sflag:s9] =	ssyncset.done $0x0  }
0xbd: {  	[sflag:s9] =	ssyncadd.s32 $0xFFFFC400  }
0xbe: {  	_ =	swait.ge [sflag:s10], $0x78  }
0xbf: {  	[sflag:s10] =	ssyncset.done $0x0  }
0xc0: {  	[sflag:s10] =	ssyncadd.s32 $0xFFFFFF88  }
0xc1: {  	[spmem:s2] =	stream.indirect.scatter.add.f32 [tilespmem:s6], [sflag:$0x8], $0x80, s0, s4, $0xb8;
	[tilespmem:$0x1B2C0] =	vst v63  }
0xc2: {  	_ =	swait.ge [sflag:s11], $0x3C00  }
0xc3: {  	[sflag:s11] =	ssyncset.done $0x0  }
0xc4: {  	[sflag:s11] =	ssyncadd.s32 $0xFFFFC400  }
0xc5: {  	_ =	swait.ge [sflag:s25], $0x3C00  }
0xc6: {  	[sflag:s25] =	ssyncset.done $0x0  }
0xc7: {  	[sflag:s25] =	ssyncadd.s32 $0xFFFFC400  }
0xc8: {  	[bflag:$0x0] =	sbarrier.arrive $0xFFFF  }
0xc9: {  	[tilespmem:s26], [sflag:$0x9] =	stream.linear.gather [spmem:s23], $0x2800, $0x38;
	[tilespmem:$0x1B2C0] =	vst v63  }
0xca: {  	_ =	swait.ge [sflag:s28], $0x2800  }
0xcb: {  	[sflag:s28] =	ssyncset.done $0x0  }
0xcc: {  	s21 =	rddreg [dreg:$0x3];
	[sflag:s28] =	ssyncadd.s32 $0xFFFFD800  }
0xcd: {  	[hbm4b:s21+s3] =	stream.linear.scatter [tilespmem:s26], [sflag:$0x9], $0x2800, $0x38;
	[tilespmem:$0x1B2C0] =	vst v63  }
0xce: {  	_ =	swait.ge [sflag:s28], $0x2800  }
0xcf: {  	[sflag:s28] =	ssyncset.done $0x0  }
0xd0: {  	s22 =	smov.u32 s23;
	s23 =	rddreg [dreg:$0xb];
	[sflag:s28] =	ssyncadd.s32 $0xFFFFD800  }
0xd1: {  	[tilespmem:s26], [sflag:$0x9] =	stream.linear.gather [spmem:s23], $0x2800, $0x38;
	[tilespmem:$0x1B2C0] =	vst v63  }
0xd2: {  	_ =	swait.ge [sflag:s28], $0x2800  }
0xd3: {  	[sflag:s28] =	ssyncset.done $0x0  }
0xd4: {  	s19 =	rddreg [dreg:$0x4];
	[sflag:s28] =	ssyncadd.s32 $0xFFFFD800  }
0xd5: {  	[hbm4b:s19+s3] =	stream.linear.scatter [tilespmem:s26], [sflag:$0x9], $0x2800, $0x38;
	[tilespmem:$0x1B2C0] =	vst v63  }
0xd6: {  	_ =	swait.ge [sflag:s28], $0x2800  }
0xd7: {  	[sflag:s28] =	ssyncset.done $0x0  }
0xd8: {  	s20 =	rddreg [dreg:$0xc];
	[sflag:s28] =	ssyncadd.s32 $0xFFFFD800  }
0xd9: {  	[tilespmem:s26], [sflag:$0x9] =	stream.linear.gather [spmem:s20], $0x2800, $0x38;
	[tilespmem:$0x1B2C0] =	vst v63  }
0xda: {  	_ =	swait.ge [sflag:s28], $0x2800  }
0xdb: {  	[sflag:s28] =	ssyncset.done $0x0  }
0xdc: {  	s21 =	rddreg [dreg:$0x5];
	[sflag:s28] =	ssyncadd.s32 $0xFFFFD800  }
0xdd: {  	[hbm4b:s21+s3] =	stream.linear.scatter [tilespmem:s26], [sflag:$0x9], $0x2800, $0x38;
	[tilespmem:$0x1B2C0] =	vst v63  }
0xde: {  	_ =	swait.ge [sflag:s28], $0x2800  }
0xdf: {  	[sflag:s28] =	ssyncset.done $0x0  }
0xe0: {  	s23 =	rddreg [dreg:$0xd];
	[sflag:s28] =	ssyncadd.s32 $0xFFFFD800  }
0xe1: {  	[tilespmem:s26], [sflag:$0x9] =	stream.linear.gather [spmem:s23], $0x2800, $0x38;
	[tilespmem:$0x1B2C0] =	vst v63  }
0xe2: {  	_ =	swait.ge [sflag:s28], $0x2800  }
0xe3: {  	[sflag:s28] =	ssyncset.done $0x0  }
0xe4: {  	s19 =	rddreg [dreg:$0x6];
	[sflag:s28] =	ssyncadd.s32 $0xFFFFD800  }
0xe5: {  	[hbm4b:s19+s3] =	stream.linear.scatter [tilespmem:s26], [sflag:$0x9], $0x2800, $0x38;
	[tilespmem:$0x1B2C0] =	vst v63  }
0xe6: {  	_ =	swait.ge [sflag:s28], $0x2800  }
0xe7: {  	[sflag:s28] =	ssyncset.done $0x0  }
0xe8: {  	s20 =	rddreg [dreg:$0xe];
	[sflag:s28] =	ssyncadd.s32 $0xFFFFD800  }
0xe9: {  	[tilespmem:s26], [sflag:$0x9] =	stream.linear.gather [spmem:s20], $0x2800, $0x38;
	[tilespmem:$0x1B2C0] =	vst v63  }
0xea: {  	_ =	swait.ge [sflag:s28], $0x2800  }
0xeb: {  	[sflag:s28] =	ssyncset.done $0x0  }
0xec: {  	s21 =	rddreg [dreg:$0x7];
	[sflag:s28] =	ssyncadd.s32 $0xFFFFD800  }
0xed: {  	[hbm4b:s21+s3] =	stream.linear.scatter [tilespmem:s26], [sflag:$0x9], $0x2800, $0x38;
	[tilespmem:$0x1B2C0] =	vst v63  }
0xee: {  	_ =	swait.ge [sflag:s28], $0x2800  }
0xef: {  	[sflag:s28] =	ssyncset.done $0x0  }
0xf0: {  	s23 =	rddreg [dreg:$0xf];
	[sflag:s28] =	ssyncadd.s32 $0xFFFFD800  }
0xf1: {  	[tilespmem:s26], [sflag:$0x9] =	stream.linear.gather [spmem:s23], $0x2800, $0x38;
	[tilespmem:$0x1B2C0] =	vst v63  }
0xf2: {  	_ =	swait.ge [sflag:s28], $0x2800  }
0xf3: {  	[sflag:s28] =	ssyncset.done $0x0  }
0xf4: {  	s19 =	rddreg [dreg:$0x8];
	[sflag:s28] =	ssyncadd.s32 $0xFFFFD800  }
0xf5: {  	[hbm4b:s19+s3] =	stream.linear.scatter [tilespmem:s26], [sflag:$0x9], $0x2800, $0x38;
	[tilespmem:$0x1B2C0] =	vst v63  }
0xf6: {  	_ =	swait.ge [sflag:s28], $0x2800  }
0xf7: {  	[sflag:s28] =	ssyncset.done $0x0  }
0xf8: {  	s20 =	rddreg [dreg:$0x10];
	[sflag:s28] =	ssyncadd.s32 $0xFFFFD800  }
0xf9: {  	[tilespmem:s26], [sflag:$0x9] =	stream.linear.gather [spmem:s20], $0x2800, $0x38;
	[tilespmem:$0x1B2C0] =	vst v63  }
0xfa: {  	_ =	swait.ge [sflag:s28], $0x2800  }
0xfb: {  	[sflag:s28] =	ssyncset.done $0x0  }
0xfc: {  	s21 =	rddreg [dreg:$0x9];
	[sflag:s28] =	ssyncadd.s32 $0xFFFFD800  }
0xfd: {  	[hbm4b:s21+s3] =	stream.linear.scatter [tilespmem:s26], [sflag:$0x9], $0x2800, $0x38;
	[tilespmem:$0x1B2C0] =	vst v63  }
0xfe: {  	_ =	swait.ge [sflag:s28], $0x2800  }
0xff: {  	[sflag:s28] =	ssyncset.done $0x0  }
0x100: {  	s18 =	simm.s32 @!p0 $0x13AC0;
	s19 =	simm.s32 @!p0 $0x9;
	[sflag:s28] =	ssyncadd.s32 $0xFFFFD800  }
0x101: {  	[tilespmem:s18], [sflag:$0x9] =	stream.linear.gather @!p0 [spmem:s24], $0x2800, $0x38;
	[tilespmem:$0x1B2C0] =	vst v63  }
0x102: {  	_ =	swait.ge @!p0 [sflag:s19], $0x2800  }
0x103: {  	[sflag:s19] =	ssyncset.done @!p0 $0x0  }
0x104: {  	s20 =	simm.s32 @!p0 $0x0;
	s21 =	rddreg [dreg:$0xa];
	[sflag:s19] =	ssyncadd.s32 @!p0 $0xFFFFD800  }
0x105: {  	[hbm4b:s21+s20] =	stream.linear.scatter @!p0 [tilespmem:s18], [sflag:$0x9], $0x2800, $0x38;
	[tilespmem:$0x1B2C0] =	vst v63  }
0x106: {  	_ =	swait.ge @!p0 [sflag:s19], $0x2800  }
0x107: {  	s17 =	sadd.s32 $0x1, s17;
	s23 =	rddreg [dreg:$0x11]  }
0x108: {  	p1 =	sne.s32 s17, s23  }
.Ltmp2:
0x109: {  	_ = 	snop;
	(pc) =	sbr.rel @p1 .LBB2_1-.Ltmp2, $3  }
0x10a: {  	_ =	sdelay $0x1  }
0x10b: {  	[sflag:s19] =	ssyncset.done @!p0 $0x0  }
0x10c: {  	[sflag:s19] =	ssyncadd.s32 @!p0 $0xFFFFD800  }
0x10d: {  	_ =	sfence.sel $0x180000  }
0x10e: {  	[bflag:$0x0] =	sbarrier.arrive $0xFFFF  }
0x10f: {  	_ =	strace $0x9000004D  }
0x110: {  	s0 =	stileid.u32;
	[bflag:$0x2] =	sbarrier.arrive $0xFFFF  }
0x111: {  	p0 =	sne.s32 s0, $0x0;
	s0 =	rddreg [dreg:$0x2]  }
0x112: {  	s0 =	sadd.s32 @!p0 $0x100000, s0  }
0x113: {  	[sflag:s0] =	ssyncadd.tile.s32 @!p0 $0x1;
	_ =	shalt  }
.Lfunc_end2:
_tile_overlayer_lowered:
.L_overlay_start_2:
0x114: {  	(tag) =	ssettag $0x2  }
0x115: {  	s0 =	rddreg [dreg:$0x0];
	s2 =	stileid.u32  }
0x116: {  	s1 =	rddreg [dreg:$0x1];
	p0 =	sne.s32 s2, $0x0  }
0x117: {  	s3 =	rddreg [dreg:$0x2];
	[bflag:$0x3] =	sbarrier.arrive $0xFFFF;
	s2 =	simm.s32 @!p0 $0x1C09  }
0x118: {  	[timem:s3], [sflag:s2] =	dma.local @!p0 [hbm:s0], s1  }
0x119: {  	s0 =	simm.s32 @!p0 $0x9  }
0x11a: {  	_ =	swait.ge @!p0 [sflag:s0], s1  }
0x11b: {  	s1 =	ssub.s32 @!p0 $0x0, s1;
	[sflag:s0] =	ssyncset.done @!p0 $0x0  }
0x11c: {  	[sflag:s0] =	ssyncadd.s32 @!p0 s1  }
0x11d: {  	[bflag:$0x3] =	sbarrier.arrive $0xFFFF  }
0x11e: {  	_ =	shalt  }

// kernel: kernel.9.cloned.1.call-start
scs
__scs_entry_jumppad:
0x0: {  	(pc) =	sbr.rel $0x88, $3  }
0x1: {  	(tag) =	ssettag $0x0;
	lr =	simm.s32 $0x1  }
0x2: {  	[smem:$0x3F8B] =	sst lr;
	_ =	strace $0xD0000000  }
0x3: {  	_ = 	snop  }
0x4: {  	_ = 	snop  }
0x5: {  	_ = 	snop  }
0x6: {  	_ = 	snop  }
0x7: {  	_ = 	snop  }
__scs_overlays_trampoline_lowered:
0x8: {  	[smem:$0x3F9A] =	sst s0  }
0x9: {  	[smem:$0x3F9B] =	sst s1  }
0xa: {  	[smem:$0x3F9C] =	sst s2  }
0xb: {  	[smem:$0x3F9D] =	sst s3  }
0xc: {  	[smem:$0x3F9E] =	sst s4  }
0xd: {  	[smem:$0x3F9F] =	sst s5  }
0xe: {  	[smem:$0x3FA0] =	sst s6  }
0xf: {  	[smem:$0x3FA1] =	sst s7  }
0x10: {  	[smem:$0x3FA2] =	sst s8  }
0x11: {  	[smem:$0x3FA3] =	sst s9;
	s0 =	simm.s32 @!p0 $0x0  }
0x12: {  	s1 =	sld [smem:$0x3F89];
	s0 =	simm.s32 @p0 $0x1  }
0x13: {  	[smem:$0x3FA4] =	sst s0;
	s0 =	simm.s32 @!p1 $0x0  }
0x14: {  	s2 =	sld [smem:$0x3F88];
	s0 =	simm.s32 @p1 $0x1  }
0x15: {  	[smem:$0x3FA5] =	sst s0;
	s0 =	simm.s32 @!p2 $0x0  }
0x16: {  	s3 =	sld [smem:$0x3FDB];
	s0 =	simm.s32 @p2 $0x1  }
0x17: {  	s4 =	simm.s32 $0x1BF5;
	[smem:$0x3FA7] =	sst s0  }
0x18: {  	s0 =	sld [smem:$0x3F8A];
	_ =	swait.ge [sflag:s4], $0x0  }
0x19: {  	s7 =	sld [smem:$0x3F8B]  }
0x1a: {  	s8 =	sadd.s32 $0xFFFFE003, lr  }
0x1b: {  	s9 =	sadd.s32 $0xFFFFFEF7, lr;
	s5 =	simm.s32 $0xFFFFFFFF;
	p2 =	slt.u32 s8, $0xFFFFF086  }
0x1c: {  	p1 =	slt.u32 s9, $0xF7A;
	s5 =	simm.s32 @!p2 $0x0  }
0x1d: {  	s5 =	simm.s32 @p1 $0x1;
	p0 =	seq.s32 s7, s2  }
0x1e: {  	s7 =	smul.u32 @!p0 $0xF7A, s2;
	p2 =	seq.s32 @!p0 s5, $0x0  }
0x1f: {  	s9 =	smul.u32 $0xF7A, s1;
	s8 =	simm.s32 @!p0 $0x1BF5;
	p2 =	por !p2, p0  }
0x20: {  	[sflag:s8] =	ssyncset.s32 @!p0 $0xFFFFF086;
	s6 =	sadd.s32 @!p0 s3, s7;
	s7 =	simm.s32 @!p0 $0x108  }
0x21: {  	s3 =	sadd.s32 s3, s9;
	s6 =	sadd.s32 @!p0 $0x88, s6;
	s7 =	simm.s32 @p2 $0x1082  }
0x22: {  	[simem:s7], [sflag:s8] =	dma.local @!p0 [hbm:s6], $0xF7A  }
0x23: {  	s9 =	sor.u32 $0xD0000000, s2;
	s6 =	simm.s32 $0x108;
	_ =	swait.ge @!p0 [sflag:s8], $0x0  }
0x24: {  	s3 =	sadd.s32 $0x88, s3;
	s6 =	simm.s32 @!p1 $0x1082;
	[sflag:s4] =	ssyncset.s32 $0xFFFFF086  }
0x25: {  	[simem:s6], [sflag:s4] =	dma.local [hbm:s3], $0xF7A  }
0x26: {  	[smem:$0x3F8B] =	sst s1;
	(tag) =	ssettag s2;
	_ =	strace s9  }
0x27: {  	s1 =	sld [smem:$0x3F9B]  }
0x28: {  	s2 =	sld [smem:$0x3F9C]  }
0x29: {  	s4 =	sld [smem:$0x3F9E]  }
0x2a: {  	p0 =	seq.s32 s5, $0x0;
	s5 =	sld [smem:$0x3F9F]  }
0x2b: {  	s6 =	sld [smem:$0x3FA0]  }
0x2c: {  	s7 =	sld [smem:$0x3FA1]  }
0x2d: {  	s3 =	simm.s32 $0x108;
	s8 =	sld [smem:$0x3FA2]  }
0x2e: {  	s3 =	simm.s32 @!p0 $0x1082;
	s9 =	sld [smem:$0x3FA3]  }
0x2f: {  	lr =	sadd.s32 s0, s3;
	s0 =	sld [smem:$0x3F9A]  }
0x30: {  	s3 =	sld [smem:$0x3F9D]  }
0x31: {  	[smem:$0x3FA6] =	sst s10  }
0x32: {  	s10 =	sld [smem:$0x3FA4];
	_ =	sdelay $0x3  }
0x33: {  	p0 =	seq.s32 s10, $0x1;
	s10 =	sld [smem:$0x3FA6];
	_ =	sdelay $0x3  }
0x34: {  	[smem:$0x3FA6] =	sst s10  }
0x35: {  	s10 =	sld [smem:$0x3FA5];
	_ =	sdelay $0x3  }
0x36: {  	p1 =	seq.s32 s10, $0x1;
	s10 =	sld [smem:$0x3FA6];
	_ =	sdelay $0x3  }
0x37: {  	[smem:$0x3FA6] =	sst s10  }
0x38: {  	s10 =	sld [smem:$0x3FA7]  }
0x39: {  	_ = 	snop;
	(pc) =	sbr.ind lr, $3  }
0x3a: {  	_ = 	snop  }
0x3b: {  	_ = 	snop  }
0x3c: {  	p2 =	seq.s32 s10, $0x1;
	s10 =	sld [smem:$0x3FA6]  }
0x3d: {  	_ =	shalt  }
0x3e: {  	_ =	shalt  }
0x3f: {  	_ =	shalt  }
0x40: {  	_ =	shalt  }
0x41: {  	_ =	shalt  }
0x42: {  	_ =	shalt  }
0x43: {  	_ =	shalt  }
0x44: {  	_ =	shalt  }
0x45: {  	_ =	shalt  }
0x46: {  	_ =	shalt  }
0x47: {  	_ =	shalt  }
0x48: {  	_ =	shalt  }
0x49: {  	_ =	shalt  }
0x4a: {  	_ =	shalt  }
0x4b: {  	_ =	shalt  }
0x4c: {  	_ =	shalt  }
0x4d: {  	_ =	shalt  }
0x4e: {  	_ =	shalt  }
0x4f: {  	_ =	shalt  }
0x50: {  	_ =	shalt  }
0x51: {  	_ =	shalt  }
0x52: {  	_ =	shalt  }
0x53: {  	_ =	shalt  }
0x54: {  	_ =	shalt  }
0x55: {  	_ =	shalt  }
0x56: {  	_ =	shalt  }
0x57: {  	_ =	shalt  }
0x58: {  	_ =	shalt  }
0x59: {  	_ =	shalt  }
0x5a: {  	_ =	shalt  }
0x5b: {  	_ =	shalt  }
0x5c: {  	_ =	shalt  }
0x5d: {  	_ =	shalt  }
0x5e: {  	_ =	shalt  }
0x5f: {  	_ =	shalt  }
0x60: {  	_ =	shalt  }
0x61: {  	_ =	shalt  }
0x62: {  	_ =	shalt  }
0x63: {  	_ =	shalt  }
0x64: {  	_ =	shalt  }
0x65: {  	_ =	shalt  }
0x66: {  	_ =	shalt  }
0x67: {  	_ =	shalt  }
0x68: {  	_ =	shalt  }
0x69: {  	_ =	shalt  }
0x6a: {  	_ =	shalt  }
0x6b: {  	_ =	shalt  }
0x6c: {  	_ =	shalt  }
0x6d: {  	_ =	shalt  }
0x6e: {  	_ =	shalt  }
0x6f: {  	_ =	shalt  }
0x70: {  	_ =	shalt  }
0x71: {  	_ =	shalt  }
0x72: {  	_ =	shalt  }
0x73: {  	_ =	shalt  }
0x74: {  	_ =	shalt  }
0x75: {  	_ =	shalt  }
0x76: {  	_ =	shalt  }
0x77: {  	_ =	shalt  }
0x78: {  	_ =	shalt  }
0x79: {  	_ =	shalt  }
0x7a: {  	_ =	shalt  }
0x7b: {  	_ =	shalt  }
0x7c: {  	_ =	shalt  }
0x7d: {  	_ =	shalt  }
0x7e: {  	_ =	shalt  }
0x7f: {  	_ =	shalt  }
0x80: {  	_ =	shalt  }
0x81: {  	_ =	shalt  }
0x82: {  	_ =	shalt  }
0x83: {  	_ =	shalt  }
0x84: {  	_ =	shalt  }
0x85: {  	_ =	shalt  }
0x86: {  	_ =	shalt  }
0x87: {  	_ =	shalt  }
.Lfunc_end0:
.L_simem_size_0:
called_computation_lowered:
.L_overlay_start_0:
0x88: {  	s2 =	sld [smem:$0x3FD9]  }
0x89: {  	s3 =	sld [smem:$0x3FFE];
	_ =	sdelay $0x1  }
0x8a: {  	s1 =	srdreg.scid  }
0x8b: {  	s0 =	sand.u32 $0x1, s1  }
0x8c: {  	s17 =	sshll.u32 s0, $0xA;
	s2 =	sadd.s32 s3, s2  }
0x8d: {  	s2 =	sadd.s32 s2, s17  }
0x8e: {  	[smem:$0x3FB2] =	sst s2  }
0x8f: {  	_ = 	snop  }
0x90: {  	s2 =	sld [smem:$0x3FC9];
	(tm) =	ssettm $0x1  }
0x91: {  	s18 =	sld [smem:$0x3FFB];
	_ =	sdelay $0x3  }
0x92: {  	_ =	strace s18  }
0x93: {  	s3 =	sld [smem:$0x3FFC];
	_ =	sdelay $0x3  }
0x94: {  	_ =	strace s3  }
0x95: {  	s3 =	sld [smem:$0x3FFD];
	_ =	sdelay $0x3  }
0x96: {  	_ =	strace s3  }
0x97: {  	_ =	strace $0x8FFFFFFF  }
0x98: {  	s19 =	sld [smem:$0x3FDB];
	_ =	sdelay $0x1  }
0x99: {  	s4 =	simm.s32 $_scs_section_size  }
0x9a: {  	s5 =	simm.s32 $_size__tile_overlayer_lowered;
	s6 =	simm.s32 $_tile_overlayer_lowered  }
0x9b: {  	s22 =	simm.s32 $0x1BFF;
	s21 =	sshll.u32 s6, $0x1;
	s3 =	sadd.s32 s4, s19  }
0x9c: {  	s7 =	simm.s32 $0x0;
	s20 =	sshll.u32 s5, $0x1;
	s5 =	sadd.s32 s21, s3  }
0x9d: {  	[timem:s7], [sflag:s22] =	dma.local [hbm:s5], s20  }
0x9e: {  	_ =	swait.ge [sflag:s22], s20  }
0x9f: {  	s4 =	ssub.s32 $0x0, s20;
	[sflag:s22] =	ssyncset.done $0x0  }
0xa0: {  	[sflag:s22] =	ssyncadd.s32 s4;
	_ =	sdelay $0x1  }
0xa1: {  	s23 =	simm.s32 $0x1B8B  }
0xa2: {  	_ =	swait.ge [sflag:s23], $0x1  }
0xa3: {  	[sflag:s23] =	ssyncset.done $0x0  }
0xa4: {  	s25 =	simm.s32 $0x1B8E;
	s24 =	sld [smem:$0x3FFE];
	[sflag:s23] =	ssyncadd.s32 $0xFFFFFFFF  }
0xa5: {  	s26 =	simm.s32 $execute0_lowered;
	[smem:$0x3FD2] =	sst s25  }
0xa6: {  	s5 =	sshll.u32 s26, $0x1;
	_ =	strace $0x80000046;
	[dreg:$0x1] =	wrdreg $0xFFFFFFFF  }
0xa7: {  	s28 =	simm.s32 $_size_execute0_lowered;
	s3 =	sadd.s32 s3, s5;
	[dreg:$0x0] =	wrdreg $0x0  }
0xa8: {  	s5 =	sshll.u32 s28, $0x1;
	[dreg:$0x2] =	wrdreg s3  }
0xa9: {  	[dreg:$0x3] =	wrdreg s5  }
0xaa: {  	[dreg:$0x4] =	wrdreg $0xC0  }
0xab: {  	_ =	task [dreg:s7], $0x5FFFF  }
0xac: {  	[dreg:$0x1] =	wrdreg $0xFFFFFFFF  }
0xad: {  	[dreg:$0x0] =	wrdreg $0x60  }
0xae: {  	[dreg:$0x2] =	wrdreg s2  }
0xaf: {  	[dreg:$0x3] =	wrdreg s24  }
0xb0: {  	[dreg:$0x4] =	wrdreg $0x0  }
0xb1: {  	[dreg:$0x5] =	wrdreg $0x9  }
0xb2: {  	_ =	task.clear_ibuf [dreg:s7], $0x6FFFF;
	_ =	strace $0x90000046  }
0xb3: {  	s29 =	simm.s32 $0x9;
	_ =	strace $0x80000048  }
0xb4: {  	_ =	swait.ge [sflag:s29], $0x1  }
0xb5: {  	[sflag:s29] =	ssyncadd.s32 $0xFFFFFFFF  }
0xb6: {  	_ =	strace $0x90000048  }
0xb7: {  	_ =	sfence  }
0xb8: {  	s30 =	sld [smem:$0x0];
	_ =	sdelay $0x2  }
0xb9: {  	s31 =	sshll.u32 s1, $0xD;
	s1 =	sshrl.u32 s1, $0x2  }
0xba: {  	s3 =	sand.u32 $0x4000, s31;
	s1 =	sadd.s32 s1, s30  }
0xbb: {  	s0 =	sor.u32 s3, s0;
	s1 =	sshll.u32 s1, $0x11  }
0xbc: {  	s0 =	sor.u32 s1, s0  }
0xbd: {  	s0 =	sadd.s32 $0x8F2B, s0  }
0xbe: {  	[sflag:s0] =	ssyncadd.remote.s32 $0x1  }
0xbf: {  	_ =	sfence.sel $0xFFFF  }
0xc0: {  	[dreg:$0x0] =	wrdreg $0xFFFFFFFF;
	(pc) =	sbr.abs _section_cstart, $3  }
0xc1: {  	[dreg:$0x1] =	wrdreg $0xFFFFFFFF  }
0xc2: {  	_ =	task.clear_ibuf [dreg:s7], $0x2FFFF;
	_ =	strace $0x9FFFFFFF  }
0xc3: {  	(tm) =	ssettm $0x7FFFFFFF  }
tec
execute0_lowered:
.L_overlay_start_1:
0x0: {  	(tag) =	ssettag $0x1  }
0x1: {  	s1 =	rddreg [dreg:$0x0]  }
0x2: {  	s3 =	rddreg [dreg:$0x1]  }
0x3: {  	s2 =	rddreg [dreg:$0x2]  }
0x4: {  	s10 =	srdreg.scid;
	s23 =	stileid.u32  }
0x5: {  	s0 =	simm.s32 $0x0;
	s4 =	sand.u32 $0x1, s10;
	s9 =	smul.u32 $0x2800, s23  }
0x6: {  	s28 =	simm.s32 $0x13AC0;
	s8 =	sor.u32 $0x10, s23;
	s6 =	smul.u32 $0x138800, s4  }
0x7: {  	s29 =	simm.s32 $0xB;
	s10 =	sor.u32 $0x20, s23;
	s11 =	smul.u32 $0x2800, s8  }
0x8: {  	s30 =	simm.s32 $0x138C0;
	s13 =	sor.u32 $0x30, s23;
	s14 =	smul.u32 $0x2800, s10  }
0x9: {  	s31 =	simm.s32 $0x139C0;
	s17 =	sor.u32 $0x50, s23;
	s15 =	smul.u32 $0x2800, s13  }
0xa: {  	[smem:$0x7FF] =	sst s0;
	s20 =	sor.u32 $0x70, s23;
	s19 =	smul.u32 $0x2800, s17  }
0xb: {  	s5 =	sadd.s32 $0x3600, s3;
	s7 =	sadd.s32 $0x17200, s3;
	s22 =	smul.u32 $0x2800, s20  }
0xc: {  	s16 =	sshll.u32 s23, $0x1;
	p0 =	sgt.u32 s23, $0xC;
	s8 =	smul.u32 $0xA000, s8  }
0xd: {  	s0 =	ssub.s32 $0x2, s4;
	s4 =	sor.u32 s4, s16;
	s10 =	smul.u32 $0xA000, s10  }
0xe: {  	s16 =	sor.u32 $0x60, s23;
	s17 =	smul.u32 $0xA000, s17;
	s12 =	sshrl.u32 s0, $0x1  }
0xf: {  	_ =	strace $0x80000047;
	s21 =	smul.u32 $0x2800, s16;
	s0 =	ssub.s32 s0, s12  }
0x10: {  	s12 =	sor.u32 $0x40, s23;
	s9 =	sadd.s32 s9, s6;
	s11 =	sadd.s32 s6, s11  }
0x11: {  	s14 =	sadd.s32 s6, s14;
	s15 =	sadd.s32 s6, s15;
	s19 =	sadd.s32 s6, s19  }
0x12: {  	s18 =	smul.u32 $0x2800, s12;
	s21 =	sadd.s32 s6, s21;
	s9 =	sshrl.u32 s9, $0x3  }
0x13: {  	s11 =	sshrl.u32 s11, $0x3;
	s24 =	sshrl.u32 s14, $0x3;
	s25 =	sshrl.u32 s15, $0x3  }
0x14: {  	s19 =	sshrl.u32 s19, $0x3;
	s14 =	sadd.s32 $0xD400, s3;
	s0 =	smax.u32 s0, $0x1  }
0x15: {  	s9 =	sadd.s32 s7, s9;
	s11 =	sadd.s32 s7, s11;
	[dreg:$0x14] =	wrdreg s0  }
0x16: {  	s15 =	sadd.s32 s7, s25;
	s21 =	sshrl.u32 s21, $0x3;
	[dreg:$0x4] =	wrdreg s9  }
0x17: {  	s18 =	sadd.s32 s6, s18;
	s6 =	sadd.s32 s6, s22;
	[dreg:$0x5] =	wrdreg s11  }
0x18: {  	s22 =	smul.u32 $0xA000, s23;
	s9 =	sadd.s32 s7, s24;
	[dreg:$0x7] =	wrdreg s15  }
0x19: {  	s24 =	sadd.s32 s7, s21;
	s15 =	sadd.s32 $0x4F9200, s3;
	s11 =	smul.u32 $0xA000, s12  }
0x1a: {  	s12 =	sshrl.u32 s8, $0x2;
	s21 =	smul.u32 $0xA000, s20;
	s8 =	simm.s32 $0x1  }
0x1b: {  	s20 =	simm.s32 $0x8;
	s26 =	sshrl.u32 s18, $0x3;
	[dreg:$0x6] =	wrdreg s9  }
0x1c: {  	s6 =	sshrl.u32 s6, $0x3;
	s9 =	sadd.s32 s7, s19;
	[dreg:$0xa] =	wrdreg s24  }
0x1d: {  	s19 =	smul.u32 $0xA000, s16;
	s16 =	simm.s32 $0x6;
	s18 =	sadd.s32 s7, s26  }
0x1e: {  	[dreg:$0x9] =	wrdreg s9;
	s6 =	sadd.s32 s7, s6;
	s25 =	sshrl.u32 s22, $0x2  }
0x1f: {  	s26 =	smul.u32 $0xA000, s13;
	s13 =	sshrl.u32 s10, $0x2;
	s3 =	sshrl.u32 s11, $0x2  }
0x20: {  	s22 =	sshrl.u32 s17, $0x2;
	s10 =	simm.s32 $0x2;
	[dreg:$0x8] =	wrdreg s18  }
0x21: {  	s11 =	simm.s32 $0x162C0;
	s17 =	simm.s32 $0xA;
	[dreg:$0xb] =	wrdreg s6  }
0x22: {  	s9 =	sadd.s32 s25, s2;
	s6 =	sadd.s32 s12, s2;
	s18 =	sadd.s32 s13, s2  }
0x23: {  	s3 =	sadd.s32 s3, s2;
	s24 =	sshrl.u32 s19, $0x2;
	[dreg:$0xc] =	wrdreg s9  }
0x24: {  	s25 =	sshrl.u32 s21, $0x2;
	s12 =	simm.s32 $0x5;
	[dreg:$0xd] =	wrdreg s6  }
0x25: {  	s13 =	simm.s32 $0x9;
	s19 =	simm.s32 $0x7;
	[dreg:$0xe] =	wrdreg s18  }
0x26: {  	s7 =	sshrl.u32 s26, $0x2;
	[dreg:$0x10] =	wrdreg s3;
	s3 =	sadd.s32 s22, s2  }
0x27: {  	s26 =	sadd.s32 s25, s2;
	s25 =	smul.u32 $0x2710, s4;
	s6 =	simm.s32 $0x13A40  }
0x28: {  	s9 =	simm.s32 $0x50;
	s18 =	simm.s32 $0x4;
	[dreg:$0x11] =	wrdreg s3  }
0x29: {  	s7 =	sadd.s32 s7, s2;
	s3 =	sadd.s32 s24, s2;
	[dreg:$0x13] =	wrdreg s26  }
0x2a: {  	s24 =	smul.u32 $0x2760, s4;
	s4 =	simm.s32 $0x13940;
	[dreg:$0xf] =	wrdreg s7  }
0x2b: {  	v0 =	vimm.f32 $0.0e+00;
	s26 =	simm.s32 $0x3;
	[dreg:$0x12] =	wrdreg s3;
	s7 =	simm.s32 $0x0  }
.LBB2_1:
0x2c: {  	[dreg:$0x15] =	wrdreg s7;
	s3 =	simm.s32 $0x0;
	s21 =	simm.s32 $0x200  }
.LBB2_2:
0x2d: {  	p1 =	sne.s32 s21, $0x9E00;
	[tilespmem:s3+$0x13B30] =	vst v0  }
0x2e: {  	[tilespmem:s3+$0x13AC0] =	vst v0  }
0x2f: {  	[tilespmem:s3+$0x13AD0] =	vst v0  }
.Ltmp0:
0x30: {  	[tilespmem:s3+$0x13AE0] =	vst v0;
	(pc) =	sbr.rel @p1 .LBB2_2-.Ltmp0, $4  }
0x31: {  	[tilespmem:s3+$0x13AF0] =	vst v0  }
0x32: {  	[tilespmem:s3+$0x13B00] =	vst v0  }
0x33: {  	[tilespmem:s3+$0x13B10] =	vst v0  }
0x34: {  	[tilespmem:s3+$0x13B20] =	vst v0;
	s3 =	sshra.s32 s21, $0x2;
	s21 =	sadd.s32 $0x200, s21  }
0x35: {  	[tilespmem:s3+$0x13B30] =	vst v0  }
0x36: {  	[tilespmem:s3+$0x13AC0] =	vst v0  }
0x37: {  	[tilespmem:s3+$0x13AD0] =	vst v0  }
0x38: {  	[tilespmem:s3+$0x13AE0] =	vst v0  }
0x39: {  	[tilespmem:s3+$0x13AF0] =	vst v0  }
0x3a: {  	[tilespmem:s3+$0x13B00] =	vst v0  }
0x3b: {  	[tilespmem:s3+$0x13B10] =	vst v0  }
0x3c: {  	[tilespmem:s3+$0x13B20] =	vst v0;
	s0 =	rddreg [dreg:$0xc]  }
0x3d: {  	[spmem:s0] =	stream.linear.scatter [tilespmem:s28], [sflag:$0xB], $0x2800, $0x38;
	[tilespmem:$0x1DAC0] =	vst v63  }
0x3e: {  	_ =	swait.ge [sflag:s29], $0x2800  }
0x3f: {  	[sflag:s29] =	ssyncset.done $0x0  }
0x40: {  	s23 =	rddreg [dreg:$0xd];
	[sflag:s29] =	ssyncadd.s32 $0xFFFFD800  }
0x41: {  	[spmem:s23] =	stream.linear.scatter [tilespmem:s28], [sflag:$0xB], $0x2800, $0x38;
	[tilespmem:$0x1DAC0] =	vst v63  }
0x42: {  	_ =	swait.ge [sflag:s29], $0x2800  }
0x43: {  	[sflag:s29] =	ssyncset.done $0x0  }
0x44: {  	s3 =	rddreg [dreg:$0xe];
	[sflag:s29] =	ssyncadd.s32 $0xFFFFD800  }
0x45: {  	[spmem:s3] =	stream.linear.scatter [tilespmem:s28], [sflag:$0xB], $0x2800, $0x38;
	[tilespmem:$0x1DAC0] =	vst v63  }
0x46: {  	_ =	swait.ge [sflag:s29], $0x2800  }
0x47: {  	[sflag:s29] =	ssyncset.done $0x0  }
0x48: {  	s7 =	rddreg [dreg:$0xf];
	[sflag:s29] =	ssyncadd.s32 $0xFFFFD800  }
0x49: {  	[spmem:s7] =	stream.linear.scatter [tilespmem:s28], [sflag:$0xB], $0x2800, $0x38;
	[tilespmem:$0x1DAC0] =	vst v63  }
0x4a: {  	_ =	swait.ge [sflag:s29], $0x2800  }
0x4b: {  	[sflag:s29] =	ssyncset.done $0x0  }
0x4c: {  	s21 =	rddreg [dreg:$0x10];
	[sflag:s29] =	ssyncadd.s32 $0xFFFFD800  }
0x4d: {  	[spmem:s21] =	stream.linear.scatter [tilespmem:s28], [sflag:$0xB], $0x2800, $0x38;
	[tilespmem:$0x1DAC0] =	vst v63  }
0x4e: {  	_ =	swait.ge [sflag:s29], $0x2800  }
0x4f: {  	[sflag:s29] =	ssyncset.done $0x0  }
0x50: {  	s22 =	rddreg [dreg:$0x11];
	[sflag:s29] =	ssyncadd.s32 $0xFFFFD800  }
0x51: {  	[spmem:s22] =	stream.linear.scatter [tilespmem:s28], [sflag:$0xB], $0x2800, $0x38;
	[tilespmem:$0x1DAC0] =	vst v63  }
0x52: {  	_ =	swait.ge [sflag:s29], $0x2800  }
0x53: {  	[sflag:s29] =	ssyncset.done $0x0  }
0x54: {  	s23 =	rddreg [dreg:$0x12];
	[sflag:s29] =	ssyncadd.s32 $0xFFFFD800  }
0x55: {  	[spmem:s23] =	stream.linear.scatter [tilespmem:s28], [sflag:$0xB], $0x2800, $0x38;
	[tilespmem:$0x1DAC0] =	vst v63  }
0x56: {  	_ =	swait.ge [sflag:s29], $0x2800  }
0x57: {  	[sflag:s29] =	ssyncset.done $0x0  }
0x58: {  	s3 =	simm.s32 @!p0 $0x13AC0;
	s0 =	rddreg [dreg:$0x13];
	[sflag:s29] =	ssyncadd.s32 $0xFFFFD800  }
0x59: {  	[spmem:s0] =	stream.linear.scatter @!p0 [tilespmem:s3], [sflag:$0xB], $0x2800, $0x38;
	[tilespmem:$0x1DAC0] =	vst v63  }
0x5a: {  	s3 =	simm.s32 @!p0 $0xB  }
0x5b: {  	_ =	swait.ge @!p0 [sflag:s3], $0x2800  }
0x5c: {  	[sflag:s3] =	ssyncset.done @!p0 $0x0  }
0x5d: {  	[sflag:s3] =	ssyncadd.s32 @!p0 $0xFFFFD800  }
0x5e: {  	s22 =	simm.s32 $0x0;
	s23 =	simm.s32 $0x0;
	[bflag:$0x0] =	sbarrier.arrive $0xFFFF  }
.LBB2_4:
0x5f: {  	s3 =	smul.u32 $0xA0, s23;
	_ =	sdelay $0x1  }
0x60: {  	s21 =	sadd.s32 s24, s3  }
0x61: {  	s21 =	sshrl.u32 s21, $0x3  }
0x62: {  	s7 =	sadd.s32 s25, s3;
	s0 =	sadd.s32 s5, s21  }
0x63: {  	[tilespmem:s30], [sflag:$0x1] =	stream.linear.gather [hbm4b:s0+s22], $0x50, $0x38;
	[tilespmem:$0x1DAC0] =	vst v63  }
0x64: {  	s3 =	sshllo.u32 s23, $0x1;
	s21 =	sadd.s32 s14, s21;
	s0 =	sshll.u32 s7, $0x4  }
0x65: {  	[tilespmem:s31], [sflag:$0x3] =	stream.linear.gather [hbm4b:s21+s22], $0x50, $0x38;
	[tilespmem:$0x1DAC0] =	vst v63  }
0x66: {  	s7 =	simm.s32 $0x18AC0;
	s0 =	sadd.s32 s15, s0;
	s21 =	smul.u32 $0x50, s3  }
0x67: {  	[tilespmem:s7], [sflag:$0x9] =	stream.linear.gather [hbm4b:s0+s22], $0x2800, $0x38;
	[tilespmem:$0x1DAC0] =	vst v63  }
0x68: {  	s21 =	sadd.s32 s24, s21  }
0x69: {  	s3 =	smin.u32 s3, $0x7C;
	s0 =	sshrl.u32 s21, $0x3  }
0x6a: {  	s3 =	smul.u32 $0x50, s3;
	s7 =	sadd.s32 s5, s0  }
0x6b: {  	[tilespmem:s4], [sflag:$0x2] =	stream.linear.gather [hbm4b:s7+s22], $0x50, $0x38;
	[tilespmem:$0x1DAC0] =	vst v63  }
0x6c: {  	s0 =	sadd.s32 s14, s0;
	s7 =	sadd.s32 s25, s3  }
0x6d: {  	[tilespmem:s6], [sflag:$0x4] =	stream.linear.gather [hbm4b:s0+s22], $0x50, $0x38;
	[tilespmem:$0x1DAC0] =	vst v63  }
0x6e: {  	s0 =	sshll.u32 s7, $0x4  }
0x6f: {  	s21 =	simm.s32 $0x1B2C0;
	s0 =	sadd.s32 s15, s0  }
0x70: {  	[tilespmem:s21], [sflag:$0xA] =	stream.linear.gather [hbm4b:s0+s22], $0x2800, $0x38;
	[tilespmem:$0x1DAC0] =	vst v63  }
0x71: {  	_ =	swait.ge [sflag:s8], $0x50  }
0x72: {  	[sflag:s8] =	ssyncset.done $0x0  }
0x73: {  	[sflag:s8] =	ssyncadd.s32 $0xFFFFFFB0  }
0x74: {  	[tilespmem:s28], [sflag:$0x5] =	stream.indirect.gather [hbm4b:s1+s9], $0x80, s30, s9, $0xb8;
	[tilespmem:$0x1DAC0] =	vst v63  }
0x75: {  	_ =	swait.ge [sflag:s10], $0x50  }
0x76: {  	[sflag:s10] =	ssyncset.done $0x0  }
0x77: {  	[sflag:s10] =	ssyncadd.s32 $0xFFFFFFB0  }
0x78: {  	[tilespmem:s11], [sflag:$0x6] =	stream.indirect.gather [hbm4b:s1+s9], $0x80, s4, s9, $0xb8;
	[tilespmem:$0x1DAC0] =	vst v63  }
0x79: {  	_ =	swait.ge [sflag:s12], $0x2800  }
0x7a: {  	[sflag:s12] =	ssyncset.done $0x0  }
0x7b: {  	[sflag:s12] =	ssyncadd.s32 $0xFFFFD800  }
0x7c: {  	_ =	swait.ge [sflag:s13], $0x2800  }
0x7d: {  	[sflag:s13] =	ssyncset.done $0x0  }
0x7e: {  	s3 =	simm.s32 $0x0;
	[sflag:s13] =	ssyncadd.s32 $0xFFFFD800  }
0x7f: {  	v7 =	vld [tilespmem:s3+$0x18AC0]  }
0x80: {  	v12 =	vld [tilespmem:s3+$0x18AD0]  }
0x81: {  	v6 =	vld [tilespmem:s3+$0x18AE0]  }
0x82: {  	v5 =	vld [tilespmem:s3+$0x18AF0]  }
0x83: {  	v4 =	vld [tilespmem:s3+$0x18B00]  }
0x84: {  	v3 =	vld [tilespmem:s3+$0x18B10]  }
0x85: {  	v2 =	vld [tilespmem:s3+$0x18B20]  }
0x86: {  	v1 =	vld [tilespmem:s3+$0x18B30]  }
0x87: {  	v13 =	vld [tilespmem:s3+$0x13AC0]  }
0x88: {  	v14 =	vld [tilespmem:s3+$0x13AD0]  }
0x89: {  	v11 =	vld [tilespmem:s3+$0x13AE0]  }
0x8a: {  	v10 =	vld [tilespmem:s3+$0x13AF0]  }
0x8b: {  	v9 =	vld [tilespmem:s3+$0x13B00]  }
0x8c: {  	v8 =	vld [tilespmem:s3+$0x13B10];
	v13 =	vadd.f32 v7, v13  }
0x8d: {  	s21 =	simm.s32 $0x200;
	v12 =	vadd.f32 v12, v14;
	v7 =	vld [tilespmem:s3+$0x13B20]  }
.LBB2_5:
0x8e: {  	s0 =	sshra.s32 s21, $0x2;
	p1 =	sne.s32 s21, $0x9E00;
	v13 =	vmax.f32 v13, $0.0e+00;
	v6 =	vadd.f32 v6, v11;
	v11 =	vld [tilespmem:s3+$0x13B30]  }
0x8f: {  	v14 =	vld [tilespmem:s0+$0x18AC0];
	[tilespmem:s3+$0x13AC0] =	vst v13;
	v12 =	vmax.f32 v12, $0.0e+00;
	v5 =	vadd.f32 v5, v10  }
0x90: {  	v15 =	vld [tilespmem:s0+$0x18AD0];
	[tilespmem:s3+$0x13AD0] =	vst v12;
	v10 =	vmax.f32 v6, $0.0e+00;
	v4 =	vadd.f32 v4, v9  }
0x91: {  	v6 =	vld [tilespmem:s0+$0x18AE0];
	[tilespmem:s3+$0x13AE0] =	vst v10;
	v9 =	vmax.f32 v5, $0.0e+00;
	v3 =	vadd.f32 v3, v8  }
0x92: {  	v5 =	vld [tilespmem:s0+$0x18AF0];
	[tilespmem:s3+$0x13AF0] =	vst v9;
	v8 =	vmax.f32 v4, $0.0e+00;
	v2 =	vadd.f32 v2, v7  }
0x93: {  	v4 =	vld [tilespmem:s0+$0x18B00];
	[tilespmem:s3+$0x13B00] =	vst v8;
	v7 =	vmax.f32 v3, $0.0e+00;
	v1 =	vadd.f32 v1, v11  }
0x94: {  	v3 =	vld [tilespmem:s0+$0x18B10];
	[tilespmem:s3+$0x13B10] =	vst v7;
	v7 =	vmax.f32 v2, $0.0e+00  }
0x95: {  	v2 =	vld [tilespmem:s0+$0x18B20];
	[tilespmem:s3+$0x13B20] =	vst v7;
	v7 =	vmax.f32 v1, $0.0e+00  }
0x96: {  	v1 =	vld [tilespmem:s0+$0x18B30];
	[tilespmem:s3+$0x13B30] =	vst v7;
	s3 =	smov.u32 s0  }
0x97: {  	v7 =	vld [tilespmem:s3+$0x13AC0]  }
0x98: {  	v12 =	vld [tilespmem:s3+$0x13AD0]  }
.Ltmp1:
0x99: {  	v11 =	vld [tilespmem:s3+$0x13AE0];
	(pc) =	sbr.rel @p1 .LBB2_5-.Ltmp1, $4  }
0x9a: {  	v10 =	vld [tilespmem:s3+$0x13AF0]  }
0x9b: {  	v9 =	vld [tilespmem:s3+$0x13B00]  }
0x9c: {  	v13 =	vadd.f32 v14, v7;
	v8 =	vld [tilespmem:s3+$0x13B10]  }
0x9d: {  	s21 =	sadd.s32 $0x200, s21;
	v12 =	vadd.f32 v15, v12;
	v7 =	vld [tilespmem:s3+$0x13B20]  }
0x9e: {  	v13 =	vmax.f32 v13, $0.0e+00;
	v6 =	vadd.f32 v6, v11;
	v11 =	vld [tilespmem:s3+$0x13B30]  }
0x9f: {  	[tilespmem:s3+$0x13AC0] =	vst v13;
	v12 =	vmax.f32 v12, $0.0e+00;
	v5 =	vadd.f32 v5, v10  }
0xa0: {  	[tilespmem:s3+$0x13AD0] =	vst v12;
	v6 =	vmax.f32 v6, $0.0e+00;
	v4 =	vadd.f32 v4, v9  }
0xa1: {  	[tilespmem:s3+$0x13AE0] =	vst v6;
	v5 =	vmax.f32 v5, $0.0e+00;
	v3 =	vadd.f32 v3, v8  }
0xa2: {  	[tilespmem:s3+$0x13AF0] =	vst v5;
	v4 =	vmax.f32 v4, $0.0e+00;
	v2 =	vadd.f32 v2, v7  }
0xa3: {  	[tilespmem:s3+$0x13B00] =	vst v4;
	v3 =	vmax.f32 v3, $0.0e+00;
	v1 =	vadd.f32 v1, v11  }
0xa4: {  	[tilespmem:s3+$0x13B10] =	vst v3;
	v2 =	vmax.f32 v2, $0.0e+00  }
0xa5: {  	[tilespmem:s3+$0x13B20] =	vst v2;
	v1 =	vmax.f32 v1, $0.0e+00  }
0xa6: {  	[tilespmem:s3+$0x13B30] =	vst v1  }
0xa7: {  	_ =	swait.ge [sflag:s26], $0x50  }
0xa8: {  	[sflag:s26] =	ssyncset.done $0x0  }
0xa9: {  	[sflag:s26] =	ssyncadd.s32 $0xFFFFFFB0  }
0xaa: {  	[spmem:s2] =	stream.indirect.scatter.add.f32 [tilespmem:s28], [sflag:$0x7], $0x80, s31, s9, $0xb8;
	[tilespmem:$0x1DAC0] =	vst v63  }
0xab: {  	_ =	swait.ge [sflag:s16], $0x2800  }
0xac: {  	[sflag:s16] =	ssyncset.done $0x0  }
0xad: {  	[sflag:s16] =	ssyncadd.s32 $0xFFFFD800  }
0xae: {  	_ =	swait.ge [sflag:s17], $0x2800  }
0xaf: {  	[sflag:s17] =	ssyncset.done $0x0  }
0xb0: {  	s3 =	simm.s32 $0x0;
	[sflag:s17] =	ssyncadd.s32 $0xFFFFD800  }
0xb1: {  	v7 =	vld [tilespmem:s3+$0x1B2C0]  }
0xb2: {  	v12 =	vld [tilespmem:s3+$0x1B2D0]  }
0xb3: {  	v6 =	vld [tilespmem:s3+$0x1B2E0]  }
0xb4: {  	v5 =	vld [tilespmem:s3+$0x1B2F0]  }
0xb5: {  	v4 =	vld [tilespmem:s3+$0x1B300]  }
0xb6: {  	v3 =	vld [tilespmem:s3+$0x1B310]  }
0xb7: {  	v2 =	vld [tilespmem:s3+$0x1B320]  }
0xb8: {  	v1 =	vld [tilespmem:s3+$0x1B330]  }
0xb9: {  	v13 =	vld [tilespmem:s3+$0x162C0]  }
0xba: {  	v14 =	vld [tilespmem:s3+$0x162D0]  }
0xbb: {  	v11 =	vld [tilespmem:s3+$0x162E0]  }
0xbc: {  	v10 =	vld [tilespmem:s3+$0x162F0]  }
0xbd: {  	v9 =	vld [tilespmem:s3+$0x16300]  }
0xbe: {  	v8 =	vld [tilespmem:s3+$0x16310];
	v13 =	vadd.f32 v7, v13  }
0xbf: {  	s21 =	simm.s32 $0x200;
	v12 =	vadd.f32 v12, v14;
	v7 =	vld [tilespmem:s3+$0x16320]  }
.LBB2_7:
0xc0: {  	s0 =	sshra.s32 s21, $0x2;
	p1 =	sne.s32 s21, $0x9E00;
	v13 =	vmax.f32 v13, $0.0e+00;
	v6 =	vadd.f32 v6, v11;
	v11 =	vld [tilespmem:s3+$0x16330]  }
0xc1: {  	v14 =	vld [tilespmem:s0+$0x1B2C0];
	[tilespmem:s3+$0x162C0] =	vst v13;
	v12 =	vmax.f32 v12, $0.0e+00;
	v5 =	vadd.f32 v5, v10  }
0xc2: {  	v15 =	vld [tilespmem:s0+$0x1B2D0];
	[tilespmem:s3+$0x162D0] =	vst v12;
	v10 =	vmax.f32 v6, $0.0e+00;
	v4 =	vadd.f32 v4, v9  }
0xc3: {  	v6 =	vld [tilespmem:s0+$0x1B2E0];
	[tilespmem:s3+$0x162E0] =	vst v10;
	v9 =	vmax.f32 v5, $0.0e+00;
	v3 =	vadd.f32 v3, v8  }
0xc4: {  	v5 =	vld [tilespmem:s0+$0x1B2F0];
	[tilespmem:s3+$0x162F0] =	vst v9;
	v8 =	vmax.f32 v4, $0.0e+00;
	v2 =	vadd.f32 v2, v7  }
0xc5: {  	v4 =	vld [tilespmem:s0+$0x1B300];
	[tilespmem:s3+$0x16300] =	vst v8;
	v7 =	vmax.f32 v3, $0.0e+00;
	v1 =	vadd.f32 v1, v11  }
0xc6: {  	v3 =	vld [tilespmem:s0+$0x1B310];
	[tilespmem:s3+$0x16310] =	vst v7;
	v7 =	vmax.f32 v2, $0.0e+00  }
0xc7: {  	v2 =	vld [tilespmem:s0+$0x1B320];
	[tilespmem:s3+$0x16320] =	vst v7;
	v7 =	vmax.f32 v1, $0.0e+00  }
0xc8: {  	v1 =	vld [tilespmem:s0+$0x1B330];
	[tilespmem:s3+$0x16330] =	vst v7;
	s3 =	smov.u32 s0  }
0xc9: {  	v7 =	vld [tilespmem:s3+$0x162C0]  }
0xca: {  	v12 =	vld [tilespmem:s3+$0x162D0]  }
.Ltmp2:
0xcb: {  	v11 =	vld [tilespmem:s3+$0x162E0];
	(pc) =	sbr.rel @p1 .LBB2_7-.Ltmp2, $4  }
0xcc: {  	v10 =	vld [tilespmem:s3+$0x162F0]  }
0xcd: {  	v9 =	vld [tilespmem:s3+$0x16300]  }
0xce: {  	v13 =	vadd.f32 v14, v7;
	v8 =	vld [tilespmem:s3+$0x16310]  }
0xcf: {  	s21 =	sadd.s32 $0x200, s21;
	v12 =	vadd.f32 v15, v12;
	v7 =	vld [tilespmem:s3+$0x16320]  }
0xd0: {  	v13 =	vmax.f32 v13, $0.0e+00;
	v6 =	vadd.f32 v6, v11;
	v63 =	vld [tilespmem:s3+$0x16330]  }
0xd1: {  	[tilespmem:s3+$0x162C0] =	vst v13;
	v12 =	vmax.f32 v12, $0.0e+00;
	v5 =	vadd.f32 v5, v10  }
0xd2: {  	[tilespmem:s3+$0x162D0] =	vst v12;
	v6 =	vmax.f32 v6, $0.0e+00;
	v4 =	vadd.f32 v4, v9  }
0xd3: {  	[tilespmem:s3+$0x162E0] =	vst v6;
	v5 =	vmax.f32 v5, $0.0e+00;
	v3 =	vadd.f32 v3, v8  }
0xd4: {  	[tilespmem:s3+$0x162F0] =	vst v5;
	v4 =	vmax.f32 v4, $0.0e+00;
	v2 =	vadd.f32 v2, v7  }
0xd5: {  	[tilespmem:s3+$0x16300] =	vst v4;
	v3 =	vmax.f32 v3, $0.0e+00;
	v1 =	vadd.f32 v1, v63  }
0xd6: {  	[tilespmem:s3+$0x16310] =	vst v3;
	v2 =	vmax.f32 v2, $0.0e+00  }
0xd7: {  	[tilespmem:s3+$0x16320] =	vst v2;
	v1 =	vmax.f32 v1, $0.0e+00  }
0xd8: {  	[tilespmem:s3+$0x16330] =	vst v1  }
0xd9: {  	_ =	swait.ge [sflag:s18], $0x50  }
0xda: {  	[sflag:s18] =	ssyncset.done $0x0  }
0xdb: {  	s23 =	sadd.s32 $0x1, s23;
	[sflag:s18] =	ssyncadd.s32 $0xFFFFFFB0  }
0xdc: {  	[spmem:s2] =	stream.indirect.scatter.add.f32 [tilespmem:s11], [sflag:$0x8], $0x80, s6, s9, $0xb8;
	[tilespmem:$0x1DAC0] =	vst v63  }
0xdd: {  	p1 =	sne.s32 s23, $0x3F;
	_ =	swait.ge [sflag:s19], $0x2800  }
.Ltmp3:
0xde: {  	[sflag:s19] =	ssyncset.done $0x0;
	(pc) =	sbr.rel @p1 .LBB2_4-.Ltmp3, $4  }
0xdf: {  	[sflag:s19] =	ssyncadd.s32 $0xFFFFD800  }
0xe0: {  	_ =	swait.ge [sflag:s20], $0x2800  }
0xe1: {  	[sflag:s20] =	ssyncset.done $0x0  }
0xe2: {  	[sflag:s20] =	ssyncadd.s32 $0xFFFFD800  }
0xe3: {  	[bflag:$0x0] =	sbarrier.arrive $0xFFFF  }
0xe4: {  	s0 =	rddreg [dreg:$0xc]  }
0xe5: {  	[tilespmem:s28], [sflag:$0xB] =	stream.linear.gather [spmem:s0], $0x2800, $0x38;
	[tilespmem:$0x1DAC0] =	vst v63  }
0xe6: {  	_ =	swait.ge [sflag:s29], $0x2800  }
0xe7: {  	[sflag:s29] =	ssyncset.done $0x0  }
0xe8: {  	s0 =	simm.s32 $0x0;
	s3 =	rddreg [dreg:$0x4];
	[sflag:s29] =	ssyncadd.s32 $0xFFFFD800  }
0xe9: {  	[hbm4b:s3+s0] =	stream.linear.scatter [tilespmem:s28], [sflag:$0xB], $0x2800, $0x38;
	[tilespmem:$0x1DAC0] =	vst v63  }
0xea: {  	_ =	swait.ge [sflag:s29], $0x2800  }
0xeb: {  	[sflag:s29] =	ssyncset.done $0x0  }
0xec: {  	s23 =	rddreg [dreg:$0xd];
	[sflag:s29] =	ssyncadd.s32 $0xFFFFD800  }
0xed: {  	[tilespmem:s28], [sflag:$0xB] =	stream.linear.gather [spmem:s23], $0x2800, $0x38;
	[tilespmem:$0x1DAC0] =	vst v63  }
0xee: {  	_ =	swait.ge [sflag:s29], $0x2800  }
0xef: {  	[sflag:s29] =	ssyncset.done $0x0  }
0xf0: {  	s7 =	rddreg [dreg:$0x5];
	[sflag:s29] =	ssyncadd.s32 $0xFFFFD800  }
0xf1: {  	[hbm4b:s7+s0] =	stream.linear.scatter [tilespmem:s28], [sflag:$0xB], $0x2800, $0x38;
	[tilespmem:$0x1DAC0] =	vst v63  }
0xf2: {  	_ =	swait.ge [sflag:s29], $0x2800  }
0xf3: {  	[sflag:s29] =	ssyncset.done $0x0  }
0xf4: {  	s21 =	rddreg [dreg:$0xe];
	[sflag:s29] =	ssyncadd.s32 $0xFFFFD800  }
0xf5: {  	[tilespmem:s28], [sflag:$0xB] =	stream.linear.gather [spmem:s21], $0x2800, $0x38;
	[tilespmem:$0x1DAC0] =	vst v63  }
0xf6: {  	_ =	swait.ge [sflag:s29], $0x2800  }
0xf7: {  	[sflag:s29] =	ssyncset.done $0x0  }
0xf8: {  	s22 =	rddreg [dreg:$0x6];
	[sflag:s29] =	ssyncadd.s32 $0xFFFFD800  }
0xf9: {  	[hbm4b:s22+s0] =	stream.linear.scatter [tilespmem:s28], [sflag:$0xB], $0x2800, $0x38;
	[tilespmem:$0x1DAC0] =	vst v63  }
0xfa: {  	_ =	swait.ge [sflag:s29], $0x2800  }
0xfb: {  	[sflag:s29] =	ssyncset.done $0x0  }
0xfc: {  	s23 =	rddreg [dreg:$0xf];
	[sflag:s29] =	ssyncadd.s32 $0xFFFFD800  }
0xfd: {  	[tilespmem:s28], [sflag:$0xB] =	stream.linear.gather [spmem:s23], $0x2800, $0x38;
	[tilespmem:$0x1DAC0] =	vst v63  }
0xfe: {  	_ =	swait.ge [sflag:s29], $0x2800  }
0xff: {  	[sflag:s29] =	ssyncset.done $0x0  }
0x100: {  	s7 =	rddreg [dreg:$0x7];
	[sflag:s29] =	ssyncadd.s32 $0xFFFFD800  }
0x101: {  	[hbm4b:s7+s0] =	stream.linear.scatter [tilespmem:s28], [sflag:$0xB], $0x2800, $0x38;
	[tilespmem:$0x1DAC0] =	vst v63  }
0x102: {  	_ =	swait.ge [sflag:s29], $0x2800  }
0x103: {  	[sflag:s29] =	ssyncset.done $0x0  }
0x104: {  	s21 =	rddreg [dreg:$0x10];
	[sflag:s29] =	ssyncadd.s32 $0xFFFFD800  }
0x105: {  	[tilespmem:s28], [sflag:$0xB] =	stream.linear.gather [spmem:s21], $0x2800, $0x38;
	[tilespmem:$0x1DAC0] =	vst v63  }
0x106: {  	_ =	swait.ge [sflag:s29], $0x2800  }
0x107: {  	[sflag:s29] =	ssyncset.done $0x0  }
0x108: {  	s22 =	rddreg [dreg:$0x8];
	[sflag:s29] =	ssyncadd.s32 $0xFFFFD800  }
0x109: {  	[hbm4b:s22+s0] =	stream.linear.scatter [tilespmem:s28], [sflag:$0xB], $0x2800, $0x38;
	[tilespmem:$0x1DAC0] =	vst v63  }
0x10a: {  	_ =	swait.ge [sflag:s29], $0x2800  }
0x10b: {  	[sflag:s29] =	ssyncset.done $0x0  }
0x10c: {  	s23 =	rddreg [dreg:$0x11];
	[sflag:s29] =	ssyncadd.s32 $0xFFFFD800  }
0x10d: {  	[tilespmem:s28], [sflag:$0xB] =	stream.linear.gather [spmem:s23], $0x2800, $0x38;
	[tilespmem:$0x1DAC0] =	vst v63  }
0x10e: {  	_ =	swait.ge [sflag:s29], $0x2800  }
0x10f: {  	[sflag:s29] =	ssyncset.done $0x0  }
0x110: {  	s7 =	rddreg [dreg:$0x9];
	[sflag:s29] =	ssyncadd.s32 $0xFFFFD800  }
0x111: {  	[hbm4b:s7+s0] =	stream.linear.scatter [tilespmem:s28], [sflag:$0xB], $0x2800, $0x38;
	[tilespmem:$0x1DAC0] =	vst v63  }
0x112: {  	_ =	swait.ge [sflag:s29], $0x2800  }
0x113: {  	[sflag:s29] =	ssyncset.done $0x0  }
0x114: {  	s21 =	rddreg [dreg:$0x12];
	[sflag:s29] =	ssyncadd.s32 $0xFFFFD800  }
0x115: {  	[tilespmem:s28], [sflag:$0xB] =	stream.linear.gather [spmem:s21], $0x2800, $0x38;
	[tilespmem:$0x1DAC0] =	vst v63  }
0x116: {  	_ =	swait.ge [sflag:s29], $0x2800  }
0x117: {  	[sflag:s29] =	ssyncset.done $0x0  }
0x118: {  	s22 =	rddreg [dreg:$0xa];
	[sflag:s29] =	ssyncadd.s32 $0xFFFFD800  }
0x119: {  	[hbm4b:s22+s0] =	stream.linear.scatter [tilespmem:s28], [sflag:$0xB], $0x2800, $0x38;
	[tilespmem:$0x1DAC0] =	vst v63  }
0x11a: {  	_ =	swait.ge [sflag:s29], $0x2800  }
0x11b: {  	[sflag:s29] =	ssyncset.done $0x0  }
0x11c: {  	s0 =	simm.s32 @!p0 $0x13AC0;
	s3 =	rddreg [dreg:$0x13];
	[sflag:s29] =	ssyncadd.s32 $0xFFFFD800  }
0x11d: {  	[tilespmem:s0], [sflag:$0xB] =	stream.linear.gather @!p0 [spmem:s3], $0x2800, $0x38;
	[tilespmem:$0x1DAC0] =	vst v63  }
0x11e: {  	s3 =	simm.s32 @!p0 $0xB  }
0x11f: {  	_ =	swait.ge @!p0 [sflag:s3], $0x2800  }
0x120: {  	[sflag:s3] =	ssyncset.done @!p0 $0x0  }
0x121: {  	s21 =	simm.s32 @!p0 $0x0;
	s22 =	rddreg [dreg:$0xb];
	[sflag:s3] =	ssyncadd.s32 @!p0 $0xFFFFD800  }
0x122: {  	[hbm4b:s22+s21] =	stream.linear.scatter @!p0 [tilespmem:s0], [sflag:$0xB], $0x2800, $0x38;
	[tilespmem:$0x1DAC0] =	vst v63  }
0x123: {  	_ =	swait.ge @!p0 [sflag:s3], $0x2800  }
0x124: {  	s7 =	rddreg [dreg:$0x15]  }
0x125: {  	s23 =	rddreg [dreg:$0x14];
	s7 =	sadd.s32 $0x1, s7  }
0x126: {  	p1 =	sne.s32 s7, s23  }
.Ltmp4:
0x127: {  	_ = 	snop;
	(pc) =	sbr.rel @p1 .LBB2_1-.Ltmp4, $3  }
0x128: {  	_ =	sdelay $0x1  }
0x129: {  	[sflag:s3] =	ssyncset.done @!p0 $0x0  }
0x12a: {  	[sflag:s3] =	ssyncadd.s32 @!p0 $0xFFFFD800  }
0x12b: {  	_ =	sfence.sel $0x180000  }
0x12c: {  	[bflag:$0x0] =	sbarrier.arrive $0xFFFF  }
0x12d: {  	_ =	strace $0x90000047  }
0x12e: {  	s0 =	stileid.u32;
	[bflag:$0x2] =	sbarrier.arrive $0xFFFF  }
0x12f: {  	p0 =	sne.s32 s0, $0x0;
	s0 =	rddreg [dreg:$0x3]  }
0x130: {  	s0 =	sadd.s32 @!p0 $0x100000, s0  }
0x131: {  	[sflag:s0] =	ssyncadd.tile.s32 @!p0 $0x1;
	_ =	shalt  }
.Lfunc_end2:
_tile_overlayer_lowered:
.L_overlay_start_2:
0x132: {  	(tag) =	ssettag $0x2  }
0x133: {  	s0 =	rddreg [dreg:$0x0];
	s2 =	stileid.u32  }
0x134: {  	s1 =	rddreg [dreg:$0x1];
	p0 =	sne.s32 s2, $0x0  }
0x135: {  	s3 =	rddreg [dreg:$0x2];
	[bflag:$0x3] =	sbarrier.arrive $0xFFFF;
	s2 =	simm.s32 @!p0 $0x1C0B  }
0x136: {  	[timem:s3], [sflag:s2] =	dma.local @!p0 [hbm:s0], s1  }
0x137: {  	s0 =	simm.s32 @!p0 $0xB  }
0x138: {  	_ =	swait.ge @!p0 [sflag:s0], s1  }
0x139: {  	s1 =	ssub.s32 @!p0 $0x0, s1;
	[sflag:s0] =	ssyncset.done @!p0 $0x0  }
0x13a: {  	[sflag:s0] =	ssyncadd.s32 @!p0 s1  }
0x13b: {  	[bflag:$0x3] =	sbarrier.arrive $0xFFFF  }
0x13c: {  	_ =	shalt  }

</sc_bundles>
